<compile_context>
chip_gen: v7x
topology: tpu7x:2x2x1
jax: 0.10.2.dev20260603
libtpu: 0.0.44.dev20260713+nightly
codegen_flags: <defaults>
</compile_context>

<pallas_src>
import dataclasses
import functools

import jax
import jax.numpy as jnp
from jax import lax
from jax.experimental import pallas as pl
from jax.experimental.pallas import tpu as pltpu
from jax.experimental.pallas import tpu_sc as plsc

N = 10000
E = 320000
D = 128
H1 = 64
H2 = 32

NC = 2
NS = 16
NW = NC * NS
K = 128

NPAD = 10240
ER = 2560
EPT = ER // NW
APT = NPAD // NS
IB = 16



def _sc_degree(dst2d):
    mesh = plsc.VectorSubcoreMesh(core_axis_name="c", subcore_axis_name="s")

    hr = NPAD // 128

    cp = pltpu.CompilerParams()
    if "needs_layout_passes" in pltpu.CompilerParams.__dataclass_fields__:
        cp = dataclasses.replace(cp, needs_layout_passes=False)

    @functools.partial(
        pl.kernel,
        out_type=jax.ShapeDtypeStruct((NC * hr, 128), jnp.float32),
        mesh=mesh,
        compiler_params=cp,
        scratch_types=[
            pltpu.VMEM((EPT, K), jnp.int32),
            pltpu.VMEM((hr, 128), jnp.float32),
            pltpu.VMEM((hr // 16, 16), jnp.int32),
            pltpu.VMEM_SHARED((hr, 128), jnp.float32),
            pltpu.SemaphoreType.DMA,
        ],
    )
    def deg_kernel(dst_hbm, out_hbm, idx_v, hist_v, idr_v, acc, sem):
        cid = lax.axis_index("c")
        sid = lax.axis_index("s")
        wid = sid * NC + cid

        pltpu.async_copy(
            dst_hbm.at[pl.ds(pl.multiple_of(wid * EPT, 8), EPT)], idx_v, sem)

        @pl.loop(0, hr)
        def _(r):
            @pl.loop(0, 128, step=16)
            def _(c):
                hist_v[r, pl.ds(c, 16)] = jnp.zeros((16,), jnp.float32)

        @pl.loop(0, hr // 16)
        def _(k):
            idr_v[k, :] = lax.iota(jnp.int32, 16) + k * 16

        @pl.when(sid < hr // 8)
        def _():
            pltpu.sync_copy(
                hist_v.at[pl.ds(0, 8)],
                acc.at[pl.ds(pl.multiple_of(sid * 8, 8), 8)])

        pltpu.make_async_copy(
            dst_hbm.at[pl.ds(pl.multiple_of(wid * EPT, 8), EPT)], idx_v,
            sem).wait()
        plsc.subcore_barrier()

        ones16 = jnp.ones((16,), jnp.float32)

        @pl.loop(0, EPT)
        def _(r):
            @pl.loop(0, K, step=16)
            def _(c):
                node = idx_v[r, pl.ds(c, 16)]
                plsc.addupdate_scatter(
                    hist_v,
                    [lax.shift_right_logical(node, 7),
                     lax.bitwise_and(node, 127)],
                    ones16)

        @pl.loop(0, hr // 16)
        def _(k):
            pltpu.sync_copy(
                hist_v.at[pl.ds(pl.multiple_of(k * 16, 8), 16)],
                acc.at[idr_v.at[k]], add=True)

        plsc.subcore_barrier()

        @pl.when(sid < hr // 8)
        def _():
            pltpu.sync_copy(
                acc.at[pl.ds(pl.multiple_of(sid * 8, 8), 8)],
                out_hbm.at[pl.ds(pl.multiple_of(cid * hr + sid * 8, 8), 8)])

    return deg_kernel(dst2d)


def _sc_aggregate(u, src2d, dst2d):
    mesh = plsc.VectorSubcoreMesh(core_axis_name="c", subcore_axis_name="s")

    @functools.partial(
        pl.kernel,
        out_type=jax.ShapeDtypeStruct((NC * NPAD, 128), jnp.float32),
        mesh=mesh,
        scratch_types=[
            pltpu.VMEM((IB, K), jnp.int32),
            pltpu.VMEM((IB, K), jnp.int32),
            pltpu.VMEM((IB, K), jnp.int32),
            pltpu.VMEM((IB, K), jnp.int32),
            pltpu.VMEM((K, 128), jnp.float32),
            pltpu.VMEM((K, 128), jnp.float32),
            pltpu.VMEM((40, 128), jnp.float32),
            pltpu.VMEM_SHARED((NPAD, 128), jnp.float32),
            pltpu.SemaphoreType.DMA,
            pltpu.SemaphoreType.DMA,
            pltpu.SemaphoreType.DMA,
            pltpu.SemaphoreType.DMA,
        ],
    )
    def agg_kernel(u_hbm, src_hbm, dst_hbm, out_hbm,
                   src_va, dst_va, src_vb, dst_vb, buf_a, buf_b, zero_v, acc,
                   sem_ia, sem_ib, sem_a0, sem_b0):
        cid = lax.axis_index("c")
        sid = lax.axis_index("s")
        wid = sid * NC + cid

        @pl.loop(0, 40)
        def _(r):
            @pl.loop(0, 128, step=16)
            def _(c):
                zero_v[r, pl.ds(c, 16)] = jnp.zeros((16,), jnp.float32)

        base = pl.multiple_of(sid * APT, 8)

        @pl.loop(0, APT // 40)
        def _(j):
            pltpu.sync_copy(zero_v, acc.at[pl.ds(pl.multiple_of(base + j * 40, 8), 40)])

        ebase = wid * EPT
        plsc.subcore_barrier()

        pairs = [(src_va, dst_va, sem_ia), (src_vb, dst_vb, sem_ib)]

        def idx_start(blk, pair):
            sv, dv, sem = pair
            off = pl.multiple_of(ebase + blk * IB, 8)
            pltpu.async_copy(src_hbm.at[pl.ds(off, IB)], sv, sem)
            pltpu.async_copy(dst_hbm.at[pl.ds(off, IB)], dv, sem)

        def idx_wait(blk, pair):
            sv, dv, sem = pair
            off = pl.multiple_of(ebase + blk * IB, 8)
            pltpu.make_async_copy(src_hbm.at[pl.ds(off, IB)], sv, sem).wait()
            pltpu.make_async_copy(dst_hbm.at[pl.ds(off, IB)], dv, sem).wait()

        nblk = EPT // IB
        idx_start(0, pairs[0])
        for blk in range(nblk):
            cur = pairs[blk % 2]
            idx_wait(blk, cur)
            if blk + 1 < nblk:
                idx_start(blk + 1, pairs[(blk + 1) % 2])
            src_v, dst_v = cur[0], cur[1]

            pltpu.async_copy(u_hbm.at[src_v.at[0]], buf_a, sem_a0)

            @pl.loop(0, IB, step=2)
            def _(j, src_v=src_v, dst_v=dst_v):
                pltpu.async_copy(u_hbm.at[src_v.at[j + 1]], buf_b, sem_b0)
                pltpu.make_async_copy(
                    u_hbm.at[src_v.at[j]], buf_a, sem_a0).wait()
                pltpu.sync_copy(buf_a, acc.at[dst_v.at[j]], add=True)

                @pl.when(j + 2 < IB)
                def _():
                    pltpu.async_copy(u_hbm.at[src_v.at[j + 2]], buf_a, sem_a0)

                pltpu.make_async_copy(
                    u_hbm.at[src_v.at[j + 1]], buf_b, sem_b0).wait()
                pltpu.sync_copy(buf_b, acc.at[dst_v.at[j + 1]], add=True)

        plsc.subcore_barrier()
        pltpu.sync_copy(acc.at[pl.ds(base, APT)],
                        out_hbm.at[pl.ds(pl.multiple_of(cid * NPAD + base, 8), APT)])

    return agg_kernel(u, src2d, dst2d)



_DOT = functools.partial(
    lax.dot_general,
    dimension_numbers=(((1,), (0,)), ((), ())),
    preferred_element_type=jnp.float32,
    precision=lax.Precision.HIGHEST,
)

BM = 1024


def _dis(d0_ref, d1_ref):
    return lax.rsqrt(d0_ref[...] + d1_ref[...] + 1.0)


def _deg_spec(nb):
    return [pl.BlockSpec((BM, 1), lambda i: (i, 0)),
            pl.BlockSpec((BM, 1), lambda i, _nb=nb: (i + _nb, 0))]


def _scale_body(d0_ref, d1_ref, x_ref, u_ref):
    u_ref[...] = _dis(d0_ref, d1_ref) * x_ref[...]


def _tc_scale(deg2, x_pad):
    nb = NPAD // BM
    return pl.pallas_call(
        _scale_body,
        grid=(nb,),
        in_specs=_deg_spec(nb) + [pl.BlockSpec((BM, D), lambda i: (i, 0))],
        out_specs=pl.BlockSpec((BM, D), lambda i: (i, 0)),
        out_shape=jax.ShapeDtypeStruct((NPAD, D), jnp.float32),
    )(deg2, deg2, x_pad)


def _layer1_body(d0_ref, d1_ref, p0_ref, p1_ref, u_ref, w_ref, b_ref, v_ref):
    dis = _dis(d0_ref, d1_ref)
    z = p0_ref[...] + p1_ref[...] + u_ref[...]
    o = jnp.maximum(dis * _DOT(z, w_ref[...]) + b_ref[...], 0.0)
    v = dis * o
    v_ref[...] = jnp.concatenate(
        [v, jnp.zeros((v.shape[0], 128 - H1), jnp.float32)], axis=1)


def _tc_layer1(deg2, parts, u, W1, b1_row):
    nb = NPAD // BM
    return pl.pallas_call(
        _layer1_body,
        grid=(nb,),
        in_specs=_deg_spec(nb) + [
            pl.BlockSpec((BM, 128), lambda i: (i, 0)),
            pl.BlockSpec((BM, 128), lambda i, _nb=nb: (i + _nb, 0)),
            pl.BlockSpec((BM, 128), lambda i: (i, 0)),
            pl.BlockSpec((D, H1), lambda i: (0, 0)),
            pl.BlockSpec((1, H1), lambda i: (0, 0))],
        out_specs=pl.BlockSpec((BM, 128), lambda i: (i, 0)),
        out_shape=jax.ShapeDtypeStruct((NPAD, 128), jnp.float32),
    )(deg2, deg2, parts, parts, u, W1, b1_row)


def _final_body(d0_ref, d1_ref, q0_ref, q1_ref, v_ref, w_ref, b_ref,
                wfc_ref, bfc_ref, y_ref):
    dis = _dis(d0_ref, d1_ref)
    z = (q0_ref[...] + q1_ref[...] + v_ref[...])[:, :H1]
    o = jnp.maximum(dis * _DOT(z, w_ref[...]) + b_ref[...], 0.0)
    y_ref[...] = _DOT(o, wfc_ref[...]) + bfc_ref[...]


def _tc_final(deg2, parts, v, W2, b2_row, Wfc, bfc_row):
    nb = NPAD // BM
    return pl.pallas_call(
        _final_body,
        grid=(nb,),
        in_specs=_deg_spec(nb) + [
            pl.BlockSpec((BM, 128), lambda i: (i, 0)),
            pl.BlockSpec((BM, 128), lambda i, _nb=nb: (i + _nb, 0)),
            pl.BlockSpec((BM, 128), lambda i: (i, 0)),
            pl.BlockSpec((H1, H2), lambda i: (0, 0)),
            pl.BlockSpec((1, H2), lambda i: (0, 0)),
            pl.BlockSpec((H2, 1), lambda i: (0, 0)),
            pl.BlockSpec((1, 1), lambda i: (0, 0))],
        out_specs=pl.BlockSpec((BM, 1), lambda i: (i, 0)),
        out_shape=jax.ShapeDtypeStruct((NPAD, 1), jnp.float32),
    )(deg2, deg2, parts, parts, v, W2, b2_row, Wfc, bfc_row)



def kernel(x, edge_index, W1, b1, W2, b2, Wfc, bfc):
    x_pad = jnp.pad(x, ((0, NPAD - N), (0, 0)))
    pad_idx = jnp.full((ER * K - E,), NPAD - 1, jnp.int32)
    src2d = jnp.concatenate([edge_index[0], pad_idx]).reshape(ER, K)
    dst2d = jnp.concatenate([edge_index[1], pad_idx]).reshape(ER, K)

    deg2 = _sc_degree(dst2d).reshape(NC * NPAD, 1)
    u = _tc_scale(deg2, x_pad)
    p1 = _sc_aggregate(u, src2d, dst2d)
    v = _tc_layer1(deg2, p1, u, W1, b1.reshape(1, H1))
    p2 = _sc_aggregate(v, src2d, dst2d)
    y = _tc_final(deg2, p2, v, W2, b2.reshape(1, H2), Wfc,
                  bfc.reshape(1, 1))
    return y[:N, 0]

# --- scband reference (transcript-rebuilt; emitter-appended) ---
"""Pipeline reference for scband-gnnregressor-47605417509207 (READ-ONLY COPY).

The authoritative reference and input builder live on the scoring server;
editing this copy changes nothing except your own understanding.
"""

import jax, jax.numpy as jnp
import numpy as np

N = 10000
E = 320000
D = 128
H1 = 64
H2 = 32


def setup_inputs(seed: int = 0):
    key = jax.random.key(seed)
    ks = jax.random.split(key, 10)
    x = jax.random.normal(ks[0], (N, D), dtype=jnp.float32)
    edge_index = jax.random.randint(ks[1], (2, E), 0, N, dtype=jnp.int32)
    W1 = jax.random.normal(ks[2], (D, H1), dtype=jnp.float32) * (1.0 / np.sqrt(D))
    b1 = jnp.zeros((H1,), dtype=jnp.float32)
    W2 = jax.random.normal(ks[3], (H1, H2), dtype=jnp.float32) * (1.0 / np.sqrt(H1))
    b2 = jnp.zeros((H2,), dtype=jnp.float32)
    Wfc = jax.random.normal(ks[4], (H2, 1), dtype=jnp.float32) * (1.0 / np.sqrt(H2))
    bfc = jnp.zeros((1,), dtype=jnp.float32)
    return {"x": x, "edge_index": edge_index, "W1": W1, "b1": b1, "W2": W2, "b2": b2, "Wfc": Wfc, "bfc": bfc}


def _gcn_conv(x, edge_index, W, b):
    # Faithful to PyG GCNConv defaults: add self-loops, symmetric normalization, bias.
    n = x.shape[0]
    loop = jnp.arange(n, dtype=edge_index.dtype)
    src = jnp.concatenate([edge_index[0], loop])
    dst = jnp.concatenate([edge_index[1], loop])
    deg = jnp.zeros((n,), dtype=x.dtype).at[dst].add(1.0)
    deg_inv_sqrt = jnp.where(deg > 0, 1.0 / jnp.sqrt(deg), 0.0)
    norm = deg_inv_sqrt[src] * deg_inv_sqrt[dst]
    h = x @ W
    msg = h[src] * norm[:, None]
    out = jnp.zeros((n, W.shape[1]), dtype=x.dtype).at[dst].add(msg)
    return out + b


def reference(x, edge_index, W1, b1, W2, b2, Wfc, bfc):
    h = jax.nn.relu(_gcn_conv(x, edge_index, W1, b1))
    h = jax.nn.relu(_gcn_conv(h, edge_index, W2, b2))
    out = h @ Wfc + bfc
    return out.reshape(-1)

if __name__ == "__main__":
    import jax
    _d = setup_inputs()
    print(jax.jit(kernel)(*tuple(_d.values())))

</pallas_src>

<mosaic_0001>
#map = affine_map<(d0, d1) -> (0, 0)>
module attributes {stable_mosaic.version = 14 : i64} {
  func.func @deg_kernel(%arg0: i32, %arg1: i32, %arg2: memref<2560x128xi32, #tpu.memory_space<hbm>>, %arg3: memref<160x128xf32, #tpu.memory_space<hbm>>, %arg4: memref<80x128xi32, #tpu.memory_space<vmem>>, %arg5: memref<80x128xf32, #tpu.memory_space<vmem>>, %arg6: memref<5x16xi32, #tpu.memory_space<vmem>>, %arg7: memref<80x128xf32, #tpu.memory_space<vmem_shared>>, %arg8: memref<!tpu.dma_semaphore, #tpu.memory_space<semaphore_mem>>) attributes {dimension_semantics = [#tpu.dimension_semantics<core_parallel>, #tpu.dimension_semantics<subcore_parallel>], iteration_bounds = array<i64: 2, 16>, scalar_prefetch = 0 : i64, scratch_operands = 5 : i64, tpu.core_type = #tpu.core_type<sc_vector_subcore>, window_params = [{transform_indices = #map}, {transform_indices = #map}]} {
    %mul3A = arith.constant 2 : i32
    %mul3A_0 = arith.muli %arg1, %mul3A : i32
    %add3A = arith.addi %mul3A_0, %arg0 : i32
    %mul3A_1 = arith.constant 80 : i32
    %mul3A_2 = arith.muli %add3A, %mul3A_1 : i32
    %multiple_of3A = tpu.assume_multiple %mul3A_2, 8 : i32
    %dma_start3A = arith.constant 0 : i32
    %dma_start3A_3 = tpu.memref_slice %arg2[%multiple_of3A, %dma_start3A] : memref<2560x128xi32, #tpu.memory_space<hbm>> -> memref<80x128xi32, #tpu.memory_space<hbm>>
    %dma_start3A_4 = arith.constant 0 : i32
    %dma_start3A_5 = tpu.memref_slice %arg2[%multiple_of3A, %dma_start3A_4] : memref<2560x128xi32, #tpu.memory_space<hbm>> -> memref<80x128xi32, #tpu.memory_space<hbm>>
    tpu.enqueue_dma source(%dma_start3A_5 : memref<80x128xi32, #tpu.memory_space<hbm>>) target(%arg4 : memref<80x128xi32, #tpu.memory_space<vmem>>) target_semaphore(%arg8 : memref<!tpu.dma_semaphore, #tpu.memory_space<semaphore_mem>>)
    %scan3A = arith.constant 0 : i32
    %scan3A_6 = arith.constant 80 : i32
    %scan3A_7 = arith.addi %scan3A, %scan3A_6 : i32
    %scan3A_8 = arith.constant 1 : i32
    scf.for %scan3A_40 = %scan3A to %scan3A_7 step %scan3A_8  : i32 {
      %mul3A_41 = arith.constant 1 : i32
      %mul3A_42 = arith.muli %scan3A_40, %mul3A_41 : i32
      %add3A_43 = arith.constant 0 : i32
      %add3A_44 = arith.addi %add3A_43, %mul3A_42 : i32
      %scan3A_45 = arith.constant 0 : i32
      %scan3A_46 = arith.constant 8 : i32
      %scan3A_47 = arith.addi %scan3A_45, %scan3A_46 : i32
      %scan3A_48 = arith.constant 1 : i32
      scf.for %scan3A_50 = %scan3A_45 to %scan3A_47 step %scan3A_48  : i32 {
        %mul3A_51 = arith.constant 16 : i32
        %mul3A_52 = arith.muli %scan3A_50, %mul3A_51 : i32
        %add3A_53 = arith.constant 0 : i32
        %add3A_54 = arith.addi %add3A_53, %mul3A_52 : i32
        %broadcast_in_dim3A_55 = arith.constant 0.000000e+00 : f32
        %broadcast_in_dim3A_56 = vector.broadcast %broadcast_in_dim3A_55 : f32 to vector<16xf32>
        %swap3A = arith.index_cast %add3A_44 : i32 to index
        %swap3A_57 = arith.index_cast %add3A_54 : i32 to index
        %swap3A_58 = tpu.vector_load %arg5[%swap3A, %swap3A_57] {strides = array<i32>} : memref<80x128xf32, #tpu.memory_space<vmem>>, vector<16xf32>,
        tpu.vector_store %arg5[%swap3A, %swap3A_57], %broadcast_in_dim3A_56 {strides = array<i32>} : memref<80x128xf32, #tpu.memory_space<vmem>>, vector<16xf32>,
      }
      %scan3A_49 = arith.constant 8 : i32
    }
    %scan3A_9 = arith.constant 80 : i32
    %scan3A_10 = arith.constant 0 : i32
    %scan3A_11 = arith.constant 5 : i32
    %scan3A_12 = arith.addi %scan3A_10, %scan3A_11 : i32
    %scan3A_13 = arith.constant 1 : i32
    scf.for %scan3A_40 = %scan3A_10 to %scan3A_12 step %scan3A_13  : i32 {
      %mul3A_41 = arith.constant 1 : i32
      %mul3A_42 = arith.muli %scan3A_40, %mul3A_41 : i32
      %add3A_43 = arith.constant 0 : i32
      %add3A_44 = arith.addi %add3A_43, %mul3A_42 : i32
      %iota3A = tpu.iota {dimensions = array<i32: 0>} : vector<16xi32>
      %mul3A_45 = arith.constant 16 : i32
      %mul3A_46 = arith.muli %add3A_44, %mul3A_45 : i32
      %add3A_47 = vector.broadcast %mul3A_46 : i32 to vector<16xi32>
      %add3A_48 = arith.addi %iota3A, %add3A_47 : vector<16xi32>
      %swap3A = arith.index_cast %add3A_44 : i32 to index
      %swap3A_49 = arith.constant 0 : index
      %swap3A_50 = tpu.vector_load %arg6[%swap3A, %swap3A_49] {strides = array<i32>} : memref<5x16xi32, #tpu.memory_space<vmem>>, vector<16xi32>,
      tpu.vector_store %arg6[%swap3A, %swap3A_49], %add3A_48 {strides = array<i32>} : memref<5x16xi32, #tpu.memory_space<vmem>>, vector<16xi32>,
    }
    %scan3A_14 = arith.constant 5 : i32
    %lt3A = arith.constant 10 : i32
    %lt3A_15 = arith.cmpi slt, %arg1, %lt3A : i32
    %convert_element_type3A = arith.extui %lt3A_15 : i1 to i32
    %cond3A = arith.constant 0 : i32
    %cond3A_16 = arith.cmpi ne, %convert_element_type3A, %cond3A : i32
    scf.if %cond3A_16 {
      %mul3A_40 = arith.constant 8 : i32
      %mul3A_41 = arith.muli %arg1, %mul3A_40 : i32
      %multiple_of3A_42 = tpu.assume_multiple %mul3A_41, 8 : i32
      "tpu.region"() ({
        %run_scoped3A = tpu.sem_alloc : memref<!tpu.dma_semaphore, #tpu.memory_space<semaphore_mem>>
        %dma_start3A_43 = arith.constant 0 : i32
        %dma_start3A_44 = arith.constant 0 : i32
        %dma_start3A_45 = tpu.memref_slice %arg5[%dma_start3A_43, %dma_start3A_44] : memref<80x128xf32, #tpu.memory_space<vmem>> -> memref<8x128xf32, #tpu.memory_space<vmem>>
        %dma_start3A_46 = arith.constant 0 : i32
        %dma_start3A_47 = tpu.memref_slice %arg7[%multiple_of3A_42, %dma_start3A_46] : memref<80x128xf32, #tpu.memory_space<vmem_shared>> -> memref<8x128xf32, #tpu.memory_space<vmem_shared>>
        %dma_start3A_48 = arith.constant 0 : i32
        %dma_start3A_49 = tpu.memref_slice %arg7[%multiple_of3A_42, %dma_start3A_48] : memref<80x128xf32, #tpu.memory_space<vmem_shared>> -> memref<8x128xf32, #tpu.memory_space<vmem_shared>>
        %dma_start3A_50 = arith.constant 0 : i32
        %dma_start3A_51 = arith.constant 0 : i32
        %dma_start3A_52 = tpu.memref_slice %arg5[%dma_start3A_50, %dma_start3A_51] : memref<80x128xf32, #tpu.memory_space<vmem>> -> memref<8x128xf32, #tpu.memory_space<vmem>>
        tpu.enqueue_dma source(%dma_start3A_52 : memref<8x128xf32, #tpu.memory_space<vmem>>) target(%dma_start3A_49 : memref<8x128xf32, #tpu.memory_space<vmem_shared>>) target_semaphore(%run_scoped3A : memref<!tpu.dma_semaphore, #tpu.memory_space<semaphore_mem>>)
        %dma_wait3A_53 = arith.constant 0 : i32
        %dma_wait3A_54 = arith.constant 0 : i32
        %dma_wait3A_55 = tpu.memref_slice %arg5[%dma_wait3A_53, %dma_wait3A_54] : memref<80x128xf32, #tpu.memory_space<vmem>> -> memref<8x128xf32, #tpu.memory_space<vmem>>
        %dma_wait3A_56 = arith.constant 0 : i32
        %dma_wait3A_57 = tpu.memref_slice %arg7[%multiple_of3A_42, %dma_wait3A_56] : memref<80x128xf32, #tpu.memory_space<vmem_shared>> -> memref<8x128xf32, #tpu.memory_space<vmem_shared>>
        %dma_wait3A_58 = arith.constant 0 : i32
        %dma_wait3A_59 = tpu.memref_slice %arg7[%multiple_of3A_42, %dma_wait3A_58] : memref<80x128xf32, #tpu.memory_space<vmem_shared>> -> memref<8x128xf32, #tpu.memory_space<vmem_shared>>
        %dma_wait3A_60 = arith.constant 0 : i32
        %dma_wait3A_61 = arith.constant 0 : i32
        %dma_wait3A_62 = tpu.memref_slice %arg5[%dma_wait3A_60, %dma_wait3A_61] : memref<80x128xf32, #tpu.memory_space<vmem>> -> memref<8x128xf32, #tpu.memory_space<vmem>>
        tpu.wait_dma2 semaphore(%run_scoped3A : memref<!tpu.dma_semaphore, #tpu.memory_space<semaphore_mem>>) src(%dma_wait3A_62 : memref<8x128xf32, #tpu.memory_space<vmem>>) dst(%dma_wait3A_59 : memref<8x128xf32, #tpu.memory_space<vmem_shared>>)
        tpu.yield
      }) : () -> ()
    } else {
    }
    %mul3A_17 = arith.constant 80 : i32
    %mul3A_18 = arith.muli %add3A, %mul3A_17 : i32
    %multiple_of3A_19 = tpu.assume_multiple %mul3A_18, 8 : i32
    %dma_wait3A = arith.constant 0 : i32
    %dma_wait3A_20 = tpu.memref_slice %arg2[%multiple_of3A_19, %dma_wait3A] : memref<2560x128xi32, #tpu.memory_space<hbm>> -> memref<80x128xi32, #tpu.memory_space<hbm>>
    %dma_wait3A_21 = arith.constant 0 : i32
    %dma_wait3A_22 = tpu.memref_slice %arg2[%multiple_of3A_19, %dma_wait3A_21] : memref<2560x128xi32, #tpu.memory_space<hbm>> -> memref<80x128xi32, #tpu.memory_space<hbm>>
    tpu.wait_dma2 semaphore(%arg8 : memref<!tpu.dma_semaphore, #tpu.memory_space<semaphore_mem>>) src(%dma_wait3A_22 : memref<80x128xi32, #tpu.memory_space<hbm>>) dst(%arg4 : memref<80x128xi32, #tpu.memory_space<vmem>>)
    %barrier3A = arith.constant 0 : index
    tpu.barrier barrier_id(%barrier3A)
    %broadcast_in_dim3A = arith.constant 1.000000e+00 : f32
    %broadcast_in_dim3A_23 = vector.broadcast %broadcast_in_dim3A : f32 to vector<16xf32>
    %scan3A_24 = arith.constant 0 : i32
    %scan3A_25 = arith.constant 80 : i32
    %scan3A_26 = arith.addi %scan3A_24, %scan3A_25 : i32
    %scan3A_27 = arith.constant 1 : i32
    scf.for %scan3A_40 = %scan3A_24 to %scan3A_26 step %scan3A_27  : i32 {
      %mul3A_41 = arith.constant 1 : i32
      %mul3A_42 = arith.muli %scan3A_40, %mul3A_41 : i32
      %add3A_43 = arith.constant 0 : i32
      %add3A_44 = arith.addi %add3A_43, %mul3A_42 : i32
      %scan3A_45 = arith.constant 0 : i32
      %scan3A_46 = arith.constant 8 : i32
      %scan3A_47 = arith.addi %scan3A_45, %scan3A_46 : i32
      %scan3A_48 = arith.constant 1 : i32
      scf.for %scan3A_50 = %scan3A_45 to %scan3A_47 step %scan3A_48  : i32 {
        %mul3A_51 = arith.constant 16 : i32
        %mul3A_52 = arith.muli %scan3A_50, %mul3A_51 : i32
        %add3A_53 = arith.constant 0 : i32
        %add3A_54 = arith.addi %add3A_53, %mul3A_52 : i32
        %get3A = arith.index_cast %add3A_44 : i32 to index
        %get3A_55 = arith.index_cast %add3A_54 : i32 to index
        %get3A_56 = tpu.vector_load %arg4[%get3A, %get3A_55] {strides = array<i32>} : memref<80x128xi32, #tpu.memory_space<vmem>>, vector<16xi32>,
        %shift_right_logical3A = arith.constant 7 : i32
        %shift_right_logical3A_57 = vector.broadcast %shift_right_logical3A : i32 to vector<16xi32>
        %shift_right_logical3A_58 = arith.shrui %get3A_56, %shift_right_logical3A_57 : vector<16xi32>
        %and3A = arith.constant 127 : i32
        %and3A_59 = vector.broadcast %and3A : i32 to vector<16xi32>
        %and3A_60 = arith.andi %get3A_56, %and3A_59 : vector<16xi32>
        tpu.vector_store_idx %arg5[%shift_right_logical3A_58, %and3A_60], %broadcast_in_dim3A_23 {add = true} : memref<80x128xf32, #tpu.memory_space<vmem>>[vector<16xi32>, vector<16xi32>], vector<16xf32>,
      }
      %scan3A_49 = arith.constant 8 : i32
    }
    %scan3A_28 = arith.constant 80 : i32
    %scan3A_29 = arith.constant 0 : i32
    %scan3A_30 = arith.constant 5 : i32
    %scan3A_31 = arith.addi %scan3A_29, %scan3A_30 : i32
    %scan3A_32 = arith.constant 1 : i32
    scf.for %scan3A_40 = %scan3A_29 to %scan3A_31 step %scan3A_32  : i32 {
      %mul3A_41 = arith.constant 1 : i32
      %mul3A_42 = arith.muli %scan3A_40, %mul3A_41 : i32
      %add3A_43 = arith.constant 0 : i32
      %add3A_44 = arith.addi %add3A_43, %mul3A_42 : i32
      %mul3A_45 = arith.constant 16 : i32
      %mul3A_46 = arith.muli %add3A_44, %mul3A_45 : i32
      %multiple_of3A_47 = tpu.assume_multiple %mul3A_46, 8 : i32
      "tpu.region"() ({
        %run_scoped3A = tpu.sem_alloc : memref<!tpu.dma_semaphore, #tpu.memory_space<semaphore_mem>>
        %dma_start3A_48 = arith.constant 0 : i32
        %dma_start3A_49 = tpu.memref_slice %arg5[%multiple_of3A_47, %dma_start3A_48] : memref<80x128xf32, #tpu.memory_space<vmem>> -> memref<16x128xf32, #tpu.memory_space<vmem>>
        %dma_start3A_50 = arith.constant 0 : i32
        %dma_start3A_51 = tpu.memref_slice %arg6[%add3A_44, %dma_start3A_50] : memref<5x16xi32, #tpu.memory_space<vmem>> -> memref<1x16xi32, #tpu.memory_space<vmem>>
        %dma_start3A_52 = tpu.memref_squeeze %dma_start3A_51 : memref<1x16xi32, #tpu.memory_space<vmem>> -> memref<16xi32, #tpu.memory_space<vmem>>
        %dma_start3A_53 = arith.constant 0 : i32
        %dma_start3A_54 = arith.constant 0 : i32
        %dma_start3A_55 = tpu.memref_slice %arg7[%dma_start3A_53, %dma_start3A_54] : memref<80x128xf32, #tpu.memory_space<vmem_shared>> -> memref<80x128xf32, #tpu.memory_space<vmem_shared>>
        tpu.enqueue_indirect_dma source(%dma_start3A_49 : memref<16x128xf32, #tpu.memory_space<vmem>>) target(%dma_start3A_55 : memref<80x128xf32, #tpu.memory_space<vmem_shared>>) offsets(%dma_start3A_52 : memref<16xi32, #tpu.memory_space<vmem>>) semaphore(%run_scoped3A : memref<!tpu.dma_semaphore, #tpu.memory_space<semaphore_mem>>) {add = true}
        %dma_wait3A_56 = arith.constant 0 : i32
        %dma_wait3A_57 = tpu.memref_slice %arg5[%multiple_of3A_47, %dma_wait3A_56] : memref<80x128xf32, #tpu.memory_space<vmem>> -> memref<16x128xf32, #tpu.memory_space<vmem>>
        %dma_wait3A_58 = arith.constant 0 : i32
        %dma_wait3A_59 = tpu.memref_slice %arg6[%add3A_44, %dma_wait3A_58] : memref<5x16xi32, #tpu.memory_space<vmem>> -> memref<1x16xi32, #tpu.memory_space<vmem>>
        %dma_wait3A_60 = tpu.memref_squeeze %dma_wait3A_59 : memref<1x16xi32, #tpu.memory_space<vmem>> -> memref<16xi32, #tpu.memory_space<vmem>>
        %dma_wait3A_61 = arith.constant 0 : i32
        %dma_wait3A_62 = arith.constant 0 : i32
        %dma_wait3A_63 = tpu.memref_slice %arg7[%dma_wait3A_61, %dma_wait3A_62] : memref<80x128xf32, #tpu.memory_space<vmem_shared>> -> memref<80x128xf32, #tpu.memory_space<vmem_shared>>
        tpu.wait_indirect_dma semaphore(%run_scoped3A : memref<!tpu.dma_semaphore, #tpu.memory_space<semaphore_mem>>) src(%dma_wait3A_57 : memref<16x128xf32, #tpu.memory_space<vmem>>) dst(%dma_wait3A_63 : memref<80x128xf32, #tpu.memory_space<vmem_shared>>)
        tpu.yield
      }) : () -> ()
    }
    %scan3A_33 = arith.constant 5 : i32
    %barrier3A_34 = arith.constant 0 : index
    tpu.barrier barrier_id(%barrier3A_34)
    %lt3A_35 = arith.constant 10 : i32
    %lt3A_36 = arith.cmpi slt, %arg1, %lt3A_35 : i32
    %convert_element_type3A_37 = arith.extui %lt3A_36 : i1 to i32
    %cond3A_38 = arith.constant 0 : i32
    %cond3A_39 = arith.cmpi ne, %convert_element_type3A_37, %cond3A_38 : i32
    scf.if %cond3A_39 {
      %mul3A_40 = arith.constant 8 : i32
      %mul3A_41 = arith.muli %arg1, %mul3A_40 : i32
      %multiple_of3A_42 = tpu.assume_multiple %mul3A_41, 8 : i32
      %mul3A_43 = arith.constant 80 : i32
      %mul3A_44 = arith.muli %arg0, %mul3A_43 : i32
      %mul3A_45 = arith.constant 8 : i32
      %mul3A_46 = arith.muli %arg1, %mul3A_45 : i32
      %add3A_47 = arith.addi %mul3A_44, %mul3A_46 : i32
      %multiple_of3A_48 = tpu.assume_multiple %add3A_47, 8 : i32
      "tpu.region"() ({
        %run_scoped3A = tpu.sem_alloc : memref<!tpu.dma_semaphore, #tpu.memory_space<semaphore_mem>>
        %dma_start3A_49 = arith.constant 0 : i32
        %dma_start3A_50 = tpu.memref_slice %arg3[%multiple_of3A_48, %dma_start3A_49] : memref<160x128xf32, #tpu.memory_space<hbm>> -> memref<8x128xf32, #tpu.memory_space<hbm>>
        %dma_start3A_51 = arith.constant 0 : i32
        %dma_start3A_52 = tpu.memref_slice %arg7[%multiple_of3A_42, %dma_start3A_51] : memref<80x128xf32, #tpu.memory_space<vmem_shared>> -> memref<8x128xf32, #tpu.memory_space<vmem_shared>>
        tpu.enqueue_dma source(%dma_start3A_52 : memref<8x128xf32, #tpu.memory_space<vmem_shared>>) target(%dma_start3A_50 : memref<8x128xf32, #tpu.memory_space<hbm>>) target_semaphore(%run_scoped3A : memref<!tpu.dma_semaphore, #tpu.memory_space<semaphore_mem>>)
        %dma_wait3A_53 = arith.constant 0 : i32
        %dma_wait3A_54 = tpu.memref_slice %arg3[%multiple_of3A_48, %dma_wait3A_53] : memref<160x128xf32, #tpu.memory_space<hbm>> -> memref<8x128xf32, #tpu.memory_space<hbm>>
        %dma_wait3A_55 = arith.constant 0 : i32
        %dma_wait3A_56 = tpu.memref_slice %arg7[%multiple_of3A_42, %dma_wait3A_55] : memref<80x128xf32, #tpu.memory_space<vmem_shared>> -> memref<8x128xf32, #tpu.memory_space<vmem_shared>>
        tpu.wait_dma2 semaphore(%run_scoped3A : memref<!tpu.dma_semaphore, #tpu.memory_space<semaphore_mem>>) src(%dma_wait3A_56 : memref<8x128xf32, #tpu.memory_space<vmem_shared>>) dst(%dma_wait3A_54 : memref<8x128xf32, #tpu.memory_space<hbm>>)
        tpu.yield
      }) : () -> ()
    } else {
    }
    return
  }
}

#map = affine_map<(d0, d1) -> (0, 0)>
module attributes {stable_mosaic.version = 14 : i64} {
  func.func @agg_kernel(%arg0: i32, %arg1: i32, %arg2: memref<10240x128xf32, #tpu.memory_space<hbm>>, %arg3: memref<2560x128xi32, #tpu.memory_space<hbm>>, %arg4: memref<2560x128xi32, #tpu.memory_space<hbm>>, %arg5: memref<20480x128xf32, #tpu.memory_space<hbm>>, %arg6: memref<16x128xi32, #tpu.memory_space<vmem>>, %arg7: memref<16x128xi32, #tpu.memory_space<vmem>>, %arg8: memref<16x128xi32, #tpu.memory_space<vmem>>, %arg9: memref<16x128xi32, #tpu.memory_space<vmem>>, %arg10: memref<128x128xf32, #tpu.memory_space<vmem>>, %arg11: memref<128x128xf32, #tpu.memory_space<vmem>>, %arg12: memref<40x128xf32, #tpu.memory_space<vmem>>, %arg13: memref<10240x128xf32, #tpu.memory_space<vmem_shared>>, %arg14: memref<!tpu.dma_semaphore, #tpu.memory_space<semaphore_mem>>, %arg15: memref<!tpu.dma_semaphore, #tpu.memory_space<semaphore_mem>>, %arg16: memref<!tpu.dma_semaphore, #tpu.memory_space<semaphore_mem>>, %arg17: memref<!tpu.dma_semaphore, #tpu.memory_space<semaphore_mem>>) attributes {dimension_semantics = [#tpu.dimension_semantics<core_parallel>, #tpu.dimension_semantics<subcore_parallel>], iteration_bounds = array<i64: 2, 16>, scalar_prefetch = 0 : i64, scratch_operands = 12 : i64, tpu.core_type = #tpu.core_type<sc_vector_subcore>, window_params = [{transform_indices = #map}, {transform_indices = #map}, {transform_indices = #map}, {transform_indices = #map}]} {
    %mul3A = arith.constant 2 : i32
    %mul3A_0 = arith.muli %arg1, %mul3A : i32
    %add3A = arith.addi %mul3A_0, %arg0 : i32
    %scan3A = arith.constant 0 : i32
    %scan3A_1 = arith.constant 40 : i32
    %scan3A_2 = arith.addi %scan3A, %scan3A_1 : i32
    %scan3A_3 = arith.constant 1 : i32
    scf.for %scan3A_187 = %scan3A to %scan3A_2 step %scan3A_3  : i32 {
      %mul3A_188 = arith.constant 1 : i32
      %mul3A_189 = arith.muli %scan3A_187, %mul3A_188 : i32
      %add3A_190 = arith.constant 0 : i32
      %add3A_191 = arith.addi %add3A_190, %mul3A_189 : i32
      %scan3A_192 = arith.constant 0 : i32
      %scan3A_193 = arith.constant 8 : i32
      %scan3A_194 = arith.addi %scan3A_192, %scan3A_193 : i32
      %scan3A_195 = arith.constant 1 : i32
      scf.for %scan3A_197 = %scan3A_192 to %scan3A_194 step %scan3A_195  : i32 {
        %mul3A_198 = arith.constant 16 : i32
        %mul3A_199 = arith.muli %scan3A_197, %mul3A_198 : i32
        %add3A_200 = arith.constant 0 : i32
        %add3A_201 = arith.addi %add3A_200, %mul3A_199 : i32
        %broadcast_in_dim3A = arith.constant 0.000000e+00 : f32
        %broadcast_in_dim3A_202 = vector.broadcast %broadcast_in_dim3A : f32 to vector<16xf32>
        %swap3A = arith.index_cast %add3A_191 : i32 to index
        %swap3A_203 = arith.index_cast %add3A_201 : i32 to index
        %swap3A_204 = tpu.vector_load %arg12[%swap3A, %swap3A_203] {strides = array<i32>} : memref<40x128xf32, #tpu.memory_space<vmem>>, vector<1x16xf32>,
        %swap3A_205 = vector.shape_cast %swap3A_204 : vector<1x16xf32> to vector<16xf32>
        %swap3A_206 = vector.shape_cast %broadcast_in_dim3A_202 : vector<16xf32> to vector<1x16xf32>
        tpu.vector_store %arg12[%swap3A, %swap3A_203], %swap3A_206 {strides = array<i32>} : memref<40x128xf32, #tpu.memory_space<vmem>>, vector<1x16xf32>,
      }
      %scan3A_196 = arith.constant 8 : i32
    }
    %scan3A_4 = arith.constant 40 : i32
    %mul3A_5 = arith.constant 640 : i32
    %mul3A_6 = arith.muli %arg1, %mul3A_5 : i32
    %multiple_of3A = tpu.assume_multiple %mul3A_6, 8 : i32
    %scan3A_7 = arith.constant 0 : i32
    %scan3A_8 = arith.constant 16 : i32
    %scan3A_9 = arith.addi %scan3A_7, %scan3A_8 : i32
    %scan3A_10 = arith.constant 1 : i32
    scf.for %scan3A_187 = %scan3A_7 to %scan3A_9 step %scan3A_10  : i32 {
      %mul3A_188 = arith.constant 1 : i32
      %mul3A_189 = arith.muli %scan3A_187, %mul3A_188 : i32
      %add3A_190 = arith.constant 0 : i32
      %add3A_191 = arith.addi %add3A_190, %mul3A_189 : i32
      %mul3A_192 = arith.constant 40 : i32
      %mul3A_193 = arith.muli %add3A_191, %mul3A_192 : i32
      %add3A_194 = arith.addi %multiple_of3A, %mul3A_193 : i32
      %multiple_of3A_195 = tpu.assume_multiple %add3A_194, 8 : i32
      "tpu.region"() ({
        %run_scoped3A = tpu.sem_alloc : memref<!tpu.dma_semaphore, #tpu.memory_space<semaphore_mem>>
        %dma_start3A_196 = arith.constant 0 : i32
        %dma_start3A_197 = tpu.memref_slice %arg13[%multiple_of3A_195, %dma_start3A_196] : memref<10240x128xf32, #tpu.memory_space<vmem_shared>> -> memref<40x128xf32, #tpu.memory_space<vmem_shared>>
        %dma_start3A_198 = arith.constant 0 : i32
        %dma_start3A_199 = tpu.memref_slice %arg13[%multiple_of3A_195, %dma_start3A_198] : memref<10240x128xf32, #tpu.memory_space<vmem_shared>> -> memref<40x128xf32, #tpu.memory_space<vmem_shared>>
        tpu.enqueue_dma source(%arg12 : memref<40x128xf32, #tpu.memory_space<vmem>>) target(%dma_start3A_199 : memref<40x128xf32, #tpu.memory_space<vmem_shared>>) target_semaphore(%run_scoped3A : memref<!tpu.dma_semaphore, #tpu.memory_space<semaphore_mem>>)
        %dma_wait3A_200 = arith.constant 0 : i32
        %dma_wait3A_201 = tpu.memref_slice %arg13[%multiple_of3A_195, %dma_wait3A_200] : memref<10240x128xf32, #tpu.memory_space<vmem_shared>> -> memref<40x128xf32, #tpu.memory_space<vmem_shared>>
        %dma_wait3A_202 = arith.constant 0 : i32
        %dma_wait3A_203 = tpu.memref_slice %arg13[%multiple_of3A_195, %dma_wait3A_202] : memref<10240x128xf32, #tpu.memory_space<vmem_shared>> -> memref<40x128xf32, #tpu.memory_space<vmem_shared>>
        tpu.wait_dma2 semaphore(%run_scoped3A : memref<!tpu.dma_semaphore, #tpu.memory_space<semaphore_mem>>) src(%arg12 : memref<40x128xf32, #tpu.memory_space<vmem>>) dst(%dma_wait3A_203 : memref<40x128xf32, #tpu.memory_space<vmem_shared>>)
        tpu.yield
      }) : () -> ()
    }
    %scan3A_11 = arith.constant 16 : i32
    %mul3A_12 = arith.constant 80 : i32
    %mul3A_13 = arith.muli %add3A, %mul3A_12 : i32
    %barrier3A = arith.constant 0 : index
    tpu.barrier barrier_id(%barrier3A)
    %add3A_14 = arith.constant 0 : i32
    %add3A_15 = arith.addi %mul3A_13, %add3A_14 : i32
    %multiple_of3A_16 = tpu.assume_multiple %add3A_15, 8 : i32
    %dma_start3A = arith.constant 0 : i32
    %dma_start3A_17 = tpu.memref_slice %arg3[%multiple_of3A_16, %dma_start3A] : memref<2560x128xi32, #tpu.memory_space<hbm>> -> memref<16x128xi32, #tpu.memory_space<hbm>>
    %dma_start3A_18 = arith.constant 0 : i32
    %dma_start3A_19 = tpu.memref_slice %arg3[%multiple_of3A_16, %dma_start3A_18] : memref<2560x128xi32, #tpu.memory_space<hbm>> -> memref<16x128xi32, #tpu.memory_space<hbm>>
    tpu.enqueue_dma source(%dma_start3A_19 : memref<16x128xi32, #tpu.memory_space<hbm>>) target(%arg6 : memref<16x128xi32, #tpu.memory_space<vmem>>) target_semaphore(%arg14 : memref<!tpu.dma_semaphore, #tpu.memory_space<semaphore_mem>>)
    %dma_start3A_20 = arith.constant 0 : i32
    %dma_start3A_21 = tpu.memref_slice %arg4[%multiple_of3A_16, %dma_start3A_20] : memref<2560x128xi32, #tpu.memory_space<hbm>> -> memref<16x128xi32, #tpu.memory_space<hbm>>
    %dma_start3A_22 = arith.constant 0 : i32
    %dma_start3A_23 = tpu.memref_slice %arg4[%multiple_of3A_16, %dma_start3A_22] : memref<2560x128xi32, #tpu.memory_space<hbm>> -> memref<16x128xi32, #tpu.memory_space<hbm>>
    tpu.enqueue_dma source(%dma_start3A_23 : memref<16x128xi32, #tpu.memory_space<hbm>>) target(%arg7 : memref<16x128xi32, #tpu.memory_space<vmem>>) target_semaphore(%arg14 : memref<!tpu.dma_semaphore, #tpu.memory_space<semaphore_mem>>)
    %add3A_24 = arith.constant 0 : i32
    %add3A_25 = arith.addi %mul3A_13, %add3A_24 : i32
    %multiple_of3A_26 = tpu.assume_multiple %add3A_25, 8 : i32
    %dma_wait3A = arith.constant 0 : i32
    %dma_wait3A_27 = tpu.memref_slice %arg3[%multiple_of3A_26, %dma_wait3A] : memref<2560x128xi32, #tpu.memory_space<hbm>> -> memref<16x128xi32, #tpu.memory_space<hbm>>
    %dma_wait3A_28 = arith.constant 0 : i32
    %dma_wait3A_29 = tpu.memref_slice %arg3[%multiple_of3A_26, %dma_wait3A_28] : memref<2560x128xi32, #tpu.memory_space<hbm>> -> memref<16x128xi32, #tpu.memory_space<hbm>>
    tpu.wait_dma2 semaphore(%arg14 : memref<!tpu.dma_semaphore, #tpu.memory_space<semaphore_mem>>) src(%dma_wait3A_29 : memref<16x128xi32, #tpu.memory_space<hbm>>) dst(%arg6 : memref<16x128xi32, #tpu.memory_space<vmem>>)
    %dma_wait3A_30 = arith.constant 0 : i32
    %dma_wait3A_31 = tpu.memref_slice %arg4[%multiple_of3A_26, %dma_wait3A_30] : memref<2560x128xi32, #tpu.memory_space<hbm>> -> memref<16x128xi32, #tpu.memory_space<hbm>>
    %dma_wait3A_32 = arith.constant 0 : i32
    %dma_wait3A_33 = tpu.memref_slice %arg4[%multiple_of3A_26, %dma_wait3A_32] : memref<2560x128xi32, #tpu.memory_space<hbm>> -> memref<16x128xi32, #tpu.memory_space<hbm>>
    tpu.wait_dma2 semaphore(%arg14 : memref<!tpu.dma_semaphore, #tpu.memory_space<semaphore_mem>>) src(%dma_wait3A_33 : memref<16x128xi32, #tpu.memory_space<hbm>>) dst(%arg7 : memref<16x128xi32, #tpu.memory_space<vmem>>)
    %add3A_34 = arith.constant 16 : i32
    %add3A_35 = arith.addi %mul3A_13, %add3A_34 : i32
    %multiple_of3A_36 = tpu.assume_multiple %add3A_35, 8 : i32
    %dma_start3A_37 = arith.constant 0 : i32
    %dma_start3A_38 = tpu.memref_slice %arg3[%multiple_of3A_36, %dma_start3A_37] : memref<2560x128xi32, #tpu.memory_space<hbm>> -> memref<16x128xi32, #tpu.memory_space<hbm>>
    %dma_start3A_39 = arith.constant 0 : i32
    %dma_start3A_40 = tpu.memref_slice %arg3[%multiple_of3A_36, %dma_start3A_39] : memref<2560x128xi32, #tpu.memory_space<hbm>> -> memref<16x128xi32, #tpu.memory_space<hbm>>
    tpu.enqueue_dma source(%dma_start3A_40 : memref<16x128xi32, #tpu.memory_space<hbm>>) target(%arg8 : memref<16x128xi32, #tpu.memory_space<vmem>>) target_semaphore(%arg15 : memref<!tpu.dma_semaphore, #tpu.memory_space<semaphore_mem>>)
    %dma_start3A_41 = arith.constant 0 : i32
    %dma_start3A_42 = tpu.memref_slice %arg4[%multiple_of3A_36, %dma_start3A_41] : memref<2560x128xi32, #tpu.memory_space<hbm>> -> memref<16x128xi32, #tpu.memory_space<hbm>>
    %dma_start3A_43 = arith.constant 0 : i32
    %dma_start3A_44 = tpu.memref_slice %arg4[%multiple_of3A_36, %dma_start3A_43] : memref<2560x128xi32, #tpu.memory_space<hbm>> -> memref<16x128xi32, #tpu.memory_space<hbm>>
    tpu.enqueue_dma source(%dma_start3A_44 : memref<16x128xi32, #tpu.memory_space<hbm>>) target(%arg9 : memref<16x128xi32, #tpu.memory_space<vmem>>) target_semaphore(%arg15 : memref<!tpu.dma_semaphore, #tpu.memory_space<semaphore_mem>>)
    %dma_start3A_45 = arith.constant 0 : i32
    %dma_start3A_46 = arith.constant 0 : i32
    %dma_start3A_47 = tpu.memref_slice %arg6[%dma_start3A_45, %dma_start3A_46] : memref<16x128xi32, #tpu.memory_space<vmem>> -> memref<1x128xi32, #tpu.memory_space<vmem>>
    %dma_start3A_48 = tpu.memref_squeeze %dma_start3A_47 : memref<1x128xi32, #tpu.memory_space<vmem>> -> memref<128xi32, #tpu.memory_space<vmem>>
    %dma_start3A_49 = arith.constant 0 : i32
    %dma_start3A_50 = arith.constant 0 : i32
    %dma_start3A_51 = tpu.memref_slice %arg2[%dma_start3A_49, %dma_start3A_50] : memref<10240x128xf32, #tpu.memory_space<hbm>> -> memref<10240x128xf32, #tpu.memory_space<hbm>>
    tpu.enqueue_indirect_dma source(%dma_start3A_51 : memref<10240x128xf32, #tpu.memory_space<hbm>>) target(%arg10 : memref<128x128xf32, #tpu.memory_space<vmem>>) offsets(%dma_start3A_48 : memref<128xi32, #tpu.memory_space<vmem>>) semaphore(%arg16 : memref<!tpu.dma_semaphore, #tpu.memory_space<semaphore_mem>>)
    %scan3A_52 = arith.constant 0 : i32
    %scan3A_53 = arith.constant 8 : i32
    %scan3A_54 = arith.addi %scan3A_52, %scan3A_53 : i32
    %scan3A_55 = arith.constant 1 : i32
    scf.for %scan3A_187 = %scan3A_52 to %scan3A_54 step %scan3A_55  : i32 {
      %mul3A_188 = arith.constant 2 : i32
      %mul3A_189 = arith.muli %scan3A_187, %mul3A_188 : i32
      %add3A_190 = arith.constant 0 : i32
      %add3A_191 = arith.addi %add3A_190, %mul3A_189 : i32
      %add3A_192 = arith.constant 1 : i32
      %add3A_193 = arith.addi %add3A_191, %add3A_192 : i32
      %dma_start3A_194 = arith.constant 0 : i32
      %dma_start3A_195 = tpu.memref_slice %arg6[%add3A_193, %dma_start3A_194] : memref<16x128xi32, #tpu.memory_space<vmem>> -> memref<1x128xi32, #tpu.memory_space<vmem>>
      %dma_start3A_196 = tpu.memref_squeeze %dma_start3A_195 : memref<1x128xi32, #tpu.memory_space<vmem>> -> memref<128xi32, #tpu.memory_space<vmem>>
      %dma_start3A_197 = arith.constant 0 : i32
      %dma_start3A_198 = arith.constant 0 : i32
      %dma_start3A_199 = tpu.memref_slice %arg2[%dma_start3A_197, %dma_start3A_198] : memref<10240x128xf32, #tpu.memory_space<hbm>> -> memref<10240x128xf32, #tpu.memory_space<hbm>>
      tpu.enqueue_indirect_dma source(%dma_start3A_199 : memref<10240x128xf32, #tpu.memory_space<hbm>>) target(%arg11 : memref<128x128xf32, #tpu.memory_space<vmem>>) offsets(%dma_start3A_196 : memref<128xi32, #tpu.memory_space<vmem>>) semaphore(%arg17 : memref<!tpu.dma_semaphore, #tpu.memory_space<semaphore_mem>>)
      %dma_wait3A_200 = arith.constant 0 : i32
      %dma_wait3A_201 = tpu.memref_slice %arg6[%add3A_191, %dma_wait3A_200] : memref<16x128xi32, #tpu.memory_space<vmem>> -> memref<1x128xi32, #tpu.memory_space<vmem>>
      %dma_wait3A_202 = tpu.memref_squeeze %dma_wait3A_201 : memref<1x128xi32, #tpu.memory_space<vmem>> -> memref<128xi32, #tpu.memory_space<vmem>>
      %dma_wait3A_203 = arith.constant 0 : i32
      %dma_wait3A_204 = arith.constant 0 : i32
      %dma_wait3A_205 = tpu.memref_slice %arg2[%dma_wait3A_203, %dma_wait3A_204] : memref<10240x128xf32, #tpu.memory_space<hbm>> -> memref<10240x128xf32, #tpu.memory_space<hbm>>
      tpu.wait_indirect_dma semaphore(%arg16 : memref<!tpu.dma_semaphore, #tpu.memory_space<semaphore_mem>>) src(%dma_wait3A_205 : memref<10240x128xf32, #tpu.memory_space<hbm>>) dst(%arg10 : memref<128x128xf32, #tpu.memory_space<vmem>>)
      "tpu.region"() ({
        %run_scoped3A = tpu.sem_alloc : memref<!tpu.dma_semaphore, #tpu.memory_space<semaphore_mem>>
        %dma_start3A_220 = arith.constant 0 : i32
        %dma_start3A_221 = tpu.memref_slice %arg7[%add3A_191, %dma_start3A_220] : memref<16x128xi32, #tpu.memory_space<vmem>> -> memref<1x128xi32, #tpu.memory_space<vmem>>
        %dma_start3A_222 = tpu.memref_squeeze %dma_start3A_221 : memref<1x128xi32, #tpu.memory_space<vmem>> -> memref<128xi32, #tpu.memory_space<vmem>>
        %dma_start3A_223 = arith.constant 0 : i32
        %dma_start3A_224 = arith.constant 0 : i32
        %dma_start3A_225 = tpu.memref_slice %arg13[%dma_start3A_223, %dma_start3A_224] : memref<10240x128xf32, #tpu.memory_space<vmem_shared>> -> memref<10240x128xf32, #tpu.memory_space<vmem_shared>>
        tpu.enqueue_indirect_dma source(%arg10 : memref<128x128xf32, #tpu.memory_space<vmem>>) target(%dma_start3A_225 : memref<10240x128xf32, #tpu.memory_space<vmem_shared>>) offsets(%dma_start3A_222 : memref<128xi32, #tpu.memory_space<vmem>>) semaphore(%run_scoped3A : memref<!tpu.dma_semaphore, #tpu.memory_space<semaphore_mem>>) {add = true}
        %dma_wait3A_226 = arith.constant 0 : i32
        %dma_wait3A_227 = tpu.memref_slice %arg7[%add3A_191, %dma_wait3A_226] : memref<16x128xi32, #tpu.memory_space<vmem>> -> memref<1x128xi32, #tpu.memory_space<vmem>>
        %dma_wait3A_228 = tpu.memref_squeeze %dma_wait3A_227 : memref<1x128xi32, #tpu.memory_space<vmem>> -> memref<128xi32, #tpu.memory_space<vmem>>
        %dma_wait3A_229 = arith.constant 0 : i32
        %dma_wait3A_230 = arith.constant 0 : i32
        %dma_wait3A_231 = tpu.memref_slice %arg13[%dma_wait3A_229, %dma_wait3A_230] : memref<10240x128xf32, #tpu.memory_space<vmem_shared>> -> memref<10240x128xf32, #tpu.memory_space<vmem_shared>>
        tpu.wait_indirect_dma semaphore(%run_scoped3A : memref<!tpu.dma_semaphore, #tpu.memory_space<semaphore_mem>>) src(%arg10 : memref<128x128xf32, #tpu.memory_space<vmem>>) dst(%dma_wait3A_231 : memref<10240x128xf32, #tpu.memory_space<vmem_shared>>)
        tpu.yield
      }) : () -> ()
      %add3A_206 = arith.constant 2 : i32
      %add3A_207 = arith.addi %add3A_191, %add3A_206 : i32
      %lt3A = arith.constant 16 : i32
      %lt3A_208 = arith.cmpi slt, %add3A_207, %lt3A : i32
      %convert_element_type3A = arith.extui %lt3A_208 : i1 to i32
      %cond3A = arith.constant 0 : i32
      %cond3A_209 = arith.cmpi ne, %convert_element_type3A, %cond3A : i32
      scf.if %cond3A_209 {
        %add3A_220 = arith.constant 2 : i32
        %add3A_221 = arith.addi %add3A_191, %add3A_220 : i32
        %dma_start3A_222 = arith.constant 0 : i32
        %dma_start3A_223 = tpu.memref_slice %arg6[%add3A_221, %dma_start3A_222] : memref<16x128xi32, #tpu.memory_space<vmem>> -> memref<1x128xi32, #tpu.memory_space<vmem>>
        %dma_start3A_224 = tpu.memref_squeeze %dma_start3A_223 : memref<1x128xi32, #tpu.memory_space<vmem>> -> memref<128xi32, #tpu.memory_space<vmem>>
        %dma_start3A_225 = arith.constant 0 : i32
        %dma_start3A_226 = arith.constant 0 : i32
        %dma_start3A_227 = tpu.memref_slice %arg2[%dma_start3A_225, %dma_start3A_226] : memref<10240x128xf32, #tpu.memory_space<hbm>> -> memref<10240x128xf32, #tpu.memory_space<hbm>>
        tpu.enqueue_indirect_dma source(%dma_start3A_227 : memref<10240x128xf32, #tpu.memory_space<hbm>>) target(%arg10 : memref<128x128xf32, #tpu.memory_space<vmem>>) offsets(%dma_start3A_224 : memref<128xi32, #tpu.memory_space<vmem>>) semaphore(%arg16 : memref<!tpu.dma_semaphore, #tpu.memory_space<semaphore_mem>>)
      } else {
      }
      %add3A_210 = arith.constant 1 : i32
      %add3A_211 = arith.addi %add3A_191, %add3A_210 : i32
      %dma_wait3A_212 = arith.constant 0 : i32
      %dma_wait3A_213 = tpu.memref_slice %arg6[%add3A_211, %dma_wait3A_212] : memref<16x128xi32, #tpu.memory_space<vmem>> -> memref<1x128xi32, #tpu.memory_space<vmem>>
      %dma_wait3A_214 = tpu.memref_squeeze %dma_wait3A_213 : memref<1x128xi32, #tpu.memory_space<vmem>> -> memref<128xi32, #tpu.memory_space<vmem>>
      %dma_wait3A_215 = arith.constant 0 : i32
      %dma_wait3A_216 = arith.constant 0 : i32
      %dma_wait3A_217 = tpu.memref_slice %arg2[%dma_wait3A_215, %dma_wait3A_216] : memref<10240x128xf32, #tpu.memory_space<hbm>> -> memref<10240x128xf32, #tpu.memory_space<hbm>>
      tpu.wait_indirect_dma semaphore(%arg17 : memref<!tpu.dma_semaphore, #tpu.memory_space<semaphore_mem>>) src(%dma_wait3A_217 : memref<10240x128xf32, #tpu.memory_space<hbm>>) dst(%arg11 : memref<128x128xf32, #tpu.memory_space<vmem>>)
      %add3A_218 = arith.constant 1 : i32
      %add3A_219 = arith.addi %add3A_191, %add3A_218 : i32
      "tpu.region"() ({
        %run_scoped3A = tpu.sem_alloc : memref<!tpu.dma_semaphore, #tpu.memory_space<semaphore_mem>>
        %dma_start3A_220 = arith.constant 0 : i32
        %dma_start3A_221 = tpu.memref_slice %arg7[%add3A_219, %dma_start3A_220] : memref<16x128xi32, #tpu.memory_space<vmem>> -> memref<1x128xi32, #tpu.memory_space<vmem>>
        %dma_start3A_222 = tpu.memref_squeeze %dma_start3A_221 : memref<1x128xi32, #tpu.memory_space<vmem>> -> memref<128xi32, #tpu.memory_space<vmem>>
        %dma_start3A_223 = arith.constant 0 : i32
        %dma_start3A_224 = arith.constant 0 : i32
        %dma_start3A_225 = tpu.memref_slice %arg13[%dma_start3A_223, %dma_start3A_224] : memref<10240x128xf32, #tpu.memory_space<vmem_shared>> -> memref<10240x128xf32, #tpu.memory_space<vmem_shared>>
        tpu.enqueue_indirect_dma source(%arg11 : memref<128x128xf32, #tpu.memory_space<vmem>>) target(%dma_start3A_225 : memref<10240x128xf32, #tpu.memory_space<vmem_shared>>) offsets(%dma_start3A_222 : memref<128xi32, #tpu.memory_space<vmem>>) semaphore(%run_scoped3A : memref<!tpu.dma_semaphore, #tpu.memory_space<semaphore_mem>>) {add = true}
        %dma_wait3A_226 = arith.constant 0 : i32
        %dma_wait3A_227 = tpu.memref_slice %arg7[%add3A_219, %dma_wait3A_226] : memref<16x128xi32, #tpu.memory_space<vmem>> -> memref<1x128xi32, #tpu.memory_space<vmem>>
        %dma_wait3A_228 = tpu.memref_squeeze %dma_wait3A_227 : memref<1x128xi32, #tpu.memory_space<vmem>> -> memref<128xi32, #tpu.memory_space<vmem>>
        %dma_wait3A_229 = arith.constant 0 : i32
        %dma_wait3A_230 = arith.constant 0 : i32
        %dma_wait3A_231 = tpu.memref_slice %arg13[%dma_wait3A_229, %dma_wait3A_230] : memref<10240x128xf32, #tpu.memory_space<vmem_shared>> -> memref<10240x128xf32, #tpu.memory_space<vmem_shared>>
        tpu.wait_indirect_dma semaphore(%run_scoped3A : memref<!tpu.dma_semaphore, #tpu.memory_space<semaphore_mem>>) src(%arg11 : memref<128x128xf32, #tpu.memory_space<vmem>>) dst(%dma_wait3A_231 : memref<10240x128xf32, #tpu.memory_space<vmem_shared>>)
        tpu.yield
      }) : () -> ()
    }
    %scan3A_56 = arith.constant 8 : i32
    %add3A_57 = arith.constant 16 : i32
    %add3A_58 = arith.addi %mul3A_13, %add3A_57 : i32
    %multiple_of3A_59 = tpu.assume_multiple %add3A_58, 8 : i32
    %dma_wait3A_60 = arith.constant 0 : i32
    %dma_wait3A_61 = tpu.memref_slice %arg3[%multiple_of3A_59, %dma_wait3A_60] : memref<2560x128xi32, #tpu.memory_space<hbm>> -> memref<16x128xi32, #tpu.memory_space<hbm>>
    %dma_wait3A_62 = arith.constant 0 : i32
    %dma_wait3A_63 = tpu.memref_slice %arg3[%multiple_of3A_59, %dma_wait3A_62] : memref<2560x128xi32, #tpu.memory_space<hbm>> -> memref<16x128xi32, #tpu.memory_space<hbm>>
    tpu.wait_dma2 semaphore(%arg15 : memref<!tpu.dma_semaphore, #tpu.memory_space<semaphore_mem>>) src(%dma_wait3A_63 : memref<16x128xi32, #tpu.memory_space<hbm>>) dst(%arg8 : memref<16x128xi32, #tpu.memory_space<vmem>>)
    %dma_wait3A_64 = arith.constant 0 : i32
    %dma_wait3A_65 = tpu.memref_slice %arg4[%multiple_of3A_59, %dma_wait3A_64] : memref<2560x128xi32, #tpu.memory_space<hbm>> -> memref<16x128xi32, #tpu.memory_space<hbm>>
    %dma_wait3A_66 = arith.constant 0 : i32
    %dma_wait3A_67 = tpu.memref_slice %arg4[%multiple_of3A_59, %dma_wait3A_66] : memref<2560x128xi32, #tpu.memory_space<hbm>> -> memref<16x128xi32, #tpu.memory_space<hbm>>
    tpu.wait_dma2 semaphore(%arg15 : memref<!tpu.dma_semaphore, #tpu.memory_space<semaphore_mem>>) src(%dma_wait3A_67 : memref<16x128xi32, #tpu.memory_space<hbm>>) dst(%arg9 : memref<16x128xi32, #tpu.memory_space<vmem>>)
    %add3A_68 = arith.constant 32 : i32
    %add3A_69 = arith.addi %mul3A_13, %add3A_68 : i32
    %multiple_of3A_70 = tpu.assume_multiple %add3A_69, 8 : i32
    %dma_start3A_71 = arith.constant 0 : i32
    %dma_start3A_72 = tpu.memref_slice %arg3[%multiple_of3A_70, %dma_start3A_71] : memref<2560x128xi32, #tpu.memory_space<hbm>> -> memref<16x128xi32, #tpu.memory_space<hbm>>
    %dma_start3A_73 = arith.constant 0 : i32
    %dma_start3A_74 = tpu.memref_slice %arg3[%multiple_of3A_70, %dma_start3A_73] : memref<2560x128xi32, #tpu.memory_space<hbm>> -> memref<16x128xi32, #tpu.memory_space<hbm>>
    tpu.enqueue_dma source(%dma_start3A_74 : memref<16x128xi32, #tpu.memory_space<hbm>>) target(%arg6 : memref<16x128xi32, #tpu.memory_space<vmem>>) target_semaphore(%arg14 : memref<!tpu.dma_semaphore, #tpu.memory_space<semaphore_mem>>)
    %dma_start3A_75 = arith.constant 0 : i32
    %dma_start3A_76 = tpu.memref_slice %arg4[%multiple_of3A_70, %dma_start3A_75] : memref<2560x128xi32, #tpu.memory_space<hbm>> -> memref<16x128xi32, #tpu.memory_space<hbm>>
    %dma_start3A_77 = arith.constant 0 : i32
    %dma_start3A_78 = tpu.memref_slice %arg4[%multiple_of3A_70, %dma_start3A_77] : memref<2560x128xi32, #tpu.memory_space<hbm>> -> memref<16x128xi32, #tpu.memory_space<hbm>>
    tpu.enqueue_dma source(%dma_start3A_78 : memref<16x128xi32, #tpu.memory_space<hbm>>) target(%arg7 : memref<16x128xi32, #tpu.memory_space<vmem>>) target_semaphore(%arg14 : memref<!tpu.dma_semaphore, #tpu.memory_space<semaphore_mem>>)
    %dma_start3A_79 = arith.constant 0 : i32
    %dma_start3A_80 = arith.constant 0 : i32
    %dma_start3A_81 = tpu.memref_slice %arg8[%dma_start3A_79, %dma_start3A_80] : memref<16x128xi32, #tpu.memory_space<vmem>> -> memref<1x128xi32, #tpu.memory_space<vmem>>
    %dma_start3A_82 = tpu.memref_squeeze %dma_start3A_81 : memref<1x128xi32, #tpu.memory_space<vmem>> -> memref<128xi32, #tpu.memory_space<vmem>>
    %dma_start3A_83 = arith.constant 0 : i32
    %dma_start3A_84 = arith.constant 0 : i32
    %dma_start3A_85 = tpu.memref_slice %arg2[%dma_start3A_83, %dma_start3A_84] : memref<10240x128xf32, #tpu.memory_space<hbm>> -> memref<10240x128xf32, #tpu.memory_space<hbm>>
    tpu.enqueue_indirect_dma source(%dma_start3A_85 : memref<10240x128xf32, #tpu.memory_space<hbm>>) target(%arg10 : memref<128x128xf32, #tpu.memory_space<vmem>>) offsets(%dma_start3A_82 : memref<128xi32, #tpu.memory_space<vmem>>) semaphore(%arg16 : memref<!tpu.dma_semaphore, #tpu.memory_space<semaphore_mem>>)
    %scan3A_86 = arith.constant 0 : i32
    %scan3A_87 = arith.constant 8 : i32
    %scan3A_88 = arith.addi %scan3A_86, %scan3A_87 : i32
    %scan3A_89 = arith.constant 1 : i32
    scf.for %scan3A_187 = %scan3A_86 to %scan3A_88 step %scan3A_89  : i32 {
      %mul3A_188 = arith.constant 2 : i32
      %mul3A_189 = arith.muli %scan3A_187, %mul3A_188 : i32
      %add3A_190 = arith.constant 0 : i32
      %add3A_191 = arith.addi %add3A_190, %mul3A_189 : i32
      %add3A_192 = arith.constant 1 : i32
      %add3A_193 = arith.addi %add3A_191, %add3A_192 : i32
      %dma_start3A_194 = arith.constant 0 : i32
      %dma_start3A_195 = tpu.memref_slice %arg8[%add3A_193, %dma_start3A_194] : memref<16x128xi32, #tpu.memory_space<vmem>> -> memref<1x128xi32, #tpu.memory_space<vmem>>
      %dma_start3A_196 = tpu.memref_squeeze %dma_start3A_195 : memref<1x128xi32, #tpu.memory_space<vmem>> -> memref<128xi32, #tpu.memory_space<vmem>>
      %dma_start3A_197 = arith.constant 0 : i32
      %dma_start3A_198 = arith.constant 0 : i32
      %dma_start3A_199 = tpu.memref_slice %arg2[%dma_start3A_197, %dma_start3A_198] : memref<10240x128xf32, #tpu.memory_space<hbm>> -> memref<10240x128xf32, #tpu.memory_space<hbm>>
      tpu.enqueue_indirect_dma source(%dma_start3A_199 : memref<10240x128xf32, #tpu.memory_space<hbm>>) target(%arg11 : memref<128x128xf32, #tpu.memory_space<vmem>>) offsets(%dma_start3A_196 : memref<128xi32, #tpu.memory_space<vmem>>) semaphore(%arg17 : memref<!tpu.dma_semaphore, #tpu.memory_space<semaphore_mem>>)
      %dma_wait3A_200 = arith.constant 0 : i32
      %dma_wait3A_201 = tpu.memref_slice %arg8[%add3A_191, %dma_wait3A_200] : memref<16x128xi32, #tpu.memory_space<vmem>> -> memref<1x128xi32, #tpu.memory_space<vmem>>
      %dma_wait3A_202 = tpu.memref_squeeze %dma_wait3A_201 : memref<1x128xi32, #tpu.memory_space<vmem>> -> memref<128xi32, #tpu.memory_space<vmem>>
      %dma_wait3A_203 = arith.constant 0 : i32
      %dma_wait3A_204 = arith.constant 0 : i32
      %dma_wait3A_205 = tpu.memref_slice %arg2[%dma_wait3A_203, %dma_wait3A_204] : memref<10240x128xf32, #tpu.memory_space<hbm>> -> memref<10240x128xf32, #tpu.memory_space<hbm>>
      tpu.wait_indirect_dma semaphore(%arg16 : memref<!tpu.dma_semaphore, #tpu.memory_space<semaphore_mem>>) src(%dma_wait3A_205 : memref<10240x128xf32, #tpu.memory_space<hbm>>) dst(%arg10 : memref<128x128xf32, #tpu.memory_space<vmem>>)
      "tpu.region"() ({
        %run_scoped3A = tpu.sem_alloc : memref<!tpu.dma_semaphore, #tpu.memory_space<semaphore_mem>>
        %dma_start3A_220 = arith.constant 0 : i32
        %dma_start3A_221 = tpu.memref_slice %arg9[%add3A_191, %dma_start3A_220] : memref<16x128xi32, #tpu.memory_space<vmem>> -> memref<1x128xi32, #tpu.memory_space<vmem>>
        %dma_start3A_222 = tpu.memref_squeeze %dma_start3A_221 : memref<1x128xi32, #tpu.memory_space<vmem>> -> memref<128xi32, #tpu.memory_space<vmem>>
        %dma_start3A_223 = arith.constant 0 : i32
        %dma_start3A_224 = arith.constant 0 : i32
        %dma_start3A_225 = tpu.memref_slice %arg13[%dma_start3A_223, %dma_start3A_224] : memref<10240x128xf32, #tpu.memory_space<vmem_shared>> -> memref<10240x128xf32, #tpu.memory_space<vmem_shared>>
        tpu.enqueue_indirect_dma source(%arg10 : memref<128x128xf32, #tpu.memory_space<vmem>>) target(%dma_start3A_225 : memref<10240x128xf32, #tpu.memory_space<vmem_shared>>) offsets(%dma_start3A_222 : memref<128xi32, #tpu.memory_space<vmem>>) semaphore(%run_scoped3A : memref<!tpu.dma_semaphore, #tpu.memory_space<semaphore_mem>>) {add = true}
        %dma_wait3A_226 = arith.constant 0 : i32
        %dma_wait3A_227 = tpu.memref_slice %arg9[%add3A_191, %dma_wait3A_226] : memref<16x128xi32, #tpu.memory_space<vmem>> -> memref<1x128xi32, #tpu.memory_space<vmem>>
        %dma_wait3A_228 = tpu.memref_squeeze %dma_wait3A_227 : memref<1x128xi32, #tpu.memory_space<vmem>> -> memref<128xi32, #tpu.memory_space<vmem>>
        %dma_wait3A_229 = arith.constant 0 : i32
        %dma_wait3A_230 = arith.constant 0 : i32
        %dma_wait3A_231 = tpu.memref_slice %arg13[%dma_wait3A_229, %dma_wait3A_230] : memref<10240x128xf32, #tpu.memory_space<vmem_shared>> -> memref<10240x128xf32, #tpu.memory_space<vmem_shared>>
        tpu.wait_indirect_dma semaphore(%run_scoped3A : memref<!tpu.dma_semaphore, #tpu.memory_space<semaphore_mem>>) src(%arg10 : memref<128x128xf32, #tpu.memory_space<vmem>>) dst(%dma_wait3A_231 : memref<10240x128xf32, #tpu.memory_space<vmem_shared>>)
        tpu.yield
      }) : () -> ()
      %add3A_206 = arith.constant 2 : i32
      %add3A_207 = arith.addi %add3A_191, %add3A_206 : i32
      %lt3A = arith.constant 16 : i32
      %lt3A_208 = arith.cmpi slt, %add3A_207, %lt3A : i32
      %convert_element_type3A = arith.extui %lt3A_208 : i1 to i32
      %cond3A = arith.constant 0 : i32
      %cond3A_209 = arith.cmpi ne, %convert_element_type3A, %cond3A : i32
      scf.if %cond3A_209 {
        %add3A_220 = arith.constant 2 : i32
        %add3A_221 = arith.addi %add3A_191, %add3A_220 : i32
        %dma_start3A_222 = arith.constant 0 : i32
        %dma_start3A_223 = tpu.memref_slice %arg8[%add3A_221, %dma_start3A_222] : memref<16x128xi32, #tpu.memory_space<vmem>> -> memref<1x128xi32, #tpu.memory_space<vmem>>
        %dma_start3A_224 = tpu.memref_squeeze %dma_start3A_223 : memref<1x128xi32, #tpu.memory_space<vmem>> -> memref<128xi32, #tpu.memory_space<vmem>>
        %dma_start3A_225 = arith.constant 0 : i32
        %dma_start3A_226 = arith.constant 0 : i32
        %dma_start3A_227 = tpu.memref_slice %arg2[%dma_start3A_225, %dma_start3A_226] : memref<10240x128xf32, #tpu.memory_space<hbm>> -> memref<10240x128xf32, #tpu.memory_space<hbm>>
        tpu.enqueue_indirect_dma source(%dma_start3A_227 : memref<10240x128xf32, #tpu.memory_space<hbm>>) target(%arg10 : memref<128x128xf32, #tpu.memory_space<vmem>>) offsets(%dma_start3A_224 : memref<128xi32, #tpu.memory_space<vmem>>) semaphore(%arg16 : memref<!tpu.dma_semaphore, #tpu.memory_space<semaphore_mem>>)
      } else {
      }
      %add3A_210 = arith.constant 1 : i32
      %add3A_211 = arith.addi %add3A_191, %add3A_210 : i32
      %dma_wait3A_212 = arith.constant 0 : i32
      %dma_wait3A_213 = tpu.memref_slice %arg8[%add3A_211, %dma_wait3A_212] : memref<16x128xi32, #tpu.memory_space<vmem>> -> memref<1x128xi32, #tpu.memory_space<vmem>>
      %dma_wait3A_214 = tpu.memref_squeeze %dma_wait3A_213 : memref<1x128xi32, #tpu.memory_space<vmem>> -> memref<128xi32, #tpu.memory_space<vmem>>
      %dma_wait3A_215 = arith.constant 0 : i32
      %dma_wait3A_216 = arith.constant 0 : i32
      %dma_wait3A_217 = tpu.memref_slice %arg2[%dma_wait3A_215, %dma_wait3A_216] : memref<10240x128xf32, #tpu.memory_space<hbm>> -> memref<10240x128xf32, #tpu.memory_space<hbm>>
      tpu.wait_indirect_dma semaphore(%arg17 : memref<!tpu.dma_semaphore, #tpu.memory_space<semaphore_mem>>) src(%dma_wait3A_217 : memref<10240x128xf32, #tpu.memory_space<hbm>>) dst(%arg11 : memref<128x128xf32, #tpu.memory_space<vmem>>)
      %add3A_218 = arith.constant 1 : i32
      %add3A_219 = arith.addi %add3A_191, %add3A_218 : i32
      "tpu.region"() ({
        %run_scoped3A = tpu.sem_alloc : memref<!tpu.dma_semaphore, #tpu.memory_space<semaphore_mem>>
        %dma_start3A_220 = arith.constant 0 : i32
        %dma_start3A_221 = tpu.memref_slice %arg9[%add3A_219, %dma_start3A_220] : memref<16x128xi32, #tpu.memory_space<vmem>> -> memref<1x128xi32, #tpu.memory_space<vmem>>
        %dma_start3A_222 = tpu.memref_squeeze %dma_start3A_221 : memref<1x128xi32, #tpu.memory_space<vmem>> -> memref<128xi32, #tpu.memory_space<vmem>>
        %dma_start3A_223 = arith.constant 0 : i32
        %dma_start3A_224 = arith.constant 0 : i32
        %dma_start3A_225 = tpu.memref_slice %arg13[%dma_start3A_223, %dma_start3A_224] : memref<10240x128xf32, #tpu.memory_space<vmem_shared>> -> memref<10240x128xf32, #tpu.memory_space<vmem_shared>>
        tpu.enqueue_indirect_dma source(%arg11 : memref<128x128xf32, #tpu.memory_space<vmem>>) target(%dma_start3A_225 : memref<10240x128xf32, #tpu.memory_space<vmem_shared>>) offsets(%dma_start3A_222 : memref<128xi32, #tpu.memory_space<vmem>>) semaphore(%run_scoped3A : memref<!tpu.dma_semaphore, #tpu.memory_space<semaphore_mem>>) {add = true}
        %dma_wait3A_226 = arith.constant 0 : i32
        %dma_wait3A_227 = tpu.memref_slice %arg9[%add3A_219, %dma_wait3A_226] : memref<16x128xi32, #tpu.memory_space<vmem>> -> memref<1x128xi32, #tpu.memory_space<vmem>>
        %dma_wait3A_228 = tpu.memref_squeeze %dma_wait3A_227 : memref<1x128xi32, #tpu.memory_space<vmem>> -> memref<128xi32, #tpu.memory_space<vmem>>
        %dma_wait3A_229 = arith.constant 0 : i32
        %dma_wait3A_230 = arith.constant 0 : i32
        %dma_wait3A_231 = tpu.memref_slice %arg13[%dma_wait3A_229, %dma_wait3A_230] : memref<10240x128xf32, #tpu.memory_space<vmem_shared>> -> memref<10240x128xf32, #tpu.memory_space<vmem_shared>>
        tpu.wait_indirect_dma semaphore(%run_scoped3A : memref<!tpu.dma_semaphore, #tpu.memory_space<semaphore_mem>>) src(%arg11 : memref<128x128xf32, #tpu.memory_space<vmem>>) dst(%dma_wait3A_231 : memref<10240x128xf32, #tpu.memory_space<vmem_shared>>)
        tpu.yield
      }) : () -> ()
    }
    %scan3A_90 = arith.constant 8 : i32
    %add3A_91 = arith.constant 32 : i32
    %add3A_92 = arith.addi %mul3A_13, %add3A_91 : i32
    %multiple_of3A_93 = tpu.assume_multiple %add3A_92, 8 : i32
    %dma_wait3A_94 = arith.constant 0 : i32
    %dma_wait3A_95 = tpu.memref_slice %arg3[%multiple_of3A_93, %dma_wait3A_94] : memref<2560x128xi32, #tpu.memory_space<hbm>> -> memref<16x128xi32, #tpu.memory_space<hbm>>
    %dma_wait3A_96 = arith.constant 0 : i32
    %dma_wait3A_97 = tpu.memref_slice %arg3[%multiple_of3A_93, %dma_wait3A_96] : memref<2560x128xi32, #tpu.memory_space<hbm>> -> memref<16x128xi32, #tpu.memory_space<hbm>>
    tpu.wait_dma2 semaphore(%arg14 : memref<!tpu.dma_semaphore, #tpu.memory_space<semaphore_mem>>) src(%dma_wait3A_97 : memref<16x128xi32, #tpu.memory_space<hbm>>) dst(%arg6 : memref<16x128xi32, #tpu.memory_space<vmem>>)
    %dma_wait3A_98 = arith.constant 0 : i32
    %dma_wait3A_99 = tpu.memref_slice %arg4[%multiple_of3A_93, %dma_wait3A_98] : memref<2560x128xi32, #tpu.memory_space<hbm>> -> memref<16x128xi32, #tpu.memory_space<hbm>>
    %dma_wait3A_100 = arith.constant 0 : i32
    %dma_wait3A_101 = tpu.memref_slice %arg4[%multiple_of3A_93, %dma_wait3A_100] : memref<2560x128xi32, #tpu.memory_space<hbm>> -> memref<16x128xi32, #tpu.memory_space<hbm>>
    tpu.wait_dma2 semaphore(%arg14 : memref<!tpu.dma_semaphore, #tpu.memory_space<semaphore_mem>>) src(%dma_wait3A_101 : memref<16x128xi32, #tpu.memory_space<hbm>>) dst(%arg7 : memref<16x128xi32, #tpu.memory_space<vmem>>)
    %add3A_102 = arith.constant 48 : i32
    %add3A_103 = arith.addi %mul3A_13, %add3A_102 : i32
    %multiple_of3A_104 = tpu.assume_multiple %add3A_103, 8 : i32
    %dma_start3A_105 = arith.constant 0 : i32
    %dma_start3A_106 = tpu.memref_slice %arg3[%multiple_of3A_104, %dma_start3A_105] : memref<2560x128xi32, #tpu.memory_space<hbm>> -> memref<16x128xi32, #tpu.memory_space<hbm>>
    %dma_start3A_107 = arith.constant 0 : i32
    %dma_start3A_108 = tpu.memref_slice %arg3[%multiple_of3A_104, %dma_start3A_107] : memref<2560x128xi32, #tpu.memory_space<hbm>> -> memref<16x128xi32, #tpu.memory_space<hbm>>
    tpu.enqueue_dma source(%dma_start3A_108 : memref<16x128xi32, #tpu.memory_space<hbm>>) target(%arg8 : memref<16x128xi32, #tpu.memory_space<vmem>>) target_semaphore(%arg15 : memref<!tpu.dma_semaphore, #tpu.memory_space<semaphore_mem>>)
    %dma_start3A_109 = arith.constant 0 : i32
    %dma_start3A_110 = tpu.memref_slice %arg4[%multiple_of3A_104, %dma_start3A_109] : memref<2560x128xi32, #tpu.memory_space<hbm>> -> memref<16x128xi32, #tpu.memory_space<hbm>>
    %dma_start3A_111 = arith.constant 0 : i32
    %dma_start3A_112 = tpu.memref_slice %arg4[%multiple_of3A_104, %dma_start3A_111] : memref<2560x128xi32, #tpu.memory_space<hbm>> -> memref<16x128xi32, #tpu.memory_space<hbm>>
    tpu.enqueue_dma source(%dma_start3A_112 : memref<16x128xi32, #tpu.memory_space<hbm>>) target(%arg9 : memref<16x128xi32, #tpu.memory_space<vmem>>) target_semaphore(%arg15 : memref<!tpu.dma_semaphore, #tpu.memory_space<semaphore_mem>>)
    %dma_start3A_113 = arith.constant 0 : i32
    %dma_start3A_114 = arith.constant 0 : i32
    %dma_start3A_115 = tpu.memref_slice %arg6[%dma_start3A_113, %dma_start3A_114] : memref<16x128xi32, #tpu.memory_space<vmem>> -> memref<1x128xi32, #tpu.memory_space<vmem>>
    %dma_start3A_116 = tpu.memref_squeeze %dma_start3A_115 : memref<1x128xi32, #tpu.memory_space<vmem>> -> memref<128xi32, #tpu.memory_space<vmem>>
    %dma_start3A_117 = arith.constant 0 : i32
    %dma_start3A_118 = arith.constant 0 : i32
    %dma_start3A_119 = tpu.memref_slice %arg2[%dma_start3A_117, %dma_start3A_118] : memref<10240x128xf32, #tpu.memory_space<hbm>> -> memref<10240x128xf32, #tpu.memory_space<hbm>>
    tpu.enqueue_indirect_dma source(%dma_start3A_119 : memref<10240x128xf32, #tpu.memory_space<hbm>>) target(%arg10 : memref<128x128xf32, #tpu.memory_space<vmem>>) offsets(%dma_start3A_116 : memref<128xi32, #tpu.memory_space<vmem>>) semaphore(%arg16 : memref<!tpu.dma_semaphore, #tpu.memory_space<semaphore_mem>>)
    %scan3A_120 = arith.constant 0 : i32
    %scan3A_121 = arith.constant 8 : i32
    %scan3A_122 = arith.addi %scan3A_120, %scan3A_121 : i32
    %scan3A_123 = arith.constant 1 : i32
    scf.for %scan3A_187 = %scan3A_120 to %scan3A_122 step %scan3A_123  : i32 {
      %mul3A_188 = arith.constant 2 : i32
      %mul3A_189 = arith.muli %scan3A_187, %mul3A_188 : i32
      %add3A_190 = arith.constant 0 : i32
      %add3A_191 = arith.addi %add3A_190, %mul3A_189 : i32
      %add3A_192 = arith.constant 1 : i32
      %add3A_193 = arith.addi %add3A_191, %add3A_192 : i32
      %dma_start3A_194 = arith.constant 0 : i32
      %dma_start3A_195 = tpu.memref_slice %arg6[%add3A_193, %dma_start3A_194] : memref<16x128xi32, #tpu.memory_space<vmem>> -> memref<1x128xi32, #tpu.memory_space<vmem>>
      %dma_start3A_196 = tpu.memref_squeeze %dma_start3A_195 : memref<1x128xi32, #tpu.memory_space<vmem>> -> memref<128xi32, #tpu.memory_space<vmem>>
      %dma_start3A_197 = arith.constant 0 : i32
      %dma_start3A_198 = arith.constant 0 : i32
      %dma_start3A_199 = tpu.memref_slice %arg2[%dma_start3A_197, %dma_start3A_198] : memref<10240x128xf32, #tpu.memory_space<hbm>> -> memref<10240x128xf32, #tpu.memory_space<hbm>>
      tpu.enqueue_indirect_dma source(%dma_start3A_199 : memref<10240x128xf32, #tpu.memory_space<hbm>>) target(%arg11 : memref<128x128xf32, #tpu.memory_space<vmem>>) offsets(%dma_start3A_196 : memref<128xi32, #tpu.memory_space<vmem>>) semaphore(%arg17 : memref<!tpu.dma_semaphore, #tpu.memory_space<semaphore_mem>>)
      %dma_wait3A_200 = arith.constant 0 : i32
      %dma_wait3A_201 = tpu.memref_slice %arg6[%add3A_191, %dma_wait3A_200] : memref<16x128xi32, #tpu.memory_space<vmem>> -> memref<1x128xi32, #tpu.memory_space<vmem>>
      %dma_wait3A_202 = tpu.memref_squeeze %dma_wait3A_201 : memref<1x128xi32, #tpu.memory_space<vmem>> -> memref<128xi32, #tpu.memory_space<vmem>>
      %dma_wait3A_203 = arith.constant 0 : i32
      %dma_wait3A_204 = arith.constant 0 : i32
      %dma_wait3A_205 = tpu.memref_slice %arg2[%dma_wait3A_203, %dma_wait3A_204] : memref<10240x128xf32, #tpu.memory_space<hbm>> -> memref<10240x128xf32, #tpu.memory_space<hbm>>
      tpu.wait_indirect_dma semaphore(%arg16 : memref<!tpu.dma_semaphore, #tpu.memory_space<semaphore_mem>>) src(%dma_wait3A_205 : memref<10240x128xf32, #tpu.memory_space<hbm>>) dst(%arg10 : memref<128x128xf32, #tpu.memory_space<vmem>>)
      "tpu.region"() ({
        %run_scoped3A = tpu.sem_alloc : memref<!tpu.dma_semaphore, #tpu.memory_space<semaphore_mem>>
        %dma_start3A_220 = arith.constant 0 : i32
        %dma_start3A_221 = tpu.memref_slice %arg7[%add3A_191, %dma_start3A_220] : memref<16x128xi32, #tpu.memory_space<vmem>> -> memref<1x128xi32, #tpu.memory_space<vmem>>
        %dma_start3A_222 = tpu.memref_squeeze %dma_start3A_221 : memref<1x128xi32, #tpu.memory_space<vmem>> -> memref<128xi32, #tpu.memory_space<vmem>>
        %dma_start3A_223 = arith.constant 0 : i32
        %dma_start3A_224 = arith.constant 0 : i32
        %dma_start3A_225 = tpu.memref_slice %arg13[%dma_start3A_223, %dma_start3A_224] : memref<10240x128xf32, #tpu.memory_space<vmem_shared>> -> memref<10240x128xf32, #tpu.memory_space<vmem_shared>>
        tpu.enqueue_indirect_dma source(%arg10 : memref<128x128xf32, #tpu.memory_space<vmem>>) target(%dma_start3A_225 : memref<10240x128xf32, #tpu.memory_space<vmem_shared>>) offsets(%dma_start3A_222 : memref<128xi32, #tpu.memory_space<vmem>>) semaphore(%run_scoped3A : memref<!tpu.dma_semaphore, #tpu.memory_space<semaphore_mem>>) {add = true}
        %dma_wait3A_226 = arith.constant 0 : i32
        %dma_wait3A_227 = tpu.memref_slice %arg7[%add3A_191, %dma_wait3A_226] : memref<16x128xi32, #tpu.memory_space<vmem>> -> memref<1x128xi32, #tpu.memory_space<vmem>>
        %dma_wait3A_228 = tpu.memref_squeeze %dma_wait3A_227 : memref<1x128xi32, #tpu.memory_space<vmem>> -> memref<128xi32, #tpu.memory_space<vmem>>
        %dma_wait3A_229 = arith.constant 0 : i32
        %dma_wait3A_230 = arith.constant 0 : i32
        %dma_wait3A_231 = tpu.memref_slice %arg13[%dma_wait3A_229, %dma_wait3A_230] : memref<10240x128xf32, #tpu.memory_space<vmem_shared>> -> memref<10240x128xf32, #tpu.memory_space<vmem_shared>>
        tpu.wait_indirect_dma semaphore(%run_scoped3A : memref<!tpu.dma_semaphore, #tpu.memory_space<semaphore_mem>>) src(%arg10 : memref<128x128xf32, #tpu.memory_space<vmem>>) dst(%dma_wait3A_231 : memref<10240x128xf32, #tpu.memory_space<vmem_shared>>)
        tpu.yield
      }) : () -> ()
      %add3A_206 = arith.constant 2 : i32
      %add3A_207 = arith.addi %add3A_191, %add3A_206 : i32
      %lt3A = arith.constant 16 : i32
      %lt3A_208 = arith.cmpi slt, %add3A_207, %lt3A : i32
      %convert_element_type3A = arith.extui %lt3A_208 : i1 to i32
      %cond3A = arith.constant 0 : i32
      %cond3A_209 = arith.cmpi ne, %convert_element_type3A, %cond3A : i32
      scf.if %cond3A_209 {
        %add3A_220 = arith.constant 2 : i32
        %add3A_221 = arith.addi %add3A_191, %add3A_220 : i32
        %dma_start3A_222 = arith.constant 0 : i32
        %dma_start3A_223 = tpu.memref_slice %arg6[%add3A_221, %dma_start3A_222] : memref<16x128xi32, #tpu.memory_space<vmem>> -> memref<1x128xi32, #tpu.memory_space<vmem>>
        %dma_start3A_224 = tpu.memref_squeeze %dma_start3A_223 : memref<1x128xi32, #tpu.memory_space<vmem>> -> memref<128xi32, #tpu.memory_space<vmem>>
        %dma_start3A_225 = arith.constant 0 : i32
        %dma_start3A_226 = arith.constant 0 : i32
        %dma_start3A_227 = tpu.memref_slice %arg2[%dma_start3A_225, %dma_start3A_226] : memref<10240x128xf32, #tpu.memory_space<hbm>> -> memref<10240x128xf32, #tpu.memory_space<hbm>>
        tpu.enqueue_indirect_dma source(%dma_start3A_227 : memref<10240x128xf32, #tpu.memory_space<hbm>>) target(%arg10 : memref<128x128xf32, #tpu.memory_space<vmem>>) offsets(%dma_start3A_224 : memref<128xi32, #tpu.memory_space<vmem>>) semaphore(%arg16 : memref<!tpu.dma_semaphore, #tpu.memory_space<semaphore_mem>>)
      } else {
      }
      %add3A_210 = arith.constant 1 : i32
      %add3A_211 = arith.addi %add3A_191, %add3A_210 : i32
      %dma_wait3A_212 = arith.constant 0 : i32
      %dma_wait3A_213 = tpu.memref_slice %arg6[%add3A_211, %dma_wait3A_212] : memref<16x128xi32, #tpu.memory_space<vmem>> -> memref<1x128xi32, #tpu.memory_space<vmem>>
      %dma_wait3A_214 = tpu.memref_squeeze %dma_wait3A_213 : memref<1x128xi32, #tpu.memory_space<vmem>> -> memref<128xi32, #tpu.memory_space<vmem>>
      %dma_wait3A_215 = arith.constant 0 : i32
      %dma_wait3A_216 = arith.constant 0 : i32
      %dma_wait3A_217 = tpu.memref_slice %arg2[%dma_wait3A_215, %dma_wait3A_216] : memref<10240x128xf32, #tpu.memory_space<hbm>> -> memref<10240x128xf32, #tpu.memory_space<hbm>>
      tpu.wait_indirect_dma semaphore(%arg17 : memref<!tpu.dma_semaphore, #tpu.memory_space<semaphore_mem>>) src(%dma_wait3A_217 : memref<10240x128xf32, #tpu.memory_space<hbm>>) dst(%arg11 : memref<128x128xf32, #tpu.memory_space<vmem>>)
      %add3A_218 = arith.constant 1 : i32
      %add3A_219 = arith.addi %add3A_191, %add3A_218 : i32
      "tpu.region"() ({
        %run_scoped3A = tpu.sem_alloc : memref<!tpu.dma_semaphore, #tpu.memory_space<semaphore_mem>>
        %dma_start3A_220 = arith.constant 0 : i32
        %dma_start3A_221 = tpu.memref_slice %arg7[%add3A_219, %dma_start3A_220] : memref<16x128xi32, #tpu.memory_space<vmem>> -> memref<1x128xi32, #tpu.memory_space<vmem>>
        %dma_start3A_222 = tpu.memref_squeeze %dma_start3A_221 : memref<1x128xi32, #tpu.memory_space<vmem>> -> memref<128xi32, #tpu.memory_space<vmem>>
        %dma_start3A_223 = arith.constant 0 : i32
        %dma_start3A_224 = arith.constant 0 : i32
        %dma_start3A_225 = tpu.memref_slice %arg13[%dma_start3A_223, %dma_start3A_224] : memref<10240x128xf32, #tpu.memory_space<vmem_shared>> -> memref<10240x128xf32, #tpu.memory_space<vmem_shared>>
        tpu.enqueue_indirect_dma source(%arg11 : memref<128x128xf32, #tpu.memory_space<vmem>>) target(%dma_start3A_225 : memref<10240x128xf32, #tpu.memory_space<vmem_shared>>) offsets(%dma_start3A_222 : memref<128xi32, #tpu.memory_space<vmem>>) semaphore(%run_scoped3A : memref<!tpu.dma_semaphore, #tpu.memory_space<semaphore_mem>>) {add = true}
        %dma_wait3A_226 = arith.constant 0 : i32
        %dma_wait3A_227 = tpu.memref_slice %arg7[%add3A_219, %dma_wait3A_226] : memref<16x128xi32, #tpu.memory_space<vmem>> -> memref<1x128xi32, #tpu.memory_space<vmem>>
        %dma_wait3A_228 = tpu.memref_squeeze %dma_wait3A_227 : memref<1x128xi32, #tpu.memory_space<vmem>> -> memref<128xi32, #tpu.memory_space<vmem>>
        %dma_wait3A_229 = arith.constant 0 : i32
        %dma_wait3A_230 = arith.constant 0 : i32
        %dma_wait3A_231 = tpu.memref_slice %arg13[%dma_wait3A_229, %dma_wait3A_230] : memref<10240x128xf32, #tpu.memory_space<vmem_shared>> -> memref<10240x128xf32, #tpu.memory_space<vmem_shared>>
        tpu.wait_indirect_dma semaphore(%run_scoped3A : memref<!tpu.dma_semaphore, #tpu.memory_space<semaphore_mem>>) src(%arg11 : memref<128x128xf32, #tpu.memory_space<vmem>>) dst(%dma_wait3A_231 : memref<10240x128xf32, #tpu.memory_space<vmem_shared>>)
        tpu.yield
      }) : () -> ()
    }
    %scan3A_124 = arith.constant 8 : i32
    %add3A_125 = arith.constant 48 : i32
    %add3A_126 = arith.addi %mul3A_13, %add3A_125 : i32
    %multiple_of3A_127 = tpu.assume_multiple %add3A_126, 8 : i32
    %dma_wait3A_128 = arith.constant 0 : i32
    %dma_wait3A_129 = tpu.memref_slice %arg3[%multiple_of3A_127, %dma_wait3A_128] : memref<2560x128xi32, #tpu.memory_space<hbm>> -> memref<16x128xi32, #tpu.memory_space<hbm>>
    %dma_wait3A_130 = arith.constant 0 : i32
    %dma_wait3A_131 = tpu.memref_slice %arg3[%multiple_of3A_127, %dma_wait3A_130] : memref<2560x128xi32, #tpu.memory_space<hbm>> -> memref<16x128xi32, #tpu.memory_space<hbm>>
    tpu.wait_dma2 semaphore(%arg15 : memref<!tpu.dma_semaphore, #tpu.memory_space<semaphore_mem>>) src(%dma_wait3A_131 : memref<16x128xi32, #tpu.memory_space<hbm>>) dst(%arg8 : memref<16x128xi32, #tpu.memory_space<vmem>>)
    %dma_wait3A_132 = arith.constant 0 : i32
    %dma_wait3A_133 = tpu.memref_slice %arg4[%multiple_of3A_127, %dma_wait3A_132] : memref<2560x128xi32, #tpu.memory_space<hbm>> -> memref<16x128xi32, #tpu.memory_space<hbm>>
    %dma_wait3A_134 = arith.constant 0 : i32
    %dma_wait3A_135 = tpu.memref_slice %arg4[%multiple_of3A_127, %dma_wait3A_134] : memref<2560x128xi32, #tpu.memory_space<hbm>> -> memref<16x128xi32, #tpu.memory_space<hbm>>
    tpu.wait_dma2 semaphore(%arg15 : memref<!tpu.dma_semaphore, #tpu.memory_space<semaphore_mem>>) src(%dma_wait3A_135 : memref<16x128xi32, #tpu.memory_space<hbm>>) dst(%arg9 : memref<16x128xi32, #tpu.memory_space<vmem>>)
    %add3A_136 = arith.constant 64 : i32
    %add3A_137 = arith.addi %mul3A_13, %add3A_136 : i32
    %multiple_of3A_138 = tpu.assume_multiple %add3A_137, 8 : i32
    %dma_start3A_139 = arith.constant 0 : i32
    %dma_start3A_140 = tpu.memref_slice %arg3[%multiple_of3A_138, %dma_start3A_139] : memref<2560x128xi32, #tpu.memory_space<hbm>> -> memref<16x128xi32, #tpu.memory_space<hbm>>
    %dma_start3A_141 = arith.constant 0 : i32
    %dma_start3A_142 = tpu.memref_slice %arg3[%multiple_of3A_138, %dma_start3A_141] : memref<2560x128xi32, #tpu.memory_space<hbm>> -> memref<16x128xi32, #tpu.memory_space<hbm>>
    tpu.enqueue_dma source(%dma_start3A_142 : memref<16x128xi32, #tpu.memory_space<hbm>>) target(%arg6 : memref<16x128xi32, #tpu.memory_space<vmem>>) target_semaphore(%arg14 : memref<!tpu.dma_semaphore, #tpu.memory_space<semaphore_mem>>)
    %dma_start3A_143 = arith.constant 0 : i32
    %dma_start3A_144 = tpu.memref_slice %arg4[%multiple_of3A_138, %dma_start3A_143] : memref<2560x128xi32, #tpu.memory_space<hbm>> -> memref<16x128xi32, #tpu.memory_space<hbm>>
    %dma_start3A_145 = arith.constant 0 : i32
    %dma_start3A_146 = tpu.memref_slice %arg4[%multiple_of3A_138, %dma_start3A_145] : memref<2560x128xi32, #tpu.memory_space<hbm>> -> memref<16x128xi32, #tpu.memory_space<hbm>>
    tpu.enqueue_dma source(%dma_start3A_146 : memref<16x128xi32, #tpu.memory_space<hbm>>) target(%arg7 : memref<16x128xi32, #tpu.memory_space<vmem>>) target_semaphore(%arg14 : memref<!tpu.dma_semaphore, #tpu.memory_space<semaphore_mem>>)
    %dma_start3A_147 = arith.constant 0 : i32
    %dma_start3A_148 = arith.constant 0 : i32
    %dma_start3A_149 = tpu.memref_slice %arg8[%dma_start3A_147, %dma_start3A_148] : memref<16x128xi32, #tpu.memory_space<vmem>> -> memref<1x128xi32, #tpu.memory_space<vmem>>
    %dma_start3A_150 = tpu.memref_squeeze %dma_start3A_149 : memref<1x128xi32, #tpu.memory_space<vmem>> -> memref<128xi32, #tpu.memory_space<vmem>>
    %dma_start3A_151 = arith.constant 0 : i32
    %dma_start3A_152 = arith.constant 0 : i32
    %dma_start3A_153 = tpu.memref_slice %arg2[%dma_start3A_151, %dma_start3A_152] : memref<10240x128xf32, #tpu.memory_space<hbm>> -> memref<10240x128xf32, #tpu.memory_space<hbm>>
    tpu.enqueue_indirect_dma source(%dma_start3A_153 : memref<10240x128xf32, #tpu.memory_space<hbm>>) target(%arg10 : memref<128x128xf32, #tpu.memory_space<vmem>>) offsets(%dma_start3A_150 : memref<128xi32, #tpu.memory_space<vmem>>) semaphore(%arg16 : memref<!tpu.dma_semaphore, #tpu.memory_space<semaphore_mem>>)
    %scan3A_154 = arith.constant 0 : i32
    %scan3A_155 = arith.constant 8 : i32
    %scan3A_156 = arith.addi %scan3A_154, %scan3A_155 : i32
    %scan3A_157 = arith.constant 1 : i32
    scf.for %scan3A_187 = %scan3A_154 to %scan3A_156 step %scan3A_157  : i32 {
      %mul3A_188 = arith.constant 2 : i32
      %mul3A_189 = arith.muli %scan3A_187, %mul3A_188 : i32
      %add3A_190 = arith.constant 0 : i32
      %add3A_191 = arith.addi %add3A_190, %mul3A_189 : i32
      %add3A_192 = arith.constant 1 : i32
      %add3A_193 = arith.addi %add3A_191, %add3A_192 : i32
      %dma_start3A_194 = arith.constant 0 : i32
      %dma_start3A_195 = tpu.memref_slice %arg8[%add3A_193, %dma_start3A_194] : memref<16x128xi32, #tpu.memory_space<vmem>> -> memref<1x128xi32, #tpu.memory_space<vmem>>
      %dma_start3A_196 = tpu.memref_squeeze %dma_start3A_195 : memref<1x128xi32, #tpu.memory_space<vmem>> -> memref<128xi32, #tpu.memory_space<vmem>>
      %dma_start3A_197 = arith.constant 0 : i32
      %dma_start3A_198 = arith.constant 0 : i32
      %dma_start3A_199 = tpu.memref_slice %arg2[%dma_start3A_197, %dma_start3A_198] : memref<10240x128xf32, #tpu.memory_space<hbm>> -> memref<10240x128xf32, #tpu.memory_space<hbm>>
      tpu.enqueue_indirect_dma source(%dma_start3A_199 : memref<10240x128xf32, #tpu.memory_space<hbm>>) target(%arg11 : memref<128x128xf32, #tpu.memory_space<vmem>>) offsets(%dma_start3A_196 : memref<128xi32, #tpu.memory_space<vmem>>) semaphore(%arg17 : memref<!tpu.dma_semaphore, #tpu.memory_space<semaphore_mem>>)
      %dma_wait3A_200 = arith.constant 0 : i32
      %dma_wait3A_201 = tpu.memref_slice %arg8[%add3A_191, %dma_wait3A_200] : memref<16x128xi32, #tpu.memory_space<vmem>> -> memref<1x128xi32, #tpu.memory_space<vmem>>
      %dma_wait3A_202 = tpu.memref_squeeze %dma_wait3A_201 : memref<1x128xi32, #tpu.memory_space<vmem>> -> memref<128xi32, #tpu.memory_space<vmem>>
      %dma_wait3A_203 = arith.constant 0 : i32
      %dma_wait3A_204 = arith.constant 0 : i32
      %dma_wait3A_205 = tpu.memref_slice %arg2[%dma_wait3A_203, %dma_wait3A_204] : memref<10240x128xf32, #tpu.memory_space<hbm>> -> memref<10240x128xf32, #tpu.memory_space<hbm>>
      tpu.wait_indirect_dma semaphore(%arg16 : memref<!tpu.dma_semaphore, #tpu.memory_space<semaphore_mem>>) src(%dma_wait3A_205 : memref<10240x128xf32, #tpu.memory_space<hbm>>) dst(%arg10 : memref<128x128xf32, #tpu.memory_space<vmem>>)
      "tpu.region"() ({
        %run_scoped3A = tpu.sem_alloc : memref<!tpu.dma_semaphore, #tpu.memory_space<semaphore_mem>>
        %dma_start3A_220 = arith.constant 0 : i32
        %dma_start3A_221 = tpu.memref_slice %arg9[%add3A_191, %dma_start3A_220] : memref<16x128xi32, #tpu.memory_space<vmem>> -> memref<1x128xi32, #tpu.memory_space<vmem>>
        %dma_start3A_222 = tpu.memref_squeeze %dma_start3A_221 : memref<1x128xi32, #tpu.memory_space<vmem>> -> memref<128xi32, #tpu.memory_space<vmem>>
        %dma_start3A_223 = arith.constant 0 : i32
        %dma_start3A_224 = arith.constant 0 : i32
        %dma_start3A_225 = tpu.memref_slice %arg13[%dma_start3A_223, %dma_start3A_224] : memref<10240x128xf32, #tpu.memory_space<vmem_shared>> -> memref<10240x128xf32, #tpu.memory_space<vmem_shared>>
        tpu.enqueue_indirect_dma source(%arg10 : memref<128x128xf32, #tpu.memory_space<vmem>>) target(%dma_start3A_225 : memref<10240x128xf32, #tpu.memory_space<vmem_shared>>) offsets(%dma_start3A_222 : memref<128xi32, #tpu.memory_space<vmem>>) semaphore(%run_scoped3A : memref<!tpu.dma_semaphore, #tpu.memory_space<semaphore_mem>>) {add = true}
        %dma_wait3A_226 = arith.constant 0 : i32
        %dma_wait3A_227 = tpu.memref_slice %arg9[%add3A_191, %dma_wait3A_226] : memref<16x128xi32, #tpu.memory_space<vmem>> -> memref<1x128xi32, #tpu.memory_space<vmem>>
        %dma_wait3A_228 = tpu.memref_squeeze %dma_wait3A_227 : memref<1x128xi32, #tpu.memory_space<vmem>> -> memref<128xi32, #tpu.memory_space<vmem>>
        %dma_wait3A_229 = arith.constant 0 : i32
        %dma_wait3A_230 = arith.constant 0 : i32
        %dma_wait3A_231 = tpu.memref_slice %arg13[%dma_wait3A_229, %dma_wait3A_230] : memref<10240x128xf32, #tpu.memory_space<vmem_shared>> -> memref<10240x128xf32, #tpu.memory_space<vmem_shared>>
        tpu.wait_indirect_dma semaphore(%run_scoped3A : memref<!tpu.dma_semaphore, #tpu.memory_space<semaphore_mem>>) src(%arg10 : memref<128x128xf32, #tpu.memory_space<vmem>>) dst(%dma_wait3A_231 : memref<10240x128xf32, #tpu.memory_space<vmem_shared>>)
        tpu.yield
      }) : () -> ()
      %add3A_206 = arith.constant 2 : i32
      %add3A_207 = arith.addi %add3A_191, %add3A_206 : i32
      %lt3A = arith.constant 16 : i32
      %lt3A_208 = arith.cmpi slt, %add3A_207, %lt3A : i32
      %convert_element_type3A = arith.extui %lt3A_208 : i1 to i32
      %cond3A = arith.constant 0 : i32
      %cond3A_209 = arith.cmpi ne, %convert_element_type3A, %cond3A : i32
      scf.if %cond3A_209 {
        %add3A_220 = arith.constant 2 : i32
        %add3A_221 = arith.addi %add3A_191, %add3A_220 : i32
        %dma_start3A_222 = arith.constant 0 : i32
        %dma_start3A_223 = tpu.memref_slice %arg8[%add3A_221, %dma_start3A_222] : memref<16x128xi32, #tpu.memory_space<vmem>> -> memref<1x128xi32, #tpu.memory_space<vmem>>
        %dma_start3A_224 = tpu.memref_squeeze %dma_start3A_223 : memref<1x128xi32, #tpu.memory_space<vmem>> -> memref<128xi32, #tpu.memory_space<vmem>>
        %dma_start3A_225 = arith.constant 0 : i32
        %dma_start3A_226 = arith.constant 0 : i32
        %dma_start3A_227 = tpu.memref_slice %arg2[%dma_start3A_225, %dma_start3A_226] : memref<10240x128xf32, #tpu.memory_space<hbm>> -> memref<10240x128xf32, #tpu.memory_space<hbm>>
        tpu.enqueue_indirect_dma source(%dma_start3A_227 : memref<10240x128xf32, #tpu.memory_space<hbm>>) target(%arg10 : memref<128x128xf32, #tpu.memory_space<vmem>>) offsets(%dma_start3A_224 : memref<128xi32, #tpu.memory_space<vmem>>) semaphore(%arg16 : memref<!tpu.dma_semaphore, #tpu.memory_space<semaphore_mem>>)
      } else {
      }
      %add3A_210 = arith.constant 1 : i32
      %add3A_211 = arith.addi %add3A_191, %add3A_210 : i32
      %dma_wait3A_212 = arith.constant 0 : i32
      %dma_wait3A_213 = tpu.memref_slice %arg8[%add3A_211, %dma_wait3A_212] : memref<16x128xi32, #tpu.memory_space<vmem>> -> memref<1x128xi32, #tpu.memory_space<vmem>>
      %dma_wait3A_214 = tpu.memref_squeeze %dma_wait3A_213 : memref<1x128xi32, #tpu.memory_space<vmem>> -> memref<128xi32, #tpu.memory_space<vmem>>
      %dma_wait3A_215 = arith.constant 0 : i32
      %dma_wait3A_216 = arith.constant 0 : i32
      %dma_wait3A_217 = tpu.memref_slice %arg2[%dma_wait3A_215, %dma_wait3A_216] : memref<10240x128xf32, #tpu.memory_space<hbm>> -> memref<10240x128xf32, #tpu.memory_space<hbm>>
      tpu.wait_indirect_dma semaphore(%arg17 : memref<!tpu.dma_semaphore, #tpu.memory_space<semaphore_mem>>) src(%dma_wait3A_217 : memref<10240x128xf32, #tpu.memory_space<hbm>>) dst(%arg11 : memref<128x128xf32, #tpu.memory_space<vmem>>)
      %add3A_218 = arith.constant 1 : i32
      %add3A_219 = arith.addi %add3A_191, %add3A_218 : i32
      "tpu.region"() ({
        %run_scoped3A = tpu.sem_alloc : memref<!tpu.dma_semaphore, #tpu.memory_space<semaphore_mem>>
        %dma_start3A_220 = arith.constant 0 : i32
        %dma_start3A_221 = tpu.memref_slice %arg9[%add3A_219, %dma_start3A_220] : memref<16x128xi32, #tpu.memory_space<vmem>> -> memref<1x128xi32, #tpu.memory_space<vmem>>
        %dma_start3A_222 = tpu.memref_squeeze %dma_start3A_221 : memref<1x128xi32, #tpu.memory_space<vmem>> -> memref<128xi32, #tpu.memory_space<vmem>>
        %dma_start3A_223 = arith.constant 0 : i32
        %dma_start3A_224 = arith.constant 0 : i32
        %dma_start3A_225 = tpu.memref_slice %arg13[%dma_start3A_223, %dma_start3A_224] : memref<10240x128xf32, #tpu.memory_space<vmem_shared>> -> memref<10240x128xf32, #tpu.memory_space<vmem_shared>>
        tpu.enqueue_indirect_dma source(%arg11 : memref<128x128xf32, #tpu.memory_space<vmem>>) target(%dma_start3A_225 : memref<10240x128xf32, #tpu.memory_space<vmem_shared>>) offsets(%dma_start3A_222 : memref<128xi32, #tpu.memory_space<vmem>>) semaphore(%run_scoped3A : memref<!tpu.dma_semaphore, #tpu.memory_space<semaphore_mem>>) {add = true}
        %dma_wait3A_226 = arith.constant 0 : i32
        %dma_wait3A_227 = tpu.memref_slice %arg9[%add3A_219, %dma_wait3A_226] : memref<16x128xi32, #tpu.memory_space<vmem>> -> memref<1x128xi32, #tpu.memory_space<vmem>>
        %dma_wait3A_228 = tpu.memref_squeeze %dma_wait3A_227 : memref<1x128xi32, #tpu.memory_space<vmem>> -> memref<128xi32, #tpu.memory_space<vmem>>
        %dma_wait3A_229 = arith.constant 0 : i32
        %dma_wait3A_230 = arith.constant 0 : i32
        %dma_wait3A_231 = tpu.memref_slice %arg13[%dma_wait3A_229, %dma_wait3A_230] : memref<10240x128xf32, #tpu.memory_space<vmem_shared>> -> memref<10240x128xf32, #tpu.memory_space<vmem_shared>>
        tpu.wait_indirect_dma semaphore(%run_scoped3A : memref<!tpu.dma_semaphore, #tpu.memory_space<semaphore_mem>>) src(%arg11 : memref<128x128xf32, #tpu.memory_space<vmem>>) dst(%dma_wait3A_231 : memref<10240x128xf32, #tpu.memory_space<vmem_shared>>)
        tpu.yield
      }) : () -> ()
    }
    %scan3A_158 = arith.constant 8 : i32
    %add3A_159 = arith.constant 64 : i32
    %add3A_160 = arith.addi %mul3A_13, %add3A_159 : i32
    %multiple_of3A_161 = tpu.assume_multiple %add3A_160, 8 : i32
    %dma_wait3A_162 = arith.constant 0 : i32
    %dma_wait3A_163 = tpu.memref_slice %arg3[%multiple_of3A_161, %dma_wait3A_162] : memref<2560x128xi32, #tpu.memory_space<hbm>> -> memref<16x128xi32, #tpu.memory_space<hbm>>
    %dma_wait3A_164 = arith.constant 0 : i32
    %dma_wait3A_165 = tpu.memref_slice %arg3[%multiple_of3A_161, %dma_wait3A_164] : memref<2560x128xi32, #tpu.memory_space<hbm>> -> memref<16x128xi32, #tpu.memory_space<hbm>>
    tpu.wait_dma2 semaphore(%arg14 : memref<!tpu.dma_semaphore, #tpu.memory_space<semaphore_mem>>) src(%dma_wait3A_165 : memref<16x128xi32, #tpu.memory_space<hbm>>) dst(%arg6 : memref<16x128xi32, #tpu.memory_space<vmem>>)
    %dma_wait3A_166 = arith.constant 0 : i32
    %dma_wait3A_167 = tpu.memref_slice %arg4[%multiple_of3A_161, %dma_wait3A_166] : memref<2560x128xi32, #tpu.memory_space<hbm>> -> memref<16x128xi32, #tpu.memory_space<hbm>>
    %dma_wait3A_168 = arith.constant 0 : i32
    %dma_wait3A_169 = tpu.memref_slice %arg4[%multiple_of3A_161, %dma_wait3A_168] : memref<2560x128xi32, #tpu.memory_space<hbm>> -> memref<16x128xi32, #tpu.memory_space<hbm>>
    tpu.wait_dma2 semaphore(%arg14 : memref<!tpu.dma_semaphore, #tpu.memory_space<semaphore_mem>>) src(%dma_wait3A_169 : memref<16x128xi32, #tpu.memory_space<hbm>>) dst(%arg7 : memref<16x128xi32, #tpu.memory_space<vmem>>)
    %dma_start3A_170 = arith.constant 0 : i32
    %dma_start3A_171 = arith.constant 0 : i32
    %dma_start3A_172 = tpu.memref_slice %arg6[%dma_start3A_170, %dma_start3A_171] : memref<16x128xi32, #tpu.memory_space<vmem>> -> memref<1x128xi32, #tpu.memory_space<vmem>>
    %dma_start3A_173 = tpu.memref_squeeze %dma_start3A_172 : memref<1x128xi32, #tpu.memory_space<vmem>> -> memref<128xi32, #tpu.memory_space<vmem>>
    %dma_start3A_174 = arith.constant 0 : i32
    %dma_start3A_175 = arith.constant 0 : i32
    %dma_start3A_176 = tpu.memref_slice %arg2[%dma_start3A_174, %dma_start3A_175] : memref<10240x128xf32, #tpu.memory_space<hbm>> -> memref<10240x128xf32, #tpu.memory_space<hbm>>
    tpu.enqueue_indirect_dma source(%dma_start3A_176 : memref<10240x128xf32, #tpu.memory_space<hbm>>) target(%arg10 : memref<128x128xf32, #tpu.memory_space<vmem>>) offsets(%dma_start3A_173 : memref<128xi32, #tpu.memory_space<vmem>>) semaphore(%arg16 : memref<!tpu.dma_semaphore, #tpu.memory_space<semaphore_mem>>)
    %scan3A_177 = arith.constant 0 : i32
    %scan3A_178 = arith.constant 8 : i32
    %scan3A_179 = arith.addi %scan3A_177, %scan3A_178 : i32
    %scan3A_180 = arith.constant 1 : i32
    scf.for %scan3A_187 = %scan3A_177 to %scan3A_179 step %scan3A_180  : i32 {
      %mul3A_188 = arith.constant 2 : i32
      %mul3A_189 = arith.muli %scan3A_187, %mul3A_188 : i32
      %add3A_190 = arith.constant 0 : i32
      %add3A_191 = arith.addi %add3A_190, %mul3A_189 : i32
      %add3A_192 = arith.constant 1 : i32
      %add3A_193 = arith.addi %add3A_191, %add3A_192 : i32
      %dma_start3A_194 = arith.constant 0 : i32
      %dma_start3A_195 = tpu.memref_slice %arg6[%add3A_193, %dma_start3A_194] : memref<16x128xi32, #tpu.memory_space<vmem>> -> memref<1x128xi32, #tpu.memory_space<vmem>>
      %dma_start3A_196 = tpu.memref_squeeze %dma_start3A_195 : memref<1x128xi32, #tpu.memory_space<vmem>> -> memref<128xi32, #tpu.memory_space<vmem>>
      %dma_start3A_197 = arith.constant 0 : i32
      %dma_start3A_198 = arith.constant 0 : i32
      %dma_start3A_199 = tpu.memref_slice %arg2[%dma_start3A_197, %dma_start3A_198] : memref<10240x128xf32, #tpu.memory_space<hbm>> -> memref<10240x128xf32, #tpu.memory_space<hbm>>
      tpu.enqueue_indirect_dma source(%dma_start3A_199 : memref<10240x128xf32, #tpu.memory_space<hbm>>) target(%arg11 : memref<128x128xf32, #tpu.memory_space<vmem>>) offsets(%dma_start3A_196 : memref<128xi32, #tpu.memory_space<vmem>>) semaphore(%arg17 : memref<!tpu.dma_semaphore, #tpu.memory_space<semaphore_mem>>)
      %dma_wait3A_200 = arith.constant 0 : i32
      %dma_wait3A_201 = tpu.memref_slice %arg6[%add3A_191, %dma_wait3A_200] : memref<16x128xi32, #tpu.memory_space<vmem>> -> memref<1x128xi32, #tpu.memory_space<vmem>>
      %dma_wait3A_202 = tpu.memref_squeeze %dma_wait3A_201 : memref<1x128xi32, #tpu.memory_space<vmem>> -> memref<128xi32, #tpu.memory_space<vmem>>
      %dma_wait3A_203 = arith.constant 0 : i32
      %dma_wait3A_204 = arith.constant 0 : i32
      %dma_wait3A_205 = tpu.memref_slice %arg2[%dma_wait3A_203, %dma_wait3A_204] : memref<10240x128xf32, #tpu.memory_space<hbm>> -> memref<10240x128xf32, #tpu.memory_space<hbm>>
      tpu.wait_indirect_dma semaphore(%arg16 : memref<!tpu.dma_semaphore, #tpu.memory_space<semaphore_mem>>) src(%dma_wait3A_205 : memref<10240x128xf32, #tpu.memory_space<hbm>>) dst(%arg10 : memref<128x128xf32, #tpu.memory_space<vmem>>)
      "tpu.region"() ({
        %run_scoped3A = tpu.sem_alloc : memref<!tpu.dma_semaphore, #tpu.memory_space<semaphore_mem>>
        %dma_start3A_220 = arith.constant 0 : i32
        %dma_start3A_221 = tpu.memref_slice %arg7[%add3A_191, %dma_start3A_220] : memref<16x128xi32, #tpu.memory_space<vmem>> -> memref<1x128xi32, #tpu.memory_space<vmem>>
        %dma_start3A_222 = tpu.memref_squeeze %dma_start3A_221 : memref<1x128xi32, #tpu.memory_space<vmem>> -> memref<128xi32, #tpu.memory_space<vmem>>
        %dma_start3A_223 = arith.constant 0 : i32
        %dma_start3A_224 = arith.constant 0 : i32
        %dma_start3A_225 = tpu.memref_slice %arg13[%dma_start3A_223, %dma_start3A_224] : memref<10240x128xf32, #tpu.memory_space<vmem_shared>> -> memref<10240x128xf32, #tpu.memory_space<vmem_shared>>
        tpu.enqueue_indirect_dma source(%arg10 : memref<128x128xf32, #tpu.memory_space<vmem>>) target(%dma_start3A_225 : memref<10240x128xf32, #tpu.memory_space<vmem_shared>>) offsets(%dma_start3A_222 : memref<128xi32, #tpu.memory_space<vmem>>) semaphore(%run_scoped3A : memref<!tpu.dma_semaphore, #tpu.memory_space<semaphore_mem>>) {add = true}
        %dma_wait3A_226 = arith.constant 0 : i32
        %dma_wait3A_227 = tpu.memref_slice %arg7[%add3A_191, %dma_wait3A_226] : memref<16x128xi32, #tpu.memory_space<vmem>> -> memref<1x128xi32, #tpu.memory_space<vmem>>
        %dma_wait3A_228 = tpu.memref_squeeze %dma_wait3A_227 : memref<1x128xi32, #tpu.memory_space<vmem>> -> memref<128xi32, #tpu.memory_space<vmem>>
        %dma_wait3A_229 = arith.constant 0 : i32
        %dma_wait3A_230 = arith.constant 0 : i32
        %dma_wait3A_231 = tpu.memref_slice %arg13[%dma_wait3A_229, %dma_wait3A_230] : memref<10240x128xf32, #tpu.memory_space<vmem_shared>> -> memref<10240x128xf32, #tpu.memory_space<vmem_shared>>
        tpu.wait_indirect_dma semaphore(%run_scoped3A : memref<!tpu.dma_semaphore, #tpu.memory_space<semaphore_mem>>) src(%arg10 : memref<128x128xf32, #tpu.memory_space<vmem>>) dst(%dma_wait3A_231 : memref<10240x128xf32, #tpu.memory_space<vmem_shared>>)
        tpu.yield
      }) : () -> ()
      %add3A_206 = arith.constant 2 : i32
      %add3A_207 = arith.addi %add3A_191, %add3A_206 : i32
      %lt3A = arith.constant 16 : i32
      %lt3A_208 = arith.cmpi slt, %add3A_207, %lt3A : i32
      %convert_element_type3A = arith.extui %lt3A_208 : i1 to i32
      %cond3A = arith.constant 0 : i32
      %cond3A_209 = arith.cmpi ne, %convert_element_type3A, %cond3A : i32
      scf.if %cond3A_209 {
        %add3A_220 = arith.constant 2 : i32
        %add3A_221 = arith.addi %add3A_191, %add3A_220 : i32
        %dma_start3A_222 = arith.constant 0 : i32
        %dma_start3A_223 = tpu.memref_slice %arg6[%add3A_221, %dma_start3A_222] : memref<16x128xi32, #tpu.memory_space<vmem>> -> memref<1x128xi32, #tpu.memory_space<vmem>>
        %dma_start3A_224 = tpu.memref_squeeze %dma_start3A_223 : memref<1x128xi32, #tpu.memory_space<vmem>> -> memref<128xi32, #tpu.memory_space<vmem>>
        %dma_start3A_225 = arith.constant 0 : i32
        %dma_start3A_226 = arith.constant 0 : i32
        %dma_start3A_227 = tpu.memref_slice %arg2[%dma_start3A_225, %dma_start3A_226] : memref<10240x128xf32, #tpu.memory_space<hbm>> -> memref<10240x128xf32, #tpu.memory_space<hbm>>
        tpu.enqueue_indirect_dma source(%dma_start3A_227 : memref<10240x128xf32, #tpu.memory_space<hbm>>) target(%arg10 : memref<128x128xf32, #tpu.memory_space<vmem>>) offsets(%dma_start3A_224 : memref<128xi32, #tpu.memory_space<vmem>>) semaphore(%arg16 : memref<!tpu.dma_semaphore, #tpu.memory_space<semaphore_mem>>)
      } else {
      }
      %add3A_210 = arith.constant 1 : i32
      %add3A_211 = arith.addi %add3A_191, %add3A_210 : i32
      %dma_wait3A_212 = arith.constant 0 : i32
      %dma_wait3A_213 = tpu.memref_slice %arg6[%add3A_211, %dma_wait3A_212] : memref<16x128xi32, #tpu.memory_space<vmem>> -> memref<1x128xi32, #tpu.memory_space<vmem>>
      %dma_wait3A_214 = tpu.memref_squeeze %dma_wait3A_213 : memref<1x128xi32, #tpu.memory_space<vmem>> -> memref<128xi32, #tpu.memory_space<vmem>>
      %dma_wait3A_215 = arith.constant 0 : i32
      %dma_wait3A_216 = arith.constant 0 : i32
      %dma_wait3A_217 = tpu.memref_slice %arg2[%dma_wait3A_215, %dma_wait3A_216] : memref<10240x128xf32, #tpu.memory_space<hbm>> -> memref<10240x128xf32, #tpu.memory_space<hbm>>
      tpu.wait_indirect_dma semaphore(%arg17 : memref<!tpu.dma_semaphore, #tpu.memory_space<semaphore_mem>>) src(%dma_wait3A_217 : memref<10240x128xf32, #tpu.memory_space<hbm>>) dst(%arg11 : memref<128x128xf32, #tpu.memory_space<vmem>>)
      %add3A_218 = arith.constant 1 : i32
      %add3A_219 = arith.addi %add3A_191, %add3A_218 : i32
      "tpu.region"() ({
        %run_scoped3A = tpu.sem_alloc : memref<!tpu.dma_semaphore, #tpu.memory_space<semaphore_mem>>
        %dma_start3A_220 = arith.constant 0 : i32
        %dma_start3A_221 = tpu.memref_slice %arg7[%add3A_219, %dma_start3A_220] : memref<16x128xi32, #tpu.memory_space<vmem>> -> memref<1x128xi32, #tpu.memory_space<vmem>>
        %dma_start3A_222 = tpu.memref_squeeze %dma_start3A_221 : memref<1x128xi32, #tpu.memory_space<vmem>> -> memref<128xi32, #tpu.memory_space<vmem>>
        %dma_start3A_223 = arith.constant 0 : i32
        %dma_start3A_224 = arith.constant 0 : i32
        %dma_start3A_225 = tpu.memref_slice %arg13[%dma_start3A_223, %dma_start3A_224] : memref<10240x128xf32, #tpu.memory_space<vmem_shared>> -> memref<10240x128xf32, #tpu.memory_space<vmem_shared>>
        tpu.enqueue_indirect_dma source(%arg11 : memref<128x128xf32, #tpu.memory_space<vmem>>) target(%dma_start3A_225 : memref<10240x128xf32, #tpu.memory_space<vmem_shared>>) offsets(%dma_start3A_222 : memref<128xi32, #tpu.memory_space<vmem>>) semaphore(%run_scoped3A : memref<!tpu.dma_semaphore, #tpu.memory_space<semaphore_mem>>) {add = true}
        %dma_wait3A_226 = arith.constant 0 : i32
        %dma_wait3A_227 = tpu.memref_slice %arg7[%add3A_219, %dma_wait3A_226] : memref<16x128xi32, #tpu.memory_space<vmem>> -> memref<1x128xi32, #tpu.memory_space<vmem>>
        %dma_wait3A_228 = tpu.memref_squeeze %dma_wait3A_227 : memref<1x128xi32, #tpu.memory_space<vmem>> -> memref<128xi32, #tpu.memory_space<vmem>>
        %dma_wait3A_229 = arith.constant 0 : i32
        %dma_wait3A_230 = arith.constant 0 : i32
        %dma_wait3A_231 = tpu.memref_slice %arg13[%dma_wait3A_229, %dma_wait3A_230] : memref<10240x128xf32, #tpu.memory_space<vmem_shared>> -> memref<10240x128xf32, #tpu.memory_space<vmem_shared>>
        tpu.wait_indirect_dma semaphore(%run_scoped3A : memref<!tpu.dma_semaphore, #tpu.memory_space<semaphore_mem>>) src(%arg11 : memref<128x128xf32, #tpu.memory_space<vmem>>) dst(%dma_wait3A_231 : memref<10240x128xf32, #tpu.memory_space<vmem_shared>>)
        tpu.yield
      }) : () -> ()
    }
    %scan3A_181 = arith.constant 8 : i32
    %barrier3A_182 = arith.constant 0 : index
    tpu.barrier barrier_id(%barrier3A_182)
    %mul3A_183 = arith.constant 10240 : i32
    %mul3A_184 = arith.muli %arg0, %mul3A_183 : i32
    %add3A_185 = arith.addi %mul3A_184, %multiple_of3A : i32
    %multiple_of3A_186 = tpu.assume_multiple %add3A_185, 8 : i32
    "tpu.region"() ({
      %run_scoped3A = tpu.sem_alloc : memref<!tpu.dma_semaphore, #tpu.memory_space<semaphore_mem>>
      %dma_start3A_187 = arith.constant 0 : i32
      %dma_start3A_188 = tpu.memref_slice %arg5[%multiple_of3A_186, %dma_start3A_187] : memref<20480x128xf32, #tpu.memory_space<hbm>> -> memref<640x128xf32, #tpu.memory_space<hbm>>
      %dma_start3A_189 = arith.constant 0 : i32
      %dma_start3A_190 = tpu.memref_slice %arg13[%multiple_of3A, %dma_start3A_189] : memref<10240x128xf32, #tpu.memory_space<vmem_shared>> -> memref<640x128xf32, #tpu.memory_space<vmem_shared>>
      tpu.enqueue_dma source(%dma_start3A_190 : memref<640x128xf32, #tpu.memory_space<vmem_shared>>) target(%dma_start3A_188 : memref<640x128xf32, #tpu.memory_space<hbm>>) target_semaphore(%run_scoped3A : memref<!tpu.dma_semaphore, #tpu.memory_space<semaphore_mem>>)
      %dma_wait3A_191 = arith.constant 0 : i32
      %dma_wait3A_192 = tpu.memref_slice %arg5[%multiple_of3A_186, %dma_wait3A_191] : memref<20480x128xf32, #tpu.memory_space<hbm>> -> memref<640x128xf32, #tpu.memory_space<hbm>>
      %dma_wait3A_193 = arith.constant 0 : i32
      %dma_wait3A_194 = tpu.memref_slice %arg13[%multiple_of3A, %dma_wait3A_193] : memref<10240x128xf32, #tpu.memory_space<vmem_shared>> -> memref<640x128xf32, #tpu.memory_space<vmem_shared>>
      tpu.wait_dma2 semaphore(%run_scoped3A : memref<!tpu.dma_semaphore, #tpu.memory_space<semaphore_mem>>) src(%dma_wait3A_194 : memref<640x128xf32, #tpu.memory_space<vmem_shared>>) dst(%dma_wait3A_192 : memref<640x128xf32, #tpu.memory_space<hbm>>)
      tpu.yield
    }) : () -> ()
    return
  }
}

#map = affine_map<(d0, d1) -> (0, 0)>
module attributes {stable_mosaic.version = 14 : i64} {
  func.func @agg_kernel(%arg0: i32, %arg1: i32, %arg2: memref<10240x128xf32, #tpu.memory_space<hbm>>, %arg3: memref<2560x128xi32, #tpu.memory_space<hbm>>, %arg4: memref<2560x128xi32, #tpu.memory_space<hbm>>, %arg5: memref<20480x128xf32, #tpu.memory_space<hbm>>, %arg6: memref<16x128xi32, #tpu.memory_space<vmem>>, %arg7: memref<16x128xi32, #tpu.memory_space<vmem>>, %arg8: memref<16x128xi32, #tpu.memory_space<vmem>>, %arg9: memref<16x128xi32, #tpu.memory_space<vmem>>, %arg10: memref<128x128xf32, #tpu.memory_space<vmem>>, %arg11: memref<128x128xf32, #tpu.memory_space<vmem>>, %arg12: memref<40x128xf32, #tpu.memory_space<vmem>>, %arg13: memref<10240x128xf32, #tpu.memory_space<vmem_shared>>, %arg14: memref<!tpu.dma_semaphore, #tpu.memory_space<semaphore_mem>>, %arg15: memref<!tpu.dma_semaphore, #tpu.memory_space<semaphore_mem>>, %arg16: memref<!tpu.dma_semaphore, #tpu.memory_space<semaphore_mem>>, %arg17: memref<!tpu.dma_semaphore, #tpu.memory_space<semaphore_mem>>) attributes {dimension_semantics = [#tpu.dimension_semantics<core_parallel>, #tpu.dimension_semantics<subcore_parallel>], iteration_bounds = array<i64: 2, 16>, scalar_prefetch = 0 : i64, scratch_operands = 12 : i64, tpu.core_type = #tpu.core_type<sc_vector_subcore>, window_params = [{transform_indices = #map}, {transform_indices = #map}, {transform_indices = #map}, {transform_indices = #map}]} {
    %mul3A = arith.constant 2 : i32
    %mul3A_0 = arith.muli %arg1, %mul3A : i32
    %add3A = arith.addi %mul3A_0, %arg0 : i32
    %scan3A = arith.constant 0 : i32
    %scan3A_1 = arith.constant 40 : i32
    %scan3A_2 = arith.addi %scan3A, %scan3A_1 : i32
    %scan3A_3 = arith.constant 1 : i32
    scf.for %scan3A_187 = %scan3A to %scan3A_2 step %scan3A_3  : i32 {
      %mul3A_188 = arith.constant 1 : i32
      %mul3A_189 = arith.muli %scan3A_187, %mul3A_188 : i32
      %add3A_190 = arith.constant 0 : i32
      %add3A_191 = arith.addi %add3A_190, %mul3A_189 : i32
      %scan3A_192 = arith.constant 0 : i32
      %scan3A_193 = arith.constant 8 : i32
      %scan3A_194 = arith.addi %scan3A_192, %scan3A_193 : i32
      %scan3A_195 = arith.constant 1 : i32
      scf.for %scan3A_197 = %scan3A_192 to %scan3A_194 step %scan3A_195  : i32 {
        %mul3A_198 = arith.constant 16 : i32
        %mul3A_199 = arith.muli %scan3A_197, %mul3A_198 : i32
        %add3A_200 = arith.constant 0 : i32
        %add3A_201 = arith.addi %add3A_200, %mul3A_199 : i32
        %broadcast_in_dim3A = arith.constant 0.000000e+00 : f32
        %broadcast_in_dim3A_202 = vector.broadcast %broadcast_in_dim3A : f32 to vector<16xf32>
        %swap3A = arith.index_cast %add3A_191 : i32 to index
        %swap3A_203 = arith.index_cast %add3A_201 : i32 to index
        %swap3A_204 = tpu.vector_load %arg12[%swap3A, %swap3A_203] {strides = array<i32>} : memref<40x128xf32, #tpu.memory_space<vmem>>, vector<1x16xf32>,
        %swap3A_205 = vector.shape_cast %swap3A_204 : vector<1x16xf32> to vector<16xf32>
        %swap3A_206 = vector.shape_cast %broadcast_in_dim3A_202 : vector<16xf32> to vector<1x16xf32>
        tpu.vector_store %arg12[%swap3A, %swap3A_203], %swap3A_206 {strides = array<i32>} : memref<40x128xf32, #tpu.memory_space<vmem>>, vector<1x16xf32>,
      }
      %scan3A_196 = arith.constant 8 : i32
    }
    %scan3A_4 = arith.constant 40 : i32
    %mul3A_5 = arith.constant 640 : i32
    %mul3A_6 = arith.muli %arg1, %mul3A_5 : i32
    %multiple_of3A = tpu.assume_multiple %mul3A_6, 8 : i32
    %scan3A_7 = arith.constant 0 : i32
    %scan3A_8 = arith.constant 16 : i32
    %scan3A_9 = arith.addi %scan3A_7, %scan3A_8 : i32
    %scan3A_10 = arith.constant 1 : i32
    scf.for %scan3A_187 = %scan3A_7 to %scan3A_9 step %scan3A_10  : i32 {
      %mul3A_188 = arith.constant 1 : i32
      %mul3A_189 = arith.muli %scan3A_187, %mul3A_188 : i32
      %add3A_190 = arith.constant 0 : i32
      %add3A_191 = arith.addi %add3A_190, %mul3A_189 : i32
      %mul3A_192 = arith.constant 40 : i32
      %mul3A_193 = arith.muli %add3A_191, %mul3A_192 : i32
      %add3A_194 = arith.addi %multiple_of3A, %mul3A_193 : i32
      %multiple_of3A_195 = tpu.assume_multiple %add3A_194, 8 : i32
      "tpu.region"() ({
        %run_scoped3A = tpu.sem_alloc : memref<!tpu.dma_semaphore, #tpu.memory_space<semaphore_mem>>
        %dma_start3A_196 = arith.constant 0 : i32
        %dma_start3A_197 = tpu.memref_slice %arg13[%multiple_of3A_195, %dma_start3A_196] : memref<10240x128xf32, #tpu.memory_space<vmem_shared>> -> memref<40x128xf32, #tpu.memory_space<vmem_shared>>
        %dma_start3A_198 = arith.constant 0 : i32
        %dma_start3A_199 = tpu.memref_slice %arg13[%multiple_of3A_195, %dma_start3A_198] : memref<10240x128xf32, #tpu.memory_space<vmem_shared>> -> memref<40x128xf32, #tpu.memory_space<vmem_shared>>
        tpu.enqueue_dma source(%arg12 : memref<40x128xf32, #tpu.memory_space<vmem>>) target(%dma_start3A_199 : memref<40x128xf32, #tpu.memory_space<vmem_shared>>) target_semaphore(%run_scoped3A : memref<!tpu.dma_semaphore, #tpu.memory_space<semaphore_mem>>)
        %dma_wait3A_200 = arith.constant 0 : i32
        %dma_wait3A_201 = tpu.memref_slice %arg13[%multiple_of3A_195, %dma_wait3A_200] : memref<10240x128xf32, #tpu.memory_space<vmem_shared>> -> memref<40x128xf32, #tpu.memory_space<vmem_shared>>
        %dma_wait3A_202 = arith.constant 0 : i32
        %dma_wait3A_203 = tpu.memref_slice %arg13[%multiple_of3A_195, %dma_wait3A_202] : memref<10240x128xf32, #tpu.memory_space<vmem_shared>> -> memref<40x128xf32, #tpu.memory_space<vmem_shared>>
        tpu.wait_dma2 semaphore(%run_scoped3A : memref<!tpu.dma_semaphore, #tpu.memory_space<semaphore_mem>>) src(%arg12 : memref<40x128xf32, #tpu.memory_space<vmem>>) dst(%dma_wait3A_203 : memref<40x128xf32, #tpu.memory_space<vmem_shared>>)
        tpu.yield
      }) : () -> ()
    }
    %scan3A_11 = arith.constant 16 : i32
    %mul3A_12 = arith.constant 80 : i32
    %mul3A_13 = arith.muli %add3A, %mul3A_12 : i32
    %barrier3A = arith.constant 0 : index
    tpu.barrier barrier_id(%barrier3A)
    %add3A_14 = arith.constant 0 : i32
    %add3A_15 = arith.addi %mul3A_13, %add3A_14 : i32
    %multiple_of3A_16 = tpu.assume_multiple %add3A_15, 8 : i32
    %dma_start3A = arith.constant 0 : i32
    %dma_start3A_17 = tpu.memref_slice %arg3[%multiple_of3A_16, %dma_start3A] : memref<2560x128xi32, #tpu.memory_space<hbm>> -> memref<16x128xi32, #tpu.memory_space<hbm>>
    %dma_start3A_18 = arith.constant 0 : i32
    %dma_start3A_19 = tpu.memref_slice %arg3[%multiple_of3A_16, %dma_start3A_18] : memref<2560x128xi32, #tpu.memory_space<hbm>> -> memref<16x128xi32, #tpu.memory_space<hbm>>
    tpu.enqueue_dma source(%dma_start3A_19 : memref<16x128xi32, #tpu.memory_space<hbm>>) target(%arg6 : memref<16x128xi32, #tpu.memory_space<vmem>>) target_semaphore(%arg14 : memref<!tpu.dma_semaphore, #tpu.memory_space<semaphore_mem>>)
    %dma_start3A_20 = arith.constant 0 : i32
    %dma_start3A_21 = tpu.memref_slice %arg4[%multiple_of3A_16, %dma_start3A_20] : memref<2560x128xi32, #tpu.memory_space<hbm>> -> memref<16x128xi32, #tpu.memory_space<hbm>>
    %dma_start3A_22 = arith.constant 0 : i32
    %dma_start3A_23 = tpu.memref_slice %arg4[%multiple_of3A_16, %dma_start3A_22] : memref<2560x128xi32, #tpu.memory_space<hbm>> -> memref<16x128xi32, #tpu.memory_space<hbm>>
    tpu.enqueue_dma source(%dma_start3A_23 : memref<16x128xi32, #tpu.memory_space<hbm>>) target(%arg7 : memref<16x128xi32, #tpu.memory_space<vmem>>) target_semaphore(%arg14 : memref<!tpu.dma_semaphore, #tpu.memory_space<semaphore_mem>>)
    %add3A_24 = arith.constant 0 : i32
    %add3A_25 = arith.addi %mul3A_13, %add3A_24 : i32
    %multiple_of3A_26 = tpu.assume_multiple %add3A_25, 8 : i32
    %dma_wait3A = arith.constant 0 : i32
    %dma_wait3A_27 = tpu.memref_slice %arg3[%multiple_of3A_26, %dma_wait3A] : memref<2560x128xi32, #tpu.memory_space<hbm>> -> memref<16x128xi32, #tpu.memory_space<hbm>>
    %dma_wait3A_28 = arith.constant 0 : i32
    %dma_wait3A_29 = tpu.memref_slice %arg3[%multiple_of3A_26, %dma_wait3A_28] : memref<2560x128xi32, #tpu.memory_space<hbm>> -> memref<16x128xi32, #tpu.memory_space<hbm>>
    tpu.wait_dma2 semaphore(%arg14 : memref<!tpu.dma_semaphore, #tpu.memory_space<semaphore_mem>>) src(%dma_wait3A_29 : memref<16x128xi32, #tpu.memory_space<hbm>>) dst(%arg6 : memref<16x128xi32, #tpu.memory_space<vmem>>)
    %dma_wait3A_30 = arith.constant 0 : i32
    %dma_wait3A_31 = tpu.memref_slice %arg4[%multiple_of3A_26, %dma_wait3A_30] : memref<2560x128xi32, #tpu.memory_space<hbm>> -> memref<16x128xi32, #tpu.memory_space<hbm>>
    %dma_wait3A_32 = arith.constant 0 : i32
    %dma_wait3A_33 = tpu.memref_slice %arg4[%multiple_of3A_26, %dma_wait3A_32] : memref<2560x128xi32, #tpu.memory_space<hbm>> -> memref<16x128xi32, #tpu.memory_space<hbm>>
    tpu.wait_dma2 semaphore(%arg14 : memref<!tpu.dma_semaphore, #tpu.memory_space<semaphore_mem>>) src(%dma_wait3A_33 : memref<16x128xi32, #tpu.memory_space<hbm>>) dst(%arg7 : memref<16x128xi32, #tpu.memory_space<vmem>>)
    %add3A_34 = arith.constant 16 : i32
    %add3A_35 = arith.addi %mul3A_13, %add3A_34 : i32
    %multiple_of3A_36 = tpu.assume_multiple %add3A_35, 8 : i32
    %dma_start3A_37 = arith.constant 0 : i32
    %dma_start3A_38 = tpu.memref_slice %arg3[%multiple_of3A_36, %dma_start3A_37] : memref<2560x128xi32, #tpu.memory_space<hbm>> -> memref<16x128xi32, #tpu.memory_space<hbm>>
    %dma_start3A_39 = arith.constant 0 : i32
    %dma_start3A_40 = tpu.memref_slice %arg3[%multiple_of3A_36, %dma_start3A_39] : memref<2560x128xi32, #tpu.memory_space<hbm>> -> memref<16x128xi32, #tpu.memory_space<hbm>>
    tpu.enqueue_dma source(%dma_start3A_40 : memref<16x128xi32, #tpu.memory_space<hbm>>) target(%arg8 : memref<16x128xi32, #tpu.memory_space<vmem>>) target_semaphore(%arg15 : memref<!tpu.dma_semaphore, #tpu.memory_space<semaphore_mem>>)
    %dma_start3A_41 = arith.constant 0 : i32
    %dma_start3A_42 = tpu.memref_slice %arg4[%multiple_of3A_36, %dma_start3A_41] : memref<2560x128xi32, #tpu.memory_space<hbm>> -> memref<16x128xi32, #tpu.memory_space<hbm>>
    %dma_start3A_43 = arith.constant 0 : i32
    %dma_start3A_44 = tpu.memref_slice %arg4[%multiple_of3A_36, %dma_start3A_43] : memref<2560x128xi32, #tpu.memory_space<hbm>> -> memref<16x128xi32, #tpu.memory_space<hbm>>
    tpu.enqueue_dma source(%dma_start3A_44 : memref<16x128xi32, #tpu.memory_space<hbm>>) target(%arg9 : memref<16x128xi32, #tpu.memory_space<vmem>>) target_semaphore(%arg15 : memref<!tpu.dma_semaphore, #tpu.memory_space<semaphore_mem>>)
    %dma_start3A_45 = arith.constant 0 : i32
    %dma_start3A_46 = arith.constant 0 : i32
    %dma_start3A_47 = tpu.memref_slice %arg6[%dma_start3A_45, %dma_start3A_46] : memref<16x128xi32, #tpu.memory_space<vmem>> -> memref<1x128xi32, #tpu.memory_space<vmem>>
    %dma_start3A_48 = tpu.memref_squeeze %dma_start3A_47 : memref<1x128xi32, #tpu.memory_space<vmem>> -> memref<128xi32, #tpu.memory_space<vmem>>
    %dma_start3A_49 = arith.constant 0 : i32
    %dma_start3A_50 = arith.constant 0 : i32
    %dma_start3A_51 = tpu.memref_slice %arg2[%dma_start3A_49, %dma_start3A_50] : memref<10240x128xf32, #tpu.memory_space<hbm>> -> memref<10240x128xf32, #tpu.memory_space<hbm>>
    tpu.enqueue_indirect_dma source(%dma_start3A_51 : memref<10240x128xf32, #tpu.memory_space<hbm>>) target(%arg10 : memref<128x128xf32, #tpu.memory_space<vmem>>) offsets(%dma_start3A_48 : memref<128xi32, #tpu.memory_space<vmem>>) semaphore(%arg16 : memref<!tpu.dma_semaphore, #tpu.memory_space<semaphore_mem>>)
    %scan3A_52 = arith.constant 0 : i32
    %scan3A_53 = arith.constant 8 : i32
    %scan3A_54 = arith.addi %scan3A_52, %scan3A_53 : i32
    %scan3A_55 = arith.constant 1 : i32
    scf.for %scan3A_187 = %scan3A_52 to %scan3A_54 step %scan3A_55  : i32 {
      %mul3A_188 = arith.constant 2 : i32
      %mul3A_189 = arith.muli %scan3A_187, %mul3A_188 : i32
      %add3A_190 = arith.constant 0 : i32
      %add3A_191 = arith.addi %add3A_190, %mul3A_189 : i32
      %add3A_192 = arith.constant 1 : i32
      %add3A_193 = arith.addi %add3A_191, %add3A_192 : i32
      %dma_start3A_194 = arith.constant 0 : i32
      %dma_start3A_195 = tpu.memref_slice %arg6[%add3A_193, %dma_start3A_194] : memref<16x128xi32, #tpu.memory_space<vmem>> -> memref<1x128xi32, #tpu.memory_space<vmem>>
      %dma_start3A_196 = tpu.memref_squeeze %dma_start3A_195 : memref<1x128xi32, #tpu.memory_space<vmem>> -> memref<128xi32, #tpu.memory_space<vmem>>
      %dma_start3A_197 = arith.constant 0 : i32
      %dma_start3A_198 = arith.constant 0 : i32
      %dma_start3A_199 = tpu.memref_slice %arg2[%dma_start3A_197, %dma_start3A_198] : memref<10240x128xf32, #tpu.memory_space<hbm>> -> memref<10240x128xf32, #tpu.memory_space<hbm>>
      tpu.enqueue_indirect_dma source(%dma_start3A_199 : memref<10240x128xf32, #tpu.memory_space<hbm>>) target(%arg11 : memref<128x128xf32, #tpu.memory_space<vmem>>) offsets(%dma_start3A_196 : memref<128xi32, #tpu.memory_space<vmem>>) semaphore(%arg17 : memref<!tpu.dma_semaphore, #tpu.memory_space<semaphore_mem>>)
      %dma_wait3A_200 = arith.constant 0 : i32
      %dma_wait3A_201 = tpu.memref_slice %arg6[%add3A_191, %dma_wait3A_200] : memref<16x128xi32, #tpu.memory_space<vmem>> -> memref<1x128xi32, #tpu.memory_space<vmem>>
      %dma_wait3A_202 = tpu.memref_squeeze %dma_wait3A_201 : memref<1x128xi32, #tpu.memory_space<vmem>> -> memref<128xi32, #tpu.memory_space<vmem>>
      %dma_wait3A_203 = arith.constant 0 : i32
      %dma_wait3A_204 = arith.constant 0 : i32
      %dma_wait3A_205 = tpu.memref_slice %arg2[%dma_wait3A_203, %dma_wait3A_204] : memref<10240x128xf32, #tpu.memory_space<hbm>> -> memref<10240x128xf32, #tpu.memory_space<hbm>>
      tpu.wait_indirect_dma semaphore(%arg16 : memref<!tpu.dma_semaphore, #tpu.memory_space<semaphore_mem>>) src(%dma_wait3A_205 : memref<10240x128xf32, #tpu.memory_space<hbm>>) dst(%arg10 : memref<128x128xf32, #tpu.memory_space<vmem>>)
      "tpu.region"() ({
        %run_scoped3A = tpu.sem_alloc : memref<!tpu.dma_semaphore, #tpu.memory_space<semaphore_mem>>
        %dma_start3A_220 = arith.constant 0 : i32
        %dma_start3A_221 = tpu.memref_slice %arg7[%add3A_191, %dma_start3A_220] : memref<16x128xi32, #tpu.memory_space<vmem>> -> memref<1x128xi32, #tpu.memory_space<vmem>>
        %dma_start3A_222 = tpu.memref_squeeze %dma_start3A_221 : memref<1x128xi32, #tpu.memory_space<vmem>> -> memref<128xi32, #tpu.memory_space<vmem>>
        %dma_start3A_223 = arith.constant 0 : i32
        %dma_start3A_224 = arith.constant 0 : i32
        %dma_start3A_225 = tpu.memref_slice %arg13[%dma_start3A_223, %dma_start3A_224] : memref<10240x128xf32, #tpu.memory_space<vmem_shared>> -> memref<10240x128xf32, #tpu.memory_space<vmem_shared>>
        tpu.enqueue_indirect_dma source(%arg10 : memref<128x128xf32, #tpu.memory_space<vmem>>) target(%dma_start3A_225 : memref<10240x128xf32, #tpu.memory_space<vmem_shared>>) offsets(%dma_start3A_222 : memref<128xi32, #tpu.memory_space<vmem>>) semaphore(%run_scoped3A : memref<!tpu.dma_semaphore, #tpu.memory_space<semaphore_mem>>) {add = true}
        %dma_wait3A_226 = arith.constant 0 : i32
        %dma_wait3A_227 = tpu.memref_slice %arg7[%add3A_191, %dma_wait3A_226] : memref<16x128xi32, #tpu.memory_space<vmem>> -> memref<1x128xi32, #tpu.memory_space<vmem>>
        %dma_wait3A_228 = tpu.memref_squeeze %dma_wait3A_227 : memref<1x128xi32, #tpu.memory_space<vmem>> -> memref<128xi32, #tpu.memory_space<vmem>>
        %dma_wait3A_229 = arith.constant 0 : i32
        %dma_wait3A_230 = arith.constant 0 : i32
        %dma_wait3A_231 = tpu.memref_slice %arg13[%dma_wait3A_229, %dma_wait3A_230] : memref<10240x128xf32, #tpu.memory_space<vmem_shared>> -> memref<10240x128xf32, #tpu.memory_space<vmem_shared>>
        tpu.wait_indirect_dma semaphore(%run_scoped3A : memref<!tpu.dma_semaphore, #tpu.memory_space<semaphore_mem>>) src(%arg10 : memref<128x128xf32, #tpu.memory_space<vmem>>) dst(%dma_wait3A_231 : memref<10240x128xf32, #tpu.memory_space<vmem_shared>>)
        tpu.yield
      }) : () -> ()
      %add3A_206 = arith.constant 2 : i32
      %add3A_207 = arith.addi %add3A_191, %add3A_206 : i32
      %lt3A = arith.constant 16 : i32
      %lt3A_208 = arith.cmpi slt, %add3A_207, %lt3A : i32
      %convert_element_type3A = arith.extui %lt3A_208 : i1 to i32
      %cond3A = arith.constant 0 : i32
      %cond3A_209 = arith.cmpi ne, %convert_element_type3A, %cond3A : i32
      scf.if %cond3A_209 {
        %add3A_220 = arith.constant 2 : i32
        %add3A_221 = arith.addi %add3A_191, %add3A_220 : i32
        %dma_start3A_222 = arith.constant 0 : i32
        %dma_start3A_223 = tpu.memref_slice %arg6[%add3A_221, %dma_start3A_222] : memref<16x128xi32, #tpu.memory_space<vmem>> -> memref<1x128xi32, #tpu.memory_space<vmem>>
        %dma_start3A_224 = tpu.memref_squeeze %dma_start3A_223 : memref<1x128xi32, #tpu.memory_space<vmem>> -> memref<128xi32, #tpu.memory_space<vmem>>
        %dma_start3A_225 = arith.constant 0 : i32
        %dma_start3A_226 = arith.constant 0 : i32
        %dma_start3A_227 = tpu.memref_slice %arg2[%dma_start3A_225, %dma_start3A_226] : memref<10240x128xf32, #tpu.memory_space<hbm>> -> memref<10240x128xf32, #tpu.memory_space<hbm>>
        tpu.enqueue_indirect_dma source(%dma_start3A_227 : memref<10240x128xf32, #tpu.memory_space<hbm>>) target(%arg10 : memref<128x128xf32, #tpu.memory_space<vmem>>) offsets(%dma_start3A_224 : memref<128xi32, #tpu.memory_space<vmem>>) semaphore(%arg16 : memref<!tpu.dma_semaphore, #tpu.memory_space<semaphore_mem>>)
      } else {
      }
      %add3A_210 = arith.constant 1 : i32
      %add3A_211 = arith.addi %add3A_191, %add3A_210 : i32
      %dma_wait3A_212 = arith.constant 0 : i32
      %dma_wait3A_213 = tpu.memref_slice %arg6[%add3A_211, %dma_wait3A_212] : memref<16x128xi32, #tpu.memory_space<vmem>> -> memref<1x128xi32, #tpu.memory_space<vmem>>
      %dma_wait3A_214 = tpu.memref_squeeze %dma_wait3A_213 : memref<1x128xi32, #tpu.memory_space<vmem>> -> memref<128xi32, #tpu.memory_space<vmem>>
      %dma_wait3A_215 = arith.constant 0 : i32
      %dma_wait3A_216 = arith.constant 0 : i32
      %dma_wait3A_217 = tpu.memref_slice %arg2[%dma_wait3A_215, %dma_wait3A_216] : memref<10240x128xf32, #tpu.memory_space<hbm>> -> memref<10240x128xf32, #tpu.memory_space<hbm>>
      tpu.wait_indirect_dma semaphore(%arg17 : memref<!tpu.dma_semaphore, #tpu.memory_space<semaphore_mem>>) src(%dma_wait3A_217 : memref<10240x128xf32, #tpu.memory_space<hbm>>) dst(%arg11 : memref<128x128xf32, #tpu.memory_space<vmem>>)
      %add3A_218 = arith.constant 1 : i32
      %add3A_219 = arith.addi %add3A_191, %add3A_218 : i32
      "tpu.region"() ({
        %run_scoped3A = tpu.sem_alloc : memref<!tpu.dma_semaphore, #tpu.memory_space<semaphore_mem>>
        %dma_start3A_220 = arith.constant 0 : i32
        %dma_start3A_221 = tpu.memref_slice %arg7[%add3A_219, %dma_start3A_220] : memref<16x128xi32, #tpu.memory_space<vmem>> -> memref<1x128xi32, #tpu.memory_space<vmem>>
        %dma_start3A_222 = tpu.memref_squeeze %dma_start3A_221 : memref<1x128xi32, #tpu.memory_space<vmem>> -> memref<128xi32, #tpu.memory_space<vmem>>
        %dma_start3A_223 = arith.constant 0 : i32
        %dma_start3A_224 = arith.constant 0 : i32
        %dma_start3A_225 = tpu.memref_slice %arg13[%dma_start3A_223, %dma_start3A_224] : memref<10240x128xf32, #tpu.memory_space<vmem_shared>> -> memref<10240x128xf32, #tpu.memory_space<vmem_shared>>
        tpu.enqueue_indirect_dma source(%arg11 : memref<128x128xf32, #tpu.memory_space<vmem>>) target(%dma_start3A_225 : memref<10240x128xf32, #tpu.memory_space<vmem_shared>>) offsets(%dma_start3A_222 : memref<128xi32, #tpu.memory_space<vmem>>) semaphore(%run_scoped3A : memref<!tpu.dma_semaphore, #tpu.memory_space<semaphore_mem>>) {add = true}
        %dma_wait3A_226 = arith.constant 0 : i32
        %dma_wait3A_227 = tpu.memref_slice %arg7[%add3A_219, %dma_wait3A_226] : memref<16x128xi32, #tpu.memory_space<vmem>> -> memref<1x128xi32, #tpu.memory_space<vmem>>
        %dma_wait3A_228 = tpu.memref_squeeze %dma_wait3A_227 : memref<1x128xi32, #tpu.memory_space<vmem>> -> memref<128xi32, #tpu.memory_space<vmem>>
        %dma_wait3A_229 = arith.constant 0 : i32
        %dma_wait3A_230 = arith.constant 0 : i32
        %dma_wait3A_231 = tpu.memref_slice %arg13[%dma_wait3A_229, %dma_wait3A_230] : memref<10240x128xf32, #tpu.memory_space<vmem_shared>> -> memref<10240x128xf32, #tpu.memory_space<vmem_shared>>
        tpu.wait_indirect_dma semaphore(%run_scoped3A : memref<!tpu.dma_semaphore, #tpu.memory_space<semaphore_mem>>) src(%arg11 : memref<128x128xf32, #tpu.memory_space<vmem>>) dst(%dma_wait3A_231 : memref<10240x128xf32, #tpu.memory_space<vmem_shared>>)
        tpu.yield
      }) : () -> ()
    }
    %scan3A_56 = arith.constant 8 : i32
    %add3A_57 = arith.constant 16 : i32
    %add3A_58 = arith.addi %mul3A_13, %add3A_57 : i32
    %multiple_of3A_59 = tpu.assume_multiple %add3A_58, 8 : i32
    %dma_wait3A_60 = arith.constant 0 : i32
    %dma_wait3A_61 = tpu.memref_slice %arg3[%multiple_of3A_59, %dma_wait3A_60] : memref<2560x128xi32, #tpu.memory_space<hbm>> -> memref<16x128xi32, #tpu.memory_space<hbm>>
    %dma_wait3A_62 = arith.constant 0 : i32
    %dma_wait3A_63 = tpu.memref_slice %arg3[%multiple_of3A_59, %dma_wait3A_62] : memref<2560x128xi32, #tpu.memory_space<hbm>> -> memref<16x128xi32, #tpu.memory_space<hbm>>
    tpu.wait_dma2 semaphore(%arg15 : memref<!tpu.dma_semaphore, #tpu.memory_space<semaphore_mem>>) src(%dma_wait3A_63 : memref<16x128xi32, #tpu.memory_space<hbm>>) dst(%arg8 : memref<16x128xi32, #tpu.memory_space<vmem>>)
    %dma_wait3A_64 = arith.constant 0 : i32
    %dma_wait3A_65 = tpu.memref_slice %arg4[%multiple_of3A_59, %dma_wait3A_64] : memref<2560x128xi32, #tpu.memory_space<hbm>> -> memref<16x128xi32, #tpu.memory_space<hbm>>
    %dma_wait3A_66 = arith.constant 0 : i32
    %dma_wait3A_67 = tpu.memref_slice %arg4[%multiple_of3A_59, %dma_wait3A_66] : memref<2560x128xi32, #tpu.memory_space<hbm>> -> memref<16x128xi32, #tpu.memory_space<hbm>>
    tpu.wait_dma2 semaphore(%arg15 : memref<!tpu.dma_semaphore, #tpu.memory_space<semaphore_mem>>) src(%dma_wait3A_67 : memref<16x128xi32, #tpu.memory_space<hbm>>) dst(%arg9 : memref<16x128xi32, #tpu.memory_space<vmem>>)
    %add3A_68 = arith.constant 32 : i32
    %add3A_69 = arith.addi %mul3A_13, %add3A_68 : i32
    %multiple_of3A_70 = tpu.assume_multiple %add3A_69, 8 : i32
    %dma_start3A_71 = arith.constant 0 : i32
    %dma_start3A_72 = tpu.memref_slice %arg3[%multiple_of3A_70, %dma_start3A_71] : memref<2560x128xi32, #tpu.memory_space<hbm>> -> memref<16x128xi32, #tpu.memory_space<hbm>>
    %dma_start3A_73 = arith.constant 0 : i32
    %dma_start3A_74 = tpu.memref_slice %arg3[%multiple_of3A_70, %dma_start3A_73] : memref<2560x128xi32, #tpu.memory_space<hbm>> -> memref<16x128xi32, #tpu.memory_space<hbm>>
    tpu.enqueue_dma source(%dma_start3A_74 : memref<16x128xi32, #tpu.memory_space<hbm>>) target(%arg6 : memref<16x128xi32, #tpu.memory_space<vmem>>) target_semaphore(%arg14 : memref<!tpu.dma_semaphore, #tpu.memory_space<semaphore_mem>>)
    %dma_start3A_75 = arith.constant 0 : i32
    %dma_start3A_76 = tpu.memref_slice %arg4[%multiple_of3A_70, %dma_start3A_75] : memref<2560x128xi32, #tpu.memory_space<hbm>> -> memref<16x128xi32, #tpu.memory_space<hbm>>
    %dma_start3A_77 = arith.constant 0 : i32
    %dma_start3A_78 = tpu.memref_slice %arg4[%multiple_of3A_70, %dma_start3A_77] : memref<2560x128xi32, #tpu.memory_space<hbm>> -> memref<16x128xi32, #tpu.memory_space<hbm>>
    tpu.enqueue_dma source(%dma_start3A_78 : memref<16x128xi32, #tpu.memory_space<hbm>>) target(%arg7 : memref<16x128xi32, #tpu.memory_space<vmem>>) target_semaphore(%arg14 : memref<!tpu.dma_semaphore, #tpu.memory_space<semaphore_mem>>)
    %dma_start3A_79 = arith.constant 0 : i32
    %dma_start3A_80 = arith.constant 0 : i32
    %dma_start3A_81 = tpu.memref_slice %arg8[%dma_start3A_79, %dma_start3A_80] : memref<16x128xi32, #tpu.memory_space<vmem>> -> memref<1x128xi32, #tpu.memory_space<vmem>>
    %dma_start3A_82 = tpu.memref_squeeze %dma_start3A_81 : memref<1x128xi32, #tpu.memory_space<vmem>> -> memref<128xi32, #tpu.memory_space<vmem>>
    %dma_start3A_83 = arith.constant 0 : i32
    %dma_start3A_84 = arith.constant 0 : i32
    %dma_start3A_85 = tpu.memref_slice %arg2[%dma_start3A_83, %dma_start3A_84] : memref<10240x128xf32, #tpu.memory_space<hbm>> -> memref<10240x128xf32, #tpu.memory_space<hbm>>
    tpu.enqueue_indirect_dma source(%dma_start3A_85 : memref<10240x128xf32, #tpu.memory_space<hbm>>) target(%arg10 : memref<128x128xf32, #tpu.memory_space<vmem>>) offsets(%dma_start3A_82 : memref<128xi32, #tpu.memory_space<vmem>>) semaphore(%arg16 : memref<!tpu.dma_semaphore, #tpu.memory_space<semaphore_mem>>)
    %scan3A_86 = arith.constant 0 : i32
    %scan3A_87 = arith.constant 8 : i32
    %scan3A_88 = arith.addi %scan3A_86, %scan3A_87 : i32
    %scan3A_89 = arith.constant 1 : i32
    scf.for %scan3A_187 = %scan3A_86 to %scan3A_88 step %scan3A_89  : i32 {
      %mul3A_188 = arith.constant 2 : i32
      %mul3A_189 = arith.muli %scan3A_187, %mul3A_188 : i32
      %add3A_190 = arith.constant 0 : i32
      %add3A_191 = arith.addi %add3A_190, %mul3A_189 : i32
      %add3A_192 = arith.constant 1 : i32
      %add3A_193 = arith.addi %add3A_191, %add3A_192 : i32
      %dma_start3A_194 = arith.constant 0 : i32
      %dma_start3A_195 = tpu.memref_slice %arg8[%add3A_193, %dma_start3A_194] : memref<16x128xi32, #tpu.memory_space<vmem>> -> memref<1x128xi32, #tpu.memory_space<vmem>>
      %dma_start3A_196 = tpu.memref_squeeze %dma_start3A_195 : memref<1x128xi32, #tpu.memory_space<vmem>> -> memref<128xi32, #tpu.memory_space<vmem>>
      %dma_start3A_197 = arith.constant 0 : i32
      %dma_start3A_198 = arith.constant 0 : i32
      %dma_start3A_199 = tpu.memref_slice %arg2[%dma_start3A_197, %dma_start3A_198] : memref<10240x128xf32, #tpu.memory_space<hbm>> -> memref<10240x128xf32, #tpu.memory_space<hbm>>
      tpu.enqueue_indirect_dma source(%dma_start3A_199 : memref<10240x128xf32, #tpu.memory_space<hbm>>) target(%arg11 : memref<128x128xf32, #tpu.memory_space<vmem>>) offsets(%dma_start3A_196 : memref<128xi32, #tpu.memory_space<vmem>>) semaphore(%arg17 : memref<!tpu.dma_semaphore, #tpu.memory_space<semaphore_mem>>)
      %dma_wait3A_200 = arith.constant 0 : i32
      %dma_wait3A_201 = tpu.memref_slice %arg8[%add3A_191, %dma_wait3A_200] : memref<16x128xi32, #tpu.memory_space<vmem>> -> memref<1x128xi32, #tpu.memory_space<vmem>>
      %dma_wait3A_202 = tpu.memref_squeeze %dma_wait3A_201 : memref<1x128xi32, #tpu.memory_space<vmem>> -> memref<128xi32, #tpu.memory_space<vmem>>
      %dma_wait3A_203 = arith.constant 0 : i32
      %dma_wait3A_204 = arith.constant 0 : i32
      %dma_wait3A_205 = tpu.memref_slice %arg2[%dma_wait3A_203, %dma_wait3A_204] : memref<10240x128xf32, #tpu.memory_space<hbm>> -> memref<10240x128xf32, #tpu.memory_space<hbm>>
      tpu.wait_indirect_dma semaphore(%arg16 : memref<!tpu.dma_semaphore, #tpu.memory_space<semaphore_mem>>) src(%dma_wait3A_205 : memref<10240x128xf32, #tpu.memory_space<hbm>>) dst(%arg10 : memref<128x128xf32, #tpu.memory_space<vmem>>)
      "tpu.region"() ({
        %run_scoped3A = tpu.sem_alloc : memref<!tpu.dma_semaphore, #tpu.memory_space<semaphore_mem>>
        %dma_start3A_220 = arith.constant 0 : i32
        %dma_start3A_221 = tpu.memref_slice %arg9[%add3A_191, %dma_start3A_220] : memref<16x128xi32, #tpu.memory_space<vmem>> -> memref<1x128xi32, #tpu.memory_space<vmem>>
        %dma_start3A_222 = tpu.memref_squeeze %dma_start3A_221 : memref<1x128xi32, #tpu.memory_space<vmem>> -> memref<128xi32, #tpu.memory_space<vmem>>
        %dma_start3A_223 = arith.constant 0 : i32
        %dma_start3A_224 = arith.constant 0 : i32
        %dma_start3A_225 = tpu.memref_slice %arg13[%dma_start3A_223, %dma_start3A_224] : memref<10240x128xf32, #tpu.memory_space<vmem_shared>> -> memref<10240x128xf32, #tpu.memory_space<vmem_shared>>
        tpu.enqueue_indirect_dma source(%arg10 : memref<128x128xf32, #tpu.memory_space<vmem>>) target(%dma_start3A_225 : memref<10240x128xf32, #tpu.memory_space<vmem_shared>>) offsets(%dma_start3A_222 : memref<128xi32, #tpu.memory_space<vmem>>) semaphore(%run_scoped3A : memref<!tpu.dma_semaphore, #tpu.memory_space<semaphore_mem>>) {add = true}
        %dma_wait3A_226 = arith.constant 0 : i32
        %dma_wait3A_227 = tpu.memref_slice %arg9[%add3A_191, %dma_wait3A_226] : memref<16x128xi32, #tpu.memory_space<vmem>> -> memref<1x128xi32, #tpu.memory_space<vmem>>
        %dma_wait3A_228 = tpu.memref_squeeze %dma_wait3A_227 : memref<1x128xi32, #tpu.memory_space<vmem>> -> memref<128xi32, #tpu.memory_space<vmem>>
        %dma_wait3A_229 = arith.constant 0 : i32
        %dma_wait3A_230 = arith.constant 0 : i32
        %dma_wait3A_231 = tpu.memref_slice %arg13[%dma_wait3A_229, %dma_wait3A_230] : memref<10240x128xf32, #tpu.memory_space<vmem_shared>> -> memref<10240x128xf32, #tpu.memory_space<vmem_shared>>
        tpu.wait_indirect_dma semaphore(%run_scoped3A : memref<!tpu.dma_semaphore, #tpu.memory_space<semaphore_mem>>) src(%arg10 : memref<128x128xf32, #tpu.memory_space<vmem>>) dst(%dma_wait3A_231 : memref<10240x128xf32, #tpu.memory_space<vmem_shared>>)
        tpu.yield
      }) : () -> ()
      %add3A_206 = arith.constant 2 : i32
      %add3A_207 = arith.addi %add3A_191, %add3A_206 : i32
      %lt3A = arith.constant 16 : i32
      %lt3A_208 = arith.cmpi slt, %add3A_207, %lt3A : i32
      %convert_element_type3A = arith.extui %lt3A_208 : i1 to i32
      %cond3A = arith.constant 0 : i32
      %cond3A_209 = arith.cmpi ne, %convert_element_type3A, %cond3A : i32
      scf.if %cond3A_209 {
        %add3A_220 = arith.constant 2 : i32
        %add3A_221 = arith.addi %add3A_191, %add3A_220 : i32
        %dma_start3A_222 = arith.constant 0 : i32
        %dma_start3A_223 = tpu.memref_slice %arg8[%add3A_221, %dma_start3A_222] : memref<16x128xi32, #tpu.memory_space<vmem>> -> memref<1x128xi32, #tpu.memory_space<vmem>>
        %dma_start3A_224 = tpu.memref_squeeze %dma_start3A_223 : memref<1x128xi32, #tpu.memory_space<vmem>> -> memref<128xi32, #tpu.memory_space<vmem>>
        %dma_start3A_225 = arith.constant 0 : i32
        %dma_start3A_226 = arith.constant 0 : i32
        %dma_start3A_227 = tpu.memref_slice %arg2[%dma_start3A_225, %dma_start3A_226] : memref<10240x128xf32, #tpu.memory_space<hbm>> -> memref<10240x128xf32, #tpu.memory_space<hbm>>
        tpu.enqueue_indirect_dma source(%dma_start3A_227 : memref<10240x128xf32, #tpu.memory_space<hbm>>) target(%arg10 : memref<128x128xf32, #tpu.memory_space<vmem>>) offsets(%dma_start3A_224 : memref<128xi32, #tpu.memory_space<vmem>>) semaphore(%arg16 : memref<!tpu.dma_semaphore, #tpu.memory_space<semaphore_mem>>)
      } else {
      }
      %add3A_210 = arith.constant 1 : i32
      %add3A_211 = arith.addi %add3A_191, %add3A_210 : i32
      %dma_wait3A_212 = arith.constant 0 : i32
      %dma_wait3A_213 = tpu.memref_slice %arg8[%add3A_211, %dma_wait3A_212] : memref<16x128xi32, #tpu.memory_space<vmem>> -> memref<1x128xi32, #tpu.memory_space<vmem>>
      %dma_wait3A_214 = tpu.memref_squeeze %dma_wait3A_213 : memref<1x128xi32, #tpu.memory_space<vmem>> -> memref<128xi32, #tpu.memory_space<vmem>>
      %dma_wait3A_215 = arith.constant 0 : i32
      %dma_wait3A_216 = arith.constant 0 : i32
      %dma_wait3A_217 = tpu.memref_slice %arg2[%dma_wait3A_215, %dma_wait3A_216] : memref<10240x128xf32, #tpu.memory_space<hbm>> -> memref<10240x128xf32, #tpu.memory_space<hbm>>
      tpu.wait_indirect_dma semaphore(%arg17 : memref<!tpu.dma_semaphore, #tpu.memory_space<semaphore_mem>>) src(%dma_wait3A_217 : memref<10240x128xf32, #tpu.memory_space<hbm>>) dst(%arg11 : memref<128x128xf32, #tpu.memory_space<vmem>>)
      %add3A_218 = arith.constant 1 : i32
      %add3A_219 = arith.addi %add3A_191, %add3A_218 : i32
      "tpu.region"() ({
        %run_scoped3A = tpu.sem_alloc : memref<!tpu.dma_semaphore, #tpu.memory_space<semaphore_mem>>
        %dma_start3A_220 = arith.constant 0 : i32
        %dma_start3A_221 = tpu.memref_slice %arg9[%add3A_219, %dma_start3A_220] : memref<16x128xi32, #tpu.memory_space<vmem>> -> memref<1x128xi32, #tpu.memory_space<vmem>>
        %dma_start3A_222 = tpu.memref_squeeze %dma_start3A_221 : memref<1x128xi32, #tpu.memory_space<vmem>> -> memref<128xi32, #tpu.memory_space<vmem>>
        %dma_start3A_223 = arith.constant 0 : i32
        %dma_start3A_224 = arith.constant 0 : i32
        %dma_start3A_225 = tpu.memref_slice %arg13[%dma_start3A_223, %dma_start3A_224] : memref<10240x128xf32, #tpu.memory_space<vmem_shared>> -> memref<10240x128xf32, #tpu.memory_space<vmem_shared>>
        tpu.enqueue_indirect_dma source(%arg11 : memref<128x128xf32, #tpu.memory_space<vmem>>) target(%dma_start3A_225 : memref<10240x128xf32, #tpu.memory_space<vmem_shared>>) offsets(%dma_start3A_222 : memref<128xi32, #tpu.memory_space<vmem>>) semaphore(%run_scoped3A : memref<!tpu.dma_semaphore, #tpu.memory_space<semaphore_mem>>) {add = true}
        %dma_wait3A_226 = arith.constant 0 : i32
        %dma_wait3A_227 = tpu.memref_slice %arg9[%add3A_219, %dma_wait3A_226] : memref<16x128xi32, #tpu.memory_space<vmem>> -> memref<1x128xi32, #tpu.memory_space<vmem>>
        %dma_wait3A_228 = tpu.memref_squeeze %dma_wait3A_227 : memref<1x128xi32, #tpu.memory_space<vmem>> -> memref<128xi32, #tpu.memory_space<vmem>>
        %dma_wait3A_229 = arith.constant 0 : i32
        %dma_wait3A_230 = arith.constant 0 : i32
        %dma_wait3A_231 = tpu.memref_slice %arg13[%dma_wait3A_229, %dma_wait3A_230] : memref<10240x128xf32, #tpu.memory_space<vmem_shared>> -> memref<10240x128xf32, #tpu.memory_space<vmem_shared>>
        tpu.wait_indirect_dma semaphore(%run_scoped3A : memref<!tpu.dma_semaphore, #tpu.memory_space<semaphore_mem>>) src(%arg11 : memref<128x128xf32, #tpu.memory_space<vmem>>) dst(%dma_wait3A_231 : memref<10240x128xf32, #tpu.memory_space<vmem_shared>>)
        tpu.yield
      }) : () -> ()
    }
    %scan3A_90 = arith.constant 8 : i32
    %add3A_91 = arith.constant 32 : i32
    %add3A_92 = arith.addi %mul3A_13, %add3A_91 : i32
    %multiple_of3A_93 = tpu.assume_multiple %add3A_92, 8 : i32
    %dma_wait3A_94 = arith.constant 0 : i32
    %dma_wait3A_95 = tpu.memref_slice %arg3[%multiple_of3A_93, %dma_wait3A_94] : memref<2560x128xi32, #tpu.memory_space<hbm>> -> memref<16x128xi32, #tpu.memory_space<hbm>>
    %dma_wait3A_96 = arith.constant 0 : i32
    %dma_wait3A_97 = tpu.memref_slice %arg3[%multiple_of3A_93, %dma_wait3A_96] : memref<2560x128xi32, #tpu.memory_space<hbm>> -> memref<16x128xi32, #tpu.memory_space<hbm>>
    tpu.wait_dma2 semaphore(%arg14 : memref<!tpu.dma_semaphore, #tpu.memory_space<semaphore_mem>>) src(%dma_wait3A_97 : memref<16x128xi32, #tpu.memory_space<hbm>>) dst(%arg6 : memref<16x128xi32, #tpu.memory_space<vmem>>)
    %dma_wait3A_98 = arith.constant 0 : i32
    %dma_wait3A_99 = tpu.memref_slice %arg4[%multiple_of3A_93, %dma_wait3A_98] : memref<2560x128xi32, #tpu.memory_space<hbm>> -> memref<16x128xi32, #tpu.memory_space<hbm>>
    %dma_wait3A_100 = arith.constant 0 : i32
    %dma_wait3A_101 = tpu.memref_slice %arg4[%multiple_of3A_93, %dma_wait3A_100] : memref<2560x128xi32, #tpu.memory_space<hbm>> -> memref<16x128xi32, #tpu.memory_space<hbm>>
    tpu.wait_dma2 semaphore(%arg14 : memref<!tpu.dma_semaphore, #tpu.memory_space<semaphore_mem>>) src(%dma_wait3A_101 : memref<16x128xi32, #tpu.memory_space<hbm>>) dst(%arg7 : memref<16x128xi32, #tpu.memory_space<vmem>>)
    %add3A_102 = arith.constant 48 : i32
    %add3A_103 = arith.addi %mul3A_13, %add3A_102 : i32
    %multiple_of3A_104 = tpu.assume_multiple %add3A_103, 8 : i32
    %dma_start3A_105 = arith.constant 0 : i32
    %dma_start3A_106 = tpu.memref_slice %arg3[%multiple_of3A_104, %dma_start3A_105] : memref<2560x128xi32, #tpu.memory_space<hbm>> -> memref<16x128xi32, #tpu.memory_space<hbm>>
    %dma_start3A_107 = arith.constant 0 : i32
    %dma_start3A_108 = tpu.memref_slice %arg3[%multiple_of3A_104, %dma_start3A_107] : memref<2560x128xi32, #tpu.memory_space<hbm>> -> memref<16x128xi32, #tpu.memory_space<hbm>>
    tpu.enqueue_dma source(%dma_start3A_108 : memref<16x128xi32, #tpu.memory_space<hbm>>) target(%arg8 : memref<16x128xi32, #tpu.memory_space<vmem>>) target_semaphore(%arg15 : memref<!tpu.dma_semaphore, #tpu.memory_space<semaphore_mem>>)
    %dma_start3A_109 = arith.constant 0 : i32
    %dma_start3A_110 = tpu.memref_slice %arg4[%multiple_of3A_104, %dma_start3A_109] : memref<2560x128xi32, #tpu.memory_space<hbm>> -> memref<16x128xi32, #tpu.memory_space<hbm>>
    %dma_start3A_111 = arith.constant 0 : i32
    %dma_start3A_112 = tpu.memref_slice %arg4[%multiple_of3A_104, %dma_start3A_111] : memref<2560x128xi32, #tpu.memory_space<hbm>> -> memref<16x128xi32, #tpu.memory_space<hbm>>
    tpu.enqueue_dma source(%dma_start3A_112 : memref<16x128xi32, #tpu.memory_space<hbm>>) target(%arg9 : memref<16x128xi32, #tpu.memory_space<vmem>>) target_semaphore(%arg15 : memref<!tpu.dma_semaphore, #tpu.memory_space<semaphore_mem>>)
    %dma_start3A_113 = arith.constant 0 : i32
    %dma_start3A_114 = arith.constant 0 : i32
    %dma_start3A_115 = tpu.memref_slice %arg6[%dma_start3A_113, %dma_start3A_114] : memref<16x128xi32, #tpu.memory_space<vmem>> -> memref<1x128xi32, #tpu.memory_space<vmem>>
    %dma_start3A_116 = tpu.memref_squeeze %dma_start3A_115 : memref<1x128xi32, #tpu.memory_space<vmem>> -> memref<128xi32, #tpu.memory_space<vmem>>
    %dma_start3A_117 = arith.constant 0 : i32
    %dma_start3A_118 = arith.constant 0 : i32
    %dma_start3A_119 = tpu.memref_slice %arg2[%dma_start3A_117, %dma_start3A_118] : memref<10240x128xf32, #tpu.memory_space<hbm>> -> memref<10240x128xf32, #tpu.memory_space<hbm>>
    tpu.enqueue_indirect_dma source(%dma_start3A_119 : memref<10240x128xf32, #tpu.memory_space<hbm>>) target(%arg10 : memref<128x128xf32, #tpu.memory_space<vmem>>) offsets(%dma_start3A_116 : memref<128xi32, #tpu.memory_space<vmem>>) semaphore(%arg16 : memref<!tpu.dma_semaphore, #tpu.memory_space<semaphore_mem>>)
    %scan3A_120 = arith.constant 0 : i32
    %scan3A_121 = arith.constant 8 : i32
    %scan3A_122 = arith.addi %scan3A_120, %scan3A_121 : i32
    %scan3A_123 = arith.constant 1 : i32
    scf.for %scan3A_187 = %scan3A_120 to %scan3A_122 step %scan3A_123  : i32 {
      %mul3A_188 = arith.constant 2 : i32
      %mul3A_189 = arith.muli %scan3A_187, %mul3A_188 : i32
      %add3A_190 = arith.constant 0 : i32
      %add3A_191 = arith.addi %add3A_190, %mul3A_189 : i32
      %add3A_192 = arith.constant 1 : i32
      %add3A_193 = arith.addi %add3A_191, %add3A_192 : i32
      %dma_start3A_194 = arith.constant 0 : i32
      %dma_start3A_195 = tpu.memref_slice %arg6[%add3A_193, %dma_start3A_194] : memref<16x128xi32, #tpu.memory_space<vmem>> -> memref<1x128xi32, #tpu.memory_space<vmem>>
      %dma_start3A_196 = tpu.memref_squeeze %dma_start3A_195 : memref<1x128xi32, #tpu.memory_space<vmem>> -> memref<128xi32, #tpu.memory_space<vmem>>
      %dma_start3A_197 = arith.constant 0 : i32
      %dma_start3A_198 = arith.constant 0 : i32
      %dma_start3A_199 = tpu.memref_slice %arg2[%dma_start3A_197, %dma_start3A_198] : memref<10240x128xf32, #tpu.memory_space<hbm>> -> memref<10240x128xf32, #tpu.memory_space<hbm>>
      tpu.enqueue_indirect_dma source(%dma_start3A_199 : memref<10240x128xf32, #tpu.memory_space<hbm>>) target(%arg11 : memref<128x128xf32, #tpu.memory_space<vmem>>) offsets(%dma_start3A_196 : memref<128xi32, #tpu.memory_space<vmem>>) semaphore(%arg17 : memref<!tpu.dma_semaphore, #tpu.memory_space<semaphore_mem>>)
      %dma_wait3A_200 = arith.constant 0 : i32
      %dma_wait3A_201 = tpu.memref_slice %arg6[%add3A_191, %dma_wait3A_200] : memref<16x128xi32, #tpu.memory_space<vmem>> -> memref<1x128xi32, #tpu.memory_space<vmem>>
      %dma_wait3A_202 = tpu.memref_squeeze %dma_wait3A_201 : memref<1x128xi32, #tpu.memory_space<vmem>> -> memref<128xi32, #tpu.memory_space<vmem>>
      %dma_wait3A_203 = arith.constant 0 : i32
      %dma_wait3A_204 = arith.constant 0 : i32
      %dma_wait3A_205 = tpu.memref_slice %arg2[%dma_wait3A_203, %dma_wait3A_204] : memref<10240x128xf32, #tpu.memory_space<hbm>> -> memref<10240x128xf32, #tpu.memory_space<hbm>>
      tpu.wait_indirect_dma semaphore(%arg16 : memref<!tpu.dma_semaphore, #tpu.memory_space<semaphore_mem>>) src(%dma_wait3A_205 : memref<10240x128xf32, #tpu.memory_space<hbm>>) dst(%arg10 : memref<128x128xf32, #tpu.memory_space<vmem>>)
      "tpu.region"() ({
        %run_scoped3A = tpu.sem_alloc : memref<!tpu.dma_semaphore, #tpu.memory_space<semaphore_mem>>
        %dma_start3A_220 = arith.constant 0 : i32
        %dma_start3A_221 = tpu.memref_slice %arg7[%add3A_191, %dma_start3A_220] : memref<16x128xi32, #tpu.memory_space<vmem>> -> memref<1x128xi32, #tpu.memory_space<vmem>>
        %dma_start3A_222 = tpu.memref_squeeze %dma_start3A_221 : memref<1x128xi32, #tpu.memory_space<vmem>> -> memref<128xi32, #tpu.memory_space<vmem>>
        %dma_start3A_223 = arith.constant 0 : i32
        %dma_start3A_224 = arith.constant 0 : i32
        %dma_start3A_225 = tpu.memref_slice %arg13[%dma_start3A_223, %dma_start3A_224] : memref<10240x128xf32, #tpu.memory_space<vmem_shared>> -> memref<10240x128xf32, #tpu.memory_space<vmem_shared>>
        tpu.enqueue_indirect_dma source(%arg10 : memref<128x128xf32, #tpu.memory_space<vmem>>) target(%dma_start3A_225 : memref<10240x128xf32, #tpu.memory_space<vmem_shared>>) offsets(%dma_start3A_222 : memref<128xi32, #tpu.memory_space<vmem>>) semaphore(%run_scoped3A : memref<!tpu.dma_semaphore, #tpu.memory_space<semaphore_mem>>) {add = true}
        %dma_wait3A_226 = arith.constant 0 : i32
        %dma_wait3A_227 = tpu.memref_slice %arg7[%add3A_191, %dma_wait3A_226] : memref<16x128xi32, #tpu.memory_space<vmem>> -> memref<1x128xi32, #tpu.memory_space<vmem>>
        %dma_wait3A_228 = tpu.memref_squeeze %dma_wait3A_227 : memref<1x128xi32, #tpu.memory_space<vmem>> -> memref<128xi32, #tpu.memory_space<vmem>>
        %dma_wait3A_229 = arith.constant 0 : i32
        %dma_wait3A_230 = arith.constant 0 : i32
        %dma_wait3A_231 = tpu.memref_slice %arg13[%dma_wait3A_229, %dma_wait3A_230] : memref<10240x128xf32, #tpu.memory_space<vmem_shared>> -> memref<10240x128xf32, #tpu.memory_space<vmem_shared>>
        tpu.wait_indirect_dma semaphore(%run_scoped3A : memref<!tpu.dma_semaphore, #tpu.memory_space<semaphore_mem>>) src(%arg10 : memref<128x128xf32, #tpu.memory_space<vmem>>) dst(%dma_wait3A_231 : memref<10240x128xf32, #tpu.memory_space<vmem_shared>>)
        tpu.yield
      }) : () -> ()
      %add3A_206 = arith.constant 2 : i32
      %add3A_207 = arith.addi %add3A_191, %add3A_206 : i32
      %lt3A = arith.constant 16 : i32
      %lt3A_208 = arith.cmpi slt, %add3A_207, %lt3A : i32
      %convert_element_type3A = arith.extui %lt3A_208 : i1 to i32
      %cond3A = arith.constant 0 : i32
      %cond3A_209 = arith.cmpi ne, %convert_element_type3A, %cond3A : i32
      scf.if %cond3A_209 {
        %add3A_220 = arith.constant 2 : i32
        %add3A_221 = arith.addi %add3A_191, %add3A_220 : i32
        %dma_start3A_222 = arith.constant 0 : i32
        %dma_start3A_223 = tpu.memref_slice %arg6[%add3A_221, %dma_start3A_222] : memref<16x128xi32, #tpu.memory_space<vmem>> -> memref<1x128xi32, #tpu.memory_space<vmem>>
        %dma_start3A_224 = tpu.memref_squeeze %dma_start3A_223 : memref<1x128xi32, #tpu.memory_space<vmem>> -> memref<128xi32, #tpu.memory_space<vmem>>
        %dma_start3A_225 = arith.constant 0 : i32
        %dma_start3A_226 = arith.constant 0 : i32
        %dma_start3A_227 = tpu.memref_slice %arg2[%dma_start3A_225, %dma_start3A_226] : memref<10240x128xf32, #tpu.memory_space<hbm>> -> memref<10240x128xf32, #tpu.memory_space<hbm>>
        tpu.enqueue_indirect_dma source(%dma_start3A_227 : memref<10240x128xf32, #tpu.memory_space<hbm>>) target(%arg10 : memref<128x128xf32, #tpu.memory_space<vmem>>) offsets(%dma_start3A_224 : memref<128xi32, #tpu.memory_space<vmem>>) semaphore(%arg16 : memref<!tpu.dma_semaphore, #tpu.memory_space<semaphore_mem>>)
      } else {
      }
      %add3A_210 = arith.constant 1 : i32
      %add3A_211 = arith.addi %add3A_191, %add3A_210 : i32
      %dma_wait3A_212 = arith.constant 0 : i32
      %dma_wait3A_213 = tpu.memref_slice %arg6[%add3A_211, %dma_wait3A_212] : memref<16x128xi32, #tpu.memory_space<vmem>> -> memref<1x128xi32, #tpu.memory_space<vmem>>
      %dma_wait3A_214 = tpu.memref_squeeze %dma_wait3A_213 : memref<1x128xi32, #tpu.memory_space<vmem>> -> memref<128xi32, #tpu.memory_space<vmem>>
      %dma_wait3A_215 = arith.constant 0 : i32
      %dma_wait3A_216 = arith.constant 0 : i32
      %dma_wait3A_217 = tpu.memref_slice %arg2[%dma_wait3A_215, %dma_wait3A_216] : memref<10240x128xf32, #tpu.memory_space<hbm>> -> memref<10240x128xf32, #tpu.memory_space<hbm>>
      tpu.wait_indirect_dma semaphore(%arg17 : memref<!tpu.dma_semaphore, #tpu.memory_space<semaphore_mem>>) src(%dma_wait3A_217 : memref<10240x128xf32, #tpu.memory_space<hbm>>) dst(%arg11 : memref<128x128xf32, #tpu.memory_space<vmem>>)
      %add3A_218 = arith.constant 1 : i32
      %add3A_219 = arith.addi %add3A_191, %add3A_218 : i32
      "tpu.region"() ({
        %run_scoped3A = tpu.sem_alloc : memref<!tpu.dma_semaphore, #tpu.memory_space<semaphore_mem>>
        %dma_start3A_220 = arith.constant 0 : i32
        %dma_start3A_221 = tpu.memref_slice %arg7[%add3A_219, %dma_start3A_220] : memref<16x128xi32, #tpu.memory_space<vmem>> -> memref<1x128xi32, #tpu.memory_space<vmem>>
        %dma_start3A_222 = tpu.memref_squeeze %dma_start3A_221 : memref<1x128xi32, #tpu.memory_space<vmem>> -> memref<128xi32, #tpu.memory_space<vmem>>
        %dma_start3A_223 = arith.constant 0 : i32
        %dma_start3A_224 = arith.constant 0 : i32
        %dma_start3A_225 = tpu.memref_slice %arg13[%dma_start3A_223, %dma_start3A_224] : memref<10240x128xf32, #tpu.memory_space<vmem_shared>> -> memref<10240x128xf32, #tpu.memory_space<vmem_shared>>
        tpu.enqueue_indirect_dma source(%arg11 : memref<128x128xf32, #tpu.memory_space<vmem>>) target(%dma_start3A_225 : memref<10240x128xf32, #tpu.memory_space<vmem_shared>>) offsets(%dma_start3A_222 : memref<128xi32, #tpu.memory_space<vmem>>) semaphore(%run_scoped3A : memref<!tpu.dma_semaphore, #tpu.memory_space<semaphore_mem>>) {add = true}
        %dma_wait3A_226 = arith.constant 0 : i32
        %dma_wait3A_227 = tpu.memref_slice %arg7[%add3A_219, %dma_wait3A_226] : memref<16x128xi32, #tpu.memory_space<vmem>> -> memref<1x128xi32, #tpu.memory_space<vmem>>
        %dma_wait3A_228 = tpu.memref_squeeze %dma_wait3A_227 : memref<1x128xi32, #tpu.memory_space<vmem>> -> memref<128xi32, #tpu.memory_space<vmem>>
        %dma_wait3A_229 = arith.constant 0 : i32
        %dma_wait3A_230 = arith.constant 0 : i32
        %dma_wait3A_231 = tpu.memref_slice %arg13[%dma_wait3A_229, %dma_wait3A_230] : memref<10240x128xf32, #tpu.memory_space<vmem_shared>> -> memref<10240x128xf32, #tpu.memory_space<vmem_shared>>
        tpu.wait_indirect_dma semaphore(%run_scoped3A : memref<!tpu.dma_semaphore, #tpu.memory_space<semaphore_mem>>) src(%arg11 : memref<128x128xf32, #tpu.memory_space<vmem>>) dst(%dma_wait3A_231 : memref<10240x128xf32, #tpu.memory_space<vmem_shared>>)
        tpu.yield
      }) : () -> ()
    }
    %scan3A_124 = arith.constant 8 : i32
    %add3A_125 = arith.constant 48 : i32
    %add3A_126 = arith.addi %mul3A_13, %add3A_125 : i32
    %multiple_of3A_127 = tpu.assume_multiple %add3A_126, 8 : i32
    %dma_wait3A_128 = arith.constant 0 : i32
    %dma_wait3A_129 = tpu.memref_slice %arg3[%multiple_of3A_127, %dma_wait3A_128] : memref<2560x128xi32, #tpu.memory_space<hbm>> -> memref<16x128xi32, #tpu.memory_space<hbm>>
    %dma_wait3A_130 = arith.constant 0 : i32
    %dma_wait3A_131 = tpu.memref_slice %arg3[%multiple_of3A_127, %dma_wait3A_130] : memref<2560x128xi32, #tpu.memory_space<hbm>> -> memref<16x128xi32, #tpu.memory_space<hbm>>
    tpu.wait_dma2 semaphore(%arg15 : memref<!tpu.dma_semaphore, #tpu.memory_space<semaphore_mem>>) src(%dma_wait3A_131 : memref<16x128xi32, #tpu.memory_space<hbm>>) dst(%arg8 : memref<16x128xi32, #tpu.memory_space<vmem>>)
    %dma_wait3A_132 = arith.constant 0 : i32
    %dma_wait3A_133 = tpu.memref_slice %arg4[%multiple_of3A_127, %dma_wait3A_132] : memref<2560x128xi32, #tpu.memory_space<hbm>> -> memref<16x128xi32, #tpu.memory_space<hbm>>
    %dma_wait3A_134 = arith.constant 0 : i32
    %dma_wait3A_135 = tpu.memref_slice %arg4[%multiple_of3A_127, %dma_wait3A_134] : memref<2560x128xi32, #tpu.memory_space<hbm>> -> memref<16x128xi32, #tpu.memory_space<hbm>>
    tpu.wait_dma2 semaphore(%arg15 : memref<!tpu.dma_semaphore, #tpu.memory_space<semaphore_mem>>) src(%dma_wait3A_135 : memref<16x128xi32, #tpu.memory_space<hbm>>) dst(%arg9 : memref<16x128xi32, #tpu.memory_space<vmem>>)
    %add3A_136 = arith.constant 64 : i32
    %add3A_137 = arith.addi %mul3A_13, %add3A_136 : i32
    %multiple_of3A_138 = tpu.assume_multiple %add3A_137, 8 : i32
    %dma_start3A_139 = arith.constant 0 : i32
    %dma_start3A_140 = tpu.memref_slice %arg3[%multiple_of3A_138, %dma_start3A_139] : memref<2560x128xi32, #tpu.memory_space<hbm>> -> memref<16x128xi32, #tpu.memory_space<hbm>>
    %dma_start3A_141 = arith.constant 0 : i32
    %dma_start3A_142 = tpu.memref_slice %arg3[%multiple_of3A_138, %dma_start3A_141] : memref<2560x128xi32, #tpu.memory_space<hbm>> -> memref<16x128xi32, #tpu.memory_space<hbm>>
    tpu.enqueue_dma source(%dma_start3A_142 : memref<16x128xi32, #tpu.memory_space<hbm>>) target(%arg6 : memref<16x128xi32, #tpu.memory_space<vmem>>) target_semaphore(%arg14 : memref<!tpu.dma_semaphore, #tpu.memory_space<semaphore_mem>>)
    %dma_start3A_143 = arith.constant 0 : i32
    %dma_start3A_144 = tpu.memref_slice %arg4[%multiple_of3A_138, %dma_start3A_143] : memref<2560x128xi32, #tpu.memory_space<hbm>> -> memref<16x128xi32, #tpu.memory_space<hbm>>
    %dma_start3A_145 = arith.constant 0 : i32
    %dma_start3A_146 = tpu.memref_slice %arg4[%multiple_of3A_138, %dma_start3A_145] : memref<2560x128xi32, #tpu.memory_space<hbm>> -> memref<16x128xi32, #tpu.memory_space<hbm>>
    tpu.enqueue_dma source(%dma_start3A_146 : memref<16x128xi32, #tpu.memory_space<hbm>>) target(%arg7 : memref<16x128xi32, #tpu.memory_space<vmem>>) target_semaphore(%arg14 : memref<!tpu.dma_semaphore, #tpu.memory_space<semaphore_mem>>)
    %dma_start3A_147 = arith.constant 0 : i32
    %dma_start3A_148 = arith.constant 0 : i32
    %dma_start3A_149 = tpu.memref_slice %arg8[%dma_start3A_147, %dma_start3A_148] : memref<16x128xi32, #tpu.memory_space<vmem>> -> memref<1x128xi32, #tpu.memory_space<vmem>>
    %dma_start3A_150 = tpu.memref_squeeze %dma_start3A_149 : memref<1x128xi32, #tpu.memory_space<vmem>> -> memref<128xi32, #tpu.memory_space<vmem>>
    %dma_start3A_151 = arith.constant 0 : i32
    %dma_start3A_152 = arith.constant 0 : i32
    %dma_start3A_153 = tpu.memref_slice %arg2[%dma_start3A_151, %dma_start3A_152] : memref<10240x128xf32, #tpu.memory_space<hbm>> -> memref<10240x128xf32, #tpu.memory_space<hbm>>
    tpu.enqueue_indirect_dma source(%dma_start3A_153 : memref<10240x128xf32, #tpu.memory_space<hbm>>) target(%arg10 : memref<128x128xf32, #tpu.memory_space<vmem>>) offsets(%dma_start3A_150 : memref<128xi32, #tpu.memory_space<vmem>>) semaphore(%arg16 : memref<!tpu.dma_semaphore, #tpu.memory_space<semaphore_mem>>)
    %scan3A_154 = arith.constant 0 : i32
    %scan3A_155 = arith.constant 8 : i32
    %scan3A_156 = arith.addi %scan3A_154, %scan3A_155 : i32
    %scan3A_157 = arith.constant 1 : i32
    scf.for %scan3A_187 = %scan3A_154 to %scan3A_156 step %scan3A_157  : i32 {
      %mul3A_188 = arith.constant 2 : i32
      %mul3A_189 = arith.muli %scan3A_187, %mul3A_188 : i32
      %add3A_190 = arith.constant 0 : i32
      %add3A_191 = arith.addi %add3A_190, %mul3A_189 : i32
      %add3A_192 = arith.constant 1 : i32
      %add3A_193 = arith.addi %add3A_191, %add3A_192 : i32
      %dma_start3A_194 = arith.constant 0 : i32
      %dma_start3A_195 = tpu.memref_slice %arg8[%add3A_193, %dma_start3A_194] : memref<16x128xi32, #tpu.memory_space<vmem>> -> memref<1x128xi32, #tpu.memory_space<vmem>>
      %dma_start3A_196 = tpu.memref_squeeze %dma_start3A_195 : memref<1x128xi32, #tpu.memory_space<vmem>> -> memref<128xi32, #tpu.memory_space<vmem>>
      %dma_start3A_197 = arith.constant 0 : i32
      %dma_start3A_198 = arith.constant 0 : i32
      %dma_start3A_199 = tpu.memref_slice %arg2[%dma_start3A_197, %dma_start3A_198] : memref<10240x128xf32, #tpu.memory_space<hbm>> -> memref<10240x128xf32, #tpu.memory_space<hbm>>
      tpu.enqueue_indirect_dma source(%dma_start3A_199 : memref<10240x128xf32, #tpu.memory_space<hbm>>) target(%arg11 : memref<128x128xf32, #tpu.memory_space<vmem>>) offsets(%dma_start3A_196 : memref<128xi32, #tpu.memory_space<vmem>>) semaphore(%arg17 : memref<!tpu.dma_semaphore, #tpu.memory_space<semaphore_mem>>)
      %dma_wait3A_200 = arith.constant 0 : i32
      %dma_wait3A_201 = tpu.memref_slice %arg8[%add3A_191, %dma_wait3A_200] : memref<16x128xi32, #tpu.memory_space<vmem>> -> memref<1x128xi32, #tpu.memory_space<vmem>>
      %dma_wait3A_202 = tpu.memref_squeeze %dma_wait3A_201 : memref<1x128xi32, #tpu.memory_space<vmem>> -> memref<128xi32, #tpu.memory_space<vmem>>
      %dma_wait3A_203 = arith.constant 0 : i32
      %dma_wait3A_204 = arith.constant 0 : i32
      %dma_wait3A_205 = tpu.memref_slice %arg2[%dma_wait3A_203, %dma_wait3A_204] : memref<10240x128xf32, #tpu.memory_space<hbm>> -> memref<10240x128xf32, #tpu.memory_space<hbm>>
      tpu.wait_indirect_dma semaphore(%arg16 : memref<!tpu.dma_semaphore, #tpu.memory_space<semaphore_mem>>) src(%dma_wait3A_205 : memref<10240x128xf32, #tpu.memory_space<hbm>>) dst(%arg10 : memref<128x128xf32, #tpu.memory_space<vmem>>)
      "tpu.region"() ({
        %run_scoped3A = tpu.sem_alloc : memref<!tpu.dma_semaphore, #tpu.memory_space<semaphore_mem>>
        %dma_start3A_220 = arith.constant 0 : i32
        %dma_start3A_221 = tpu.memref_slice %arg9[%add3A_191, %dma_start3A_220] : memref<16x128xi32, #tpu.memory_space<vmem>> -> memref<1x128xi32, #tpu.memory_space<vmem>>
        %dma_start3A_222 = tpu.memref_squeeze %dma_start3A_221 : memref<1x128xi32, #tpu.memory_space<vmem>> -> memref<128xi32, #tpu.memory_space<vmem>>
        %dma_start3A_223 = arith.constant 0 : i32
        %dma_start3A_224 = arith.constant 0 : i32
        %dma_start3A_225 = tpu.memref_slice %arg13[%dma_start3A_223, %dma_start3A_224] : memref<10240x128xf32, #tpu.memory_space<vmem_shared>> -> memref<10240x128xf32, #tpu.memory_space<vmem_shared>>
        tpu.enqueue_indirect_dma source(%arg10 : memref<128x128xf32, #tpu.memory_space<vmem>>) target(%dma_start3A_225 : memref<10240x128xf32, #tpu.memory_space<vmem_shared>>) offsets(%dma_start3A_222 : memref<128xi32, #tpu.memory_space<vmem>>) semaphore(%run_scoped3A : memref<!tpu.dma_semaphore, #tpu.memory_space<semaphore_mem>>) {add = true}
        %dma_wait3A_226 = arith.constant 0 : i32
        %dma_wait3A_227 = tpu.memref_slice %arg9[%add3A_191, %dma_wait3A_226] : memref<16x128xi32, #tpu.memory_space<vmem>> -> memref<1x128xi32, #tpu.memory_space<vmem>>
        %dma_wait3A_228 = tpu.memref_squeeze %dma_wait3A_227 : memref<1x128xi32, #tpu.memory_space<vmem>> -> memref<128xi32, #tpu.memory_space<vmem>>
        %dma_wait3A_229 = arith.constant 0 : i32
        %dma_wait3A_230 = arith.constant 0 : i32
        %dma_wait3A_231 = tpu.memref_slice %arg13[%dma_wait3A_229, %dma_wait3A_230] : memref<10240x128xf32, #tpu.memory_space<vmem_shared>> -> memref<10240x128xf32, #tpu.memory_space<vmem_shared>>
        tpu.wait_indirect_dma semaphore(%run_scoped3A : memref<!tpu.dma_semaphore, #tpu.memory_space<semaphore_mem>>) src(%arg10 : memref<128x128xf32, #tpu.memory_space<vmem>>) dst(%dma_wait3A_231 : memref<10240x128xf32, #tpu.memory_space<vmem_shared>>)
        tpu.yield
      }) : () -> ()
      %add3A_206 = arith.constant 2 : i32
      %add3A_207 = arith.addi %add3A_191, %add3A_206 : i32
      %lt3A = arith.constant 16 : i32
      %lt3A_208 = arith.cmpi slt, %add3A_207, %lt3A : i32
      %convert_element_type3A = arith.extui %lt3A_208 : i1 to i32
      %cond3A = arith.constant 0 : i32
      %cond3A_209 = arith.cmpi ne, %convert_element_type3A, %cond3A : i32
      scf.if %cond3A_209 {
        %add3A_220 = arith.constant 2 : i32
        %add3A_221 = arith.addi %add3A_191, %add3A_220 : i32
        %dma_start3A_222 = arith.constant 0 : i32
        %dma_start3A_223 = tpu.memref_slice %arg8[%add3A_221, %dma_start3A_222] : memref<16x128xi32, #tpu.memory_space<vmem>> -> memref<1x128xi32, #tpu.memory_space<vmem>>
        %dma_start3A_224 = tpu.memref_squeeze %dma_start3A_223 : memref<1x128xi32, #tpu.memory_space<vmem>> -> memref<128xi32, #tpu.memory_space<vmem>>
        %dma_start3A_225 = arith.constant 0 : i32
        %dma_start3A_226 = arith.constant 0 : i32
        %dma_start3A_227 = tpu.memref_slice %arg2[%dma_start3A_225, %dma_start3A_226] : memref<10240x128xf32, #tpu.memory_space<hbm>> -> memref<10240x128xf32, #tpu.memory_space<hbm>>
        tpu.enqueue_indirect_dma source(%dma_start3A_227 : memref<10240x128xf32, #tpu.memory_space<hbm>>) target(%arg10 : memref<128x128xf32, #tpu.memory_space<vmem>>) offsets(%dma_start3A_224 : memref<128xi32, #tpu.memory_space<vmem>>) semaphore(%arg16 : memref<!tpu.dma_semaphore, #tpu.memory_space<semaphore_mem>>)
      } else {
      }
      %add3A_210 = arith.constant 1 : i32
      %add3A_211 = arith.addi %add3A_191, %add3A_210 : i32
      %dma_wait3A_212 = arith.constant 0 : i32
      %dma_wait3A_213 = tpu.memref_slice %arg8[%add3A_211, %dma_wait3A_212] : memref<16x128xi32, #tpu.memory_space<vmem>> -> memref<1x128xi32, #tpu.memory_space<vmem>>
      %dma_wait3A_214 = tpu.memref_squeeze %dma_wait3A_213 : memref<1x128xi32, #tpu.memory_space<vmem>> -> memref<128xi32, #tpu.memory_space<vmem>>
      %dma_wait3A_215 = arith.constant 0 : i32
      %dma_wait3A_216 = arith.constant 0 : i32
      %dma_wait3A_217 = tpu.memref_slice %arg2[%dma_wait3A_215, %dma_wait3A_216] : memref<10240x128xf32, #tpu.memory_space<hbm>> -> memref<10240x128xf32, #tpu.memory_space<hbm>>
      tpu.wait_indirect_dma semaphore(%arg17 : memref<!tpu.dma_semaphore, #tpu.memory_space<semaphore_mem>>) src(%dma_wait3A_217 : memref<10240x128xf32, #tpu.memory_space<hbm>>) dst(%arg11 : memref<128x128xf32, #tpu.memory_space<vmem>>)
      %add3A_218 = arith.constant 1 : i32
      %add3A_219 = arith.addi %add3A_191, %add3A_218 : i32
      "tpu.region"() ({
        %run_scoped3A = tpu.sem_alloc : memref<!tpu.dma_semaphore, #tpu.memory_space<semaphore_mem>>
        %dma_start3A_220 = arith.constant 0 : i32
        %dma_start3A_221 = tpu.memref_slice %arg9[%add3A_219, %dma_start3A_220] : memref<16x128xi32, #tpu.memory_space<vmem>> -> memref<1x128xi32, #tpu.memory_space<vmem>>
        %dma_start3A_222 = tpu.memref_squeeze %dma_start3A_221 : memref<1x128xi32, #tpu.memory_space<vmem>> -> memref<128xi32, #tpu.memory_space<vmem>>
        %dma_start3A_223 = arith.constant 0 : i32
        %dma_start3A_224 = arith.constant 0 : i32
        %dma_start3A_225 = tpu.memref_slice %arg13[%dma_start3A_223, %dma_start3A_224] : memref<10240x128xf32, #tpu.memory_space<vmem_shared>> -> memref<10240x128xf32, #tpu.memory_space<vmem_shared>>
        tpu.enqueue_indirect_dma source(%arg11 : memref<128x128xf32, #tpu.memory_space<vmem>>) target(%dma_start3A_225 : memref<10240x128xf32, #tpu.memory_space<vmem_shared>>) offsets(%dma_start3A_222 : memref<128xi32, #tpu.memory_space<vmem>>) semaphore(%run_scoped3A : memref<!tpu.dma_semaphore, #tpu.memory_space<semaphore_mem>>) {add = true}
        %dma_wait3A_226 = arith.constant 0 : i32
        %dma_wait3A_227 = tpu.memref_slice %arg9[%add3A_219, %dma_wait3A_226] : memref<16x128xi32, #tpu.memory_space<vmem>> -> memref<1x128xi32, #tpu.memory_space<vmem>>
        %dma_wait3A_228 = tpu.memref_squeeze %dma_wait3A_227 : memref<1x128xi32, #tpu.memory_space<vmem>> -> memref<128xi32, #tpu.memory_space<vmem>>
        %dma_wait3A_229 = arith.constant 0 : i32
        %dma_wait3A_230 = arith.constant 0 : i32
        %dma_wait3A_231 = tpu.memref_slice %arg13[%dma_wait3A_229, %dma_wait3A_230] : memref<10240x128xf32, #tpu.memory_space<vmem_shared>> -> memref<10240x128xf32, #tpu.memory_space<vmem_shared>>
        tpu.wait_indirect_dma semaphore(%run_scoped3A : memref<!tpu.dma_semaphore, #tpu.memory_space<semaphore_mem>>) src(%arg11 : memref<128x128xf32, #tpu.memory_space<vmem>>) dst(%dma_wait3A_231 : memref<10240x128xf32, #tpu.memory_space<vmem_shared>>)
        tpu.yield
      }) : () -> ()
    }
    %scan3A_158 = arith.constant 8 : i32
    %add3A_159 = arith.constant 64 : i32
    %add3A_160 = arith.addi %mul3A_13, %add3A_159 : i32
    %multiple_of3A_161 = tpu.assume_multiple %add3A_160, 8 : i32
    %dma_wait3A_162 = arith.constant 0 : i32
    %dma_wait3A_163 = tpu.memref_slice %arg3[%multiple_of3A_161, %dma_wait3A_162] : memref<2560x128xi32, #tpu.memory_space<hbm>> -> memref<16x128xi32, #tpu.memory_space<hbm>>
    %dma_wait3A_164 = arith.constant 0 : i32
    %dma_wait3A_165 = tpu.memref_slice %arg3[%multiple_of3A_161, %dma_wait3A_164] : memref<2560x128xi32, #tpu.memory_space<hbm>> -> memref<16x128xi32, #tpu.memory_space<hbm>>
    tpu.wait_dma2 semaphore(%arg14 : memref<!tpu.dma_semaphore, #tpu.memory_space<semaphore_mem>>) src(%dma_wait3A_165 : memref<16x128xi32, #tpu.memory_space<hbm>>) dst(%arg6 : memref<16x128xi32, #tpu.memory_space<vmem>>)
    %dma_wait3A_166 = arith.constant 0 : i32
    %dma_wait3A_167 = tpu.memref_slice %arg4[%multiple_of3A_161, %dma_wait3A_166] : memref<2560x128xi32, #tpu.memory_space<hbm>> -> memref<16x128xi32, #tpu.memory_space<hbm>>
    %dma_wait3A_168 = arith.constant 0 : i32
    %dma_wait3A_169 = tpu.memref_slice %arg4[%multiple_of3A_161, %dma_wait3A_168] : memref<2560x128xi32, #tpu.memory_space<hbm>> -> memref<16x128xi32, #tpu.memory_space<hbm>>
    tpu.wait_dma2 semaphore(%arg14 : memref<!tpu.dma_semaphore, #tpu.memory_space<semaphore_mem>>) src(%dma_wait3A_169 : memref<16x128xi32, #tpu.memory_space<hbm>>) dst(%arg7 : memref<16x128xi32, #tpu.memory_space<vmem>>)
    %dma_start3A_170 = arith.constant 0 : i32
    %dma_start3A_171 = arith.constant 0 : i32
    %dma_start3A_172 = tpu.memref_slice %arg6[%dma_start3A_170, %dma_start3A_171] : memref<16x128xi32, #tpu.memory_space<vmem>> -> memref<1x128xi32, #tpu.memory_space<vmem>>
    %dma_start3A_173 = tpu.memref_squeeze %dma_start3A_172 : memref<1x128xi32, #tpu.memory_space<vmem>> -> memref<128xi32, #tpu.memory_space<vmem>>
    %dma_start3A_174 = arith.constant 0 : i32
    %dma_start3A_175 = arith.constant 0 : i32
    %dma_start3A_176 = tpu.memref_slice %arg2[%dma_start3A_174, %dma_start3A_175] : memref<10240x128xf32, #tpu.memory_space<hbm>> -> memref<10240x128xf32, #tpu.memory_space<hbm>>
    tpu.enqueue_indirect_dma source(%dma_start3A_176 : memref<10240x128xf32, #tpu.memory_space<hbm>>) target(%arg10 : memref<128x128xf32, #tpu.memory_space<vmem>>) offsets(%dma_start3A_173 : memref<128xi32, #tpu.memory_space<vmem>>) semaphore(%arg16 : memref<!tpu.dma_semaphore, #tpu.memory_space<semaphore_mem>>)
    %scan3A_177 = arith.constant 0 : i32
    %scan3A_178 = arith.constant 8 : i32
    %scan3A_179 = arith.addi %scan3A_177, %scan3A_178 : i32
    %scan3A_180 = arith.constant 1 : i32
    scf.for %scan3A_187 = %scan3A_177 to %scan3A_179 step %scan3A_180  : i32 {
      %mul3A_188 = arith.constant 2 : i32
      %mul3A_189 = arith.muli %scan3A_187, %mul3A_188 : i32
      %add3A_190 = arith.constant 0 : i32
      %add3A_191 = arith.addi %add3A_190, %mul3A_189 : i32
      %add3A_192 = arith.constant 1 : i32
      %add3A_193 = arith.addi %add3A_191, %add3A_192 : i32
      %dma_start3A_194 = arith.constant 0 : i32
      %dma_start3A_195 = tpu.memref_slice %arg6[%add3A_193, %dma_start3A_194] : memref<16x128xi32, #tpu.memory_space<vmem>> -> memref<1x128xi32, #tpu.memory_space<vmem>>
      %dma_start3A_196 = tpu.memref_squeeze %dma_start3A_195 : memref<1x128xi32, #tpu.memory_space<vmem>> -> memref<128xi32, #tpu.memory_space<vmem>>
      %dma_start3A_197 = arith.constant 0 : i32
      %dma_start3A_198 = arith.constant 0 : i32
      %dma_start3A_199 = tpu.memref_slice %arg2[%dma_start3A_197, %dma_start3A_198] : memref<10240x128xf32, #tpu.memory_space<hbm>> -> memref<10240x128xf32, #tpu.memory_space<hbm>>
      tpu.enqueue_indirect_dma source(%dma_start3A_199 : memref<10240x128xf32, #tpu.memory_space<hbm>>) target(%arg11 : memref<128x128xf32, #tpu.memory_space<vmem>>) offsets(%dma_start3A_196 : memref<128xi32, #tpu.memory_space<vmem>>) semaphore(%arg17 : memref<!tpu.dma_semaphore, #tpu.memory_space<semaphore_mem>>)
      %dma_wait3A_200 = arith.constant 0 : i32
      %dma_wait3A_201 = tpu.memref_slice %arg6[%add3A_191, %dma_wait3A_200] : memref<16x128xi32, #tpu.memory_space<vmem>> -> memref<1x128xi32, #tpu.memory_space<vmem>>
      %dma_wait3A_202 = tpu.memref_squeeze %dma_wait3A_201 : memref<1x128xi32, #tpu.memory_space<vmem>> -> memref<128xi32, #tpu.memory_space<vmem>>
      %dma_wait3A_203 = arith.constant 0 : i32
      %dma_wait3A_204 = arith.constant 0 : i32
      %dma_wait3A_205 = tpu.memref_slice %arg2[%dma_wait3A_203, %dma_wait3A_204] : memref<10240x128xf32, #tpu.memory_space<hbm>> -> memref<10240x128xf32, #tpu.memory_space<hbm>>
      tpu.wait_indirect_dma semaphore(%arg16 : memref<!tpu.dma_semaphore, #tpu.memory_space<semaphore_mem>>) src(%dma_wait3A_205 : memref<10240x128xf32, #tpu.memory_space<hbm>>) dst(%arg10 : memref<128x128xf32, #tpu.memory_space<vmem>>)
      "tpu.region"() ({
        %run_scoped3A = tpu.sem_alloc : memref<!tpu.dma_semaphore, #tpu.memory_space<semaphore_mem>>
        %dma_start3A_220 = arith.constant 0 : i32
        %dma_start3A_221 = tpu.memref_slice %arg7[%add3A_191, %dma_start3A_220] : memref<16x128xi32, #tpu.memory_space<vmem>> -> memref<1x128xi32, #tpu.memory_space<vmem>>
        %dma_start3A_222 = tpu.memref_squeeze %dma_start3A_221 : memref<1x128xi32, #tpu.memory_space<vmem>> -> memref<128xi32, #tpu.memory_space<vmem>>
        %dma_start3A_223 = arith.constant 0 : i32
        %dma_start3A_224 = arith.constant 0 : i32
        %dma_start3A_225 = tpu.memref_slice %arg13[%dma_start3A_223, %dma_start3A_224] : memref<10240x128xf32, #tpu.memory_space<vmem_shared>> -> memref<10240x128xf32, #tpu.memory_space<vmem_shared>>
        tpu.enqueue_indirect_dma source(%arg10 : memref<128x128xf32, #tpu.memory_space<vmem>>) target(%dma_start3A_225 : memref<10240x128xf32, #tpu.memory_space<vmem_shared>>) offsets(%dma_start3A_222 : memref<128xi32, #tpu.memory_space<vmem>>) semaphore(%run_scoped3A : memref<!tpu.dma_semaphore, #tpu.memory_space<semaphore_mem>>) {add = true}
        %dma_wait3A_226 = arith.constant 0 : i32
        %dma_wait3A_227 = tpu.memref_slice %arg7[%add3A_191, %dma_wait3A_226] : memref<16x128xi32, #tpu.memory_space<vmem>> -> memref<1x128xi32, #tpu.memory_space<vmem>>
        %dma_wait3A_228 = tpu.memref_squeeze %dma_wait3A_227 : memref<1x128xi32, #tpu.memory_space<vmem>> -> memref<128xi32, #tpu.memory_space<vmem>>
        %dma_wait3A_229 = arith.constant 0 : i32
        %dma_wait3A_230 = arith.constant 0 : i32
        %dma_wait3A_231 = tpu.memref_slice %arg13[%dma_wait3A_229, %dma_wait3A_230] : memref<10240x128xf32, #tpu.memory_space<vmem_shared>> -> memref<10240x128xf32, #tpu.memory_space<vmem_shared>>
        tpu.wait_indirect_dma semaphore(%run_scoped3A : memref<!tpu.dma_semaphore, #tpu.memory_space<semaphore_mem>>) src(%arg10 : memref<128x128xf32, #tpu.memory_space<vmem>>) dst(%dma_wait3A_231 : memref<10240x128xf32, #tpu.memory_space<vmem_shared>>)
        tpu.yield
      }) : () -> ()
      %add3A_206 = arith.constant 2 : i32
      %add3A_207 = arith.addi %add3A_191, %add3A_206 : i32
      %lt3A = arith.constant 16 : i32
      %lt3A_208 = arith.cmpi slt, %add3A_207, %lt3A : i32
      %convert_element_type3A = arith.extui %lt3A_208 : i1 to i32
      %cond3A = arith.constant 0 : i32
      %cond3A_209 = arith.cmpi ne, %convert_element_type3A, %cond3A : i32
      scf.if %cond3A_209 {
        %add3A_220 = arith.constant 2 : i32
        %add3A_221 = arith.addi %add3A_191, %add3A_220 : i32
        %dma_start3A_222 = arith.constant 0 : i32
        %dma_start3A_223 = tpu.memref_slice %arg6[%add3A_221, %dma_start3A_222] : memref<16x128xi32, #tpu.memory_space<vmem>> -> memref<1x128xi32, #tpu.memory_space<vmem>>
        %dma_start3A_224 = tpu.memref_squeeze %dma_start3A_223 : memref<1x128xi32, #tpu.memory_space<vmem>> -> memref<128xi32, #tpu.memory_space<vmem>>
        %dma_start3A_225 = arith.constant 0 : i32
        %dma_start3A_226 = arith.constant 0 : i32
        %dma_start3A_227 = tpu.memref_slice %arg2[%dma_start3A_225, %dma_start3A_226] : memref<10240x128xf32, #tpu.memory_space<hbm>> -> memref<10240x128xf32, #tpu.memory_space<hbm>>
        tpu.enqueue_indirect_dma source(%dma_start3A_227 : memref<10240x128xf32, #tpu.memory_space<hbm>>) target(%arg10 : memref<128x128xf32, #tpu.memory_space<vmem>>) offsets(%dma_start3A_224 : memref<128xi32, #tpu.memory_space<vmem>>) semaphore(%arg16 : memref<!tpu.dma_semaphore, #tpu.memory_space<semaphore_mem>>)
      } else {
      }
      %add3A_210 = arith.constant 1 : i32
      %add3A_211 = arith.addi %add3A_191, %add3A_210 : i32
      %dma_wait3A_212 = arith.constant 0 : i32
      %dma_wait3A_213 = tpu.memref_slice %arg6[%add3A_211, %dma_wait3A_212] : memref<16x128xi32, #tpu.memory_space<vmem>> -> memref<1x128xi32, #tpu.memory_space<vmem>>
      %dma_wait3A_214 = tpu.memref_squeeze %dma_wait3A_213 : memref<1x128xi32, #tpu.memory_space<vmem>> -> memref<128xi32, #tpu.memory_space<vmem>>
      %dma_wait3A_215 = arith.constant 0 : i32
      %dma_wait3A_216 = arith.constant 0 : i32
      %dma_wait3A_217 = tpu.memref_slice %arg2[%dma_wait3A_215, %dma_wait3A_216] : memref<10240x128xf32, #tpu.memory_space<hbm>> -> memref<10240x128xf32, #tpu.memory_space<hbm>>
      tpu.wait_indirect_dma semaphore(%arg17 : memref<!tpu.dma_semaphore, #tpu.memory_space<semaphore_mem>>) src(%dma_wait3A_217 : memref<10240x128xf32, #tpu.memory_space<hbm>>) dst(%arg11 : memref<128x128xf32, #tpu.memory_space<vmem>>)
      %add3A_218 = arith.constant 1 : i32
      %add3A_219 = arith.addi %add3A_191, %add3A_218 : i32
      "tpu.region"() ({
        %run_scoped3A = tpu.sem_alloc : memref<!tpu.dma_semaphore, #tpu.memory_space<semaphore_mem>>
        %dma_start3A_220 = arith.constant 0 : i32
        %dma_start3A_221 = tpu.memref_slice %arg7[%add3A_219, %dma_start3A_220] : memref<16x128xi32, #tpu.memory_space<vmem>> -> memref<1x128xi32, #tpu.memory_space<vmem>>
        %dma_start3A_222 = tpu.memref_squeeze %dma_start3A_221 : memref<1x128xi32, #tpu.memory_space<vmem>> -> memref<128xi32, #tpu.memory_space<vmem>>
        %dma_start3A_223 = arith.constant 0 : i32
        %dma_start3A_224 = arith.constant 0 : i32
        %dma_start3A_225 = tpu.memref_slice %arg13[%dma_start3A_223, %dma_start3A_224] : memref<10240x128xf32, #tpu.memory_space<vmem_shared>> -> memref<10240x128xf32, #tpu.memory_space<vmem_shared>>
        tpu.enqueue_indirect_dma source(%arg11 : memref<128x128xf32, #tpu.memory_space<vmem>>) target(%dma_start3A_225 : memref<10240x128xf32, #tpu.memory_space<vmem_shared>>) offsets(%dma_start3A_222 : memref<128xi32, #tpu.memory_space<vmem>>) semaphore(%run_scoped3A : memref<!tpu.dma_semaphore, #tpu.memory_space<semaphore_mem>>) {add = true}
        %dma_wait3A_226 = arith.constant 0 : i32
        %dma_wait3A_227 = tpu.memref_slice %arg7[%add3A_219, %dma_wait3A_226] : memref<16x128xi32, #tpu.memory_space<vmem>> -> memref<1x128xi32, #tpu.memory_space<vmem>>
        %dma_wait3A_228 = tpu.memref_squeeze %dma_wait3A_227 : memref<1x128xi32, #tpu.memory_space<vmem>> -> memref<128xi32, #tpu.memory_space<vmem>>
        %dma_wait3A_229 = arith.constant 0 : i32
        %dma_wait3A_230 = arith.constant 0 : i32
        %dma_wait3A_231 = tpu.memref_slice %arg13[%dma_wait3A_229, %dma_wait3A_230] : memref<10240x128xf32, #tpu.memory_space<vmem_shared>> -> memref<10240x128xf32, #tpu.memory_space<vmem_shared>>
        tpu.wait_indirect_dma semaphore(%run_scoped3A : memref<!tpu.dma_semaphore, #tpu.memory_space<semaphore_mem>>) src(%arg11 : memref<128x128xf32, #tpu.memory_space<vmem>>) dst(%dma_wait3A_231 : memref<10240x128xf32, #tpu.memory_space<vmem_shared>>)
        tpu.yield
      }) : () -> ()
    }
    %scan3A_181 = arith.constant 8 : i32
    %barrier3A_182 = arith.constant 0 : index
    tpu.barrier barrier_id(%barrier3A_182)
    %mul3A_183 = arith.constant 10240 : i32
    %mul3A_184 = arith.muli %arg0, %mul3A_183 : i32
    %add3A_185 = arith.addi %mul3A_184, %multiple_of3A : i32
    %multiple_of3A_186 = tpu.assume_multiple %add3A_185, 8 : i32
    "tpu.region"() ({
      %run_scoped3A = tpu.sem_alloc : memref<!tpu.dma_semaphore, #tpu.memory_space<semaphore_mem>>
      %dma_start3A_187 = arith.constant 0 : i32
      %dma_start3A_188 = tpu.memref_slice %arg5[%multiple_of3A_186, %dma_start3A_187] : memref<20480x128xf32, #tpu.memory_space<hbm>> -> memref<640x128xf32, #tpu.memory_space<hbm>>
      %dma_start3A_189 = arith.constant 0 : i32
      %dma_start3A_190 = tpu.memref_slice %arg13[%multiple_of3A, %dma_start3A_189] : memref<10240x128xf32, #tpu.memory_space<vmem_shared>> -> memref<640x128xf32, #tpu.memory_space<vmem_shared>>
      tpu.enqueue_dma source(%dma_start3A_190 : memref<640x128xf32, #tpu.memory_space<vmem_shared>>) target(%dma_start3A_188 : memref<640x128xf32, #tpu.memory_space<hbm>>) target_semaphore(%run_scoped3A : memref<!tpu.dma_semaphore, #tpu.memory_space<semaphore_mem>>)
      %dma_wait3A_191 = arith.constant 0 : i32
      %dma_wait3A_192 = tpu.memref_slice %arg5[%multiple_of3A_186, %dma_wait3A_191] : memref<20480x128xf32, #tpu.memory_space<hbm>> -> memref<640x128xf32, #tpu.memory_space<hbm>>
      %dma_wait3A_193 = arith.constant 0 : i32
      %dma_wait3A_194 = tpu.memref_slice %arg13[%multiple_of3A, %dma_wait3A_193] : memref<10240x128xf32, #tpu.memory_space<vmem_shared>> -> memref<640x128xf32, #tpu.memory_space<vmem_shared>>
      tpu.wait_dma2 semaphore(%run_scoped3A : memref<!tpu.dma_semaphore, #tpu.memory_space<semaphore_mem>>) src(%dma_wait3A_194 : memref<640x128xf32, #tpu.memory_space<vmem_shared>>) dst(%dma_wait3A_192 : memref<640x128xf32, #tpu.memory_space<hbm>>)
      tpu.yield
    }) : () -> ()
    return
  }
}

module attributes {stable_mosaic.version = 14 : i64} {
  func.func @_scale_body(%arg0: i32, %arg1: memref<1024x1xf32, #tpu.memory_space<vmem>>, %arg2: memref<1024x1xf32, #tpu.memory_space<vmem>>, %arg3: memref<1024x128xf32, #tpu.memory_space<vmem>>, %arg4: memref<1024x128xf32, #tpu.memory_space<vmem>>) attributes {dimension_semantics = [#tpu.dimension_semantics<arbitrary>], iteration_bounds = array<i64: 10>, scalar_prefetch = 0 : i64, scratch_operands = 0 : i64, tpu.core_type = #tpu.core_type<tc>, window_params = [{transform_indices = @transform_0, window_bounds = array<i64: 1024, 1>}, {transform_indices = @transform_1, window_bounds = array<i64: 1024, 1>}, {transform_indices = @transform_2, window_bounds = array<i64: 1024, 128>}, {transform_indices = @transform_3, window_bounds = array<i64: 1024, 128>}]} {
    %get3A = arith.constant 0 : index
    %get3A_0 = arith.constant 0 : index
    %get3A_1 = vector.load %arg1[%get3A, %get3A_0] : memref<1024x1xf32, #tpu.memory_space<vmem>>, vector<1024x1xf32>
    %get3A_2 = arith.constant 0 : index
    %get3A_3 = arith.constant 0 : index
    %get3A_4 = vector.load %arg2[%get3A_2, %get3A_3] : memref<1024x1xf32, #tpu.memory_space<vmem>>, vector<1024x1xf32>
    %add3A = arith.addf %get3A_1, %get3A_4 : vector<1024x1xf32>
    %add3A_5 = arith.constant 1.000000e+00 : f32
    %add3A_6 = vector.broadcast %add3A_5 : f32 to vector<1024x1xf32>
    %add3A_7 = arith.addf %add3A, %add3A_6 : vector<1024x1xf32>
    %rsqrt3A = math.rsqrt %add3A_7 : vector<1024x1xf32>
    %get3A_8 = arith.constant 0 : index
    %get3A_9 = arith.constant 0 : index
    %get3A_10 = vector.load %arg3[%get3A_8, %get3A_9] : memref<1024x128xf32, #tpu.memory_space<vmem>>, vector<1024x128xf32>
    %mul3A = vector.broadcast %rsqrt3A : vector<1024x1xf32> to vector<1024x128xf32>
    %mul3A_11 = arith.mulf %mul3A, %get3A_10 : vector<1024x128xf32>
    %swap3A = arith.constant 0 : index
    %swap3A_12 = arith.constant 0 : index
    %swap3A_13 = vector.load %arg4[%swap3A, %swap3A_12] : memref<1024x128xf32, #tpu.memory_space<vmem>>, vector<1024x128xf32>
    tpu.vector_store %arg4[%swap3A, %swap3A_12], %mul3A_11 {strides = array<i32>} : memref<1024x128xf32, #tpu.memory_space<vmem>>, vector<1024x128xf32>,
    return
  }
  func.func @transform_0(%arg0: i32) -> (i32, i32) {
    %c0_i32 = arith.constant 0 : i32
    %c0_i32_0 = arith.constant 0 : i32
    return %arg0, %c0_i32 : i32, i32
  }
  func.func @transform_1(%arg0: i32) -> (i32, i32) {
    %add3A = arith.constant 10 : i32
    %add3A_0 = arith.addi %arg0, %add3A : i32
    %c0_i32 = arith.constant 0 : i32
    %c0_i32_1 = arith.constant 0 : i32
    return %add3A_0, %c0_i32 : i32, i32
  }
  func.func @transform_2(%arg0: i32) -> (i32, i32) {
    %c0_i32 = arith.constant 0 : i32
    %c0_i32_0 = arith.constant 0 : i32
    return %arg0, %c0_i32 : i32, i32
  }
  func.func @transform_3(%arg0: i32) -> (i32, i32) {
    %c0_i32 = arith.constant 0 : i32
    %c0_i32_0 = arith.constant 0 : i32
    return %arg0, %c0_i32 : i32, i32
  }
}

module attributes {stable_mosaic.version = 14 : i64} {
  func.func @_layer1_body(%arg0: i32, %arg1: memref<1024x1xf32, #tpu.memory_space<vmem>>, %arg2: memref<1024x1xf32, #tpu.memory_space<vmem>>, %arg3: memref<1024x128xf32, #tpu.memory_space<vmem>>, %arg4: memref<1024x128xf32, #tpu.memory_space<vmem>>, %arg5: memref<1024x128xf32, #tpu.memory_space<vmem>>, %arg6: memref<128x64xf32, #tpu.memory_space<vmem>>, %arg7: memref<1x64xf32, #tpu.memory_space<vmem>>, %arg8: memref<1024x128xf32, #tpu.memory_space<vmem>>) attributes {dimension_semantics = [#tpu.dimension_semantics<arbitrary>], iteration_bounds = array<i64: 10>, scalar_prefetch = 0 : i64, scratch_operands = 0 : i64, tpu.core_type = #tpu.core_type<tc>, window_params = [{transform_indices = @transform_0, window_bounds = array<i64: 1024, 1>}, {transform_indices = @transform_1, window_bounds = array<i64: 1024, 1>}, {transform_indices = @transform_2, window_bounds = array<i64: 1024, 128>}, {transform_indices = @transform_3, window_bounds = array<i64: 1024, 128>}, {transform_indices = @transform_4, window_bounds = array<i64: 1024, 128>}, {pipeline_mode = #tpu.pipeline_mode<synchronous>, transform_indices = @transform_5, window_bounds = array<i64: 128, 64>}, {pipeline_mode = #tpu.pipeline_mode<synchronous>, transform_indices = @transform_6, window_bounds = array<i64: 1, 64>}, {transform_indices = @transform_7, window_bounds = array<i64: 1024, 128>}]} {
    %get3A = arith.constant 0 : index
    %get3A_0 = arith.constant 0 : index
    %get3A_1 = vector.load %arg1[%get3A, %get3A_0] : memref<1024x1xf32, #tpu.memory_space<vmem>>, vector<1024x1xf32>
    %get3A_2 = arith.constant 0 : index
    %get3A_3 = arith.constant 0 : index
    %get3A_4 = vector.load %arg2[%get3A_2, %get3A_3] : memref<1024x1xf32, #tpu.memory_space<vmem>>, vector<1024x1xf32>
    %add3A = arith.addf %get3A_1, %get3A_4 : vector<1024x1xf32>
    %add3A_5 = arith.constant 1.000000e+00 : f32
    %add3A_6 = vector.broadcast %add3A_5 : f32 to vector<1024x1xf32>
    %add3A_7 = arith.addf %add3A, %add3A_6 : vector<1024x1xf32>
    %rsqrt3A = math.rsqrt %add3A_7 : vector<1024x1xf32>
    %get3A_8 = arith.constant 0 : index
    %get3A_9 = arith.constant 0 : index
    %get3A_10 = vector.load %arg3[%get3A_8, %get3A_9] : memref<1024x128xf32, #tpu.memory_space<vmem>>, vector<1024x128xf32>
    %get3A_11 = arith.constant 0 : index
    %get3A_12 = arith.constant 0 : index
    %get3A_13 = vector.load %arg4[%get3A_11, %get3A_12] : memref<1024x128xf32, #tpu.memory_space<vmem>>, vector<1024x128xf32>
    %add3A_14 = arith.addf %get3A_10, %get3A_13 : vector<1024x128xf32>
    %get3A_15 = arith.constant 0 : index
    %get3A_16 = arith.constant 0 : index
    %get3A_17 = vector.load %arg5[%get3A_15, %get3A_16] : memref<1024x128xf32, #tpu.memory_space<vmem>>, vector<1024x128xf32>
    %add3A_18 = arith.addf %add3A_14, %get3A_17 : vector<1024x128xf32>
    %get3A_19 = arith.constant 0 : index
    %get3A_20 = arith.constant 0 : index
    %get3A_21 = vector.load %arg6[%get3A_19, %get3A_20] : memref<128x64xf32, #tpu.memory_space<vmem>>, vector<128x64xf32>
    %dot_general3A = arith.constant dense<0.000000e+00> : vector<1024x64xf32>
    %dot_general3A_22 = tpu.matmul %add3A_18, %get3A_21, %dot_general3A {dimension_numbers = #tpu.dot_dimension_numbers<[1], [0], [0], [1], [0, 0, 1, 1], [], []>, precision = #tpu.contract_precision<fp32>, transpose_lhs_hint = false} : vector<1024x128xf32>, vector<128x64xf32>, vector<1024x64xf32> -> vector<1024x64xf32>
    %mul3A = vector.broadcast %rsqrt3A : vector<1024x1xf32> to vector<1024x64xf32>
    %mul3A_23 = arith.mulf %mul3A, %dot_general3A_22 : vector<1024x64xf32>
    %get3A_24 = arith.constant 0 : index
    %get3A_25 = arith.constant 0 : index
    %get3A_26 = vector.load %arg7[%get3A_24, %get3A_25] : memref<1x64xf32, #tpu.memory_space<vmem>>, vector<1x64xf32>
    %add3A_27 = vector.broadcast %get3A_26 : vector<1x64xf32> to vector<1024x64xf32>
    %add3A_28 = arith.addf %mul3A_23, %add3A_27 : vector<1024x64xf32>
    %max3A = arith.constant 0.000000e+00 : f32
    %max3A_29 = vector.broadcast %max3A : f32 to vector<1024x64xf32>
    %max3A_30 = arith.maximumf %add3A_28, %max3A_29 : vector<1024x64xf32>
    %mul3A_31 = vector.broadcast %rsqrt3A : vector<1024x1xf32> to vector<1024x64xf32>
    %mul3A_32 = arith.mulf %mul3A_31, %max3A_30 : vector<1024x64xf32>
    %broadcast_in_dim3A = arith.constant 0.000000e+00 : f32
    %broadcast_in_dim3A_33 = vector.broadcast %broadcast_in_dim3A : f32 to vector<1024x64xf32>
    %concatenate3A = tpu.concatenate %mul3A_32, %broadcast_in_dim3A_33 in 1 : vector<1024x64xf32>, vector<1024x64xf32> -> vector<1024x128xf32>
    %swap3A = arith.constant 0 : index
    %swap3A_34 = arith.constant 0 : index
    %swap3A_35 = vector.load %arg8[%swap3A, %swap3A_34] : memref<1024x128xf32, #tpu.memory_space<vmem>>, vector<1024x128xf32>
    tpu.vector_store %arg8[%swap3A, %swap3A_34], %concatenate3A {strides = array<i32>} : memref<1024x128xf32, #tpu.memory_space<vmem>>, vector<1024x128xf32>,
    return
  }
  func.func @transform_0(%arg0: i32) -> (i32, i32) {
    %c0_i32 = arith.constant 0 : i32
    %c0_i32_0 = arith.constant 0 : i32
    return %arg0, %c0_i32 : i32, i32
  }
  func.func @transform_1(%arg0: i32) -> (i32, i32) {
    %add3A = arith.constant 10 : i32
    %add3A_0 = arith.addi %arg0, %add3A : i32
    %c0_i32 = arith.constant 0 : i32
    %c0_i32_1 = arith.constant 0 : i32
    return %add3A_0, %c0_i32 : i32, i32
  }
  func.func @transform_2(%arg0: i32) -> (i32, i32) {
    %c0_i32 = arith.constant 0 : i32
    %c0_i32_0 = arith.constant 0 : i32
    return %arg0, %c0_i32 : i32, i32
  }
  func.func @transform_3(%arg0: i32) -> (i32, i32) {
    %add3A = arith.constant 10 : i32
    %add3A_0 = arith.addi %arg0, %add3A : i32
    %c0_i32 = arith.constant 0 : i32
    %c0_i32_1 = arith.constant 0 : i32
    return %add3A_0, %c0_i32 : i32, i32
  }
  func.func @transform_4(%arg0: i32) -> (i32, i32) {
    %c0_i32 = arith.constant 0 : i32
    %c0_i32_0 = arith.constant 0 : i32
    return %arg0, %c0_i32 : i32, i32
  }
  func.func @transform_5(%arg0: i32) -> (i32, i32) {
    %c0_i32 = arith.constant 0 : i32
    %c0_i32_0 = arith.constant 0 : i32
    %c0_i32_1 = arith.constant 0 : i32
    return %c0_i32, %c0_i32_0 : i32, i32
  }
  func.func @transform_6(%arg0: i32) -> (i32, i32) {
    %c0_i32 = arith.constant 0 : i32
    %c0_i32_0 = arith.constant 0 : i32
    %c0_i32_1 = arith.constant 0 : i32
    return %c0_i32, %c0_i32_0 : i32, i32
  }
  func.func @transform_7(%arg0: i32) -> (i32, i32) {
    %c0_i32 = arith.constant 0 : i32
    %c0_i32_0 = arith.constant 0 : i32
    return %arg0, %c0_i32 : i32, i32
  }
}

module attributes {stable_mosaic.version = 14 : i64} {
  func.func @_final_body(%arg0: i32, %arg1: memref<1024x1xf32, #tpu.memory_space<vmem>>, %arg2: memref<1024x1xf32, #tpu.memory_space<vmem>>, %arg3: memref<1024x128xf32, #tpu.memory_space<vmem>>, %arg4: memref<1024x128xf32, #tpu.memory_space<vmem>>, %arg5: memref<1024x128xf32, #tpu.memory_space<vmem>>, %arg6: memref<64x32xf32, #tpu.memory_space<vmem>>, %arg7: memref<1x32xf32, #tpu.memory_space<vmem>>, %arg8: memref<32x1xf32, #tpu.memory_space<vmem>>, %arg9: memref<1x1xf32, #tpu.memory_space<vmem>>, %arg10: memref<1024x1xf32, #tpu.memory_space<vmem>>) attributes {dimension_semantics = [#tpu.dimension_semantics<arbitrary>], iteration_bounds = array<i64: 10>, scalar_prefetch = 0 : i64, scratch_operands = 0 : i64, tpu.core_type = #tpu.core_type<tc>, window_params = [{transform_indices = @transform_0, window_bounds = array<i64: 1024, 1>}, {transform_indices = @transform_1, window_bounds = array<i64: 1024, 1>}, {transform_indices = @transform_2, window_bounds = array<i64: 1024, 128>}, {transform_indices = @transform_3, window_bounds = array<i64: 1024, 128>}, {transform_indices = @transform_4, window_bounds = array<i64: 1024, 128>}, {pipeline_mode = #tpu.pipeline_mode<synchronous>, transform_indices = @transform_5, window_bounds = array<i64: 64, 32>}, {pipeline_mode = #tpu.pipeline_mode<synchronous>, transform_indices = @transform_6, window_bounds = array<i64: 1, 32>}, {pipeline_mode = #tpu.pipeline_mode<synchronous>, transform_indices = @transform_7, window_bounds = array<i64: 32, 1>}, {pipeline_mode = #tpu.pipeline_mode<synchronous>, transform_indices = @transform_8, window_bounds = array<i64: 1, 1>}, {transform_indices = @transform_9, window_bounds = array<i64: 1024, 1>}]} {
    %get3A = arith.constant 0 : index
    %get3A_0 = arith.constant 0 : index
    %get3A_1 = vector.load %arg1[%get3A, %get3A_0] : memref<1024x1xf32, #tpu.memory_space<vmem>>, vector<1024x1xf32>
    %get3A_2 = arith.constant 0 : index
    %get3A_3 = arith.constant 0 : index
    %get3A_4 = vector.load %arg2[%get3A_2, %get3A_3] : memref<1024x1xf32, #tpu.memory_space<vmem>>, vector<1024x1xf32>
    %add3A = arith.addf %get3A_1, %get3A_4 : vector<1024x1xf32>
    %add3A_5 = arith.constant 1.000000e+00 : f32
    %add3A_6 = vector.broadcast %add3A_5 : f32 to vector<1024x1xf32>
    %add3A_7 = arith.addf %add3A, %add3A_6 : vector<1024x1xf32>
    %rsqrt3A = math.rsqrt %add3A_7 : vector<1024x1xf32>
    %get3A_8 = arith.constant 0 : index
    %get3A_9 = arith.constant 0 : index
    %get3A_10 = vector.load %arg3[%get3A_8, %get3A_9] : memref<1024x128xf32, #tpu.memory_space<vmem>>, vector<1024x128xf32>
    %get3A_11 = arith.constant 0 : index
    %get3A_12 = arith.constant 0 : index
    %get3A_13 = vector.load %arg4[%get3A_11, %get3A_12] : memref<1024x128xf32, #tpu.memory_space<vmem>>, vector<1024x128xf32>
    %add3A_14 = arith.addf %get3A_10, %get3A_13 : vector<1024x128xf32>
    %get3A_15 = arith.constant 0 : index
    %get3A_16 = arith.constant 0 : index
    %get3A_17 = vector.load %arg5[%get3A_15, %get3A_16] : memref<1024x128xf32, #tpu.memory_space<vmem>>, vector<1024x128xf32>
    %add3A_18 = arith.addf %add3A_14, %get3A_17 : vector<1024x128xf32>
    %slice3A = vector.extract_strided_slice %add3A_18 {offsets = [0, 0], sizes = [1024, 64], strides = [1, 1]} : vector<1024x128xf32> to vector<1024x64xf32>
    %get3A_19 = arith.constant 0 : index
    %get3A_20 = arith.constant 0 : index
    %get3A_21 = vector.load %arg6[%get3A_19, %get3A_20] : memref<64x32xf32, #tpu.memory_space<vmem>>, vector<64x32xf32>
    %dot_general3A = arith.constant dense<0.000000e+00> : vector<1024x32xf32>
    %dot_general3A_22 = tpu.matmul %slice3A, %get3A_21, %dot_general3A {dimension_numbers = #tpu.dot_dimension_numbers<[1], [0], [0], [1], [0, 0, 1, 1], [], []>, precision = #tpu.contract_precision<fp32>, transpose_lhs_hint = false} : vector<1024x64xf32>, vector<64x32xf32>, vector<1024x32xf32> -> vector<1024x32xf32>
    %mul3A = vector.broadcast %rsqrt3A : vector<1024x1xf32> to vector<1024x32xf32>
    %mul3A_23 = arith.mulf %mul3A, %dot_general3A_22 : vector<1024x32xf32>
    %get3A_24 = arith.constant 0 : index
    %get3A_25 = arith.constant 0 : index
    %get3A_26 = vector.load %arg7[%get3A_24, %get3A_25] : memref<1x32xf32, #tpu.memory_space<vmem>>, vector<1x32xf32>
    %add3A_27 = vector.broadcast %get3A_26 : vector<1x32xf32> to vector<1024x32xf32>
    %add3A_28 = arith.addf %mul3A_23, %add3A_27 : vector<1024x32xf32>
    %max3A = arith.constant 0.000000e+00 : f32
    %max3A_29 = vector.broadcast %max3A : f32 to vector<1024x32xf32>
    %max3A_30 = arith.maximumf %add3A_28, %max3A_29 : vector<1024x32xf32>
    %get3A_31 = arith.constant 0 : index
    %get3A_32 = arith.constant 0 : index
    %get3A_33 = vector.load %arg8[%get3A_31, %get3A_32] : memref<32x1xf32, #tpu.memory_space<vmem>>, vector<32x1xf32>
    %dot_general3A_34 = arith.constant dense<0.000000e+00> : vector<1024x1xf32>
    %dot_general3A_35 = tpu.matmul %max3A_30, %get3A_33, %dot_general3A_34 {dimension_numbers = #tpu.dot_dimension_numbers<[1], [0], [0], [1], [0, 0, 1, 1], [], []>, precision = #tpu.contract_precision<fp32>, transpose_lhs_hint = false} : vector<1024x32xf32>, vector<32x1xf32>, vector<1024x1xf32> -> vector<1024x1xf32>
    %get3A_36 = arith.constant 0 : index
    %get3A_37 = arith.constant 0 : index
    %get3A_38 = vector.load %arg9[%get3A_36, %get3A_37] : memref<1x1xf32, #tpu.memory_space<vmem>>, vector<1x1xf32>
    %add3A_39 = vector.broadcast %get3A_38 : vector<1x1xf32> to vector<1024x1xf32>
    %add3A_40 = arith.addf %dot_general3A_35, %add3A_39 : vector<1024x1xf32>
    %swap3A = arith.constant 0 : index
    %swap3A_41 = arith.constant 0 : index
    %swap3A_42 = vector.load %arg10[%swap3A, %swap3A_41] : memref<1024x1xf32, #tpu.memory_space<vmem>>, vector<1024x1xf32>
    tpu.vector_store %arg10[%swap3A, %swap3A_41], %add3A_40 {strides = array<i32>} : memref<1024x1xf32, #tpu.memory_space<vmem>>, vector<1024x1xf32>,
    return
  }
  func.func @transform_0(%arg0: i32) -> (i32, i32) {
    %c0_i32 = arith.constant 0 : i32
    %c0_i32_0 = arith.constant 0 : i32
    return %arg0, %c0_i32 : i32, i32
  }
  func.func @transform_1(%arg0: i32) -> (i32, i32) {
    %add3A = arith.constant 10 : i32
    %add3A_0 = arith.addi %arg0, %add3A : i32
    %c0_i32 = arith.constant 0 : i32
    %c0_i32_1 = arith.constant 0 : i32
    return %add3A_0, %c0_i32 : i32, i32
  }
  func.func @transform_2(%arg0: i32) -> (i32, i32) {
    %c0_i32 = arith.constant 0 : i32
    %c0_i32_0 = arith.constant 0 : i32
    return %arg0, %c0_i32 : i32, i32
  }
  func.func @transform_3(%arg0: i32) -> (i32, i32) {
    %add3A = arith.constant 10 : i32
    %add3A_0 = arith.addi %arg0, %add3A : i32
    %c0_i32 = arith.constant 0 : i32
    %c0_i32_1 = arith.constant 0 : i32
    return %add3A_0, %c0_i32 : i32, i32
  }
  func.func @transform_4(%arg0: i32) -> (i32, i32) {
    %c0_i32 = arith.constant 0 : i32
    %c0_i32_0 = arith.constant 0 : i32
    return %arg0, %c0_i32 : i32, i32
  }
  func.func @transform_5(%arg0: i32) -> (i32, i32) {
    %c0_i32 = arith.constant 0 : i32
    %c0_i32_0 = arith.constant 0 : i32
    %c0_i32_1 = arith.constant 0 : i32
    return %c0_i32, %c0_i32_0 : i32, i32
  }
  func.func @transform_6(%arg0: i32) -> (i32, i32) {
    %c0_i32 = arith.constant 0 : i32
    %c0_i32_0 = arith.constant 0 : i32
    %c0_i32_1 = arith.constant 0 : i32
    return %c0_i32, %c0_i32_0 : i32, i32
  }
  func.func @transform_7(%arg0: i32) -> (i32, i32) {
    %c0_i32 = arith.constant 0 : i32
    %c0_i32_0 = arith.constant 0 : i32
    %c0_i32_1 = arith.constant 0 : i32
    return %c0_i32, %c0_i32_0 : i32, i32
  }
  func.func @transform_8(%arg0: i32) -> (i32, i32) {
    %c0_i32 = arith.constant 0 : i32
    %c0_i32_0 = arith.constant 0 : i32
    %c0_i32_1 = arith.constant 0 : i32
    return %c0_i32, %c0_i32_0 : i32, i32
  }
  func.func @transform_9(%arg0: i32) -> (i32, i32) {
    %c0_i32 = arith.constant 0 : i32
    %c0_i32_0 = arith.constant 0 : i32
    return %arg0, %c0_i32 : i32, i32
  }
}

</mosaic_0001>

<sc_bundles>
// kernel: kernel.11.cloned.1.call-start
scs
__scs_entry_jumppad:
0x0: {  	(pc) =	sbr.rel $0x88, $3  }
0x1: {  	(tag) =	ssettag $0x0;
	lr =	simm.s32 $0x1  }
0x2: {  	[smem:$0x3F99] =	sst lr;
	_ =	strace $0xD0000000  }
0x3: {  	_ = 	snop  }
0x4: {  	_ = 	snop  }
0x5: {  	_ = 	snop  }
0x6: {  	_ = 	snop  }
0x7: {  	_ = 	snop  }
__scs_overlays_trampoline_lowered:
0x8: {  	[smem:$0x3FA8] =	sst s0  }
0x9: {  	[smem:$0x3FA9] =	sst s1  }
0xa: {  	[smem:$0x3FAA] =	sst s2  }
0xb: {  	[smem:$0x3FAB] =	sst s3  }
0xc: {  	[smem:$0x3FAC] =	sst s4  }
0xd: {  	[smem:$0x3FAD] =	sst s5  }
0xe: {  	[smem:$0x3FAE] =	sst s6  }
0xf: {  	[smem:$0x3FAF] =	sst s7  }
0x10: {  	[smem:$0x3FB0] =	sst s8  }
0x11: {  	[smem:$0x3FB1] =	sst s9;
	s0 =	simm.s32 @!p0 $0x0  }
0x12: {  	s1 =	sld [smem:$0x3F97];
	s0 =	simm.s32 @p0 $0x1  }
0x13: {  	[smem:$0x3FB2] =	sst s0;
	s0 =	simm.s32 @!p1 $0x0  }
0x14: {  	s2 =	sld [smem:$0x3F96];
	s0 =	simm.s32 @p1 $0x1  }
0x15: {  	[smem:$0x3FB3] =	sst s0;
	s0 =	simm.s32 @!p2 $0x0  }
0x16: {  	s3 =	sld [smem:$0x3FDB];
	s0 =	simm.s32 @p2 $0x1  }
0x17: {  	s4 =	simm.s32 $0x1BF5;
	[smem:$0x3FB5] =	sst s0  }
0x18: {  	s0 =	sld [smem:$0x3F98];
	_ =	swait.ge [sflag:s4], $0x0  }
0x19: {  	s7 =	sld [smem:$0x3F99]  }
0x1a: {  	s8 =	sadd.s32 $0xFFFFE003, lr  }
0x1b: {  	s9 =	sadd.s32 $0xFFFFFEF7, lr;
	s5 =	simm.s32 $0xFFFFFFFF;
	p2 =	slt.u32 s8, $0xFFFFF086  }
0x1c: {  	p1 =	slt.u32 s9, $0xF7A;
	s5 =	simm.s32 @!p2 $0x0  }
0x1d: {  	s5 =	simm.s32 @p1 $0x1;
	p0 =	seq.s32 s7, s2  }
0x1e: {  	s7 =	smul.u32 @!p0 $0xF7A, s2;
	p2 =	seq.s32 @!p0 s5, $0x0  }
0x1f: {  	s9 =	smul.u32 $0xF7A, s1;
	s8 =	simm.s32 @!p0 $0x1BF5;
	p2 =	por !p2, p0  }
0x20: {  	[sflag:s8] =	ssyncset.s32 @!p0 $0xFFFFF086;
	s6 =	sadd.s32 @!p0 s3, s7;
	s7 =	simm.s32 @!p0 $0x108  }
0x21: {  	s3 =	sadd.s32 s3, s9;
	s6 =	sadd.s32 @!p0 $0x88, s6;
	s7 =	simm.s32 @p2 $0x1082  }
0x22: {  	[simem:s7], [sflag:s8] =	dma.local @!p0 [hbm:s6], $0xF7A  }
0x23: {  	s9 =	sor.u32 $0xD0000000, s2;
	s6 =	simm.s32 $0x108;
	_ =	swait.ge @!p0 [sflag:s8], $0x0  }
0x24: {  	s3 =	sadd.s32 $0x88, s3;
	s6 =	simm.s32 @!p1 $0x1082;
	[sflag:s4] =	ssyncset.s32 $0xFFFFF086  }
0x25: {  	[simem:s6], [sflag:s4] =	dma.local [hbm:s3], $0xF7A  }
0x26: {  	[smem:$0x3F99] =	sst s1;
	(tag) =	ssettag s2;
	_ =	strace s9  }
0x27: {  	s1 =	sld [smem:$0x3FA9]  }
0x28: {  	s2 =	sld [smem:$0x3FAA]  }
0x29: {  	s4 =	sld [smem:$0x3FAC]  }
0x2a: {  	p0 =	seq.s32 s5, $0x0;
	s5 =	sld [smem:$0x3FAD]  }
0x2b: {  	s6 =	sld [smem:$0x3FAE]  }
0x2c: {  	s7 =	sld [smem:$0x3FAF]  }
0x2d: {  	s3 =	simm.s32 $0x108;
	s8 =	sld [smem:$0x3FB0]  }
0x2e: {  	s3 =	simm.s32 @!p0 $0x1082;
	s9 =	sld [smem:$0x3FB1]  }
0x2f: {  	lr =	sadd.s32 s0, s3;
	s0 =	sld [smem:$0x3FA8]  }
0x30: {  	s3 =	sld [smem:$0x3FAB]  }
0x31: {  	[smem:$0x3FB4] =	sst s10  }
0x32: {  	s10 =	sld [smem:$0x3FB2];
	_ =	sdelay $0x3  }
0x33: {  	p0 =	seq.s32 s10, $0x1;
	s10 =	sld [smem:$0x3FB4];
	_ =	sdelay $0x3  }
0x34: {  	[smem:$0x3FB4] =	sst s10  }
0x35: {  	s10 =	sld [smem:$0x3FB3];
	_ =	sdelay $0x3  }
0x36: {  	p1 =	seq.s32 s10, $0x1;
	s10 =	sld [smem:$0x3FB4];
	_ =	sdelay $0x3  }
0x37: {  	[smem:$0x3FB4] =	sst s10  }
0x38: {  	s10 =	sld [smem:$0x3FB5]  }
0x39: {  	_ = 	snop;
	(pc) =	sbr.ind lr, $3  }
0x3a: {  	_ = 	snop  }
0x3b: {  	_ = 	snop  }
0x3c: {  	p2 =	seq.s32 s10, $0x1;
	s10 =	sld [smem:$0x3FB4]  }
0x3d: {  	_ =	shalt  }
0x3e: {  	_ =	shalt  }
0x3f: {  	_ =	shalt  }
0x40: {  	_ =	shalt  }
0x41: {  	_ =	shalt  }
0x42: {  	_ =	shalt  }
0x43: {  	_ =	shalt  }
0x44: {  	_ =	shalt  }
0x45: {  	_ =	shalt  }
0x46: {  	_ =	shalt  }
0x47: {  	_ =	shalt  }
0x48: {  	_ =	shalt  }
0x49: {  	_ =	shalt  }
0x4a: {  	_ =	shalt  }
0x4b: {  	_ =	shalt  }
0x4c: {  	_ =	shalt  }
0x4d: {  	_ =	shalt  }
0x4e: {  	_ =	shalt  }
0x4f: {  	_ =	shalt  }
0x50: {  	_ =	shalt  }
0x51: {  	_ =	shalt  }
0x52: {  	_ =	shalt  }
0x53: {  	_ =	shalt  }
0x54: {  	_ =	shalt  }
0x55: {  	_ =	shalt  }
0x56: {  	_ =	shalt  }
0x57: {  	_ =	shalt  }
0x58: {  	_ =	shalt  }
0x59: {  	_ =	shalt  }
0x5a: {  	_ =	shalt  }
0x5b: {  	_ =	shalt  }
0x5c: {  	_ =	shalt  }
0x5d: {  	_ =	shalt  }
0x5e: {  	_ =	shalt  }
0x5f: {  	_ =	shalt  }
0x60: {  	_ =	shalt  }
0x61: {  	_ =	shalt  }
0x62: {  	_ =	shalt  }
0x63: {  	_ =	shalt  }
0x64: {  	_ =	shalt  }
0x65: {  	_ =	shalt  }
0x66: {  	_ =	shalt  }
0x67: {  	_ =	shalt  }
0x68: {  	_ =	shalt  }
0x69: {  	_ =	shalt  }
0x6a: {  	_ =	shalt  }
0x6b: {  	_ =	shalt  }
0x6c: {  	_ =	shalt  }
0x6d: {  	_ =	shalt  }
0x6e: {  	_ =	shalt  }
0x6f: {  	_ =	shalt  }
0x70: {  	_ =	shalt  }
0x71: {  	_ =	shalt  }
0x72: {  	_ =	shalt  }
0x73: {  	_ =	shalt  }
0x74: {  	_ =	shalt  }
0x75: {  	_ =	shalt  }
0x76: {  	_ =	shalt  }
0x77: {  	_ =	shalt  }
0x78: {  	_ =	shalt  }
0x79: {  	_ =	shalt  }
0x7a: {  	_ =	shalt  }
0x7b: {  	_ =	shalt  }
0x7c: {  	_ =	shalt  }
0x7d: {  	_ =	shalt  }
0x7e: {  	_ =	shalt  }
0x7f: {  	_ =	shalt  }
0x80: {  	_ =	shalt  }
0x81: {  	_ =	shalt  }
0x82: {  	_ =	shalt  }
0x83: {  	_ =	shalt  }
0x84: {  	_ =	shalt  }
0x85: {  	_ =	shalt  }
0x86: {  	_ =	shalt  }
0x87: {  	_ =	shalt  }
.Lfunc_end0:
.L_simem_size_0:
called_computation.1_lowered:
.L_overlay_start_0:
0x88: {  	s2 =	sld [smem:$0x3FD9]  }
0x89: {  	s3 =	sld [smem:$0x3FFE];
	_ =	sdelay $0x1  }
0x8a: {  	s1 =	srdreg.scid  }
0x8b: {  	s0 =	sand.u32 $0x1, s1  }
0x8c: {  	s16 =	sshll.u32 s0, $0xA;
	s2 =	sadd.s32 s3, s2  }
0x8d: {  	s2 =	sadd.s32 s2, s16  }
0x8e: {  	[smem:$0x3FC0] =	sst s2  }
0x8f: {  	_ = 	snop  }
0x90: {  	(tm) =	ssettm $0x1  }
0x91: {  	s17 =	sld [smem:$0x3FFB];
	_ =	sdelay $0x3  }
0x92: {  	_ =	strace s17  }
0x93: {  	s2 =	sld [smem:$0x3FFC];
	_ =	sdelay $0x3  }
0x94: {  	_ =	strace s2  }
0x95: {  	s2 =	sld [smem:$0x3FFD];
	_ =	sdelay $0x3  }
0x96: {  	_ =	strace s2  }
0x97: {  	_ =	strace $0x8FFFFFFF  }
0x98: {  	s18 =	sld [smem:$0x3FDB];
	_ =	sdelay $0x1  }
0x99: {  	s19 =	simm.s32 $_scs_section_size  }
0x9a: {  	s4 =	simm.s32 $_size__tile_overlayer_lowered;
	s5 =	simm.s32 $_tile_overlayer_lowered  }
0x9b: {  	s22 =	simm.s32 $0x1BFF;
	s21 =	sshll.u32 s5, $0x1;
	s2 =	sadd.s32 s19, s18  }
0x9c: {  	s6 =	simm.s32 $0x0;
	s20 =	sshll.u32 s4, $0x1;
	s4 =	sadd.s32 s21, s2  }
0x9d: {  	[timem:s6], [sflag:s22] =	dma.local [hbm:s4], s20  }
0x9e: {  	_ =	swait.ge [sflag:s22], s20  }
0x9f: {  	s3 =	ssub.s32 $0x0, s20;
	[sflag:s22] =	ssyncset.done $0x0  }
0xa0: {  	[sflag:s22] =	ssyncadd.s32 s3;
	_ =	sdelay $0x1  }
0xa1: {  	s23 =	simm.s32 $0x1B8B  }
0xa2: {  	_ =	swait.ge [sflag:s23], $0x1  }
0xa3: {  	[sflag:s23] =	ssyncset.done $0x0  }
0xa4: {  	s25 =	simm.s32 $0x1B8E;
	s24 =	sld [smem:$0x3FFE];
	[sflag:s23] =	ssyncadd.s32 $0xFFFFFFFF  }
0xa5: {  	s26 =	simm.s32 $execute0_lowered;
	[smem:$0x3FD2] =	sst s25  }
0xa6: {  	s4 =	sshll.u32 s26, $0x1;
	_ =	strace $0x80000049;
	[dreg:$0x1] =	wrdreg $0xFFFFFFFF  }
0xa7: {  	s28 =	simm.s32 $_size_execute0_lowered;
	s2 =	sadd.s32 s2, s4;
	[dreg:$0x0] =	wrdreg $0x0  }
0xa8: {  	s4 =	sshll.u32 s28, $0x1;
	[dreg:$0x2] =	wrdreg s2  }
0xa9: {  	[dreg:$0x3] =	wrdreg s4  }
0xaa: {  	[dreg:$0x4] =	wrdreg $0xC0  }
0xab: {  	_ =	task [dreg:s6], $0x5FFFF  }
0xac: {  	[dreg:$0x1] =	wrdreg $0xFFFFFFFF  }
0xad: {  	[dreg:$0x0] =	wrdreg $0x60  }
0xae: {  	[dreg:$0x2] =	wrdreg s24  }
0xaf: {  	[dreg:$0x3] =	wrdreg $0xB4000  }
0xb0: {  	[dreg:$0x4] =	wrdreg $0x9  }
0xb1: {  	_ =	task.clear_ibuf [dreg:s6], $0x5FFFF;
	_ =	strace $0x90000049  }
0xb2: {  	s29 =	simm.s32 $0x9;
	_ =	strace $0x8000004B  }
0xb3: {  	_ =	swait.ge [sflag:s29], $0x1  }
0xb4: {  	[sflag:s29] =	ssyncadd.s32 $0xFFFFFFFF  }
0xb5: {  	_ =	strace $0x9000004B  }
0xb6: {  	_ =	sfence  }
0xb7: {  	s30 =	sld [smem:$0x0];
	_ =	sdelay $0x2  }
0xb8: {  	s31 =	sshll.u32 s1, $0xD;
	s1 =	sshrl.u32 s1, $0x2  }
0xb9: {  	s3 =	sand.u32 $0x4000, s31;
	s1 =	sadd.s32 s1, s30  }
0xba: {  	s0 =	sor.u32 s3, s0;
	s1 =	sshll.u32 s1, $0x11  }
0xbb: {  	s0 =	sor.u32 s1, s0  }
0xbc: {  	s0 =	sadd.s32 $0x8F2B, s0  }
0xbd: {  	[sflag:s0] =	ssyncadd.remote.s32 $0x1  }
0xbe: {  	_ =	sfence.sel $0xFFFF  }
0xbf: {  	[dreg:$0x0] =	wrdreg $0xFFFFFFFF;
	(pc) =	sbr.abs _section_cstart, $3  }
0xc0: {  	[dreg:$0x1] =	wrdreg $0xFFFFFFFF  }
0xc1: {  	_ =	task.clear_ibuf [dreg:s6], $0x2FFFF;
	_ =	strace $0x9FFFFFFF  }
0xc2: {  	(tm) =	ssettm $0x7FFFFFFF  }
0xc3: {  	_ =	shalt  }
tec
execute0_lowered:
.L_overlay_start_1:
0x0: {  	(tag) =	ssettag $0x1  }
0x1: {  	s1 =	srdreg.scid;
	s10 =	stileid.u32  }
0x2: {  	s1 =	sand.u32 $0x1, s1;
	s5 =	smul.u32 $0x280, s10;
	s7 =	sshll.u32 s10, $0x1  }
0x3: {  	s0 =	rddreg [dreg:$0x0];
	s6 =	smul.u32 $0x2800, s1;
	s7 =	sor.u32 s1, s7  }
0x4: {  	s2 =	rddreg [dreg:$0x1];
	s3 =	simm.s32 $0x0;
	s17 =	smul.u32 $0x500, s7  }
0x5: {  	[smem:$0x7FF] =	sst s3;
	s4 =	sadd.s32 $0x16000, s0;
	s7 =	smul.u32 $0x2800, s7  }
0x6: {  	s8 =	sadd.s32 $0x2000, s0;
	s9 =	sadd.s32 $0xC000, s0;
	_ =	strace $0x8000004A  }
0x7: {  	s5 =	sadd.s32 s5, s6;
	s19 =	sadd.s32 s8, s17;
	s20 =	sshrl.u32 s7, $0x3  }
0x8: {  	s6 =	sadd.s32 s9, s17;
	[dreg:$0x3] =	wrdreg s19;
	s21 =	sadd.s32 $0x100, s20  }
0x9: {  	s5 =	sshll.u32 s5, $0x4;
	[dreg:$0x4] =	wrdreg s6;
	s11 =	sadd.s32 s8, s21  }
0xa: {  	s7 =	sadd.s32 $0x200, s20;
	s6 =	sadd.s32 s9, s21;
	[dreg:$0x5] =	wrdreg s11  }
0xb: {  	s0 =	sadd.s32 s5, s0;
	s22 =	sadd.s32 s8, s7;
	[dreg:$0x6] =	wrdreg s6  }
0xc: {  	s24 =	sadd.s32 $0x300, s20;
	s23 =	sadd.s32 s9, s7;
	[dreg:$0x7] =	wrdreg s22  }
0xd: {  	s5 =	sadd.s32 $0x400, s20;
	s26 =	sadd.s32 s8, s24;
	[dreg:$0x8] =	wrdreg s23  }
0xe: {  	s25 =	smul.u32 $0x50000, s10;
	s8 =	sadd.s32 s8, s5;
	[dreg:$0x9] =	wrdreg s26  }
0xf: {  	s1 =	ssub.s32 $0x2, s1;
	s5 =	sadd.s32 s9, s5;
	[dreg:$0xb] =	wrdreg s8  }
0x10: {  	s18 =	sshrl.u32 s1, $0x1;
	s0 =	sadd.s32 $0x3E000, s0;
	[dreg:$0xc] =	wrdreg s5  }
0x11: {  	s1 =	ssub.s32 s1, s18;
	s6 =	sadd.s32 s9, s24;
	[dreg:$0xd] =	wrdreg s0  }
0x12: {  	s10 =	sshrl.u32 s25, $0x2;
	s11 =	smax.u32 s1, $0x1;
	[dreg:$0xa] =	wrdreg s6  }
0x13: {  	s5 =	sadd.s32 s10, s2;
	[dreg:$0xe] =	wrdreg s11  }
0x14: {  	s12 =	sadd.s32 $0x1400, s5;
	[dreg:$0x1e] =	wrdreg s5  }
0x15: {  	s13 =	sadd.s32 $0x2800, s5;
	[dreg:$0xf] =	wrdreg s12  }
0x16: {  	s14 =	sadd.s32 $0x3C00, s5;
	[dreg:$0x10] =	wrdreg s13  }
0x17: {  	s15 =	sadd.s32 $0x5000, s5;
	[dreg:$0x11] =	wrdreg s14  }
0x18: {  	s16 =	sadd.s32 $0x6400, s5;
	[dreg:$0x12] =	wrdreg s15  }
0x19: {  	s31 =	simm.s32 $0x2;
	s17 =	sadd.s32 $0x7800, s5;
	[dreg:$0x13] =	wrdreg s16  }
0x1a: {  	s28 =	simm.s32 $0x1380;
	s18 =	sadd.s32 $0x8C00, s5;
	[dreg:$0x14] =	wrdreg s17  }
0x1b: {  	s29 =	simm.s32 $0x1B00;
	s19 =	sadd.s32 $0xA000, s5;
	[dreg:$0x15] =	wrdreg s18  }
0x1c: {  	s30 =	simm.s32 $0x1400;
	s20 =	sadd.s32 $0xB400, s5;
	[dreg:$0x16] =	wrdreg s19  }
0x1d: {  	s8 =	simm.s32 $0x1;
	s21 =	sadd.s32 $0xC800, s5;
	[dreg:$0x17] =	wrdreg s20  }
0x1e: {  	s0 =	simm.s32 $0x0;
	s22 =	sadd.s32 $0xDC00, s5;
	[dreg:$0x18] =	wrdreg s21  }
0x1f: {  	s10 =	simm.s32 $0x1000;
	s23 =	sadd.s32 $0xF000, s5;
	[dreg:$0x19] =	wrdreg s22  }
0x20: {  	s9 =	simm.s32 $0x1080;
	s24 =	sadd.s32 $0x10400, s5;
	[dreg:$0x1a] =	wrdreg s23  }
0x21: {  	s25 =	sadd.s32 $0x11800, s5;
	s26 =	sadd.s32 $0x12C00, s5;
	[dreg:$0x1b] =	wrdreg s24  }
0x22: {  	s5 =	simm.s32 $0xA000;
	s6 =	simm.s32 $0x5;
	[dreg:$0x1c] =	wrdreg s25  }
0x23: {  	s11 =	simm.s32 $0x80;
	[dreg:$0x1d] =	wrdreg s26;
	s12 =	simm.s32 $0x2000  }
0x24: {  	s13 =	simm.s32 $0x6000;
	s14 =	simm.s32 $0x3;
	s17 =	simm.s32 $0x4  }
0x25: {  	s15 =	simm.s32 $0x1800;
	s19 =	simm.s32 $0x1180;
	s20 =	simm.s32 $0x1900  }
0x26: {  	s21 =	simm.s32 $0x1200;
	s22 =	simm.s32 $0x1980;
	s23 =	simm.s32 $0x1280  }
0x27: {  	v0 =	vimm.f32 $0.0e+00;
	s24 =	simm.s32 $0x1A00;
	s25 =	simm.s32 $0x1300;
	s26 =	simm.s32 $0x1A80  }
.LBB2_1:
0x28: {  	s1 =	simm.s32 $0x70;
	s16 =	simm.s32 $0x3C0  }
.LBB2_2:
0x29: {  	p0 =	sne.s32 s16, $0x4FC0;
	[tilespmem:s1+$0xA000] =	vst v0  }
0x2a: {  	[tilespmem:s1+$0x9F90] =	vst v0  }
0x2b: {  	[tilespmem:s1+$0x9FA0] =	vst v0  }
.Ltmp0:
0x2c: {  	[tilespmem:s1+$0x9FB0] =	vst v0;
	(pc) =	sbr.rel @p0 .LBB2_2-.Ltmp0, $4  }
0x2d: {  	[tilespmem:s1+$0x9FC0] =	vst v0  }
0x2e: {  	[tilespmem:s1+$0x9FD0] =	vst v0  }
0x2f: {  	[tilespmem:s1+$0x9FE0] =	vst v0  }
0x30: {  	[tilespmem:s1+$0x9FF0] =	vst v0;
	s1 =	sshra.s32 s16, $0x2;
	s16 =	sadd.s32 $0x200, s16  }
0x31: {  	[tilespmem:s1+$0xA000] =	vst v0  }
0x32: {  	[tilespmem:s1+$0x9F90] =	vst v0  }
0x33: {  	[tilespmem:s1+$0x9FA0] =	vst v0  }
0x34: {  	[tilespmem:s1+$0x9FB0] =	vst v0  }
0x35: {  	[tilespmem:s1+$0x9FC0] =	vst v0  }
0x36: {  	[tilespmem:s1+$0x9FD0] =	vst v0  }
0x37: {  	[tilespmem:s1+$0x9FE0] =	vst v0  }
0x38: {  	[tilespmem:s1+$0x9FF0] =	vst v0;
	s18 =	rddreg [dreg:$0x1e]  }
0x39: {  	[spmem:s18] =	stream.linear.scatter [tilespmem:s5], [sflag:$0x5], $0x1400, $0x38;
	[tilespmem:$0x1F400] =	vst v63  }
0x3a: {  	_ =	swait.ge [sflag:s6], $0x1400  }
0x3b: {  	[sflag:s6] =	ssyncset.done $0x0  }
0x3c: {  	s7 =	rddreg [dreg:$0xf];
	[sflag:s6] =	ssyncadd.s32 $0xFFFFEC00  }
0x3d: {  	[spmem:s7] =	stream.linear.scatter [tilespmem:s5], [sflag:$0x5], $0x1400, $0x38;
	[tilespmem:$0x1F400] =	vst v63  }
0x3e: {  	_ =	swait.ge [sflag:s6], $0x1400  }
0x3f: {  	[sflag:s6] =	ssyncset.done $0x0  }
0x40: {  	s16 =	rddreg [dreg:$0x10];
	[sflag:s6] =	ssyncadd.s32 $0xFFFFEC00  }
0x41: {  	[spmem:s16] =	stream.linear.scatter [tilespmem:s5], [sflag:$0x5], $0x1400, $0x38;
	[tilespmem:$0x1F400] =	vst v63  }
0x42: {  	_ =	swait.ge [sflag:s6], $0x1400  }
0x43: {  	[sflag:s6] =	ssyncset.done $0x0  }
0x44: {  	s18 =	rddreg [dreg:$0x11];
	[sflag:s6] =	ssyncadd.s32 $0xFFFFEC00  }
0x45: {  	[spmem:s18] =	stream.linear.scatter [tilespmem:s5], [sflag:$0x5], $0x1400, $0x38;
	[tilespmem:$0x1F400] =	vst v63  }
0x46: {  	_ =	swait.ge [sflag:s6], $0x1400  }
0x47: {  	[sflag:s6] =	ssyncset.done $0x0  }
0x48: {  	s7 =	rddreg [dreg:$0x12];
	[sflag:s6] =	ssyncadd.s32 $0xFFFFEC00  }
0x49: {  	[spmem:s7] =	stream.linear.scatter [tilespmem:s5], [sflag:$0x5], $0x1400, $0x38;
	[tilespmem:$0x1F400] =	vst v63  }
0x4a: {  	_ =	swait.ge [sflag:s6], $0x1400  }
0x4b: {  	[sflag:s6] =	ssyncset.done $0x0  }
0x4c: {  	s16 =	rddreg [dreg:$0x13];
	[sflag:s6] =	ssyncadd.s32 $0xFFFFEC00  }
0x4d: {  	[spmem:s16] =	stream.linear.scatter [tilespmem:s5], [sflag:$0x5], $0x1400, $0x38;
	[tilespmem:$0x1F400] =	vst v63  }
0x4e: {  	_ =	swait.ge [sflag:s6], $0x1400  }
0x4f: {  	[sflag:s6] =	ssyncset.done $0x0  }
0x50: {  	s18 =	rddreg [dreg:$0x14];
	[sflag:s6] =	ssyncadd.s32 $0xFFFFEC00  }
0x51: {  	[spmem:s18] =	stream.linear.scatter [tilespmem:s5], [sflag:$0x5], $0x1400, $0x38;
	[tilespmem:$0x1F400] =	vst v63  }
0x52: {  	_ =	swait.ge [sflag:s6], $0x1400  }
0x53: {  	[sflag:s6] =	ssyncset.done $0x0  }
0x54: {  	s7 =	rddreg [dreg:$0x15];
	[sflag:s6] =	ssyncadd.s32 $0xFFFFEC00  }
0x55: {  	[spmem:s7] =	stream.linear.scatter [tilespmem:s5], [sflag:$0x5], $0x1400, $0x38;
	[tilespmem:$0x1F400] =	vst v63  }
0x56: {  	_ =	swait.ge [sflag:s6], $0x1400  }
0x57: {  	[sflag:s6] =	ssyncset.done $0x0  }
0x58: {  	s16 =	rddreg [dreg:$0x16];
	[sflag:s6] =	ssyncadd.s32 $0xFFFFEC00  }
0x59: {  	[spmem:s16] =	stream.linear.scatter [tilespmem:s5], [sflag:$0x5], $0x1400, $0x38;
	[tilespmem:$0x1F400] =	vst v63  }
0x5a: {  	_ =	swait.ge [sflag:s6], $0x1400  }
0x5b: {  	[sflag:s6] =	ssyncset.done $0x0  }
0x5c: {  	s18 =	rddreg [dreg:$0x17];
	[sflag:s6] =	ssyncadd.s32 $0xFFFFEC00  }
0x5d: {  	[spmem:s18] =	stream.linear.scatter [tilespmem:s5], [sflag:$0x5], $0x1400, $0x38;
	[tilespmem:$0x1F400] =	vst v63  }
0x5e: {  	_ =	swait.ge [sflag:s6], $0x1400  }
0x5f: {  	[sflag:s6] =	ssyncset.done $0x0  }
0x60: {  	s7 =	rddreg [dreg:$0x18];
	[sflag:s6] =	ssyncadd.s32 $0xFFFFEC00  }
0x61: {  	[spmem:s7] =	stream.linear.scatter [tilespmem:s5], [sflag:$0x5], $0x1400, $0x38;
	[tilespmem:$0x1F400] =	vst v63  }
0x62: {  	_ =	swait.ge [sflag:s6], $0x1400  }
0x63: {  	[sflag:s6] =	ssyncset.done $0x0  }
0x64: {  	s16 =	rddreg [dreg:$0x19];
	[sflag:s6] =	ssyncadd.s32 $0xFFFFEC00  }
0x65: {  	[spmem:s16] =	stream.linear.scatter [tilespmem:s5], [sflag:$0x5], $0x1400, $0x38;
	[tilespmem:$0x1F400] =	vst v63  }
0x66: {  	_ =	swait.ge [sflag:s6], $0x1400  }
0x67: {  	[sflag:s6] =	ssyncset.done $0x0  }
0x68: {  	s18 =	rddreg [dreg:$0x1a];
	[sflag:s6] =	ssyncadd.s32 $0xFFFFEC00  }
0x69: {  	[spmem:s18] =	stream.linear.scatter [tilespmem:s5], [sflag:$0x5], $0x1400, $0x38;
	[tilespmem:$0x1F400] =	vst v63  }
0x6a: {  	_ =	swait.ge [sflag:s6], $0x1400  }
0x6b: {  	[sflag:s6] =	ssyncset.done $0x0  }
0x6c: {  	s7 =	rddreg [dreg:$0x1b];
	[sflag:s6] =	ssyncadd.s32 $0xFFFFEC00  }
0x6d: {  	[spmem:s7] =	stream.linear.scatter [tilespmem:s5], [sflag:$0x5], $0x1400, $0x38;
	[tilespmem:$0x1F400] =	vst v63  }
0x6e: {  	_ =	swait.ge [sflag:s6], $0x1400  }
0x6f: {  	[sflag:s6] =	ssyncset.done $0x0  }
0x70: {  	s16 =	rddreg [dreg:$0x1c];
	[sflag:s6] =	ssyncadd.s32 $0xFFFFEC00  }
0x71: {  	[spmem:s16] =	stream.linear.scatter [tilespmem:s5], [sflag:$0x5], $0x1400, $0x38;
	[tilespmem:$0x1F400] =	vst v63  }
0x72: {  	_ =	swait.ge [sflag:s6], $0x1400  }
0x73: {  	[sflag:s6] =	ssyncset.done $0x0  }
0x74: {  	s18 =	rddreg [dreg:$0x1d];
	[sflag:s6] =	ssyncadd.s32 $0xFFFFEC00  }
0x75: {  	[spmem:s18] =	stream.linear.scatter [tilespmem:s5], [sflag:$0x5], $0x1400, $0x38;
	[tilespmem:$0x1F400] =	vst v63  }
0x76: {  	_ =	swait.ge [sflag:s6], $0x1400  }
0x77: {  	[sflag:s6] =	ssyncset.done $0x0  }
0x78: {  	[sflag:s6] =	ssyncadd.s32 $0xFFFFEC00  }
0x79: {  	[bflag:$0x0] =	sbarrier.arrive $0xFFFF  }
0x7a: {  	s7 =	rddreg [dreg:$0x3]  }
0x7b: {  	[tilespmem:s3], [sflag:$0x1] =	stream.linear.gather [hbm4b:s7+s3], $0x800, $0x38;
	[tilespmem:$0x1F400] =	vst v63  }
0x7c: {  	s16 =	rddreg [dreg:$0x4];
	s7 =	simm.s32 $0x800  }
0x7d: {  	[tilespmem:s7], [sflag:$0x1] =	stream.linear.gather [hbm4b:s16+s3], $0x800, $0x38;
	[tilespmem:$0x1F400] =	vst v63  }
0x7e: {  	_ =	swait.ge [sflag:s8], $0x800  }
0x7f: {  	[sflag:s8] =	ssyncset.done $0x0  }
0x80: {  	[sflag:s8] =	ssyncadd.s32 $0xFFFFF800  }
0x81: {  	_ =	swait.ge [sflag:s8], $0x800  }
0x82: {  	[sflag:s8] =	ssyncset.done $0x0  }
0x83: {  	s18 =	rddreg [dreg:$0x5];
	[sflag:s8] =	ssyncadd.s32 $0xFFFFF800  }
0x84: {  	[tilespmem:s10], [sflag:$0x2] =	stream.linear.gather [hbm4b:s18+s3], $0x800, $0x38;
	[tilespmem:$0x1F400] =	vst v63  }
0x85: {  	s16 =	rddreg [dreg:$0x6]  }
0x86: {  	[tilespmem:s15], [sflag:$0x2] =	stream.linear.gather [hbm4b:s16+s3], $0x800, $0x38;
	[tilespmem:$0x1F400] =	vst v63  }
0x87: {  	_ = 	snop  }
0x88: {  	[tilespmem:s12], [sflag:$0x3] =	stream.indirect.gather [hbm4b:s4+s11], $0x80, s3, s11, $0xb8;
	[tilespmem:$0x1F400] =	vst v63  }
0x89: {  	_ = 	snop  }
0x8a: {  	[tilespmem:s13], [sflag:$0x4] =	stream.indirect.gather [hbm4b:s4+s11], $0x80, s11, s11, $0xb8;
	[tilespmem:$0x1F400] =	vst v63  }
0x8b: {  	_ =	swait.ge [sflag:s14], $0x4000  }
0x8c: {  	[sflag:s14] =	ssyncset.done $0x0  }
0x8d: {  	[sflag:s14] =	ssyncadd.s32 $0xFFFFC000  }
0x8e: {  	[spmem:s2] =	stream.indirect.scatter.add.f32 [tilespmem:s12], [sflag:$0x5], $0x80, s7, s11, $0xb8;
	[tilespmem:$0x1F400] =	vst v63  }
0x8f: {  	_ =	swait.ge [sflag:s6], $0x4000  }
0x90: {  	[sflag:s6] =	ssyncset.done $0x0  }
0x91: {  	s18 =	simm.s32 $0x100;
	[sflag:s6] =	ssyncadd.s32 $0xFFFFC000  }
0x92: {  	[tilespmem:s12], [sflag:$0x3] =	stream.indirect.gather [hbm4b:s4+s11], $0x80, s18, s11, $0xb8;
	[tilespmem:$0x1F400] =	vst v63  }
0x93: {  	_ =	swait.ge [sflag:s17], $0x4000  }
0x94: {  	[sflag:s17] =	ssyncset.done $0x0  }
0x95: {  	s16 =	simm.s32 $0x880;
	[sflag:s17] =	ssyncadd.s32 $0xFFFFC000  }
0x96: {  	[spmem:s2] =	stream.indirect.scatter.add.f32 [tilespmem:s13], [sflag:$0x5], $0x80, s16, s11, $0xb8;
	[tilespmem:$0x1F400] =	vst v63  }
0x97: {  	_ =	swait.ge [sflag:s6], $0x4000  }
0x98: {  	[sflag:s6] =	ssyncset.done $0x0  }
0x99: {  	s18 =	simm.s32 $0x180;
	[sflag:s6] =	ssyncadd.s32 $0xFFFFC000  }
0x9a: {  	[tilespmem:s13], [sflag:$0x4] =	stream.indirect.gather [hbm4b:s4+s11], $0x80, s18, s11, $0xb8;
	[tilespmem:$0x1F400] =	vst v63  }
0x9b: {  	_ =	swait.ge [sflag:s14], $0x4000  }
0x9c: {  	[sflag:s14] =	ssyncset.done $0x0  }
0x9d: {  	s16 =	simm.s32 $0x900;
	[sflag:s14] =	ssyncadd.s32 $0xFFFFC000  }
0x9e: {  	[spmem:s2] =	stream.indirect.scatter.add.f32 [tilespmem:s12], [sflag:$0x5], $0x80, s16, s11, $0xb8;
	[tilespmem:$0x1F400] =	vst v63  }
0x9f: {  	_ =	swait.ge [sflag:s6], $0x4000  }
0xa0: {  	[sflag:s6] =	ssyncset.done $0x0  }
0xa1: {  	s18 =	simm.s32 $0x200;
	[sflag:s6] =	ssyncadd.s32 $0xFFFFC000  }
0xa2: {  	[tilespmem:s12], [sflag:$0x3] =	stream.indirect.gather [hbm4b:s4+s11], $0x80, s18, s11, $0xb8;
	[tilespmem:$0x1F400] =	vst v63  }
0xa3: {  	_ =	swait.ge [sflag:s17], $0x4000  }
0xa4: {  	[sflag:s17] =	ssyncset.done $0x0  }
0xa5: {  	s16 =	simm.s32 $0x980;
	[sflag:s17] =	ssyncadd.s32 $0xFFFFC000  }
0xa6: {  	[spmem:s2] =	stream.indirect.scatter.add.f32 [tilespmem:s13], [sflag:$0x5], $0x80, s16, s11, $0xb8;
	[tilespmem:$0x1F400] =	vst v63  }
0xa7: {  	_ =	swait.ge [sflag:s6], $0x4000  }
0xa8: {  	[sflag:s6] =	ssyncset.done $0x0  }
0xa9: {  	s18 =	simm.s32 $0x280;
	[sflag:s6] =	ssyncadd.s32 $0xFFFFC000  }
0xaa: {  	[tilespmem:s13], [sflag:$0x4] =	stream.indirect.gather [hbm4b:s4+s11], $0x80, s18, s11, $0xb8;
	[tilespmem:$0x1F400] =	vst v63  }
0xab: {  	_ =	swait.ge [sflag:s14], $0x4000  }
0xac: {  	[sflag:s14] =	ssyncset.done $0x0  }
0xad: {  	s16 =	simm.s32 $0xA00;
	[sflag:s14] =	ssyncadd.s32 $0xFFFFC000  }
0xae: {  	[spmem:s2] =	stream.indirect.scatter.add.f32 [tilespmem:s12], [sflag:$0x5], $0x80, s16, s11, $0xb8;
	[tilespmem:$0x1F400] =	vst v63  }
0xaf: {  	_ =	swait.ge [sflag:s6], $0x4000  }
0xb0: {  	[sflag:s6] =	ssyncset.done $0x0  }
0xb1: {  	s18 =	simm.s32 $0x300;
	[sflag:s6] =	ssyncadd.s32 $0xFFFFC000  }
0xb2: {  	[tilespmem:s12], [sflag:$0x3] =	stream.indirect.gather [hbm4b:s4+s11], $0x80, s18, s11, $0xb8;
	[tilespmem:$0x1F400] =	vst v63  }
0xb3: {  	_ =	swait.ge [sflag:s17], $0x4000  }
0xb4: {  	[sflag:s17] =	ssyncset.done $0x0  }
0xb5: {  	s16 =	simm.s32 $0xA80;
	[sflag:s17] =	ssyncadd.s32 $0xFFFFC000  }
0xb6: {  	[spmem:s2] =	stream.indirect.scatter.add.f32 [tilespmem:s13], [sflag:$0x5], $0x80, s16, s11, $0xb8;
	[tilespmem:$0x1F400] =	vst v63  }
0xb7: {  	_ =	swait.ge [sflag:s6], $0x4000  }
0xb8: {  	[sflag:s6] =	ssyncset.done $0x0  }
0xb9: {  	s18 =	simm.s32 $0x380;
	[sflag:s6] =	ssyncadd.s32 $0xFFFFC000  }
0xba: {  	[tilespmem:s13], [sflag:$0x4] =	stream.indirect.gather [hbm4b:s4+s11], $0x80, s18, s11, $0xb8;
	[tilespmem:$0x1F400] =	vst v63  }
0xbb: {  	_ =	swait.ge [sflag:s14], $0x4000  }
0xbc: {  	[sflag:s14] =	ssyncset.done $0x0  }
0xbd: {  	s16 =	simm.s32 $0xB00;
	[sflag:s14] =	ssyncadd.s32 $0xFFFFC000  }
0xbe: {  	[spmem:s2] =	stream.indirect.scatter.add.f32 [tilespmem:s12], [sflag:$0x5], $0x80, s16, s11, $0xb8;
	[tilespmem:$0x1F400] =	vst v63  }
0xbf: {  	_ =	swait.ge [sflag:s6], $0x4000  }
0xc0: {  	[sflag:s6] =	ssyncset.done $0x0  }
0xc1: {  	s18 =	simm.s32 $0x400;
	[sflag:s6] =	ssyncadd.s32 $0xFFFFC000  }
0xc2: {  	[tilespmem:s12], [sflag:$0x3] =	stream.indirect.gather [hbm4b:s4+s11], $0x80, s18, s11, $0xb8;
	[tilespmem:$0x1F400] =	vst v63  }
0xc3: {  	_ =	swait.ge [sflag:s17], $0x4000  }
0xc4: {  	[sflag:s17] =	ssyncset.done $0x0  }
0xc5: {  	s16 =	simm.s32 $0xB80;
	[sflag:s17] =	ssyncadd.s32 $0xFFFFC000  }
0xc6: {  	[spmem:s2] =	stream.indirect.scatter.add.f32 [tilespmem:s13], [sflag:$0x5], $0x80, s16, s11, $0xb8;
	[tilespmem:$0x1F400] =	vst v63  }
0xc7: {  	_ =	swait.ge [sflag:s6], $0x4000  }
0xc8: {  	[sflag:s6] =	ssyncset.done $0x0  }
0xc9: {  	s18 =	simm.s32 $0x480;
	[sflag:s6] =	ssyncadd.s32 $0xFFFFC000  }
0xca: {  	[tilespmem:s13], [sflag:$0x4] =	stream.indirect.gather [hbm4b:s4+s11], $0x80, s18, s11, $0xb8;
	[tilespmem:$0x1F400] =	vst v63  }
0xcb: {  	_ =	swait.ge [sflag:s14], $0x4000  }
0xcc: {  	[sflag:s14] =	ssyncset.done $0x0  }
0xcd: {  	s16 =	simm.s32 $0xC00;
	[sflag:s14] =	ssyncadd.s32 $0xFFFFC000  }
0xce: {  	[spmem:s2] =	stream.indirect.scatter.add.f32 [tilespmem:s12], [sflag:$0x5], $0x80, s16, s11, $0xb8;
	[tilespmem:$0x1F400] =	vst v63  }
0xcf: {  	_ =	swait.ge [sflag:s6], $0x4000  }
0xd0: {  	[sflag:s6] =	ssyncset.done $0x0  }
0xd1: {  	s18 =	simm.s32 $0x500;
	[sflag:s6] =	ssyncadd.s32 $0xFFFFC000  }
0xd2: {  	[tilespmem:s12], [sflag:$0x3] =	stream.indirect.gather [hbm4b:s4+s11], $0x80, s18, s11, $0xb8;
	[tilespmem:$0x1F400] =	vst v63  }
0xd3: {  	_ =	swait.ge [sflag:s17], $0x4000  }
0xd4: {  	[sflag:s17] =	ssyncset.done $0x0  }
0xd5: {  	s16 =	simm.s32 $0xC80;
	[sflag:s17] =	ssyncadd.s32 $0xFFFFC000  }
0xd6: {  	[spmem:s2] =	stream.indirect.scatter.add.f32 [tilespmem:s13], [sflag:$0x5], $0x80, s16, s11, $0xb8;
	[tilespmem:$0x1F400] =	vst v63  }
0xd7: {  	_ =	swait.ge [sflag:s6], $0x4000  }
0xd8: {  	[sflag:s6] =	ssyncset.done $0x0  }
0xd9: {  	s18 =	simm.s32 $0x580;
	[sflag:s6] =	ssyncadd.s32 $0xFFFFC000  }
0xda: {  	[tilespmem:s13], [sflag:$0x4] =	stream.indirect.gather [hbm4b:s4+s11], $0x80, s18, s11, $0xb8;
	[tilespmem:$0x1F400] =	vst v63  }
0xdb: {  	_ =	swait.ge [sflag:s14], $0x4000  }
0xdc: {  	[sflag:s14] =	ssyncset.done $0x0  }
0xdd: {  	s16 =	simm.s32 $0xD00;
	[sflag:s14] =	ssyncadd.s32 $0xFFFFC000  }
0xde: {  	[spmem:s2] =	stream.indirect.scatter.add.f32 [tilespmem:s12], [sflag:$0x5], $0x80, s16, s11, $0xb8;
	[tilespmem:$0x1F400] =	vst v63  }
0xdf: {  	_ =	swait.ge [sflag:s6], $0x4000  }
0xe0: {  	[sflag:s6] =	ssyncset.done $0x0  }
0xe1: {  	s18 =	simm.s32 $0x600;
	[sflag:s6] =	ssyncadd.s32 $0xFFFFC000  }
0xe2: {  	[tilespmem:s12], [sflag:$0x3] =	stream.indirect.gather [hbm4b:s4+s11], $0x80, s18, s11, $0xb8;
	[tilespmem:$0x1F400] =	vst v63  }
0xe3: {  	_ =	swait.ge [sflag:s17], $0x4000  }
0xe4: {  	[sflag:s17] =	ssyncset.done $0x0  }
0xe5: {  	s16 =	simm.s32 $0xD80;
	[sflag:s17] =	ssyncadd.s32 $0xFFFFC000  }
0xe6: {  	[spmem:s2] =	stream.indirect.scatter.add.f32 [tilespmem:s13], [sflag:$0x5], $0x80, s16, s11, $0xb8;
	[tilespmem:$0x1F400] =	vst v63  }
0xe7: {  	_ =	swait.ge [sflag:s6], $0x4000  }
0xe8: {  	[sflag:s6] =	ssyncset.done $0x0  }
0xe9: {  	s18 =	simm.s32 $0x680;
	[sflag:s6] =	ssyncadd.s32 $0xFFFFC000  }
0xea: {  	[tilespmem:s13], [sflag:$0x4] =	stream.indirect.gather [hbm4b:s4+s11], $0x80, s18, s11, $0xb8;
	[tilespmem:$0x1F400] =	vst v63  }
0xeb: {  	_ =	swait.ge [sflag:s14], $0x4000  }
0xec: {  	[sflag:s14] =	ssyncset.done $0x0  }
0xed: {  	s16 =	simm.s32 $0xE00;
	[sflag:s14] =	ssyncadd.s32 $0xFFFFC000  }
0xee: {  	[spmem:s2] =	stream.indirect.scatter.add.f32 [tilespmem:s12], [sflag:$0x5], $0x80, s16, s11, $0xb8;
	[tilespmem:$0x1F400] =	vst v63  }
0xef: {  	_ =	swait.ge [sflag:s6], $0x4000  }
0xf0: {  	[sflag:s6] =	ssyncset.done $0x0  }
0xf1: {  	s18 =	simm.s32 $0x700;
	[sflag:s6] =	ssyncadd.s32 $0xFFFFC000  }
0xf2: {  	[tilespmem:s12], [sflag:$0x3] =	stream.indirect.gather [hbm4b:s4+s11], $0x80, s18, s11, $0xb8;
	[tilespmem:$0x1F400] =	vst v63  }
0xf3: {  	_ =	swait.ge [sflag:s17], $0x4000  }
0xf4: {  	[sflag:s17] =	ssyncset.done $0x0  }
0xf5: {  	s16 =	simm.s32 $0xE80;
	[sflag:s17] =	ssyncadd.s32 $0xFFFFC000  }
0xf6: {  	[spmem:s2] =	stream.indirect.scatter.add.f32 [tilespmem:s13], [sflag:$0x5], $0x80, s16, s11, $0xb8;
	[tilespmem:$0x1F400] =	vst v63  }
0xf7: {  	_ =	swait.ge [sflag:s6], $0x4000  }
0xf8: {  	[sflag:s6] =	ssyncset.done $0x0  }
0xf9: {  	s18 =	simm.s32 $0x780;
	[sflag:s6] =	ssyncadd.s32 $0xFFFFC000  }
0xfa: {  	[tilespmem:s13], [sflag:$0x4] =	stream.indirect.gather [hbm4b:s4+s11], $0x80, s18, s11, $0xb8;
	[tilespmem:$0x1F400] =	vst v63  }
0xfb: {  	_ =	swait.ge [sflag:s14], $0x4000  }
0xfc: {  	[sflag:s14] =	ssyncset.done $0x0  }
0xfd: {  	s16 =	simm.s32 $0xF00;
	[sflag:s14] =	ssyncadd.s32 $0xFFFFC000  }
0xfe: {  	[spmem:s2] =	stream.indirect.scatter.add.f32 [tilespmem:s12], [sflag:$0x5], $0x80, s16, s11, $0xb8;
	[tilespmem:$0x1F400] =	vst v63  }
0xff: {  	_ =	swait.ge [sflag:s6], $0x4000  }
0x100: {  	[sflag:s6] =	ssyncset.done $0x0  }
0x101: {  	[sflag:s6] =	ssyncadd.s32 $0xFFFFC000  }
0x102: {  	_ =	swait.ge [sflag:s17], $0x4000  }
0x103: {  	[sflag:s17] =	ssyncset.done $0x0  }
0x104: {  	s18 =	simm.s32 $0xF80;
	[sflag:s17] =	ssyncadd.s32 $0xFFFFC000  }
0x105: {  	[spmem:s2] =	stream.indirect.scatter.add.f32 [tilespmem:s13], [sflag:$0x5], $0x80, s18, s11, $0xb8;
	[tilespmem:$0x1F400] =	vst v63  }
0x106: {  	_ =	swait.ge [sflag:s6], $0x4000  }
0x107: {  	[sflag:s6] =	ssyncset.done $0x0  }
0x108: {  	[sflag:s6] =	ssyncadd.s32 $0xFFFFC000  }
0x109: {  	_ =	swait.ge [sflag:s31], $0x800  }
0x10a: {  	[sflag:s31] =	ssyncset.done $0x0  }
0x10b: {  	[sflag:s31] =	ssyncadd.s32 $0xFFFFF800  }
0x10c: {  	_ =	swait.ge [sflag:s31], $0x800  }
0x10d: {  	[sflag:s31] =	ssyncset.done $0x0  }
0x10e: {  	s16 =	rddreg [dreg:$0x7];
	[sflag:s31] =	ssyncadd.s32 $0xFFFFF800  }
0x10f: {  	[tilespmem:s3], [sflag:$0x1] =	stream.linear.gather [hbm4b:s16+s3], $0x800, $0x38;
	[tilespmem:$0x1F400] =	vst v63  }
0x110: {  	s18 =	rddreg [dreg:$0x8]  }
0x111: {  	[tilespmem:s7], [sflag:$0x1] =	stream.linear.gather [hbm4b:s18+s3], $0x800, $0x38;
	[tilespmem:$0x1F400] =	vst v63  }
0x112: {  	_ = 	snop  }
0x113: {  	[tilespmem:s12], [sflag:$0x3] =	stream.indirect.gather [hbm4b:s4+s11], $0x80, s10, s11, $0xb8;
	[tilespmem:$0x1F400] =	vst v63  }
0x114: {  	_ = 	snop  }
0x115: {  	[tilespmem:s13], [sflag:$0x4] =	stream.indirect.gather [hbm4b:s4+s11], $0x80, s9, s11, $0xb8;
	[tilespmem:$0x1F400] =	vst v63  }
0x116: {  	_ =	swait.ge [sflag:s14], $0x4000  }
0x117: {  	[sflag:s14] =	ssyncset.done $0x0  }
0x118: {  	[sflag:s14] =	ssyncadd.s32 $0xFFFFC000  }
0x119: {  	[spmem:s2] =	stream.indirect.scatter.add.f32 [tilespmem:s12], [sflag:$0x5], $0x80, s15, s11, $0xb8;
	[tilespmem:$0x1F400] =	vst v63  }
0x11a: {  	_ =	swait.ge [sflag:s6], $0x4000  }
0x11b: {  	[sflag:s6] =	ssyncset.done $0x0  }
0x11c: {  	s16 =	simm.s32 $0x1100;
	[sflag:s6] =	ssyncadd.s32 $0xFFFFC000  }
0x11d: {  	[tilespmem:s12], [sflag:$0x3] =	stream.indirect.gather [hbm4b:s4+s11], $0x80, s16, s11, $0xb8;
	[tilespmem:$0x1F400] =	vst v63  }
0x11e: {  	_ =	swait.ge [sflag:s17], $0x4000  }
0x11f: {  	[sflag:s17] =	ssyncset.done $0x0  }
0x120: {  	s18 =	simm.s32 $0x1880;
	[sflag:s17] =	ssyncadd.s32 $0xFFFFC000  }
0x121: {  	[spmem:s2] =	stream.indirect.scatter.add.f32 [tilespmem:s13], [sflag:$0x5], $0x80, s18, s11, $0xb8;
	[tilespmem:$0x1F400] =	vst v63  }
0x122: {  	_ =	swait.ge [sflag:s6], $0x4000  }
0x123: {  	[sflag:s6] =	ssyncset.done $0x0  }
0x124: {  	[sflag:s6] =	ssyncadd.s32 $0xFFFFC000  }
0x125: {  	[tilespmem:s13], [sflag:$0x4] =	stream.indirect.gather [hbm4b:s4+s11], $0x80, s19, s11, $0xb8;
	[tilespmem:$0x1F400] =	vst v63  }
0x126: {  	_ =	swait.ge [sflag:s14], $0x4000  }
0x127: {  	[sflag:s14] =	ssyncset.done $0x0  }
0x128: {  	[sflag:s14] =	ssyncadd.s32 $0xFFFFC000  }
0x129: {  	[spmem:s2] =	stream.indirect.scatter.add.f32 [tilespmem:s12], [sflag:$0x5], $0x80, s20, s11, $0xb8;
	[tilespmem:$0x1F400] =	vst v63  }
0x12a: {  	_ =	swait.ge [sflag:s6], $0x4000  }
0x12b: {  	[sflag:s6] =	ssyncset.done $0x0  }
0x12c: {  	[sflag:s6] =	ssyncadd.s32 $0xFFFFC000  }
0x12d: {  	[tilespmem:s12], [sflag:$0x3] =	stream.indirect.gather [hbm4b:s4+s11], $0x80, s21, s11, $0xb8;
	[tilespmem:$0x1F400] =	vst v63  }
0x12e: {  	_ =	swait.ge [sflag:s17], $0x4000  }
0x12f: {  	[sflag:s17] =	ssyncset.done $0x0  }
0x130: {  	[sflag:s17] =	ssyncadd.s32 $0xFFFFC000  }
0x131: {  	[spmem:s2] =	stream.indirect.scatter.add.f32 [tilespmem:s13], [sflag:$0x5], $0x80, s22, s11, $0xb8;
	[tilespmem:$0x1F400] =	vst v63  }
0x132: {  	_ =	swait.ge [sflag:s6], $0x4000  }
0x133: {  	[sflag:s6] =	ssyncset.done $0x0  }
0x134: {  	[sflag:s6] =	ssyncadd.s32 $0xFFFFC000  }
0x135: {  	[tilespmem:s13], [sflag:$0x4] =	stream.indirect.gather [hbm4b:s4+s11], $0x80, s23, s11, $0xb8;
	[tilespmem:$0x1F400] =	vst v63  }
0x136: {  	_ =	swait.ge [sflag:s14], $0x4000  }
0x137: {  	[sflag:s14] =	ssyncset.done $0x0  }
0x138: {  	[sflag:s14] =	ssyncadd.s32 $0xFFFFC000  }
0x139: {  	[spmem:s2] =	stream.indirect.scatter.add.f32 [tilespmem:s12], [sflag:$0x5], $0x80, s24, s11, $0xb8;
	[tilespmem:$0x1F400] =	vst v63  }
0x13a: {  	_ =	swait.ge [sflag:s6], $0x4000  }
0x13b: {  	[sflag:s6] =	ssyncset.done $0x0  }
0x13c: {  	[sflag:s6] =	ssyncadd.s32 $0xFFFFC000  }
0x13d: {  	[tilespmem:s12], [sflag:$0x3] =	stream.indirect.gather [hbm4b:s4+s11], $0x80, s25, s11, $0xb8;
	[tilespmem:$0x1F400] =	vst v63  }
0x13e: {  	_ =	swait.ge [sflag:s17], $0x4000  }
0x13f: {  	[sflag:s17] =	ssyncset.done $0x0  }
0x140: {  	[sflag:s17] =	ssyncadd.s32 $0xFFFFC000  }
0x141: {  	[spmem:s2] =	stream.indirect.scatter.add.f32 [tilespmem:s13], [sflag:$0x5], $0x80, s26, s11, $0xb8;
	[tilespmem:$0x1F400] =	vst v63  }
0x142: {  	_ =	swait.ge [sflag:s6], $0x4000  }
0x143: {  	[sflag:s6] =	ssyncset.done $0x0  }
0x144: {  	[sflag:s6] =	ssyncadd.s32 $0xFFFFC000  }
0x145: {  	[tilespmem:s13], [sflag:$0x4] =	stream.indirect.gather [hbm4b:s4+s11], $0x80, s28, s11, $0xb8;
	[tilespmem:$0x1F400] =	vst v63  }
0x146: {  	_ =	swait.ge [sflag:s14], $0x4000  }
0x147: {  	[sflag:s14] =	ssyncset.done $0x0  }
0x148: {  	[sflag:s14] =	ssyncadd.s32 $0xFFFFC000  }
0x149: {  	[spmem:s2] =	stream.indirect.scatter.add.f32 [tilespmem:s12], [sflag:$0x5], $0x80, s29, s11, $0xb8;
	[tilespmem:$0x1F400] =	vst v63  }
0x14a: {  	_ =	swait.ge [sflag:s6], $0x4000  }
0x14b: {  	[sflag:s6] =	ssyncset.done $0x0  }
0x14c: {  	[sflag:s6] =	ssyncadd.s32 $0xFFFFC000  }
0x14d: {  	[tilespmem:s12], [sflag:$0x3] =	stream.indirect.gather [hbm4b:s4+s11], $0x80, s30, s11, $0xb8;
	[tilespmem:$0x1F400] =	vst v63  }
0x14e: {  	_ =	swait.ge [sflag:s17], $0x4000  }
0x14f: {  	[sflag:s17] =	ssyncset.done $0x0  }
0x150: {  	s1 =	simm.s32 $0x1B80;
	[sflag:s17] =	ssyncadd.s32 $0xFFFFC000  }
0x151: {  	[spmem:s2] =	stream.indirect.scatter.add.f32 [tilespmem:s13], [sflag:$0x5], $0x80, s1, s11, $0xb8;
	[tilespmem:$0x1F400] =	vst v63  }
0x152: {  	_ =	swait.ge [sflag:s6], $0x4000  }
0x153: {  	[sflag:s6] =	ssyncset.done $0x0  }
0x154: {  	s1 =	simm.s32 $0x1480;
	[sflag:s6] =	ssyncadd.s32 $0xFFFFC000  }
0x155: {  	[tilespmem:s13], [sflag:$0x4] =	stream.indirect.gather [hbm4b:s4+s11], $0x80, s1, s11, $0xb8;
	[tilespmem:$0x1F400] =	vst v63  }
0x156: {  	_ =	swait.ge [sflag:s14], $0x4000  }
0x157: {  	[sflag:s14] =	ssyncset.done $0x0  }
0x158: {  	s1 =	simm.s32 $0x1C00;
	[sflag:s14] =	ssyncadd.s32 $0xFFFFC000  }
0x159: {  	[spmem:s2] =	stream.indirect.scatter.add.f32 [tilespmem:s12], [sflag:$0x5], $0x80, s1, s11, $0xb8;
	[tilespmem:$0x1F400] =	vst v63  }
0x15a: {  	_ =	swait.ge [sflag:s6], $0x4000  }
0x15b: {  	[sflag:s6] =	ssyncset.done $0x0  }
0x15c: {  	s1 =	simm.s32 $0x1500;
	[sflag:s6] =	ssyncadd.s32 $0xFFFFC000  }
0x15d: {  	[tilespmem:s12], [sflag:$0x3] =	stream.indirect.gather [hbm4b:s4+s11], $0x80, s1, s11, $0xb8;
	[tilespmem:$0x1F400] =	vst v63  }
0x15e: {  	_ =	swait.ge [sflag:s17], $0x4000  }
0x15f: {  	[sflag:s17] =	ssyncset.done $0x0  }
0x160: {  	s1 =	simm.s32 $0x1C80;
	[sflag:s17] =	ssyncadd.s32 $0xFFFFC000  }
0x161: {  	[spmem:s2] =	stream.indirect.scatter.add.f32 [tilespmem:s13], [sflag:$0x5], $0x80, s1, s11, $0xb8;
	[tilespmem:$0x1F400] =	vst v63  }
0x162: {  	_ =	swait.ge [sflag:s6], $0x4000  }
0x163: {  	[sflag:s6] =	ssyncset.done $0x0  }
0x164: {  	s1 =	simm.s32 $0x1580;
	[sflag:s6] =	ssyncadd.s32 $0xFFFFC000  }
0x165: {  	[tilespmem:s13], [sflag:$0x4] =	stream.indirect.gather [hbm4b:s4+s11], $0x80, s1, s11, $0xb8;
	[tilespmem:$0x1F400] =	vst v63  }
0x166: {  	_ =	swait.ge [sflag:s14], $0x4000  }
0x167: {  	[sflag:s14] =	ssyncset.done $0x0  }
0x168: {  	s1 =	simm.s32 $0x1D00;
	[sflag:s14] =	ssyncadd.s32 $0xFFFFC000  }
0x169: {  	[spmem:s2] =	stream.indirect.scatter.add.f32 [tilespmem:s12], [sflag:$0x5], $0x80, s1, s11, $0xb8;
	[tilespmem:$0x1F400] =	vst v63  }
0x16a: {  	_ =	swait.ge [sflag:s6], $0x4000  }
0x16b: {  	[sflag:s6] =	ssyncset.done $0x0  }
0x16c: {  	s1 =	simm.s32 $0x1600;
	[sflag:s6] =	ssyncadd.s32 $0xFFFFC000  }
0x16d: {  	[tilespmem:s12], [sflag:$0x3] =	stream.indirect.gather [hbm4b:s4+s11], $0x80, s1, s11, $0xb8;
	[tilespmem:$0x1F400] =	vst v63  }
0x16e: {  	_ =	swait.ge [sflag:s17], $0x4000  }
0x16f: {  	[sflag:s17] =	ssyncset.done $0x0  }
0x170: {  	s1 =	simm.s32 $0x1D80;
	[sflag:s17] =	ssyncadd.s32 $0xFFFFC000  }
0x171: {  	[spmem:s2] =	stream.indirect.scatter.add.f32 [tilespmem:s13], [sflag:$0x5], $0x80, s1, s11, $0xb8;
	[tilespmem:$0x1F400] =	vst v63  }
0x172: {  	_ =	swait.ge [sflag:s6], $0x4000  }
0x173: {  	[sflag:s6] =	ssyncset.done $0x0  }
0x174: {  	s1 =	simm.s32 $0x1680;
	[sflag:s6] =	ssyncadd.s32 $0xFFFFC000  }
0x175: {  	[tilespmem:s13], [sflag:$0x4] =	stream.indirect.gather [hbm4b:s4+s11], $0x80, s1, s11, $0xb8;
	[tilespmem:$0x1F400] =	vst v63  }
0x176: {  	_ =	swait.ge [sflag:s14], $0x4000  }
0x177: {  	[sflag:s14] =	ssyncset.done $0x0  }
0x178: {  	s1 =	simm.s32 $0x1E00;
	[sflag:s14] =	ssyncadd.s32 $0xFFFFC000  }
0x179: {  	[spmem:s2] =	stream.indirect.scatter.add.f32 [tilespmem:s12], [sflag:$0x5], $0x80, s1, s11, $0xb8;
	[tilespmem:$0x1F400] =	vst v63  }
0x17a: {  	_ =	swait.ge [sflag:s6], $0x4000  }
0x17b: {  	[sflag:s6] =	ssyncset.done $0x0  }
0x17c: {  	s1 =	simm.s32 $0x1700;
	[sflag:s6] =	ssyncadd.s32 $0xFFFFC000  }
0x17d: {  	[tilespmem:s12], [sflag:$0x3] =	stream.indirect.gather [hbm4b:s4+s11], $0x80, s1, s11, $0xb8;
	[tilespmem:$0x1F400] =	vst v63  }
0x17e: {  	_ =	swait.ge [sflag:s17], $0x4000  }
0x17f: {  	[sflag:s17] =	ssyncset.done $0x0  }
0x180: {  	s1 =	simm.s32 $0x1E80;
	[sflag:s17] =	ssyncadd.s32 $0xFFFFC000  }
0x181: {  	[spmem:s2] =	stream.indirect.scatter.add.f32 [tilespmem:s13], [sflag:$0x5], $0x80, s1, s11, $0xb8;
	[tilespmem:$0x1F400] =	vst v63  }
0x182: {  	_ =	swait.ge [sflag:s6], $0x4000  }
0x183: {  	[sflag:s6] =	ssyncset.done $0x0  }
0x184: {  	s1 =	simm.s32 $0x1780;
	[sflag:s6] =	ssyncadd.s32 $0xFFFFC000  }
0x185: {  	[tilespmem:s13], [sflag:$0x4] =	stream.indirect.gather [hbm4b:s4+s11], $0x80, s1, s11, $0xb8;
	[tilespmem:$0x1F400] =	vst v63  }
0x186: {  	_ =	swait.ge [sflag:s14], $0x4000  }
0x187: {  	[sflag:s14] =	ssyncset.done $0x0  }
0x188: {  	s1 =	simm.s32 $0x1F00;
	[sflag:s14] =	ssyncadd.s32 $0xFFFFC000  }
0x189: {  	[spmem:s2] =	stream.indirect.scatter.add.f32 [tilespmem:s12], [sflag:$0x5], $0x80, s1, s11, $0xb8;
	[tilespmem:$0x1F400] =	vst v63  }
0x18a: {  	_ =	swait.ge [sflag:s6], $0x4000  }
0x18b: {  	[sflag:s6] =	ssyncset.done $0x0  }
0x18c: {  	[sflag:s6] =	ssyncadd.s32 $0xFFFFC000  }
0x18d: {  	_ =	swait.ge [sflag:s17], $0x4000  }
0x18e: {  	[sflag:s17] =	ssyncset.done $0x0  }
0x18f: {  	s1 =	simm.s32 $0x1F80;
	[sflag:s17] =	ssyncadd.s32 $0xFFFFC000  }
0x190: {  	[spmem:s2] =	stream.indirect.scatter.add.f32 [tilespmem:s13], [sflag:$0x5], $0x80, s1, s11, $0xb8;
	[tilespmem:$0x1F400] =	vst v63  }
0x191: {  	_ =	swait.ge [sflag:s6], $0x4000  }
0x192: {  	[sflag:s6] =	ssyncset.done $0x0  }
0x193: {  	[sflag:s6] =	ssyncadd.s32 $0xFFFFC000  }
0x194: {  	_ =	swait.ge [sflag:s8], $0x800  }
0x195: {  	[sflag:s8] =	ssyncset.done $0x0  }
0x196: {  	[sflag:s8] =	ssyncadd.s32 $0xFFFFF800  }
0x197: {  	_ =	swait.ge [sflag:s8], $0x800  }
0x198: {  	[sflag:s8] =	ssyncset.done $0x0  }
0x199: {  	s1 =	rddreg [dreg:$0x9];
	[sflag:s8] =	ssyncadd.s32 $0xFFFFF800  }
0x19a: {  	[tilespmem:s10], [sflag:$0x2] =	stream.linear.gather [hbm4b:s1+s3], $0x800, $0x38;
	[tilespmem:$0x1F400] =	vst v63  }
0x19b: {  	s1 =	rddreg [dreg:$0xa]  }
0x19c: {  	[tilespmem:s15], [sflag:$0x2] =	stream.linear.gather [hbm4b:s1+s3], $0x800, $0x38;
	[tilespmem:$0x1F400] =	vst v63  }
0x19d: {  	_ = 	snop  }
0x19e: {  	[tilespmem:s12], [sflag:$0x3] =	stream.indirect.gather [hbm4b:s4+s11], $0x80, s3, s11, $0xb8;
	[tilespmem:$0x1F400] =	vst v63  }
0x19f: {  	_ = 	snop  }
0x1a0: {  	[tilespmem:s13], [sflag:$0x4] =	stream.indirect.gather [hbm4b:s4+s11], $0x80, s11, s11, $0xb8;
	[tilespmem:$0x1F400] =	vst v63  }
0x1a1: {  	_ =	swait.ge [sflag:s14], $0x4000  }
0x1a2: {  	[sflag:s14] =	ssyncset.done $0x0  }
0x1a3: {  	[sflag:s14] =	ssyncadd.s32 $0xFFFFC000  }
0x1a4: {  	[spmem:s2] =	stream.indirect.scatter.add.f32 [tilespmem:s12], [sflag:$0x5], $0x80, s7, s11, $0xb8;
	[tilespmem:$0x1F400] =	vst v63  }
0x1a5: {  	_ =	swait.ge [sflag:s6], $0x4000  }
0x1a6: {  	[sflag:s6] =	ssyncset.done $0x0  }
0x1a7: {  	s1 =	simm.s32 $0x100;
	[sflag:s6] =	ssyncadd.s32 $0xFFFFC000  }
0x1a8: {  	[tilespmem:s12], [sflag:$0x3] =	stream.indirect.gather [hbm4b:s4+s11], $0x80, s1, s11, $0xb8;
	[tilespmem:$0x1F400] =	vst v63  }
0x1a9: {  	_ =	swait.ge [sflag:s17], $0x4000  }
0x1aa: {  	[sflag:s17] =	ssyncset.done $0x0  }
0x1ab: {  	s1 =	simm.s32 $0x880;
	[sflag:s17] =	ssyncadd.s32 $0xFFFFC000  }
0x1ac: {  	[spmem:s2] =	stream.indirect.scatter.add.f32 [tilespmem:s13], [sflag:$0x5], $0x80, s1, s11, $0xb8;
	[tilespmem:$0x1F400] =	vst v63  }
0x1ad: {  	_ =	swait.ge [sflag:s6], $0x4000  }
0x1ae: {  	[sflag:s6] =	ssyncset.done $0x0  }
0x1af: {  	s1 =	simm.s32 $0x180;
	[sflag:s6] =	ssyncadd.s32 $0xFFFFC000  }
0x1b0: {  	[tilespmem:s13], [sflag:$0x4] =	stream.indirect.gather [hbm4b:s4+s11], $0x80, s1, s11, $0xb8;
	[tilespmem:$0x1F400] =	vst v63  }
0x1b1: {  	_ =	swait.ge [sflag:s14], $0x4000  }
0x1b2: {  	[sflag:s14] =	ssyncset.done $0x0  }
0x1b3: {  	s1 =	simm.s32 $0x900;
	[sflag:s14] =	ssyncadd.s32 $0xFFFFC000  }
0x1b4: {  	[spmem:s2] =	stream.indirect.scatter.add.f32 [tilespmem:s12], [sflag:$0x5], $0x80, s1, s11, $0xb8;
	[tilespmem:$0x1F400] =	vst v63  }
0x1b5: {  	_ =	swait.ge [sflag:s6], $0x4000  }
0x1b6: {  	[sflag:s6] =	ssyncset.done $0x0  }
0x1b7: {  	s1 =	simm.s32 $0x200;
	[sflag:s6] =	ssyncadd.s32 $0xFFFFC000  }
0x1b8: {  	[tilespmem:s12], [sflag:$0x3] =	stream.indirect.gather [hbm4b:s4+s11], $0x80, s1, s11, $0xb8;
	[tilespmem:$0x1F400] =	vst v63  }
0x1b9: {  	_ =	swait.ge [sflag:s17], $0x4000  }
0x1ba: {  	[sflag:s17] =	ssyncset.done $0x0  }
0x1bb: {  	s1 =	simm.s32 $0x980;
	[sflag:s17] =	ssyncadd.s32 $0xFFFFC000  }
0x1bc: {  	[spmem:s2] =	stream.indirect.scatter.add.f32 [tilespmem:s13], [sflag:$0x5], $0x80, s1, s11, $0xb8;
	[tilespmem:$0x1F400] =	vst v63  }
0x1bd: {  	_ =	swait.ge [sflag:s6], $0x4000  }
0x1be: {  	[sflag:s6] =	ssyncset.done $0x0  }
0x1bf: {  	s1 =	simm.s32 $0x280;
	[sflag:s6] =	ssyncadd.s32 $0xFFFFC000  }
0x1c0: {  	[tilespmem:s13], [sflag:$0x4] =	stream.indirect.gather [hbm4b:s4+s11], $0x80, s1, s11, $0xb8;
	[tilespmem:$0x1F400] =	vst v63  }
0x1c1: {  	_ =	swait.ge [sflag:s14], $0x4000  }
0x1c2: {  	[sflag:s14] =	ssyncset.done $0x0  }
0x1c3: {  	s1 =	simm.s32 $0xA00;
	[sflag:s14] =	ssyncadd.s32 $0xFFFFC000  }
0x1c4: {  	[spmem:s2] =	stream.indirect.scatter.add.f32 [tilespmem:s12], [sflag:$0x5], $0x80, s1, s11, $0xb8;
	[tilespmem:$0x1F400] =	vst v63  }
0x1c5: {  	_ =	swait.ge [sflag:s6], $0x4000  }
0x1c6: {  	[sflag:s6] =	ssyncset.done $0x0  }
0x1c7: {  	s1 =	simm.s32 $0x300;
	[sflag:s6] =	ssyncadd.s32 $0xFFFFC000  }
0x1c8: {  	[tilespmem:s12], [sflag:$0x3] =	stream.indirect.gather [hbm4b:s4+s11], $0x80, s1, s11, $0xb8;
	[tilespmem:$0x1F400] =	vst v63  }
0x1c9: {  	_ =	swait.ge [sflag:s17], $0x4000  }
0x1ca: {  	[sflag:s17] =	ssyncset.done $0x0  }
0x1cb: {  	s1 =	simm.s32 $0xA80;
	[sflag:s17] =	ssyncadd.s32 $0xFFFFC000  }
0x1cc: {  	[spmem:s2] =	stream.indirect.scatter.add.f32 [tilespmem:s13], [sflag:$0x5], $0x80, s1, s11, $0xb8;
	[tilespmem:$0x1F400] =	vst v63  }
0x1cd: {  	_ =	swait.ge [sflag:s6], $0x4000  }
0x1ce: {  	[sflag:s6] =	ssyncset.done $0x0  }
0x1cf: {  	s1 =	simm.s32 $0x380;
	[sflag:s6] =	ssyncadd.s32 $0xFFFFC000  }
0x1d0: {  	[tilespmem:s13], [sflag:$0x4] =	stream.indirect.gather [hbm4b:s4+s11], $0x80, s1, s11, $0xb8;
	[tilespmem:$0x1F400] =	vst v63  }
0x1d1: {  	_ =	swait.ge [sflag:s14], $0x4000  }
0x1d2: {  	[sflag:s14] =	ssyncset.done $0x0  }
0x1d3: {  	s1 =	simm.s32 $0xB00;
	[sflag:s14] =	ssyncadd.s32 $0xFFFFC000  }
0x1d4: {  	[spmem:s2] =	stream.indirect.scatter.add.f32 [tilespmem:s12], [sflag:$0x5], $0x80, s1, s11, $0xb8;
	[tilespmem:$0x1F400] =	vst v63  }
0x1d5: {  	_ =	swait.ge [sflag:s6], $0x4000  }
0x1d6: {  	[sflag:s6] =	ssyncset.done $0x0  }
0x1d7: {  	s1 =	simm.s32 $0x400;
	[sflag:s6] =	ssyncadd.s32 $0xFFFFC000  }
0x1d8: {  	[tilespmem:s12], [sflag:$0x3] =	stream.indirect.gather [hbm4b:s4+s11], $0x80, s1, s11, $0xb8;
	[tilespmem:$0x1F400] =	vst v63  }
0x1d9: {  	_ =	swait.ge [sflag:s17], $0x4000  }
0x1da: {  	[sflag:s17] =	ssyncset.done $0x0  }
0x1db: {  	s1 =	simm.s32 $0xB80;
	[sflag:s17] =	ssyncadd.s32 $0xFFFFC000  }
0x1dc: {  	[spmem:s2] =	stream.indirect.scatter.add.f32 [tilespmem:s13], [sflag:$0x5], $0x80, s1, s11, $0xb8;
	[tilespmem:$0x1F400] =	vst v63  }
0x1dd: {  	_ =	swait.ge [sflag:s6], $0x4000  }
0x1de: {  	[sflag:s6] =	ssyncset.done $0x0  }
0x1df: {  	s1 =	simm.s32 $0x480;
	[sflag:s6] =	ssyncadd.s32 $0xFFFFC000  }
0x1e0: {  	[tilespmem:s13], [sflag:$0x4] =	stream.indirect.gather [hbm4b:s4+s11], $0x80, s1, s11, $0xb8;
	[tilespmem:$0x1F400] =	vst v63  }
0x1e1: {  	_ =	swait.ge [sflag:s14], $0x4000  }
0x1e2: {  	[sflag:s14] =	ssyncset.done $0x0  }
0x1e3: {  	s1 =	simm.s32 $0xC00;
	[sflag:s14] =	ssyncadd.s32 $0xFFFFC000  }
0x1e4: {  	[spmem:s2] =	stream.indirect.scatter.add.f32 [tilespmem:s12], [sflag:$0x5], $0x80, s1, s11, $0xb8;
	[tilespmem:$0x1F400] =	vst v63  }
0x1e5: {  	_ =	swait.ge [sflag:s6], $0x4000  }
0x1e6: {  	[sflag:s6] =	ssyncset.done $0x0  }
0x1e7: {  	s1 =	simm.s32 $0x500;
	[sflag:s6] =	ssyncadd.s32 $0xFFFFC000  }
0x1e8: {  	[tilespmem:s12], [sflag:$0x3] =	stream.indirect.gather [hbm4b:s4+s11], $0x80, s1, s11, $0xb8;
	[tilespmem:$0x1F400] =	vst v63  }
0x1e9: {  	_ =	swait.ge [sflag:s17], $0x4000  }
0x1ea: {  	[sflag:s17] =	ssyncset.done $0x0  }
0x1eb: {  	s1 =	simm.s32 $0xC80;
	[sflag:s17] =	ssyncadd.s32 $0xFFFFC000  }
0x1ec: {  	[spmem:s2] =	stream.indirect.scatter.add.f32 [tilespmem:s13], [sflag:$0x5], $0x80, s1, s11, $0xb8;
	[tilespmem:$0x1F400] =	vst v63  }
0x1ed: {  	_ =	swait.ge [sflag:s6], $0x4000  }
0x1ee: {  	[sflag:s6] =	ssyncset.done $0x0  }
0x1ef: {  	s1 =	simm.s32 $0x580;
	[sflag:s6] =	ssyncadd.s32 $0xFFFFC000  }
0x1f0: {  	[tilespmem:s13], [sflag:$0x4] =	stream.indirect.gather [hbm4b:s4+s11], $0x80, s1, s11, $0xb8;
	[tilespmem:$0x1F400] =	vst v63  }
0x1f1: {  	_ =	swait.ge [sflag:s14], $0x4000  }
0x1f2: {  	[sflag:s14] =	ssyncset.done $0x0  }
0x1f3: {  	s1 =	simm.s32 $0xD00;
	[sflag:s14] =	ssyncadd.s32 $0xFFFFC000  }
0x1f4: {  	[spmem:s2] =	stream.indirect.scatter.add.f32 [tilespmem:s12], [sflag:$0x5], $0x80, s1, s11, $0xb8;
	[tilespmem:$0x1F400] =	vst v63  }
0x1f5: {  	_ =	swait.ge [sflag:s6], $0x4000  }
0x1f6: {  	[sflag:s6] =	ssyncset.done $0x0  }
0x1f7: {  	s1 =	simm.s32 $0x600;
	[sflag:s6] =	ssyncadd.s32 $0xFFFFC000  }
0x1f8: {  	[tilespmem:s12], [sflag:$0x3] =	stream.indirect.gather [hbm4b:s4+s11], $0x80, s1, s11, $0xb8;
	[tilespmem:$0x1F400] =	vst v63  }
0x1f9: {  	_ =	swait.ge [sflag:s17], $0x4000  }
0x1fa: {  	[sflag:s17] =	ssyncset.done $0x0  }
0x1fb: {  	s1 =	simm.s32 $0xD80;
	[sflag:s17] =	ssyncadd.s32 $0xFFFFC000  }
0x1fc: {  	[spmem:s2] =	stream.indirect.scatter.add.f32 [tilespmem:s13], [sflag:$0x5], $0x80, s1, s11, $0xb8;
	[tilespmem:$0x1F400] =	vst v63  }
0x1fd: {  	_ =	swait.ge [sflag:s6], $0x4000  }
0x1fe: {  	[sflag:s6] =	ssyncset.done $0x0  }
0x1ff: {  	s1 =	simm.s32 $0x680;
	[sflag:s6] =	ssyncadd.s32 $0xFFFFC000  }
0x200: {  	[tilespmem:s13], [sflag:$0x4] =	stream.indirect.gather [hbm4b:s4+s11], $0x80, s1, s11, $0xb8;
	[tilespmem:$0x1F400] =	vst v63  }
0x201: {  	_ =	swait.ge [sflag:s14], $0x4000  }
0x202: {  	[sflag:s14] =	ssyncset.done $0x0  }
0x203: {  	s1 =	simm.s32 $0xE00;
	[sflag:s14] =	ssyncadd.s32 $0xFFFFC000  }
0x204: {  	[spmem:s2] =	stream.indirect.scatter.add.f32 [tilespmem:s12], [sflag:$0x5], $0x80, s1, s11, $0xb8;
	[tilespmem:$0x1F400] =	vst v63  }
0x205: {  	_ =	swait.ge [sflag:s6], $0x4000  }
0x206: {  	[sflag:s6] =	ssyncset.done $0x0  }
0x207: {  	s1 =	simm.s32 $0x700;
	[sflag:s6] =	ssyncadd.s32 $0xFFFFC000  }
0x208: {  	[tilespmem:s12], [sflag:$0x3] =	stream.indirect.gather [hbm4b:s4+s11], $0x80, s1, s11, $0xb8;
	[tilespmem:$0x1F400] =	vst v63  }
0x209: {  	_ =	swait.ge [sflag:s17], $0x4000  }
0x20a: {  	[sflag:s17] =	ssyncset.done $0x0  }
0x20b: {  	s1 =	simm.s32 $0xE80;
	[sflag:s17] =	ssyncadd.s32 $0xFFFFC000  }
0x20c: {  	[spmem:s2] =	stream.indirect.scatter.add.f32 [tilespmem:s13], [sflag:$0x5], $0x80, s1, s11, $0xb8;
	[tilespmem:$0x1F400] =	vst v63  }
0x20d: {  	_ =	swait.ge [sflag:s6], $0x4000  }
0x20e: {  	[sflag:s6] =	ssyncset.done $0x0  }
0x20f: {  	s1 =	simm.s32 $0x780;
	[sflag:s6] =	ssyncadd.s32 $0xFFFFC000  }
0x210: {  	[tilespmem:s13], [sflag:$0x4] =	stream.indirect.gather [hbm4b:s4+s11], $0x80, s1, s11, $0xb8;
	[tilespmem:$0x1F400] =	vst v63  }
0x211: {  	_ =	swait.ge [sflag:s14], $0x4000  }
0x212: {  	[sflag:s14] =	ssyncset.done $0x0  }
0x213: {  	s1 =	simm.s32 $0xF00;
	[sflag:s14] =	ssyncadd.s32 $0xFFFFC000  }
0x214: {  	[spmem:s2] =	stream.indirect.scatter.add.f32 [tilespmem:s12], [sflag:$0x5], $0x80, s1, s11, $0xb8;
	[tilespmem:$0x1F400] =	vst v63  }
0x215: {  	_ =	swait.ge [sflag:s6], $0x4000  }
0x216: {  	[sflag:s6] =	ssyncset.done $0x0  }
0x217: {  	[sflag:s6] =	ssyncadd.s32 $0xFFFFC000  }
0x218: {  	_ =	swait.ge [sflag:s17], $0x4000  }
0x219: {  	[sflag:s17] =	ssyncset.done $0x0  }
0x21a: {  	s1 =	simm.s32 $0xF80;
	[sflag:s17] =	ssyncadd.s32 $0xFFFFC000  }
0x21b: {  	[spmem:s2] =	stream.indirect.scatter.add.f32 [tilespmem:s13], [sflag:$0x5], $0x80, s1, s11, $0xb8;
	[tilespmem:$0x1F400] =	vst v63  }
0x21c: {  	_ =	swait.ge [sflag:s6], $0x4000  }
0x21d: {  	[sflag:s6] =	ssyncset.done $0x0  }
0x21e: {  	[sflag:s6] =	ssyncadd.s32 $0xFFFFC000  }
0x21f: {  	_ =	swait.ge [sflag:s31], $0x800  }
0x220: {  	[sflag:s31] =	ssyncset.done $0x0  }
0x221: {  	[sflag:s31] =	ssyncadd.s32 $0xFFFFF800  }
0x222: {  	_ =	swait.ge [sflag:s31], $0x800  }
0x223: {  	[sflag:s31] =	ssyncset.done $0x0  }
0x224: {  	s1 =	rddreg [dreg:$0xb];
	[sflag:s31] =	ssyncadd.s32 $0xFFFFF800  }
0x225: {  	[tilespmem:s3], [sflag:$0x1] =	stream.linear.gather [hbm4b:s1+s3], $0x800, $0x38;
	[tilespmem:$0x1F400] =	vst v63  }
0x226: {  	s1 =	rddreg [dreg:$0xc]  }
0x227: {  	[tilespmem:s7], [sflag:$0x1] =	stream.linear.gather [hbm4b:s1+s3], $0x800, $0x38;
	[tilespmem:$0x1F400] =	vst v63  }
0x228: {  	_ = 	snop  }
0x229: {  	[tilespmem:s12], [sflag:$0x3] =	stream.indirect.gather [hbm4b:s4+s11], $0x80, s10, s11, $0xb8;
	[tilespmem:$0x1F400] =	vst v63  }
0x22a: {  	_ = 	snop  }
0x22b: {  	[tilespmem:s13], [sflag:$0x4] =	stream.indirect.gather [hbm4b:s4+s11], $0x80, s9, s11, $0xb8;
	[tilespmem:$0x1F400] =	vst v63  }
0x22c: {  	_ =	swait.ge [sflag:s14], $0x4000  }
0x22d: {  	[sflag:s14] =	ssyncset.done $0x0  }
0x22e: {  	[sflag:s14] =	ssyncadd.s32 $0xFFFFC000  }
0x22f: {  	[spmem:s2] =	stream.indirect.scatter.add.f32 [tilespmem:s12], [sflag:$0x5], $0x80, s15, s11, $0xb8;
	[tilespmem:$0x1F400] =	vst v63  }
0x230: {  	_ =	swait.ge [sflag:s6], $0x4000  }
0x231: {  	[sflag:s6] =	ssyncset.done $0x0  }
0x232: {  	[sflag:s6] =	ssyncadd.s32 $0xFFFFC000  }
0x233: {  	[tilespmem:s12], [sflag:$0x3] =	stream.indirect.gather [hbm4b:s4+s11], $0x80, s16, s11, $0xb8;
	[tilespmem:$0x1F400] =	vst v63  }
0x234: {  	_ =	swait.ge [sflag:s17], $0x4000  }
0x235: {  	[sflag:s17] =	ssyncset.done $0x0  }
0x236: {  	[sflag:s17] =	ssyncadd.s32 $0xFFFFC000  }
0x237: {  	[spmem:s2] =	stream.indirect.scatter.add.f32 [tilespmem:s13], [sflag:$0x5], $0x80, s18, s11, $0xb8;
	[tilespmem:$0x1F400] =	vst v63  }
0x238: {  	_ =	swait.ge [sflag:s6], $0x4000  }
0x239: {  	[sflag:s6] =	ssyncset.done $0x0  }
0x23a: {  	[sflag:s6] =	ssyncadd.s32 $0xFFFFC000  }
0x23b: {  	[tilespmem:s13], [sflag:$0x4] =	stream.indirect.gather [hbm4b:s4+s11], $0x80, s19, s11, $0xb8;
	[tilespmem:$0x1F400] =	vst v63  }
0x23c: {  	_ =	swait.ge [sflag:s14], $0x4000  }
0x23d: {  	[sflag:s14] =	ssyncset.done $0x0  }
0x23e: {  	[sflag:s14] =	ssyncadd.s32 $0xFFFFC000  }
0x23f: {  	[spmem:s2] =	stream.indirect.scatter.add.f32 [tilespmem:s12], [sflag:$0x5], $0x80, s20, s11, $0xb8;
	[tilespmem:$0x1F400] =	vst v63  }
0x240: {  	_ =	swait.ge [sflag:s6], $0x4000  }
0x241: {  	[sflag:s6] =	ssyncset.done $0x0  }
0x242: {  	[sflag:s6] =	ssyncadd.s32 $0xFFFFC000  }
0x243: {  	[tilespmem:s12], [sflag:$0x3] =	stream.indirect.gather [hbm4b:s4+s11], $0x80, s21, s11, $0xb8;
	[tilespmem:$0x1F400] =	vst v63  }
0x244: {  	_ =	swait.ge [sflag:s17], $0x4000  }
0x245: {  	[sflag:s17] =	ssyncset.done $0x0  }
0x246: {  	[sflag:s17] =	ssyncadd.s32 $0xFFFFC000  }
0x247: {  	[spmem:s2] =	stream.indirect.scatter.add.f32 [tilespmem:s13], [sflag:$0x5], $0x80, s22, s11, $0xb8;
	[tilespmem:$0x1F400] =	vst v63  }
0x248: {  	_ =	swait.ge [sflag:s6], $0x4000  }
0x249: {  	[sflag:s6] =	ssyncset.done $0x0  }
0x24a: {  	[sflag:s6] =	ssyncadd.s32 $0xFFFFC000  }
0x24b: {  	[tilespmem:s13], [sflag:$0x4] =	stream.indirect.gather [hbm4b:s4+s11], $0x80, s23, s11, $0xb8;
	[tilespmem:$0x1F400] =	vst v63  }
0x24c: {  	_ =	swait.ge [sflag:s14], $0x4000  }
0x24d: {  	[sflag:s14] =	ssyncset.done $0x0  }
0x24e: {  	[sflag:s14] =	ssyncadd.s32 $0xFFFFC000  }
0x24f: {  	[spmem:s2] =	stream.indirect.scatter.add.f32 [tilespmem:s12], [sflag:$0x5], $0x80, s24, s11, $0xb8;
	[tilespmem:$0x1F400] =	vst v63  }
0x250: {  	_ =	swait.ge [sflag:s6], $0x4000  }
0x251: {  	[sflag:s6] =	ssyncset.done $0x0  }
0x252: {  	[sflag:s6] =	ssyncadd.s32 $0xFFFFC000  }
0x253: {  	[tilespmem:s12], [sflag:$0x3] =	stream.indirect.gather [hbm4b:s4+s11], $0x80, s25, s11, $0xb8;
	[tilespmem:$0x1F400] =	vst v63  }
0x254: {  	_ =	swait.ge [sflag:s17], $0x4000  }
0x255: {  	[sflag:s17] =	ssyncset.done $0x0  }
0x256: {  	[sflag:s17] =	ssyncadd.s32 $0xFFFFC000  }
0x257: {  	[spmem:s2] =	stream.indirect.scatter.add.f32 [tilespmem:s13], [sflag:$0x5], $0x80, s26, s11, $0xb8;
	[tilespmem:$0x1F400] =	vst v63  }
0x258: {  	_ =	swait.ge [sflag:s6], $0x4000  }
0x259: {  	[sflag:s6] =	ssyncset.done $0x0  }
0x25a: {  	[sflag:s6] =	ssyncadd.s32 $0xFFFFC000  }
0x25b: {  	[tilespmem:s13], [sflag:$0x4] =	stream.indirect.gather [hbm4b:s4+s11], $0x80, s28, s11, $0xb8;
	[tilespmem:$0x1F400] =	vst v63  }
0x25c: {  	_ =	swait.ge [sflag:s14], $0x4000  }
0x25d: {  	[sflag:s14] =	ssyncset.done $0x0  }
0x25e: {  	[sflag:s14] =	ssyncadd.s32 $0xFFFFC000  }
0x25f: {  	[spmem:s2] =	stream.indirect.scatter.add.f32 [tilespmem:s12], [sflag:$0x5], $0x80, s29, s11, $0xb8;
	[tilespmem:$0x1F400] =	vst v63  }
0x260: {  	_ =	swait.ge [sflag:s6], $0x4000  }
0x261: {  	[sflag:s6] =	ssyncset.done $0x0  }
0x262: {  	[sflag:s6] =	ssyncadd.s32 $0xFFFFC000  }
0x263: {  	[tilespmem:s12], [sflag:$0x3] =	stream.indirect.gather [hbm4b:s4+s11], $0x80, s30, s11, $0xb8;
	[tilespmem:$0x1F400] =	vst v63  }
0x264: {  	_ =	swait.ge [sflag:s17], $0x4000  }
0x265: {  	[sflag:s17] =	ssyncset.done $0x0  }
0x266: {  	s16 =	simm.s32 $0x1B80;
	[sflag:s17] =	ssyncadd.s32 $0xFFFFC000  }
0x267: {  	[spmem:s2] =	stream.indirect.scatter.add.f32 [tilespmem:s13], [sflag:$0x5], $0x80, s16, s11, $0xb8;
	[tilespmem:$0x1F400] =	vst v63  }
0x268: {  	_ =	swait.ge [sflag:s6], $0x4000  }
0x269: {  	[sflag:s6] =	ssyncset.done $0x0  }
0x26a: {  	s18 =	simm.s32 $0x1480;
	[sflag:s6] =	ssyncadd.s32 $0xFFFFC000  }
0x26b: {  	[tilespmem:s13], [sflag:$0x4] =	stream.indirect.gather [hbm4b:s4+s11], $0x80, s18, s11, $0xb8;
	[tilespmem:$0x1F400] =	vst v63  }
0x26c: {  	_ =	swait.ge [sflag:s14], $0x4000  }
0x26d: {  	[sflag:s14] =	ssyncset.done $0x0  }
0x26e: {  	s16 =	simm.s32 $0x1C00;
	[sflag:s14] =	ssyncadd.s32 $0xFFFFC000  }
0x26f: {  	[spmem:s2] =	stream.indirect.scatter.add.f32 [tilespmem:s12], [sflag:$0x5], $0x80, s16, s11, $0xb8;
	[tilespmem:$0x1F400] =	vst v63  }
0x270: {  	_ =	swait.ge [sflag:s6], $0x4000  }
0x271: {  	[sflag:s6] =	ssyncset.done $0x0  }
0x272: {  	s18 =	simm.s32 $0x1500;
	[sflag:s6] =	ssyncadd.s32 $0xFFFFC000  }
0x273: {  	[tilespmem:s12], [sflag:$0x3] =	stream.indirect.gather [hbm4b:s4+s11], $0x80, s18, s11, $0xb8;
	[tilespmem:$0x1F400] =	vst v63  }
0x274: {  	_ =	swait.ge [sflag:s17], $0x4000  }
0x275: {  	[sflag:s17] =	ssyncset.done $0x0  }
0x276: {  	s16 =	simm.s32 $0x1C80;
	[sflag:s17] =	ssyncadd.s32 $0xFFFFC000  }
0x277: {  	[spmem:s2] =	stream.indirect.scatter.add.f32 [tilespmem:s13], [sflag:$0x5], $0x80, s16, s11, $0xb8;
	[tilespmem:$0x1F400] =	vst v63  }
0x278: {  	_ =	swait.ge [sflag:s6], $0x4000  }
0x279: {  	[sflag:s6] =	ssyncset.done $0x0  }
0x27a: {  	s18 =	simm.s32 $0x1580;
	[sflag:s6] =	ssyncadd.s32 $0xFFFFC000  }
0x27b: {  	[tilespmem:s13], [sflag:$0x4] =	stream.indirect.gather [hbm4b:s4+s11], $0x80, s18, s11, $0xb8;
	[tilespmem:$0x1F400] =	vst v63  }
0x27c: {  	_ =	swait.ge [sflag:s14], $0x4000  }
0x27d: {  	[sflag:s14] =	ssyncset.done $0x0  }
0x27e: {  	s16 =	simm.s32 $0x1D00;
	[sflag:s14] =	ssyncadd.s32 $0xFFFFC000  }
0x27f: {  	[spmem:s2] =	stream.indirect.scatter.add.f32 [tilespmem:s12], [sflag:$0x5], $0x80, s16, s11, $0xb8;
	[tilespmem:$0x1F400] =	vst v63  }
0x280: {  	_ =	swait.ge [sflag:s6], $0x4000  }
0x281: {  	[sflag:s6] =	ssyncset.done $0x0  }
0x282: {  	s18 =	simm.s32 $0x1600;
	[sflag:s6] =	ssyncadd.s32 $0xFFFFC000  }
0x283: {  	[tilespmem:s12], [sflag:$0x3] =	stream.indirect.gather [hbm4b:s4+s11], $0x80, s18, s11, $0xb8;
	[tilespmem:$0x1F400] =	vst v63  }
0x284: {  	_ =	swait.ge [sflag:s17], $0x4000  }
0x285: {  	[sflag:s17] =	ssyncset.done $0x0  }
0x286: {  	s16 =	simm.s32 $0x1D80;
	[sflag:s17] =	ssyncadd.s32 $0xFFFFC000  }
0x287: {  	[spmem:s2] =	stream.indirect.scatter.add.f32 [tilespmem:s13], [sflag:$0x5], $0x80, s16, s11, $0xb8;
	[tilespmem:$0x1F400] =	vst v63  }
0x288: {  	_ =	swait.ge [sflag:s6], $0x4000  }
0x289: {  	[sflag:s6] =	ssyncset.done $0x0  }
0x28a: {  	s18 =	simm.s32 $0x1680;
	[sflag:s6] =	ssyncadd.s32 $0xFFFFC000  }
0x28b: {  	[tilespmem:s13], [sflag:$0x4] =	stream.indirect.gather [hbm4b:s4+s11], $0x80, s18, s11, $0xb8;
	[tilespmem:$0x1F400] =	vst v63  }
0x28c: {  	_ =	swait.ge [sflag:s14], $0x4000  }
0x28d: {  	[sflag:s14] =	ssyncset.done $0x0  }
0x28e: {  	s16 =	simm.s32 $0x1E00;
	[sflag:s14] =	ssyncadd.s32 $0xFFFFC000  }
0x28f: {  	[spmem:s2] =	stream.indirect.scatter.add.f32 [tilespmem:s12], [sflag:$0x5], $0x80, s16, s11, $0xb8;
	[tilespmem:$0x1F400] =	vst v63  }
0x290: {  	_ =	swait.ge [sflag:s6], $0x4000  }
0x291: {  	[sflag:s6] =	ssyncset.done $0x0  }
0x292: {  	s18 =	simm.s32 $0x1700;
	[sflag:s6] =	ssyncadd.s32 $0xFFFFC000  }
0x293: {  	[tilespmem:s12], [sflag:$0x3] =	stream.indirect.gather [hbm4b:s4+s11], $0x80, s18, s11, $0xb8;
	[tilespmem:$0x1F400] =	vst v63  }
0x294: {  	_ =	swait.ge [sflag:s17], $0x4000  }
0x295: {  	[sflag:s17] =	ssyncset.done $0x0  }
0x296: {  	s16 =	simm.s32 $0x1E80;
	[sflag:s17] =	ssyncadd.s32 $0xFFFFC000  }
0x297: {  	[spmem:s2] =	stream.indirect.scatter.add.f32 [tilespmem:s13], [sflag:$0x5], $0x80, s16, s11, $0xb8;
	[tilespmem:$0x1F400] =	vst v63  }
0x298: {  	_ =	swait.ge [sflag:s6], $0x4000  }
0x299: {  	[sflag:s6] =	ssyncset.done $0x0  }
0x29a: {  	s18 =	simm.s32 $0x1780;
	[sflag:s6] =	ssyncadd.s32 $0xFFFFC000  }
0x29b: {  	[tilespmem:s13], [sflag:$0x4] =	stream.indirect.gather [hbm4b:s4+s11], $0x80, s18, s11, $0xb8;
	[tilespmem:$0x1F400] =	vst v63  }
0x29c: {  	_ =	swait.ge [sflag:s14], $0x4000  }
0x29d: {  	[sflag:s14] =	ssyncset.done $0x0  }
0x29e: {  	s16 =	simm.s32 $0x1F00;
	[sflag:s14] =	ssyncadd.s32 $0xFFFFC000  }
0x29f: {  	[spmem:s2] =	stream.indirect.scatter.add.f32 [tilespmem:s12], [sflag:$0x5], $0x80, s16, s11, $0xb8;
	[tilespmem:$0x1F400] =	vst v63  }
0x2a0: {  	_ =	swait.ge [sflag:s6], $0x4000  }
0x2a1: {  	[sflag:s6] =	ssyncset.done $0x0  }
0x2a2: {  	[sflag:s6] =	ssyncadd.s32 $0xFFFFC000  }
0x2a3: {  	_ =	swait.ge [sflag:s17], $0x4000  }
0x2a4: {  	[sflag:s17] =	ssyncset.done $0x0  }
0x2a5: {  	s18 =	simm.s32 $0x1F80;
	[sflag:s17] =	ssyncadd.s32 $0xFFFFC000  }
0x2a6: {  	[spmem:s2] =	stream.indirect.scatter.add.f32 [tilespmem:s13], [sflag:$0x5], $0x80, s18, s11, $0xb8;
	[tilespmem:$0x1F400] =	vst v63  }
0x2a7: {  	_ =	swait.ge [sflag:s6], $0x4000  }
0x2a8: {  	[sflag:s6] =	ssyncset.done $0x0  }
0x2a9: {  	[sflag:s6] =	ssyncadd.s32 $0xFFFFC000  }
0x2aa: {  	_ =	swait.ge [sflag:s8], $0x800  }
0x2ab: {  	[sflag:s8] =	ssyncset.done $0x0  }
0x2ac: {  	[sflag:s8] =	ssyncadd.s32 $0xFFFFF800  }
0x2ad: {  	_ =	swait.ge [sflag:s8], $0x800  }
0x2ae: {  	[sflag:s8] =	ssyncset.done $0x0  }
0x2af: {  	[sflag:s8] =	ssyncadd.s32 $0xFFFFF800  }
0x2b0: {  	[tilespmem:s12], [sflag:$0x3] =	stream.indirect.gather [hbm4b:s4+s11], $0x80, s3, s11, $0xb8;
	[tilespmem:$0x1F400] =	vst v63  }
0x2b1: {  	_ = 	snop  }
0x2b2: {  	[tilespmem:s13], [sflag:$0x4] =	stream.indirect.gather [hbm4b:s4+s11], $0x80, s11, s11, $0xb8;
	[tilespmem:$0x1F400] =	vst v63  }
0x2b3: {  	_ =	swait.ge [sflag:s14], $0x4000  }
0x2b4: {  	[sflag:s14] =	ssyncset.done $0x0  }
0x2b5: {  	[sflag:s14] =	ssyncadd.s32 $0xFFFFC000  }
0x2b6: {  	[spmem:s2] =	stream.indirect.scatter.add.f32 [tilespmem:s12], [sflag:$0x5], $0x80, s7, s11, $0xb8;
	[tilespmem:$0x1F400] =	vst v63  }
0x2b7: {  	_ =	swait.ge [sflag:s6], $0x4000  }
0x2b8: {  	[sflag:s6] =	ssyncset.done $0x0  }
0x2b9: {  	s16 =	simm.s32 $0x100;
	[sflag:s6] =	ssyncadd.s32 $0xFFFFC000  }
0x2ba: {  	[tilespmem:s12], [sflag:$0x3] =	stream.indirect.gather [hbm4b:s4+s11], $0x80, s16, s11, $0xb8;
	[tilespmem:$0x1F400] =	vst v63  }
0x2bb: {  	_ =	swait.ge [sflag:s17], $0x4000  }
0x2bc: {  	[sflag:s17] =	ssyncset.done $0x0  }
0x2bd: {  	s18 =	simm.s32 $0x880;
	[sflag:s17] =	ssyncadd.s32 $0xFFFFC000  }
0x2be: {  	[spmem:s2] =	stream.indirect.scatter.add.f32 [tilespmem:s13], [sflag:$0x5], $0x80, s18, s11, $0xb8;
	[tilespmem:$0x1F400] =	vst v63  }
0x2bf: {  	_ =	swait.ge [sflag:s6], $0x4000  }
0x2c0: {  	[sflag:s6] =	ssyncset.done $0x0  }
0x2c1: {  	s7 =	simm.s32 $0x180;
	[sflag:s6] =	ssyncadd.s32 $0xFFFFC000  }
0x2c2: {  	[tilespmem:s13], [sflag:$0x4] =	stream.indirect.gather [hbm4b:s4+s11], $0x80, s7, s11, $0xb8;
	[tilespmem:$0x1F400] =	vst v63  }
0x2c3: {  	_ =	swait.ge [sflag:s14], $0x4000  }
0x2c4: {  	[sflag:s14] =	ssyncset.done $0x0  }
0x2c5: {  	s16 =	simm.s32 $0x900;
	[sflag:s14] =	ssyncadd.s32 $0xFFFFC000  }
0x2c6: {  	[spmem:s2] =	stream.indirect.scatter.add.f32 [tilespmem:s12], [sflag:$0x5], $0x80, s16, s11, $0xb8;
	[tilespmem:$0x1F400] =	vst v63  }
0x2c7: {  	_ =	swait.ge [sflag:s6], $0x4000  }
0x2c8: {  	[sflag:s6] =	ssyncset.done $0x0  }
0x2c9: {  	s18 =	simm.s32 $0x200;
	[sflag:s6] =	ssyncadd.s32 $0xFFFFC000  }
0x2ca: {  	[tilespmem:s12], [sflag:$0x3] =	stream.indirect.gather [hbm4b:s4+s11], $0x80, s18, s11, $0xb8;
	[tilespmem:$0x1F400] =	vst v63  }
0x2cb: {  	_ =	swait.ge [sflag:s17], $0x4000  }
0x2cc: {  	[sflag:s17] =	ssyncset.done $0x0  }
0x2cd: {  	s7 =	simm.s32 $0x980;
	[sflag:s17] =	ssyncadd.s32 $0xFFFFC000  }
0x2ce: {  	[spmem:s2] =	stream.indirect.scatter.add.f32 [tilespmem:s13], [sflag:$0x5], $0x80, s7, s11, $0xb8;
	[tilespmem:$0x1F400] =	vst v63  }
0x2cf: {  	_ =	swait.ge [sflag:s6], $0x4000  }
0x2d0: {  	[sflag:s6] =	ssyncset.done $0x0  }
0x2d1: {  	s16 =	simm.s32 $0x280;
	[sflag:s6] =	ssyncadd.s32 $0xFFFFC000  }
0x2d2: {  	[tilespmem:s13], [sflag:$0x4] =	stream.indirect.gather [hbm4b:s4+s11], $0x80, s16, s11, $0xb8;
	[tilespmem:$0x1F400] =	vst v63  }
0x2d3: {  	_ =	swait.ge [sflag:s14], $0x4000  }
0x2d4: {  	[sflag:s14] =	ssyncset.done $0x0  }
0x2d5: {  	s18 =	simm.s32 $0xA00;
	[sflag:s14] =	ssyncadd.s32 $0xFFFFC000  }
0x2d6: {  	[spmem:s2] =	stream.indirect.scatter.add.f32 [tilespmem:s12], [sflag:$0x5], $0x80, s18, s11, $0xb8;
	[tilespmem:$0x1F400] =	vst v63  }
0x2d7: {  	_ =	swait.ge [sflag:s6], $0x4000  }
0x2d8: {  	[sflag:s6] =	ssyncset.done $0x0  }
0x2d9: {  	s7 =	simm.s32 $0x300;
	[sflag:s6] =	ssyncadd.s32 $0xFFFFC000  }
0x2da: {  	[tilespmem:s12], [sflag:$0x3] =	stream.indirect.gather [hbm4b:s4+s11], $0x80, s7, s11, $0xb8;
	[tilespmem:$0x1F400] =	vst v63  }
0x2db: {  	_ =	swait.ge [sflag:s17], $0x4000  }
0x2dc: {  	[sflag:s17] =	ssyncset.done $0x0  }
0x2dd: {  	s16 =	simm.s32 $0xA80;
	[sflag:s17] =	ssyncadd.s32 $0xFFFFC000  }
0x2de: {  	[spmem:s2] =	stream.indirect.scatter.add.f32 [tilespmem:s13], [sflag:$0x5], $0x80, s16, s11, $0xb8;
	[tilespmem:$0x1F400] =	vst v63  }
0x2df: {  	_ =	swait.ge [sflag:s6], $0x4000  }
0x2e0: {  	[sflag:s6] =	ssyncset.done $0x0  }
0x2e1: {  	s18 =	simm.s32 $0x380;
	[sflag:s6] =	ssyncadd.s32 $0xFFFFC000  }
0x2e2: {  	[tilespmem:s13], [sflag:$0x4] =	stream.indirect.gather [hbm4b:s4+s11], $0x80, s18, s11, $0xb8;
	[tilespmem:$0x1F400] =	vst v63  }
0x2e3: {  	_ =	swait.ge [sflag:s14], $0x4000  }
0x2e4: {  	[sflag:s14] =	ssyncset.done $0x0  }
0x2e5: {  	s7 =	simm.s32 $0xB00;
	[sflag:s14] =	ssyncadd.s32 $0xFFFFC000  }
0x2e6: {  	[spmem:s2] =	stream.indirect.scatter.add.f32 [tilespmem:s12], [sflag:$0x5], $0x80, s7, s11, $0xb8;
	[tilespmem:$0x1F400] =	vst v63  }
0x2e7: {  	_ =	swait.ge [sflag:s6], $0x4000  }
0x2e8: {  	[sflag:s6] =	ssyncset.done $0x0  }
0x2e9: {  	s16 =	simm.s32 $0x400;
	[sflag:s6] =	ssyncadd.s32 $0xFFFFC000  }
0x2ea: {  	[tilespmem:s12], [sflag:$0x3] =	stream.indirect.gather [hbm4b:s4+s11], $0x80, s16, s11, $0xb8;
	[tilespmem:$0x1F400] =	vst v63  }
0x2eb: {  	_ =	swait.ge [sflag:s17], $0x4000  }
0x2ec: {  	[sflag:s17] =	ssyncset.done $0x0  }
0x2ed: {  	s18 =	simm.s32 $0xB80;
	[sflag:s17] =	ssyncadd.s32 $0xFFFFC000  }
0x2ee: {  	[spmem:s2] =	stream.indirect.scatter.add.f32 [tilespmem:s13], [sflag:$0x5], $0x80, s18, s11, $0xb8;
	[tilespmem:$0x1F400] =	vst v63  }
0x2ef: {  	_ =	swait.ge [sflag:s6], $0x4000  }
0x2f0: {  	[sflag:s6] =	ssyncset.done $0x0  }
0x2f1: {  	s7 =	simm.s32 $0x480;
	[sflag:s6] =	ssyncadd.s32 $0xFFFFC000  }
0x2f2: {  	[tilespmem:s13], [sflag:$0x4] =	stream.indirect.gather [hbm4b:s4+s11], $0x80, s7, s11, $0xb8;
	[tilespmem:$0x1F400] =	vst v63  }
0x2f3: {  	_ =	swait.ge [sflag:s14], $0x4000  }
0x2f4: {  	[sflag:s14] =	ssyncset.done $0x0  }
0x2f5: {  	s16 =	simm.s32 $0xC00;
	[sflag:s14] =	ssyncadd.s32 $0xFFFFC000  }
0x2f6: {  	[spmem:s2] =	stream.indirect.scatter.add.f32 [tilespmem:s12], [sflag:$0x5], $0x80, s16, s11, $0xb8;
	[tilespmem:$0x1F400] =	vst v63  }
0x2f7: {  	_ =	swait.ge [sflag:s6], $0x4000  }
0x2f8: {  	[sflag:s6] =	ssyncset.done $0x0  }
0x2f9: {  	s18 =	simm.s32 $0x500;
	[sflag:s6] =	ssyncadd.s32 $0xFFFFC000  }
0x2fa: {  	[tilespmem:s12], [sflag:$0x3] =	stream.indirect.gather [hbm4b:s4+s11], $0x80, s18, s11, $0xb8;
	[tilespmem:$0x1F400] =	vst v63  }
0x2fb: {  	_ =	swait.ge [sflag:s17], $0x4000  }
0x2fc: {  	[sflag:s17] =	ssyncset.done $0x0  }
0x2fd: {  	s7 =	simm.s32 $0xC80;
	[sflag:s17] =	ssyncadd.s32 $0xFFFFC000  }
0x2fe: {  	[spmem:s2] =	stream.indirect.scatter.add.f32 [tilespmem:s13], [sflag:$0x5], $0x80, s7, s11, $0xb8;
	[tilespmem:$0x1F400] =	vst v63  }
0x2ff: {  	_ =	swait.ge [sflag:s6], $0x4000  }
0x300: {  	[sflag:s6] =	ssyncset.done $0x0  }
0x301: {  	s16 =	simm.s32 $0x580;
	[sflag:s6] =	ssyncadd.s32 $0xFFFFC000  }
0x302: {  	[tilespmem:s13], [sflag:$0x4] =	stream.indirect.gather [hbm4b:s4+s11], $0x80, s16, s11, $0xb8;
	[tilespmem:$0x1F400] =	vst v63  }
0x303: {  	_ =	swait.ge [sflag:s14], $0x4000  }
0x304: {  	[sflag:s14] =	ssyncset.done $0x0  }
0x305: {  	s18 =	simm.s32 $0xD00;
	[sflag:s14] =	ssyncadd.s32 $0xFFFFC000  }
0x306: {  	[spmem:s2] =	stream.indirect.scatter.add.f32 [tilespmem:s12], [sflag:$0x5], $0x80, s18, s11, $0xb8;
	[tilespmem:$0x1F400] =	vst v63  }
0x307: {  	_ =	swait.ge [sflag:s6], $0x4000  }
0x308: {  	[sflag:s6] =	ssyncset.done $0x0  }
0x309: {  	s7 =	simm.s32 $0x600;
	[sflag:s6] =	ssyncadd.s32 $0xFFFFC000  }
0x30a: {  	[tilespmem:s12], [sflag:$0x3] =	stream.indirect.gather [hbm4b:s4+s11], $0x80, s7, s11, $0xb8;
	[tilespmem:$0x1F400] =	vst v63  }
0x30b: {  	_ =	swait.ge [sflag:s17], $0x4000  }
0x30c: {  	[sflag:s17] =	ssyncset.done $0x0  }
0x30d: {  	s16 =	simm.s32 $0xD80;
	[sflag:s17] =	ssyncadd.s32 $0xFFFFC000  }
0x30e: {  	[spmem:s2] =	stream.indirect.scatter.add.f32 [tilespmem:s13], [sflag:$0x5], $0x80, s16, s11, $0xb8;
	[tilespmem:$0x1F400] =	vst v63  }
0x30f: {  	_ =	swait.ge [sflag:s6], $0x4000  }
0x310: {  	[sflag:s6] =	ssyncset.done $0x0  }
0x311: {  	s18 =	simm.s32 $0x680;
	[sflag:s6] =	ssyncadd.s32 $0xFFFFC000  }
0x312: {  	[tilespmem:s13], [sflag:$0x4] =	stream.indirect.gather [hbm4b:s4+s11], $0x80, s18, s11, $0xb8;
	[tilespmem:$0x1F400] =	vst v63  }
0x313: {  	_ =	swait.ge [sflag:s14], $0x4000  }
0x314: {  	[sflag:s14] =	ssyncset.done $0x0  }
0x315: {  	s7 =	simm.s32 $0xE00;
	[sflag:s14] =	ssyncadd.s32 $0xFFFFC000  }
0x316: {  	[spmem:s2] =	stream.indirect.scatter.add.f32 [tilespmem:s12], [sflag:$0x5], $0x80, s7, s11, $0xb8;
	[tilespmem:$0x1F400] =	vst v63  }
0x317: {  	_ =	swait.ge [sflag:s6], $0x4000  }
0x318: {  	[sflag:s6] =	ssyncset.done $0x0  }
0x319: {  	s16 =	simm.s32 $0x700;
	[sflag:s6] =	ssyncadd.s32 $0xFFFFC000  }
0x31a: {  	[tilespmem:s12], [sflag:$0x3] =	stream.indirect.gather [hbm4b:s4+s11], $0x80, s16, s11, $0xb8;
	[tilespmem:$0x1F400] =	vst v63  }
0x31b: {  	_ =	swait.ge [sflag:s17], $0x4000  }
0x31c: {  	[sflag:s17] =	ssyncset.done $0x0  }
0x31d: {  	s18 =	simm.s32 $0xE80;
	[sflag:s17] =	ssyncadd.s32 $0xFFFFC000  }
0x31e: {  	[spmem:s2] =	stream.indirect.scatter.add.f32 [tilespmem:s13], [sflag:$0x5], $0x80, s18, s11, $0xb8;
	[tilespmem:$0x1F400] =	vst v63  }
0x31f: {  	_ =	swait.ge [sflag:s6], $0x4000  }
0x320: {  	[sflag:s6] =	ssyncset.done $0x0  }
0x321: {  	s7 =	simm.s32 $0x780;
	[sflag:s6] =	ssyncadd.s32 $0xFFFFC000  }
0x322: {  	[tilespmem:s13], [sflag:$0x4] =	stream.indirect.gather [hbm4b:s4+s11], $0x80, s7, s11, $0xb8;
	[tilespmem:$0x1F400] =	vst v63  }
0x323: {  	_ =	swait.ge [sflag:s14], $0x4000  }
0x324: {  	[sflag:s14] =	ssyncset.done $0x0  }
0x325: {  	s16 =	simm.s32 $0xF00;
	[sflag:s14] =	ssyncadd.s32 $0xFFFFC000  }
0x326: {  	[spmem:s2] =	stream.indirect.scatter.add.f32 [tilespmem:s12], [sflag:$0x5], $0x80, s16, s11, $0xb8;
	[tilespmem:$0x1F400] =	vst v63  }
0x327: {  	_ =	swait.ge [sflag:s6], $0x4000  }
0x328: {  	[sflag:s6] =	ssyncset.done $0x0  }
0x329: {  	[sflag:s6] =	ssyncadd.s32 $0xFFFFC000  }
0x32a: {  	_ =	swait.ge [sflag:s17], $0x4000  }
0x32b: {  	[sflag:s17] =	ssyncset.done $0x0  }
0x32c: {  	s18 =	simm.s32 $0xF80;
	[sflag:s17] =	ssyncadd.s32 $0xFFFFC000  }
0x32d: {  	[spmem:s2] =	stream.indirect.scatter.add.f32 [tilespmem:s13], [sflag:$0x5], $0x80, s18, s11, $0xb8;
	[tilespmem:$0x1F400] =	vst v63  }
0x32e: {  	_ =	swait.ge [sflag:s6], $0x4000  }
0x32f: {  	[sflag:s6] =	ssyncset.done $0x0  }
0x330: {  	[sflag:s6] =	ssyncadd.s32 $0xFFFFC000  }
0x331: {  	s7 =	stileid.u32;
	[bflag:$0x0] =	sbarrier.arrive $0xFFFF  }
0x332: {  	s1 =	sshll.u32 s7, $0x6;
	s16 =	rddreg [dreg:$0x1e]  }
0x333: {  	s1 =	sor.u32 $0x1C05, s1;
	s7 =	rddreg [dreg:$0xd];
	s18 =	sshrl.u32 s16, $0x3  }
0x334: {  	[hbm:s7], [sflag:s1] =	dma.local [spmem:s18], $0x2800  }
0x335: {  	_ =	swait.ge [sflag:s6], $0x2800  }
0x336: {  	s0 =	sadd.s32 $0x1, s0;
	s18 =	rddreg [dreg:$0xe]  }
0x337: {  	p0 =	sne.s32 s0, s18  }
.Ltmp1:
0x338: {  	_ = 	snop;
	(pc) =	sbr.rel @p0 .LBB2_1-.Ltmp1, $3  }
0x339: {  	_ =	sdelay $0x1  }
0x33a: {  	[sflag:s6] =	ssyncset.done $0x0  }
0x33b: {  	[sflag:s6] =	ssyncadd.s32 $0xFFFFD800  }
0x33c: {  	_ =	sfence.sel $0x180000  }
0x33d: {  	[bflag:$0x0] =	sbarrier.arrive $0xFFFF  }
0x33e: {  	_ =	strace $0x9000004A  }
0x33f: {  	s0 =	stileid.u32;
	[bflag:$0x2] =	sbarrier.arrive $0xFFFF  }
0x340: {  	p0 =	sne.s32 s0, $0x0;
	s0 =	rddreg [dreg:$0x2]  }
0x341: {  	s0 =	sadd.s32 @!p0 $0x100000, s0  }
0x342: {  	[sflag:s0] =	ssyncadd.tile.s32 @!p0 $0x1;
	_ =	shalt  }
.Lfunc_end2:
_tile_overlayer_lowered:
.L_overlay_start_2:
0x343: {  	(tag) =	ssettag $0x2  }
0x344: {  	s0 =	rddreg [dreg:$0x0];
	s2 =	stileid.u32  }
0x345: {  	s1 =	rddreg [dreg:$0x1];
	p0 =	sne.s32 s2, $0x0  }
0x346: {  	s3 =	rddreg [dreg:$0x2];
	[bflag:$0x3] =	sbarrier.arrive $0xFFFF;
	s2 =	simm.s32 @!p0 $0x1C05  }
0x347: {  	[timem:s3], [sflag:s2] =	dma.local @!p0 [hbm:s0], s1  }
0x348: {  	s0 =	simm.s32 @!p0 $0x5  }
0x349: {  	_ =	swait.ge @!p0 [sflag:s0], s1  }
0x34a: {  	s1 =	ssub.s32 @!p0 $0x0, s1;
	[sflag:s0] =	ssyncset.done @!p0 $0x0  }
0x34b: {  	[sflag:s0] =	ssyncadd.s32 @!p0 s1  }
0x34c: {  	[bflag:$0x3] =	sbarrier.arrive $0xFFFF  }
0x34d: {  	_ =	shalt  }

// kernel: kernel.14.cloned.1.call-start
scs
__scs_entry_jumppad:
0x0: {  	(pc) =	sbr.rel $0x88, $3  }
0x1: {  	(tag) =	ssettag $0x0;
	lr =	simm.s32 $0x1  }
0x2: {  	[smem:$0x3F99] =	sst lr;
	_ =	strace $0xD0000000  }
0x3: {  	_ = 	snop  }
0x4: {  	_ = 	snop  }
0x5: {  	_ = 	snop  }
0x6: {  	_ = 	snop  }
0x7: {  	_ = 	snop  }
__scs_overlays_trampoline_lowered:
0x8: {  	[smem:$0x3FA8] =	sst s0  }
0x9: {  	[smem:$0x3FA9] =	sst s1  }
0xa: {  	[smem:$0x3FAA] =	sst s2  }
0xb: {  	[smem:$0x3FAB] =	sst s3  }
0xc: {  	[smem:$0x3FAC] =	sst s4  }
0xd: {  	[smem:$0x3FAD] =	sst s5  }
0xe: {  	[smem:$0x3FAE] =	sst s6  }
0xf: {  	[smem:$0x3FAF] =	sst s7  }
0x10: {  	[smem:$0x3FB0] =	sst s8  }
0x11: {  	[smem:$0x3FB1] =	sst s9;
	s0 =	simm.s32 @!p0 $0x0  }
0x12: {  	s1 =	sld [smem:$0x3F97];
	s0 =	simm.s32 @p0 $0x1  }
0x13: {  	[smem:$0x3FB2] =	sst s0;
	s0 =	simm.s32 @!p1 $0x0  }
0x14: {  	s2 =	sld [smem:$0x3F96];
	s0 =	simm.s32 @p1 $0x1  }
0x15: {  	[smem:$0x3FB3] =	sst s0;
	s0 =	simm.s32 @!p2 $0x0  }
0x16: {  	s3 =	sld [smem:$0x3FDB];
	s0 =	simm.s32 @p2 $0x1  }
0x17: {  	s4 =	simm.s32 $0x1BF5;
	[smem:$0x3FB5] =	sst s0  }
0x18: {  	s0 =	sld [smem:$0x3F98];
	_ =	swait.ge [sflag:s4], $0x0  }
0x19: {  	s7 =	sld [smem:$0x3F99]  }
0x1a: {  	s8 =	sadd.s32 $0xFFFFE003, lr  }
0x1b: {  	s9 =	sadd.s32 $0xFFFFFEF7, lr;
	s5 =	simm.s32 $0xFFFFFFFF;
	p2 =	slt.u32 s8, $0xFFFFF086  }
0x1c: {  	p1 =	slt.u32 s9, $0xF7A;
	s5 =	simm.s32 @!p2 $0x0  }
0x1d: {  	s5 =	simm.s32 @p1 $0x1;
	p0 =	seq.s32 s7, s2  }
0x1e: {  	s7 =	smul.u32 @!p0 $0xF7A, s2;
	p2 =	seq.s32 @!p0 s5, $0x0  }
0x1f: {  	s9 =	smul.u32 $0xF7A, s1;
	s8 =	simm.s32 @!p0 $0x1BF5;
	p2 =	por !p2, p0  }
0x20: {  	[sflag:s8] =	ssyncset.s32 @!p0 $0xFFFFF086;
	s6 =	sadd.s32 @!p0 s3, s7;
	s7 =	simm.s32 @!p0 $0x108  }
0x21: {  	s3 =	sadd.s32 s3, s9;
	s6 =	sadd.s32 @!p0 $0x88, s6;
	s7 =	simm.s32 @p2 $0x1082  }
0x22: {  	[simem:s7], [sflag:s8] =	dma.local @!p0 [hbm:s6], $0xF7A  }
0x23: {  	s9 =	sor.u32 $0xD0000000, s2;
	s6 =	simm.s32 $0x108;
	_ =	swait.ge @!p0 [sflag:s8], $0x0  }
0x24: {  	s3 =	sadd.s32 $0x88, s3;
	s6 =	simm.s32 @!p1 $0x1082;
	[sflag:s4] =	ssyncset.s32 $0xFFFFF086  }
0x25: {  	[simem:s6], [sflag:s4] =	dma.local [hbm:s3], $0xF7A  }
0x26: {  	[smem:$0x3F99] =	sst s1;
	(tag) =	ssettag s2;
	_ =	strace s9  }
0x27: {  	s1 =	sld [smem:$0x3FA9]  }
0x28: {  	s2 =	sld [smem:$0x3FAA]  }
0x29: {  	s4 =	sld [smem:$0x3FAC]  }
0x2a: {  	p0 =	seq.s32 s5, $0x0;
	s5 =	sld [smem:$0x3FAD]  }
0x2b: {  	s6 =	sld [smem:$0x3FAE]  }
0x2c: {  	s7 =	sld [smem:$0x3FAF]  }
0x2d: {  	s3 =	simm.s32 $0x108;
	s8 =	sld [smem:$0x3FB0]  }
0x2e: {  	s3 =	simm.s32 @!p0 $0x1082;
	s9 =	sld [smem:$0x3FB1]  }
0x2f: {  	lr =	sadd.s32 s0, s3;
	s0 =	sld [smem:$0x3FA8]  }
0x30: {  	s3 =	sld [smem:$0x3FAB]  }
0x31: {  	[smem:$0x3FB4] =	sst s10  }
0x32: {  	s10 =	sld [smem:$0x3FB2];
	_ =	sdelay $0x3  }
0x33: {  	p0 =	seq.s32 s10, $0x1;
	s10 =	sld [smem:$0x3FB4];
	_ =	sdelay $0x3  }
0x34: {  	[smem:$0x3FB4] =	sst s10  }
0x35: {  	s10 =	sld [smem:$0x3FB3];
	_ =	sdelay $0x3  }
0x36: {  	p1 =	seq.s32 s10, $0x1;
	s10 =	sld [smem:$0x3FB4];
	_ =	sdelay $0x3  }
0x37: {  	[smem:$0x3FB4] =	sst s10  }
0x38: {  	s10 =	sld [smem:$0x3FB5]  }
0x39: {  	_ = 	snop;
	(pc) =	sbr.ind lr, $3  }
0x3a: {  	_ = 	snop  }
0x3b: {  	_ = 	snop  }
0x3c: {  	p2 =	seq.s32 s10, $0x1;
	s10 =	sld [smem:$0x3FB4]  }
0x3d: {  	_ =	shalt  }
0x3e: {  	_ =	shalt  }
0x3f: {  	_ =	shalt  }
0x40: {  	_ =	shalt  }
0x41: {  	_ =	shalt  }
0x42: {  	_ =	shalt  }
0x43: {  	_ =	shalt  }
0x44: {  	_ =	shalt  }
0x45: {  	_ =	shalt  }
0x46: {  	_ =	shalt  }
0x47: {  	_ =	shalt  }
0x48: {  	_ =	shalt  }
0x49: {  	_ =	shalt  }
0x4a: {  	_ =	shalt  }
0x4b: {  	_ =	shalt  }
0x4c: {  	_ =	shalt  }
0x4d: {  	_ =	shalt  }
0x4e: {  	_ =	shalt  }
0x4f: {  	_ =	shalt  }
0x50: {  	_ =	shalt  }
0x51: {  	_ =	shalt  }
0x52: {  	_ =	shalt  }
0x53: {  	_ =	shalt  }
0x54: {  	_ =	shalt  }
0x55: {  	_ =	shalt  }
0x56: {  	_ =	shalt  }
0x57: {  	_ =	shalt  }
0x58: {  	_ =	shalt  }
0x59: {  	_ =	shalt  }
0x5a: {  	_ =	shalt  }
0x5b: {  	_ =	shalt  }
0x5c: {  	_ =	shalt  }
0x5d: {  	_ =	shalt  }
0x5e: {  	_ =	shalt  }
0x5f: {  	_ =	shalt  }
0x60: {  	_ =	shalt  }
0x61: {  	_ =	shalt  }
0x62: {  	_ =	shalt  }
0x63: {  	_ =	shalt  }
0x64: {  	_ =	shalt  }
0x65: {  	_ =	shalt  }
0x66: {  	_ =	shalt  }
0x67: {  	_ =	shalt  }
0x68: {  	_ =	shalt  }
0x69: {  	_ =	shalt  }
0x6a: {  	_ =	shalt  }
0x6b: {  	_ =	shalt  }
0x6c: {  	_ =	shalt  }
0x6d: {  	_ =	shalt  }
0x6e: {  	_ =	shalt  }
0x6f: {  	_ =	shalt  }
0x70: {  	_ =	shalt  }
0x71: {  	_ =	shalt  }
0x72: {  	_ =	shalt  }
0x73: {  	_ =	shalt  }
0x74: {  	_ =	shalt  }
0x75: {  	_ =	shalt  }
0x76: {  	_ =	shalt  }
0x77: {  	_ =	shalt  }
0x78: {  	_ =	shalt  }
0x79: {  	_ =	shalt  }
0x7a: {  	_ =	shalt  }
0x7b: {  	_ =	shalt  }
0x7c: {  	_ =	shalt  }
0x7d: {  	_ =	shalt  }
0x7e: {  	_ =	shalt  }
0x7f: {  	_ =	shalt  }
0x80: {  	_ =	shalt  }
0x81: {  	_ =	shalt  }
0x82: {  	_ =	shalt  }
0x83: {  	_ =	shalt  }
0x84: {  	_ =	shalt  }
0x85: {  	_ =	shalt  }
0x86: {  	_ =	shalt  }
0x87: {  	_ =	shalt  }
.Lfunc_end0:
.L_simem_size_0:
called_computation.2_lowered:
.L_overlay_start_0:
0x88: {  	s2 =	sld [smem:$0x3FD9]  }
0x89: {  	s3 =	sld [smem:$0x3FFE];
	_ =	sdelay $0x1  }
0x8a: {  	s1 =	srdreg.scid  }
0x8b: {  	s0 =	sand.u32 $0x1, s1  }
0x8c: {  	s16 =	sshll.u32 s0, $0xA;
	s2 =	sadd.s32 s3, s2  }
0x8d: {  	s2 =	sadd.s32 s2, s16  }
0x8e: {  	[smem:$0x3FC0] =	sst s2  }
0x8f: {  	_ = 	snop  }
0x90: {  	(tm) =	ssettm $0x1  }
0x91: {  	s17 =	sld [smem:$0x3FFB];
	_ =	sdelay $0x3  }
0x92: {  	_ =	strace s17  }
0x93: {  	s2 =	sld [smem:$0x3FFC];
	_ =	sdelay $0x3  }
0x94: {  	_ =	strace s2  }
0x95: {  	s2 =	sld [smem:$0x3FFD];
	_ =	sdelay $0x3  }
0x96: {  	_ =	strace s2  }
0x97: {  	_ =	strace $0x8FFFFFFF  }
0x98: {  	s18 =	sld [smem:$0x3FDB];
	_ =	sdelay $0x1  }
0x99: {  	s19 =	simm.s32 $_scs_section_size  }
0x9a: {  	s4 =	simm.s32 $_size__tile_overlayer_lowered;
	s5 =	simm.s32 $_tile_overlayer_lowered  }
0x9b: {  	s22 =	simm.s32 $0x1BFF;
	s21 =	sshll.u32 s5, $0x1;
	s2 =	sadd.s32 s19, s18  }
0x9c: {  	s6 =	simm.s32 $0x0;
	s20 =	sshll.u32 s4, $0x1;
	s4 =	sadd.s32 s21, s2  }
0x9d: {  	[timem:s6], [sflag:s22] =	dma.local [hbm:s4], s20  }
0x9e: {  	_ =	swait.ge [sflag:s22], s20  }
0x9f: {  	s3 =	ssub.s32 $0x0, s20;
	[sflag:s22] =	ssyncset.done $0x0  }
0xa0: {  	[sflag:s22] =	ssyncadd.s32 s3;
	_ =	sdelay $0x1  }
0xa1: {  	s23 =	simm.s32 $0x1B8B  }
0xa2: {  	_ =	swait.ge [sflag:s23], $0x1  }
0xa3: {  	[sflag:s23] =	ssyncset.done $0x0  }
0xa4: {  	s25 =	simm.s32 $0x1B8E;
	s24 =	sld [smem:$0x3FFE];
	[sflag:s23] =	ssyncadd.s32 $0xFFFFFFFF  }
0xa5: {  	s26 =	simm.s32 $execute0_lowered;
	[smem:$0x3FD2] =	sst s25  }
0xa6: {  	s4 =	sshll.u32 s26, $0x1;
	_ =	strace $0x8000004C;
	[dreg:$0x1] =	wrdreg $0xFFFFFFFF  }
0xa7: {  	s28 =	simm.s32 $_size_execute0_lowered;
	s2 =	sadd.s32 s2, s4;
	[dreg:$0x0] =	wrdreg $0x0  }
0xa8: {  	s4 =	sshll.u32 s28, $0x1;
	[dreg:$0x2] =	wrdreg s2  }
0xa9: {  	[dreg:$0x3] =	wrdreg s4  }
0xaa: {  	[dreg:$0x4] =	wrdreg $0xC0  }
0xab: {  	_ =	task [dreg:s6], $0x5FFFF  }
0xac: {  	[dreg:$0x1] =	wrdreg $0xFFFFFFFF  }
0xad: {  	[dreg:$0x0] =	wrdreg $0x60  }
0xae: {  	[dreg:$0x2] =	wrdreg s24  }
0xaf: {  	[dreg:$0x3] =	wrdreg $0xB4000  }
0xb0: {  	[dreg:$0x4] =	wrdreg $0x9  }
0xb1: {  	_ =	task.clear_ibuf [dreg:s6], $0x5FFFF;
	_ =	strace $0x9000004C  }
0xb2: {  	s29 =	simm.s32 $0x9;
	_ =	strace $0x8000004E  }
0xb3: {  	_ =	swait.ge [sflag:s29], $0x1  }
0xb4: {  	[sflag:s29] =	ssyncadd.s32 $0xFFFFFFFF  }
0xb5: {  	_ =	strace $0x9000004E  }
0xb6: {  	_ =	sfence  }
0xb7: {  	s30 =	sld [smem:$0x0];
	_ =	sdelay $0x2  }
0xb8: {  	s31 =	sshll.u32 s1, $0xD;
	s1 =	sshrl.u32 s1, $0x2  }
0xb9: {  	s3 =	sand.u32 $0x4000, s31;
	s1 =	sadd.s32 s1, s30  }
0xba: {  	s0 =	sor.u32 s3, s0;
	s1 =	sshll.u32 s1, $0x11  }
0xbb: {  	s0 =	sor.u32 s1, s0  }
0xbc: {  	s0 =	sadd.s32 $0x8F2B, s0  }
0xbd: {  	[sflag:s0] =	ssyncadd.remote.s32 $0x1  }
0xbe: {  	_ =	sfence.sel $0xFFFF  }
0xbf: {  	[dreg:$0x0] =	wrdreg $0xFFFFFFFF;
	(pc) =	sbr.abs _section_cstart, $3  }
0xc0: {  	[dreg:$0x1] =	wrdreg $0xFFFFFFFF  }
0xc1: {  	_ =	task.clear_ibuf [dreg:s6], $0x2FFFF;
	_ =	strace $0x9FFFFFFF  }
0xc2: {  	(tm) =	ssettm $0x7FFFFFFF  }
0xc3: {  	_ =	shalt  }
tec
execute0_lowered:
.L_overlay_start_1:
0x0: {  	(tag) =	ssettag $0x1  }
0x1: {  	s1 =	srdreg.scid;
	s10 =	stileid.u32  }
0x2: {  	s1 =	sand.u32 $0x1, s1;
	s5 =	smul.u32 $0x280, s10;
	s7 =	sshll.u32 s10, $0x1  }
0x3: {  	s0 =	rddreg [dreg:$0x0];
	s6 =	smul.u32 $0x2800, s1;
	s7 =	sor.u32 s1, s7  }
0x4: {  	s2 =	rddreg [dreg:$0x1];
	s3 =	simm.s32 $0x0;
	s17 =	smul.u32 $0x500, s7  }
0x5: {  	[smem:$0x7FF] =	sst s3;
	s4 =	sadd.s32 $0x16000, s0;
	s7 =	smul.u32 $0x2800, s7  }
0x6: {  	s8 =	sadd.s32 $0x2000, s0;
	s9 =	sadd.s32 $0xC000, s0;
	_ =	strace $0x8000004D  }
0x7: {  	s5 =	sadd.s32 s5, s6;
	s19 =	sadd.s32 s8, s17;
	s20 =	sshrl.u32 s7, $0x3  }
0x8: {  	s6 =	sadd.s32 s9, s17;
	[dreg:$0x3] =	wrdreg s19;
	s21 =	sadd.s32 $0x100, s20  }
0x9: {  	s5 =	sshll.u32 s5, $0x4;
	[dreg:$0x4] =	wrdreg s6;
	s11 =	sadd.s32 s8, s21  }
0xa: {  	s7 =	sadd.s32 $0x200, s20;
	s6 =	sadd.s32 s9, s21;
	[dreg:$0x5] =	wrdreg s11  }
0xb: {  	s0 =	sadd.s32 s5, s0;
	s22 =	sadd.s32 s8, s7;
	[dreg:$0x6] =	wrdreg s6  }
0xc: {  	s24 =	sadd.s32 $0x300, s20;
	s23 =	sadd.s32 s9, s7;
	[dreg:$0x7] =	wrdreg s22  }
0xd: {  	s5 =	sadd.s32 $0x400, s20;
	s26 =	sadd.s32 s8, s24;
	[dreg:$0x8] =	wrdreg s23  }
0xe: {  	s25 =	smul.u32 $0x50000, s10;
	s8 =	sadd.s32 s8, s5;
	[dreg:$0x9] =	wrdreg s26  }
0xf: {  	s1 =	ssub.s32 $0x2, s1;
	s5 =	sadd.s32 s9, s5;
	[dreg:$0xb] =	wrdreg s8  }
0x10: {  	s18 =	sshrl.u32 s1, $0x1;
	s0 =	sadd.s32 $0x3E000, s0;
	[dreg:$0xc] =	wrdreg s5  }
0x11: {  	s1 =	ssub.s32 s1, s18;
	s6 =	sadd.s32 s9, s24;
	[dreg:$0xd] =	wrdreg s0  }
0x12: {  	s10 =	sshrl.u32 s25, $0x2;
	s11 =	smax.u32 s1, $0x1;
	[dreg:$0xa] =	wrdreg s6  }
0x13: {  	s5 =	sadd.s32 s10, s2;
	[dreg:$0xe] =	wrdreg s11  }
0x14: {  	s12 =	sadd.s32 $0x1400, s5;
	[dreg:$0x1e] =	wrdreg s5  }
0x15: {  	s13 =	sadd.s32 $0x2800, s5;
	[dreg:$0xf] =	wrdreg s12  }
0x16: {  	s14 =	sadd.s32 $0x3C00, s5;
	[dreg:$0x10] =	wrdreg s13  }
0x17: {  	s15 =	sadd.s32 $0x5000, s5;
	[dreg:$0x11] =	wrdreg s14  }
0x18: {  	s16 =	sadd.s32 $0x6400, s5;
	[dreg:$0x12] =	wrdreg s15  }
0x19: {  	s31 =	simm.s32 $0x2;
	s17 =	sadd.s32 $0x7800, s5;
	[dreg:$0x13] =	wrdreg s16  }
0x1a: {  	s28 =	simm.s32 $0x1380;
	s18 =	sadd.s32 $0x8C00, s5;
	[dreg:$0x14] =	wrdreg s17  }
0x1b: {  	s29 =	simm.s32 $0x1B00;
	s19 =	sadd.s32 $0xA000, s5;
	[dreg:$0x15] =	wrdreg s18  }
0x1c: {  	s30 =	simm.s32 $0x1400;
	s20 =	sadd.s32 $0xB400, s5;
	[dreg:$0x16] =	wrdreg s19  }
0x1d: {  	s8 =	simm.s32 $0x1;
	s21 =	sadd.s32 $0xC800, s5;
	[dreg:$0x17] =	wrdreg s20  }
0x1e: {  	s0 =	simm.s32 $0x0;
	s22 =	sadd.s32 $0xDC00, s5;
	[dreg:$0x18] =	wrdreg s21  }
0x1f: {  	s10 =	simm.s32 $0x1000;
	s23 =	sadd.s32 $0xF000, s5;
	[dreg:$0x19] =	wrdreg s22  }
0x20: {  	s9 =	simm.s32 $0x1080;
	s24 =	sadd.s32 $0x10400, s5;
	[dreg:$0x1a] =	wrdreg s23  }
0x21: {  	s25 =	sadd.s32 $0x11800, s5;
	s26 =	sadd.s32 $0x12C00, s5;
	[dreg:$0x1b] =	wrdreg s24  }
0x22: {  	s5 =	simm.s32 $0xA000;
	s6 =	simm.s32 $0x5;
	[dreg:$0x1c] =	wrdreg s25  }
0x23: {  	s11 =	simm.s32 $0x80;
	[dreg:$0x1d] =	wrdreg s26;
	s12 =	simm.s32 $0x2000  }
0x24: {  	s13 =	simm.s32 $0x6000;
	s14 =	simm.s32 $0x3;
	s17 =	simm.s32 $0x4  }
0x25: {  	s15 =	simm.s32 $0x1800;
	s19 =	simm.s32 $0x1180;
	s20 =	simm.s32 $0x1900  }
0x26: {  	s21 =	simm.s32 $0x1200;
	s22 =	simm.s32 $0x1980;
	s23 =	simm.s32 $0x1280  }
0x27: {  	v0 =	vimm.f32 $0.0e+00;
	s24 =	simm.s32 $0x1A00;
	s25 =	simm.s32 $0x1300;
	s26 =	simm.s32 $0x1A80  }
.LBB2_1:
0x28: {  	s1 =	simm.s32 $0x70;
	s16 =	simm.s32 $0x3C0  }
.LBB2_2:
0x29: {  	p0 =	sne.s32 s16, $0x4FC0;
	[tilespmem:s1+$0xA000] =	vst v0  }
0x2a: {  	[tilespmem:s1+$0x9F90] =	vst v0  }
0x2b: {  	[tilespmem:s1+$0x9FA0] =	vst v0  }
.Ltmp0:
0x2c: {  	[tilespmem:s1+$0x9FB0] =	vst v0;
	(pc) =	sbr.rel @p0 .LBB2_2-.Ltmp0, $4  }
0x2d: {  	[tilespmem:s1+$0x9FC0] =	vst v0  }
0x2e: {  	[tilespmem:s1+$0x9FD0] =	vst v0  }
0x2f: {  	[tilespmem:s1+$0x9FE0] =	vst v0  }
0x30: {  	[tilespmem:s1+$0x9FF0] =	vst v0;
	s1 =	sshra.s32 s16, $0x2;
	s16 =	sadd.s32 $0x200, s16  }
0x31: {  	[tilespmem:s1+$0xA000] =	vst v0  }
0x32: {  	[tilespmem:s1+$0x9F90] =	vst v0  }
0x33: {  	[tilespmem:s1+$0x9FA0] =	vst v0  }
0x34: {  	[tilespmem:s1+$0x9FB0] =	vst v0  }
0x35: {  	[tilespmem:s1+$0x9FC0] =	vst v0  }
0x36: {  	[tilespmem:s1+$0x9FD0] =	vst v0  }
0x37: {  	[tilespmem:s1+$0x9FE0] =	vst v0  }
0x38: {  	[tilespmem:s1+$0x9FF0] =	vst v0;
	s18 =	rddreg [dreg:$0x1e]  }
0x39: {  	[spmem:s18] =	stream.linear.scatter [tilespmem:s5], [sflag:$0x5], $0x1400, $0x38;
	[tilespmem:$0x1F400] =	vst v63  }
0x3a: {  	_ =	swait.ge [sflag:s6], $0x1400  }
0x3b: {  	[sflag:s6] =	ssyncset.done $0x0  }
0x3c: {  	s7 =	rddreg [dreg:$0xf];
	[sflag:s6] =	ssyncadd.s32 $0xFFFFEC00  }
0x3d: {  	[spmem:s7] =	stream.linear.scatter [tilespmem:s5], [sflag:$0x5], $0x1400, $0x38;
	[tilespmem:$0x1F400] =	vst v63  }
0x3e: {  	_ =	swait.ge [sflag:s6], $0x1400  }
0x3f: {  	[sflag:s6] =	ssyncset.done $0x0  }
0x40: {  	s16 =	rddreg [dreg:$0x10];
	[sflag:s6] =	ssyncadd.s32 $0xFFFFEC00  }
0x41: {  	[spmem:s16] =	stream.linear.scatter [tilespmem:s5], [sflag:$0x5], $0x1400, $0x38;
	[tilespmem:$0x1F400] =	vst v63  }
0x42: {  	_ =	swait.ge [sflag:s6], $0x1400  }
0x43: {  	[sflag:s6] =	ssyncset.done $0x0  }
0x44: {  	s18 =	rddreg [dreg:$0x11];
	[sflag:s6] =	ssyncadd.s32 $0xFFFFEC00  }
0x45: {  	[spmem:s18] =	stream.linear.scatter [tilespmem:s5], [sflag:$0x5], $0x1400, $0x38;
	[tilespmem:$0x1F400] =	vst v63  }
0x46: {  	_ =	swait.ge [sflag:s6], $0x1400  }
0x47: {  	[sflag:s6] =	ssyncset.done $0x0  }
0x48: {  	s7 =	rddreg [dreg:$0x12];
	[sflag:s6] =	ssyncadd.s32 $0xFFFFEC00  }
0x49: {  	[spmem:s7] =	stream.linear.scatter [tilespmem:s5], [sflag:$0x5], $0x1400, $0x38;
	[tilespmem:$0x1F400] =	vst v63  }
0x4a: {  	_ =	swait.ge [sflag:s6], $0x1400  }
0x4b: {  	[sflag:s6] =	ssyncset.done $0x0  }
0x4c: {  	s16 =	rddreg [dreg:$0x13];
	[sflag:s6] =	ssyncadd.s32 $0xFFFFEC00  }
0x4d: {  	[spmem:s16] =	stream.linear.scatter [tilespmem:s5], [sflag:$0x5], $0x1400, $0x38;
	[tilespmem:$0x1F400] =	vst v63  }
0x4e: {  	_ =	swait.ge [sflag:s6], $0x1400  }
0x4f: {  	[sflag:s6] =	ssyncset.done $0x0  }
0x50: {  	s18 =	rddreg [dreg:$0x14];
	[sflag:s6] =	ssyncadd.s32 $0xFFFFEC00  }
0x51: {  	[spmem:s18] =	stream.linear.scatter [tilespmem:s5], [sflag:$0x5], $0x1400, $0x38;
	[tilespmem:$0x1F400] =	vst v63  }
0x52: {  	_ =	swait.ge [sflag:s6], $0x1400  }
0x53: {  	[sflag:s6] =	ssyncset.done $0x0  }
0x54: {  	s7 =	rddreg [dreg:$0x15];
	[sflag:s6] =	ssyncadd.s32 $0xFFFFEC00  }
0x55: {  	[spmem:s7] =	stream.linear.scatter [tilespmem:s5], [sflag:$0x5], $0x1400, $0x38;
	[tilespmem:$0x1F400] =	vst v63  }
0x56: {  	_ =	swait.ge [sflag:s6], $0x1400  }
0x57: {  	[sflag:s6] =	ssyncset.done $0x0  }
0x58: {  	s16 =	rddreg [dreg:$0x16];
	[sflag:s6] =	ssyncadd.s32 $0xFFFFEC00  }
0x59: {  	[spmem:s16] =	stream.linear.scatter [tilespmem:s5], [sflag:$0x5], $0x1400, $0x38;
	[tilespmem:$0x1F400] =	vst v63  }
0x5a: {  	_ =	swait.ge [sflag:s6], $0x1400  }
0x5b: {  	[sflag:s6] =	ssyncset.done $0x0  }
0x5c: {  	s18 =	rddreg [dreg:$0x17];
	[sflag:s6] =	ssyncadd.s32 $0xFFFFEC00  }
0x5d: {  	[spmem:s18] =	stream.linear.scatter [tilespmem:s5], [sflag:$0x5], $0x1400, $0x38;
	[tilespmem:$0x1F400] =	vst v63  }
0x5e: {  	_ =	swait.ge [sflag:s6], $0x1400  }
0x5f: {  	[sflag:s6] =	ssyncset.done $0x0  }
0x60: {  	s7 =	rddreg [dreg:$0x18];
	[sflag:s6] =	ssyncadd.s32 $0xFFFFEC00  }
0x61: {  	[spmem:s7] =	stream.linear.scatter [tilespmem:s5], [sflag:$0x5], $0x1400, $0x38;
	[tilespmem:$0x1F400] =	vst v63  }
0x62: {  	_ =	swait.ge [sflag:s6], $0x1400  }
0x63: {  	[sflag:s6] =	ssyncset.done $0x0  }
0x64: {  	s16 =	rddreg [dreg:$0x19];
	[sflag:s6] =	ssyncadd.s32 $0xFFFFEC00  }
0x65: {  	[spmem:s16] =	stream.linear.scatter [tilespmem:s5], [sflag:$0x5], $0x1400, $0x38;
	[tilespmem:$0x1F400] =	vst v63  }
0x66: {  	_ =	swait.ge [sflag:s6], $0x1400  }
0x67: {  	[sflag:s6] =	ssyncset.done $0x0  }
0x68: {  	s18 =	rddreg [dreg:$0x1a];
	[sflag:s6] =	ssyncadd.s32 $0xFFFFEC00  }
0x69: {  	[spmem:s18] =	stream.linear.scatter [tilespmem:s5], [sflag:$0x5], $0x1400, $0x38;
	[tilespmem:$0x1F400] =	vst v63  }
0x6a: {  	_ =	swait.ge [sflag:s6], $0x1400  }
0x6b: {  	[sflag:s6] =	ssyncset.done $0x0  }
0x6c: {  	s7 =	rddreg [dreg:$0x1b];
	[sflag:s6] =	ssyncadd.s32 $0xFFFFEC00  }
0x6d: {  	[spmem:s7] =	stream.linear.scatter [tilespmem:s5], [sflag:$0x5], $0x1400, $0x38;
	[tilespmem:$0x1F400] =	vst v63  }
0x6e: {  	_ =	swait.ge [sflag:s6], $0x1400  }
0x6f: {  	[sflag:s6] =	ssyncset.done $0x0  }
0x70: {  	s16 =	rddreg [dreg:$0x1c];
	[sflag:s6] =	ssyncadd.s32 $0xFFFFEC00  }
0x71: {  	[spmem:s16] =	stream.linear.scatter [tilespmem:s5], [sflag:$0x5], $0x1400, $0x38;
	[tilespmem:$0x1F400] =	vst v63  }
0x72: {  	_ =	swait.ge [sflag:s6], $0x1400  }
0x73: {  	[sflag:s6] =	ssyncset.done $0x0  }
0x74: {  	s18 =	rddreg [dreg:$0x1d];
	[sflag:s6] =	ssyncadd.s32 $0xFFFFEC00  }
0x75: {  	[spmem:s18] =	stream.linear.scatter [tilespmem:s5], [sflag:$0x5], $0x1400, $0x38;
	[tilespmem:$0x1F400] =	vst v63  }
0x76: {  	_ =	swait.ge [sflag:s6], $0x1400  }
0x77: {  	[sflag:s6] =	ssyncset.done $0x0  }
0x78: {  	[sflag:s6] =	ssyncadd.s32 $0xFFFFEC00  }
0x79: {  	[bflag:$0x0] =	sbarrier.arrive $0xFFFF  }
0x7a: {  	s7 =	rddreg [dreg:$0x3]  }
0x7b: {  	[tilespmem:s3], [sflag:$0x1] =	stream.linear.gather [hbm4b:s7+s3], $0x800, $0x38;
	[tilespmem:$0x1F400] =	vst v63  }
0x7c: {  	s16 =	rddreg [dreg:$0x4];
	s7 =	simm.s32 $0x800  }
0x7d: {  	[tilespmem:s7], [sflag:$0x1] =	stream.linear.gather [hbm4b:s16+s3], $0x800, $0x38;
	[tilespmem:$0x1F400] =	vst v63  }
0x7e: {  	_ =	swait.ge [sflag:s8], $0x800  }
0x7f: {  	[sflag:s8] =	ssyncset.done $0x0  }
0x80: {  	[sflag:s8] =	ssyncadd.s32 $0xFFFFF800  }
0x81: {  	_ =	swait.ge [sflag:s8], $0x800  }
0x82: {  	[sflag:s8] =	ssyncset.done $0x0  }
0x83: {  	s18 =	rddreg [dreg:$0x5];
	[sflag:s8] =	ssyncadd.s32 $0xFFFFF800  }
0x84: {  	[tilespmem:s10], [sflag:$0x2] =	stream.linear.gather [hbm4b:s18+s3], $0x800, $0x38;
	[tilespmem:$0x1F400] =	vst v63  }
0x85: {  	s16 =	rddreg [dreg:$0x6]  }
0x86: {  	[tilespmem:s15], [sflag:$0x2] =	stream.linear.gather [hbm4b:s16+s3], $0x800, $0x38;
	[tilespmem:$0x1F400] =	vst v63  }
0x87: {  	_ = 	snop  }
0x88: {  	[tilespmem:s12], [sflag:$0x3] =	stream.indirect.gather [hbm4b:s4+s11], $0x80, s3, s11, $0xb8;
	[tilespmem:$0x1F400] =	vst v63  }
0x89: {  	_ = 	snop  }
0x8a: {  	[tilespmem:s13], [sflag:$0x4] =	stream.indirect.gather [hbm4b:s4+s11], $0x80, s11, s11, $0xb8;
	[tilespmem:$0x1F400] =	vst v63  }
0x8b: {  	_ =	swait.ge [sflag:s14], $0x4000  }
0x8c: {  	[sflag:s14] =	ssyncset.done $0x0  }
0x8d: {  	[sflag:s14] =	ssyncadd.s32 $0xFFFFC000  }
0x8e: {  	[spmem:s2] =	stream.indirect.scatter.add.f32 [tilespmem:s12], [sflag:$0x5], $0x80, s7, s11, $0xb8;
	[tilespmem:$0x1F400] =	vst v63  }
0x8f: {  	_ =	swait.ge [sflag:s6], $0x4000  }
0x90: {  	[sflag:s6] =	ssyncset.done $0x0  }
0x91: {  	s18 =	simm.s32 $0x100;
	[sflag:s6] =	ssyncadd.s32 $0xFFFFC000  }
0x92: {  	[tilespmem:s12], [sflag:$0x3] =	stream.indirect.gather [hbm4b:s4+s11], $0x80, s18, s11, $0xb8;
	[tilespmem:$0x1F400] =	vst v63  }
0x93: {  	_ =	swait.ge [sflag:s17], $0x4000  }
0x94: {  	[sflag:s17] =	ssyncset.done $0x0  }
0x95: {  	s16 =	simm.s32 $0x880;
	[sflag:s17] =	ssyncadd.s32 $0xFFFFC000  }
0x96: {  	[spmem:s2] =	stream.indirect.scatter.add.f32 [tilespmem:s13], [sflag:$0x5], $0x80, s16, s11, $0xb8;
	[tilespmem:$0x1F400] =	vst v63  }
0x97: {  	_ =	swait.ge [sflag:s6], $0x4000  }
0x98: {  	[sflag:s6] =	ssyncset.done $0x0  }
0x99: {  	s18 =	simm.s32 $0x180;
	[sflag:s6] =	ssyncadd.s32 $0xFFFFC000  }
0x9a: {  	[tilespmem:s13], [sflag:$0x4] =	stream.indirect.gather [hbm4b:s4+s11], $0x80, s18, s11, $0xb8;
	[tilespmem:$0x1F400] =	vst v63  }
0x9b: {  	_ =	swait.ge [sflag:s14], $0x4000  }
0x9c: {  	[sflag:s14] =	ssyncset.done $0x0  }
0x9d: {  	s16 =	simm.s32 $0x900;
	[sflag:s14] =	ssyncadd.s32 $0xFFFFC000  }
0x9e: {  	[spmem:s2] =	stream.indirect.scatter.add.f32 [tilespmem:s12], [sflag:$0x5], $0x80, s16, s11, $0xb8;
	[tilespmem:$0x1F400] =	vst v63  }
0x9f: {  	_ =	swait.ge [sflag:s6], $0x4000  }
0xa0: {  	[sflag:s6] =	ssyncset.done $0x0  }
0xa1: {  	s18 =	simm.s32 $0x200;
	[sflag:s6] =	ssyncadd.s32 $0xFFFFC000  }
0xa2: {  	[tilespmem:s12], [sflag:$0x3] =	stream.indirect.gather [hbm4b:s4+s11], $0x80, s18, s11, $0xb8;
	[tilespmem:$0x1F400] =	vst v63  }
0xa3: {  	_ =	swait.ge [sflag:s17], $0x4000  }
0xa4: {  	[sflag:s17] =	ssyncset.done $0x0  }
0xa5: {  	s16 =	simm.s32 $0x980;
	[sflag:s17] =	ssyncadd.s32 $0xFFFFC000  }
0xa6: {  	[spmem:s2] =	stream.indirect.scatter.add.f32 [tilespmem:s13], [sflag:$0x5], $0x80, s16, s11, $0xb8;
	[tilespmem:$0x1F400] =	vst v63  }
0xa7: {  	_ =	swait.ge [sflag:s6], $0x4000  }
0xa8: {  	[sflag:s6] =	ssyncset.done $0x0  }
0xa9: {  	s18 =	simm.s32 $0x280;
	[sflag:s6] =	ssyncadd.s32 $0xFFFFC000  }
0xaa: {  	[tilespmem:s13], [sflag:$0x4] =	stream.indirect.gather [hbm4b:s4+s11], $0x80, s18, s11, $0xb8;
	[tilespmem:$0x1F400] =	vst v63  }
0xab: {  	_ =	swait.ge [sflag:s14], $0x4000  }
0xac: {  	[sflag:s14] =	ssyncset.done $0x0  }
0xad: {  	s16 =	simm.s32 $0xA00;
	[sflag:s14] =	ssyncadd.s32 $0xFFFFC000  }
0xae: {  	[spmem:s2] =	stream.indirect.scatter.add.f32 [tilespmem:s12], [sflag:$0x5], $0x80, s16, s11, $0xb8;
	[tilespmem:$0x1F400] =	vst v63  }
0xaf: {  	_ =	swait.ge [sflag:s6], $0x4000  }
0xb0: {  	[sflag:s6] =	ssyncset.done $0x0  }
0xb1: {  	s18 =	simm.s32 $0x300;
	[sflag:s6] =	ssyncadd.s32 $0xFFFFC000  }
0xb2: {  	[tilespmem:s12], [sflag:$0x3] =	stream.indirect.gather [hbm4b:s4+s11], $0x80, s18, s11, $0xb8;
	[tilespmem:$0x1F400] =	vst v63  }
0xb3: {  	_ =	swait.ge [sflag:s17], $0x4000  }
0xb4: {  	[sflag:s17] =	ssyncset.done $0x0  }
0xb5: {  	s16 =	simm.s32 $0xA80;
	[sflag:s17] =	ssyncadd.s32 $0xFFFFC000  }
0xb6: {  	[spmem:s2] =	stream.indirect.scatter.add.f32 [tilespmem:s13], [sflag:$0x5], $0x80, s16, s11, $0xb8;
	[tilespmem:$0x1F400] =	vst v63  }
0xb7: {  	_ =	swait.ge [sflag:s6], $0x4000  }
0xb8: {  	[sflag:s6] =	ssyncset.done $0x0  }
0xb9: {  	s18 =	simm.s32 $0x380;
	[sflag:s6] =	ssyncadd.s32 $0xFFFFC000  }
0xba: {  	[tilespmem:s13], [sflag:$0x4] =	stream.indirect.gather [hbm4b:s4+s11], $0x80, s18, s11, $0xb8;
	[tilespmem:$0x1F400] =	vst v63  }
0xbb: {  	_ =	swait.ge [sflag:s14], $0x4000  }
0xbc: {  	[sflag:s14] =	ssyncset.done $0x0  }
0xbd: {  	s16 =	simm.s32 $0xB00;
	[sflag:s14] =	ssyncadd.s32 $0xFFFFC000  }
0xbe: {  	[spmem:s2] =	stream.indirect.scatter.add.f32 [tilespmem:s12], [sflag:$0x5], $0x80, s16, s11, $0xb8;
	[tilespmem:$0x1F400] =	vst v63  }
0xbf: {  	_ =	swait.ge [sflag:s6], $0x4000  }
0xc0: {  	[sflag:s6] =	ssyncset.done $0x0  }
0xc1: {  	s18 =	simm.s32 $0x400;
	[sflag:s6] =	ssyncadd.s32 $0xFFFFC000  }
0xc2: {  	[tilespmem:s12], [sflag:$0x3] =	stream.indirect.gather [hbm4b:s4+s11], $0x80, s18, s11, $0xb8;
	[tilespmem:$0x1F400] =	vst v63  }
0xc3: {  	_ =	swait.ge [sflag:s17], $0x4000  }
0xc4: {  	[sflag:s17] =	ssyncset.done $0x0  }
0xc5: {  	s16 =	simm.s32 $0xB80;
	[sflag:s17] =	ssyncadd.s32 $0xFFFFC000  }
0xc6: {  	[spmem:s2] =	stream.indirect.scatter.add.f32 [tilespmem:s13], [sflag:$0x5], $0x80, s16, s11, $0xb8;
	[tilespmem:$0x1F400] =	vst v63  }
0xc7: {  	_ =	swait.ge [sflag:s6], $0x4000  }
0xc8: {  	[sflag:s6] =	ssyncset.done $0x0  }
0xc9: {  	s18 =	simm.s32 $0x480;
	[sflag:s6] =	ssyncadd.s32 $0xFFFFC000  }
0xca: {  	[tilespmem:s13], [sflag:$0x4] =	stream.indirect.gather [hbm4b:s4+s11], $0x80, s18, s11, $0xb8;
	[tilespmem:$0x1F400] =	vst v63  }
0xcb: {  	_ =	swait.ge [sflag:s14], $0x4000  }
0xcc: {  	[sflag:s14] =	ssyncset.done $0x0  }
0xcd: {  	s16 =	simm.s32 $0xC00;
	[sflag:s14] =	ssyncadd.s32 $0xFFFFC000  }
0xce: {  	[spmem:s2] =	stream.indirect.scatter.add.f32 [tilespmem:s12], [sflag:$0x5], $0x80, s16, s11, $0xb8;
	[tilespmem:$0x1F400] =	vst v63  }
0xcf: {  	_ =	swait.ge [sflag:s6], $0x4000  }
0xd0: {  	[sflag:s6] =	ssyncset.done $0x0  }
0xd1: {  	s18 =	simm.s32 $0x500;
	[sflag:s6] =	ssyncadd.s32 $0xFFFFC000  }
0xd2: {  	[tilespmem:s12], [sflag:$0x3] =	stream.indirect.gather [hbm4b:s4+s11], $0x80, s18, s11, $0xb8;
	[tilespmem:$0x1F400] =	vst v63  }
0xd3: {  	_ =	swait.ge [sflag:s17], $0x4000  }
0xd4: {  	[sflag:s17] =	ssyncset.done $0x0  }
0xd5: {  	s16 =	simm.s32 $0xC80;
	[sflag:s17] =	ssyncadd.s32 $0xFFFFC000  }
0xd6: {  	[spmem:s2] =	stream.indirect.scatter.add.f32 [tilespmem:s13], [sflag:$0x5], $0x80, s16, s11, $0xb8;
	[tilespmem:$0x1F400] =	vst v63  }
0xd7: {  	_ =	swait.ge [sflag:s6], $0x4000  }
0xd8: {  	[sflag:s6] =	ssyncset.done $0x0  }
0xd9: {  	s18 =	simm.s32 $0x580;
	[sflag:s6] =	ssyncadd.s32 $0xFFFFC000  }
0xda: {  	[tilespmem:s13], [sflag:$0x4] =	stream.indirect.gather [hbm4b:s4+s11], $0x80, s18, s11, $0xb8;
	[tilespmem:$0x1F400] =	vst v63  }
0xdb: {  	_ =	swait.ge [sflag:s14], $0x4000  }
0xdc: {  	[sflag:s14] =	ssyncset.done $0x0  }
0xdd: {  	s16 =	simm.s32 $0xD00;
	[sflag:s14] =	ssyncadd.s32 $0xFFFFC000  }
0xde: {  	[spmem:s2] =	stream.indirect.scatter.add.f32 [tilespmem:s12], [sflag:$0x5], $0x80, s16, s11, $0xb8;
	[tilespmem:$0x1F400] =	vst v63  }
0xdf: {  	_ =	swait.ge [sflag:s6], $0x4000  }
0xe0: {  	[sflag:s6] =	ssyncset.done $0x0  }
0xe1: {  	s18 =	simm.s32 $0x600;
	[sflag:s6] =	ssyncadd.s32 $0xFFFFC000  }
0xe2: {  	[tilespmem:s12], [sflag:$0x3] =	stream.indirect.gather [hbm4b:s4+s11], $0x80, s18, s11, $0xb8;
	[tilespmem:$0x1F400] =	vst v63  }
0xe3: {  	_ =	swait.ge [sflag:s17], $0x4000  }
0xe4: {  	[sflag:s17] =	ssyncset.done $0x0  }
0xe5: {  	s16 =	simm.s32 $0xD80;
	[sflag:s17] =	ssyncadd.s32 $0xFFFFC000  }
0xe6: {  	[spmem:s2] =	stream.indirect.scatter.add.f32 [tilespmem:s13], [sflag:$0x5], $0x80, s16, s11, $0xb8;
	[tilespmem:$0x1F400] =	vst v63  }
0xe7: {  	_ =	swait.ge [sflag:s6], $0x4000  }
0xe8: {  	[sflag:s6] =	ssyncset.done $0x0  }
0xe9: {  	s18 =	simm.s32 $0x680;
	[sflag:s6] =	ssyncadd.s32 $0xFFFFC000  }
0xea: {  	[tilespmem:s13], [sflag:$0x4] =	stream.indirect.gather [hbm4b:s4+s11], $0x80, s18, s11, $0xb8;
	[tilespmem:$0x1F400] =	vst v63  }
0xeb: {  	_ =	swait.ge [sflag:s14], $0x4000  }
0xec: {  	[sflag:s14] =	ssyncset.done $0x0  }
0xed: {  	s16 =	simm.s32 $0xE00;
	[sflag:s14] =	ssyncadd.s32 $0xFFFFC000  }
0xee: {  	[spmem:s2] =	stream.indirect.scatter.add.f32 [tilespmem:s12], [sflag:$0x5], $0x80, s16, s11, $0xb8;
	[tilespmem:$0x1F400] =	vst v63  }
0xef: {  	_ =	swait.ge [sflag:s6], $0x4000  }
0xf0: {  	[sflag:s6] =	ssyncset.done $0x0  }
0xf1: {  	s18 =	simm.s32 $0x700;
	[sflag:s6] =	ssyncadd.s32 $0xFFFFC000  }
0xf2: {  	[tilespmem:s12], [sflag:$0x3] =	stream.indirect.gather [hbm4b:s4+s11], $0x80, s18, s11, $0xb8;
	[tilespmem:$0x1F400] =	vst v63  }
0xf3: {  	_ =	swait.ge [sflag:s17], $0x4000  }
0xf4: {  	[sflag:s17] =	ssyncset.done $0x0  }
0xf5: {  	s16 =	simm.s32 $0xE80;
	[sflag:s17] =	ssyncadd.s32 $0xFFFFC000  }
0xf6: {  	[spmem:s2] =	stream.indirect.scatter.add.f32 [tilespmem:s13], [sflag:$0x5], $0x80, s16, s11, $0xb8;
	[tilespmem:$0x1F400] =	vst v63  }
0xf7: {  	_ =	swait.ge [sflag:s6], $0x4000  }
0xf8: {  	[sflag:s6] =	ssyncset.done $0x0  }
0xf9: {  	s18 =	simm.s32 $0x780;
	[sflag:s6] =	ssyncadd.s32 $0xFFFFC000  }
0xfa: {  	[tilespmem:s13], [sflag:$0x4] =	stream.indirect.gather [hbm4b:s4+s11], $0x80, s18, s11, $0xb8;
	[tilespmem:$0x1F400] =	vst v63  }
0xfb: {  	_ =	swait.ge [sflag:s14], $0x4000  }
0xfc: {  	[sflag:s14] =	ssyncset.done $0x0  }
0xfd: {  	s16 =	simm.s32 $0xF00;
	[sflag:s14] =	ssyncadd.s32 $0xFFFFC000  }
0xfe: {  	[spmem:s2] =	stream.indirect.scatter.add.f32 [tilespmem:s12], [sflag:$0x5], $0x80, s16, s11, $0xb8;
	[tilespmem:$0x1F400] =	vst v63  }
0xff: {  	_ =	swait.ge [sflag:s6], $0x4000  }
0x100: {  	[sflag:s6] =	ssyncset.done $0x0  }
0x101: {  	[sflag:s6] =	ssyncadd.s32 $0xFFFFC000  }
0x102: {  	_ =	swait.ge [sflag:s17], $0x4000  }
0x103: {  	[sflag:s17] =	ssyncset.done $0x0  }
0x104: {  	s18 =	simm.s32 $0xF80;
	[sflag:s17] =	ssyncadd.s32 $0xFFFFC000  }
0x105: {  	[spmem:s2] =	stream.indirect.scatter.add.f32 [tilespmem:s13], [sflag:$0x5], $0x80, s18, s11, $0xb8;
	[tilespmem:$0x1F400] =	vst v63  }
0x106: {  	_ =	swait.ge [sflag:s6], $0x4000  }
0x107: {  	[sflag:s6] =	ssyncset.done $0x0  }
0x108: {  	[sflag:s6] =	ssyncadd.s32 $0xFFFFC000  }
0x109: {  	_ =	swait.ge [sflag:s31], $0x800  }
0x10a: {  	[sflag:s31] =	ssyncset.done $0x0  }
0x10b: {  	[sflag:s31] =	ssyncadd.s32 $0xFFFFF800  }
0x10c: {  	_ =	swait.ge [sflag:s31], $0x800  }
0x10d: {  	[sflag:s31] =	ssyncset.done $0x0  }
0x10e: {  	s16 =	rddreg [dreg:$0x7];
	[sflag:s31] =	ssyncadd.s32 $0xFFFFF800  }
0x10f: {  	[tilespmem:s3], [sflag:$0x1] =	stream.linear.gather [hbm4b:s16+s3], $0x800, $0x38;
	[tilespmem:$0x1F400] =	vst v63  }
0x110: {  	s18 =	rddreg [dreg:$0x8]  }
0x111: {  	[tilespmem:s7], [sflag:$0x1] =	stream.linear.gather [hbm4b:s18+s3], $0x800, $0x38;
	[tilespmem:$0x1F400] =	vst v63  }
0x112: {  	_ = 	snop  }
0x113: {  	[tilespmem:s12], [sflag:$0x3] =	stream.indirect.gather [hbm4b:s4+s11], $0x80, s10, s11, $0xb8;
	[tilespmem:$0x1F400] =	vst v63  }
0x114: {  	_ = 	snop  }
0x115: {  	[tilespmem:s13], [sflag:$0x4] =	stream.indirect.gather [hbm4b:s4+s11], $0x80, s9, s11, $0xb8;
	[tilespmem:$0x1F400] =	vst v63  }
0x116: {  	_ =	swait.ge [sflag:s14], $0x4000  }
0x117: {  	[sflag:s14] =	ssyncset.done $0x0  }
0x118: {  	[sflag:s14] =	ssyncadd.s32 $0xFFFFC000  }
0x119: {  	[spmem:s2] =	stream.indirect.scatter.add.f32 [tilespmem:s12], [sflag:$0x5], $0x80, s15, s11, $0xb8;
	[tilespmem:$0x1F400] =	vst v63  }
0x11a: {  	_ =	swait.ge [sflag:s6], $0x4000  }
0x11b: {  	[sflag:s6] =	ssyncset.done $0x0  }
0x11c: {  	s16 =	simm.s32 $0x1100;
	[sflag:s6] =	ssyncadd.s32 $0xFFFFC000  }
0x11d: {  	[tilespmem:s12], [sflag:$0x3] =	stream.indirect.gather [hbm4b:s4+s11], $0x80, s16, s11, $0xb8;
	[tilespmem:$0x1F400] =	vst v63  }
0x11e: {  	_ =	swait.ge [sflag:s17], $0x4000  }
0x11f: {  	[sflag:s17] =	ssyncset.done $0x0  }
0x120: {  	s18 =	simm.s32 $0x1880;
	[sflag:s17] =	ssyncadd.s32 $0xFFFFC000  }
0x121: {  	[spmem:s2] =	stream.indirect.scatter.add.f32 [tilespmem:s13], [sflag:$0x5], $0x80, s18, s11, $0xb8;
	[tilespmem:$0x1F400] =	vst v63  }
0x122: {  	_ =	swait.ge [sflag:s6], $0x4000  }
0x123: {  	[sflag:s6] =	ssyncset.done $0x0  }
0x124: {  	[sflag:s6] =	ssyncadd.s32 $0xFFFFC000  }
0x125: {  	[tilespmem:s13], [sflag:$0x4] =	stream.indirect.gather [hbm4b:s4+s11], $0x80, s19, s11, $0xb8;
	[tilespmem:$0x1F400] =	vst v63  }
0x126: {  	_ =	swait.ge [sflag:s14], $0x4000  }
0x127: {  	[sflag:s14] =	ssyncset.done $0x0  }
0x128: {  	[sflag:s14] =	ssyncadd.s32 $0xFFFFC000  }
0x129: {  	[spmem:s2] =	stream.indirect.scatter.add.f32 [tilespmem:s12], [sflag:$0x5], $0x80, s20, s11, $0xb8;
	[tilespmem:$0x1F400] =	vst v63  }
0x12a: {  	_ =	swait.ge [sflag:s6], $0x4000  }
0x12b: {  	[sflag:s6] =	ssyncset.done $0x0  }
0x12c: {  	[sflag:s6] =	ssyncadd.s32 $0xFFFFC000  }
0x12d: {  	[tilespmem:s12], [sflag:$0x3] =	stream.indirect.gather [hbm4b:s4+s11], $0x80, s21, s11, $0xb8;
	[tilespmem:$0x1F400] =	vst v63  }
0x12e: {  	_ =	swait.ge [sflag:s17], $0x4000  }
0x12f: {  	[sflag:s17] =	ssyncset.done $0x0  }
0x130: {  	[sflag:s17] =	ssyncadd.s32 $0xFFFFC000  }
0x131: {  	[spmem:s2] =	stream.indirect.scatter.add.f32 [tilespmem:s13], [sflag:$0x5], $0x80, s22, s11, $0xb8;
	[tilespmem:$0x1F400] =	vst v63  }
0x132: {  	_ =	swait.ge [sflag:s6], $0x4000  }
0x133: {  	[sflag:s6] =	ssyncset.done $0x0  }
0x134: {  	[sflag:s6] =	ssyncadd.s32 $0xFFFFC000  }
0x135: {  	[tilespmem:s13], [sflag:$0x4] =	stream.indirect.gather [hbm4b:s4+s11], $0x80, s23, s11, $0xb8;
	[tilespmem:$0x1F400] =	vst v63  }
0x136: {  	_ =	swait.ge [sflag:s14], $0x4000  }
0x137: {  	[sflag:s14] =	ssyncset.done $0x0  }
0x138: {  	[sflag:s14] =	ssyncadd.s32 $0xFFFFC000  }
0x139: {  	[spmem:s2] =	stream.indirect.scatter.add.f32 [tilespmem:s12], [sflag:$0x5], $0x80, s24, s11, $0xb8;
	[tilespmem:$0x1F400] =	vst v63  }
0x13a: {  	_ =	swait.ge [sflag:s6], $0x4000  }
0x13b: {  	[sflag:s6] =	ssyncset.done $0x0  }
0x13c: {  	[sflag:s6] =	ssyncadd.s32 $0xFFFFC000  }
0x13d: {  	[tilespmem:s12], [sflag:$0x3] =	stream.indirect.gather [hbm4b:s4+s11], $0x80, s25, s11, $0xb8;
	[tilespmem:$0x1F400] =	vst v63  }
0x13e: {  	_ =	swait.ge [sflag:s17], $0x4000  }
0x13f: {  	[sflag:s17] =	ssyncset.done $0x0  }
0x140: {  	[sflag:s17] =	ssyncadd.s32 $0xFFFFC000  }
0x141: {  	[spmem:s2] =	stream.indirect.scatter.add.f32 [tilespmem:s13], [sflag:$0x5], $0x80, s26, s11, $0xb8;
	[tilespmem:$0x1F400] =	vst v63  }
0x142: {  	_ =	swait.ge [sflag:s6], $0x4000  }
0x143: {  	[sflag:s6] =	ssyncset.done $0x0  }
0x144: {  	[sflag:s6] =	ssyncadd.s32 $0xFFFFC000  }
0x145: {  	[tilespmem:s13], [sflag:$0x4] =	stream.indirect.gather [hbm4b:s4+s11], $0x80, s28, s11, $0xb8;
	[tilespmem:$0x1F400] =	vst v63  }
0x146: {  	_ =	swait.ge [sflag:s14], $0x4000  }
0x147: {  	[sflag:s14] =	ssyncset.done $0x0  }
0x148: {  	[sflag:s14] =	ssyncadd.s32 $0xFFFFC000  }
0x149: {  	[spmem:s2] =	stream.indirect.scatter.add.f32 [tilespmem:s12], [sflag:$0x5], $0x80, s29, s11, $0xb8;
	[tilespmem:$0x1F400] =	vst v63  }
0x14a: {  	_ =	swait.ge [sflag:s6], $0x4000  }
0x14b: {  	[sflag:s6] =	ssyncset.done $0x0  }
0x14c: {  	[sflag:s6] =	ssyncadd.s32 $0xFFFFC000  }
0x14d: {  	[tilespmem:s12], [sflag:$0x3] =	stream.indirect.gather [hbm4b:s4+s11], $0x80, s30, s11, $0xb8;
	[tilespmem:$0x1F400] =	vst v63  }
0x14e: {  	_ =	swait.ge [sflag:s17], $0x4000  }
0x14f: {  	[sflag:s17] =	ssyncset.done $0x0  }
0x150: {  	s1 =	simm.s32 $0x1B80;
	[sflag:s17] =	ssyncadd.s32 $0xFFFFC000  }
0x151: {  	[spmem:s2] =	stream.indirect.scatter.add.f32 [tilespmem:s13], [sflag:$0x5], $0x80, s1, s11, $0xb8;
	[tilespmem:$0x1F400] =	vst v63  }
0x152: {  	_ =	swait.ge [sflag:s6], $0x4000  }
0x153: {  	[sflag:s6] =	ssyncset.done $0x0  }
0x154: {  	s1 =	simm.s32 $0x1480;
	[sflag:s6] =	ssyncadd.s32 $0xFFFFC000  }
0x155: {  	[tilespmem:s13], [sflag:$0x4] =	stream.indirect.gather [hbm4b:s4+s11], $0x80, s1, s11, $0xb8;
	[tilespmem:$0x1F400] =	vst v63  }
0x156: {  	_ =	swait.ge [sflag:s14], $0x4000  }
0x157: {  	[sflag:s14] =	ssyncset.done $0x0  }
0x158: {  	s1 =	simm.s32 $0x1C00;
	[sflag:s14] =	ssyncadd.s32 $0xFFFFC000  }
0x159: {  	[spmem:s2] =	stream.indirect.scatter.add.f32 [tilespmem:s12], [sflag:$0x5], $0x80, s1, s11, $0xb8;
	[tilespmem:$0x1F400] =	vst v63  }
0x15a: {  	_ =	swait.ge [sflag:s6], $0x4000  }
0x15b: {  	[sflag:s6] =	ssyncset.done $0x0  }
0x15c: {  	s1 =	simm.s32 $0x1500;
	[sflag:s6] =	ssyncadd.s32 $0xFFFFC000  }
0x15d: {  	[tilespmem:s12], [sflag:$0x3] =	stream.indirect.gather [hbm4b:s4+s11], $0x80, s1, s11, $0xb8;
	[tilespmem:$0x1F400] =	vst v63  }
0x15e: {  	_ =	swait.ge [sflag:s17], $0x4000  }
0x15f: {  	[sflag:s17] =	ssyncset.done $0x0  }
0x160: {  	s1 =	simm.s32 $0x1C80;
	[sflag:s17] =	ssyncadd.s32 $0xFFFFC000  }
0x161: {  	[spmem:s2] =	stream.indirect.scatter.add.f32 [tilespmem:s13], [sflag:$0x5], $0x80, s1, s11, $0xb8;
	[tilespmem:$0x1F400] =	vst v63  }
0x162: {  	_ =	swait.ge [sflag:s6], $0x4000  }
0x163: {  	[sflag:s6] =	ssyncset.done $0x0  }
0x164: {  	s1 =	simm.s32 $0x1580;
	[sflag:s6] =	ssyncadd.s32 $0xFFFFC000  }
0x165: {  	[tilespmem:s13], [sflag:$0x4] =	stream.indirect.gather [hbm4b:s4+s11], $0x80, s1, s11, $0xb8;
	[tilespmem:$0x1F400] =	vst v63  }
0x166: {  	_ =	swait.ge [sflag:s14], $0x4000  }
0x167: {  	[sflag:s14] =	ssyncset.done $0x0  }
0x168: {  	s1 =	simm.s32 $0x1D00;
	[sflag:s14] =	ssyncadd.s32 $0xFFFFC000  }
0x169: {  	[spmem:s2] =	stream.indirect.scatter.add.f32 [tilespmem:s12], [sflag:$0x5], $0x80, s1, s11, $0xb8;
	[tilespmem:$0x1F400] =	vst v63  }
0x16a: {  	_ =	swait.ge [sflag:s6], $0x4000  }
0x16b: {  	[sflag:s6] =	ssyncset.done $0x0  }
0x16c: {  	s1 =	simm.s32 $0x1600;
	[sflag:s6] =	ssyncadd.s32 $0xFFFFC000  }
0x16d: {  	[tilespmem:s12], [sflag:$0x3] =	stream.indirect.gather [hbm4b:s4+s11], $0x80, s1, s11, $0xb8;
	[tilespmem:$0x1F400] =	vst v63  }
0x16e: {  	_ =	swait.ge [sflag:s17], $0x4000  }
0x16f: {  	[sflag:s17] =	ssyncset.done $0x0  }
0x170: {  	s1 =	simm.s32 $0x1D80;
	[sflag:s17] =	ssyncadd.s32 $0xFFFFC000  }
0x171: {  	[spmem:s2] =	stream.indirect.scatter.add.f32 [tilespmem:s13], [sflag:$0x5], $0x80, s1, s11, $0xb8;
	[tilespmem:$0x1F400] =	vst v63  }
0x172: {  	_ =	swait.ge [sflag:s6], $0x4000  }
0x173: {  	[sflag:s6] =	ssyncset.done $0x0  }
0x174: {  	s1 =	simm.s32 $0x1680;
	[sflag:s6] =	ssyncadd.s32 $0xFFFFC000  }
0x175: {  	[tilespmem:s13], [sflag:$0x4] =	stream.indirect.gather [hbm4b:s4+s11], $0x80, s1, s11, $0xb8;
	[tilespmem:$0x1F400] =	vst v63  }
0x176: {  	_ =	swait.ge [sflag:s14], $0x4000  }
0x177: {  	[sflag:s14] =	ssyncset.done $0x0  }
0x178: {  	s1 =	simm.s32 $0x1E00;
	[sflag:s14] =	ssyncadd.s32 $0xFFFFC000  }
0x179: {  	[spmem:s2] =	stream.indirect.scatter.add.f32 [tilespmem:s12], [sflag:$0x5], $0x80, s1, s11, $0xb8;
	[tilespmem:$0x1F400] =	vst v63  }
0x17a: {  	_ =	swait.ge [sflag:s6], $0x4000  }
0x17b: {  	[sflag:s6] =	ssyncset.done $0x0  }
0x17c: {  	s1 =	simm.s32 $0x1700;
	[sflag:s6] =	ssyncadd.s32 $0xFFFFC000  }
0x17d: {  	[tilespmem:s12], [sflag:$0x3] =	stream.indirect.gather [hbm4b:s4+s11], $0x80, s1, s11, $0xb8;
	[tilespmem:$0x1F400] =	vst v63  }
0x17e: {  	_ =	swait.ge [sflag:s17], $0x4000  }
0x17f: {  	[sflag:s17] =	ssyncset.done $0x0  }
0x180: {  	s1 =	simm.s32 $0x1E80;
	[sflag:s17] =	ssyncadd.s32 $0xFFFFC000  }
0x181: {  	[spmem:s2] =	stream.indirect.scatter.add.f32 [tilespmem:s13], [sflag:$0x5], $0x80, s1, s11, $0xb8;
	[tilespmem:$0x1F400] =	vst v63  }
0x182: {  	_ =	swait.ge [sflag:s6], $0x4000  }
0x183: {  	[sflag:s6] =	ssyncset.done $0x0  }
0x184: {  	s1 =	simm.s32 $0x1780;
	[sflag:s6] =	ssyncadd.s32 $0xFFFFC000  }
0x185: {  	[tilespmem:s13], [sflag:$0x4] =	stream.indirect.gather [hbm4b:s4+s11], $0x80, s1, s11, $0xb8;
	[tilespmem:$0x1F400] =	vst v63  }
0x186: {  	_ =	swait.ge [sflag:s14], $0x4000  }
0x187: {  	[sflag:s14] =	ssyncset.done $0x0  }
0x188: {  	s1 =	simm.s32 $0x1F00;
	[sflag:s14] =	ssyncadd.s32 $0xFFFFC000  }
0x189: {  	[spmem:s2] =	stream.indirect.scatter.add.f32 [tilespmem:s12], [sflag:$0x5], $0x80, s1, s11, $0xb8;
	[tilespmem:$0x1F400] =	vst v63  }
0x18a: {  	_ =	swait.ge [sflag:s6], $0x4000  }
0x18b: {  	[sflag:s6] =	ssyncset.done $0x0  }
0x18c: {  	[sflag:s6] =	ssyncadd.s32 $0xFFFFC000  }
0x18d: {  	_ =	swait.ge [sflag:s17], $0x4000  }
0x18e: {  	[sflag:s17] =	ssyncset.done $0x0  }
0x18f: {  	s1 =	simm.s32 $0x1F80;
	[sflag:s17] =	ssyncadd.s32 $0xFFFFC000  }
0x190: {  	[spmem:s2] =	stream.indirect.scatter.add.f32 [tilespmem:s13], [sflag:$0x5], $0x80, s1, s11, $0xb8;
	[tilespmem:$0x1F400] =	vst v63  }
0x191: {  	_ =	swait.ge [sflag:s6], $0x4000  }
0x192: {  	[sflag:s6] =	ssyncset.done $0x0  }
0x193: {  	[sflag:s6] =	ssyncadd.s32 $0xFFFFC000  }
0x194: {  	_ =	swait.ge [sflag:s8], $0x800  }
0x195: {  	[sflag:s8] =	ssyncset.done $0x0  }
0x196: {  	[sflag:s8] =	ssyncadd.s32 $0xFFFFF800  }
0x197: {  	_ =	swait.ge [sflag:s8], $0x800  }
0x198: {  	[sflag:s8] =	ssyncset.done $0x0  }
0x199: {  	s1 =	rddreg [dreg:$0x9];
	[sflag:s8] =	ssyncadd.s32 $0xFFFFF800  }
0x19a: {  	[tilespmem:s10], [sflag:$0x2] =	stream.linear.gather [hbm4b:s1+s3], $0x800, $0x38;
	[tilespmem:$0x1F400] =	vst v63  }
0x19b: {  	s1 =	rddreg [dreg:$0xa]  }
0x19c: {  	[tilespmem:s15], [sflag:$0x2] =	stream.linear.gather [hbm4b:s1+s3], $0x800, $0x38;
	[tilespmem:$0x1F400] =	vst v63  }
0x19d: {  	_ = 	snop  }
0x19e: {  	[tilespmem:s12], [sflag:$0x3] =	stream.indirect.gather [hbm4b:s4+s11], $0x80, s3, s11, $0xb8;
	[tilespmem:$0x1F400] =	vst v63  }
0x19f: {  	_ = 	snop  }
0x1a0: {  	[tilespmem:s13], [sflag:$0x4] =	stream.indirect.gather [hbm4b:s4+s11], $0x80, s11, s11, $0xb8;
	[tilespmem:$0x1F400] =	vst v63  }
0x1a1: {  	_ =	swait.ge [sflag:s14], $0x4000  }
0x1a2: {  	[sflag:s14] =	ssyncset.done $0x0  }
0x1a3: {  	[sflag:s14] =	ssyncadd.s32 $0xFFFFC000  }
0x1a4: {  	[spmem:s2] =	stream.indirect.scatter.add.f32 [tilespmem:s12], [sflag:$0x5], $0x80, s7, s11, $0xb8;
	[tilespmem:$0x1F400] =	vst v63  }
0x1a5: {  	_ =	swait.ge [sflag:s6], $0x4000  }
0x1a6: {  	[sflag:s6] =	ssyncset.done $0x0  }
0x1a7: {  	s1 =	simm.s32 $0x100;
	[sflag:s6] =	ssyncadd.s32 $0xFFFFC000  }
0x1a8: {  	[tilespmem:s12], [sflag:$0x3] =	stream.indirect.gather [hbm4b:s4+s11], $0x80, s1, s11, $0xb8;
	[tilespmem:$0x1F400] =	vst v63  }
0x1a9: {  	_ =	swait.ge [sflag:s17], $0x4000  }
0x1aa: {  	[sflag:s17] =	ssyncset.done $0x0  }
0x1ab: {  	s1 =	simm.s32 $0x880;
	[sflag:s17] =	ssyncadd.s32 $0xFFFFC000  }
0x1ac: {  	[spmem:s2] =	stream.indirect.scatter.add.f32 [tilespmem:s13], [sflag:$0x5], $0x80, s1, s11, $0xb8;
	[tilespmem:$0x1F400] =	vst v63  }
0x1ad: {  	_ =	swait.ge [sflag:s6], $0x4000  }
0x1ae: {  	[sflag:s6] =	ssyncset.done $0x0  }
0x1af: {  	s1 =	simm.s32 $0x180;
	[sflag:s6] =	ssyncadd.s32 $0xFFFFC000  }
0x1b0: {  	[tilespmem:s13], [sflag:$0x4] =	stream.indirect.gather [hbm4b:s4+s11], $0x80, s1, s11, $0xb8;
	[tilespmem:$0x1F400] =	vst v63  }
0x1b1: {  	_ =	swait.ge [sflag:s14], $0x4000  }
0x1b2: {  	[sflag:s14] =	ssyncset.done $0x0  }
0x1b3: {  	s1 =	simm.s32 $0x900;
	[sflag:s14] =	ssyncadd.s32 $0xFFFFC000  }
0x1b4: {  	[spmem:s2] =	stream.indirect.scatter.add.f32 [tilespmem:s12], [sflag:$0x5], $0x80, s1, s11, $0xb8;
	[tilespmem:$0x1F400] =	vst v63  }
0x1b5: {  	_ =	swait.ge [sflag:s6], $0x4000  }
0x1b6: {  	[sflag:s6] =	ssyncset.done $0x0  }
0x1b7: {  	s1 =	simm.s32 $0x200;
	[sflag:s6] =	ssyncadd.s32 $0xFFFFC000  }
0x1b8: {  	[tilespmem:s12], [sflag:$0x3] =	stream.indirect.gather [hbm4b:s4+s11], $0x80, s1, s11, $0xb8;
	[tilespmem:$0x1F400] =	vst v63  }
0x1b9: {  	_ =	swait.ge [sflag:s17], $0x4000  }
0x1ba: {  	[sflag:s17] =	ssyncset.done $0x0  }
0x1bb: {  	s1 =	simm.s32 $0x980;
	[sflag:s17] =	ssyncadd.s32 $0xFFFFC000  }
0x1bc: {  	[spmem:s2] =	stream.indirect.scatter.add.f32 [tilespmem:s13], [sflag:$0x5], $0x80, s1, s11, $0xb8;
	[tilespmem:$0x1F400] =	vst v63  }
0x1bd: {  	_ =	swait.ge [sflag:s6], $0x4000  }
0x1be: {  	[sflag:s6] =	ssyncset.done $0x0  }
0x1bf: {  	s1 =	simm.s32 $0x280;
	[sflag:s6] =	ssyncadd.s32 $0xFFFFC000  }
0x1c0: {  	[tilespmem:s13], [sflag:$0x4] =	stream.indirect.gather [hbm4b:s4+s11], $0x80, s1, s11, $0xb8;
	[tilespmem:$0x1F400] =	vst v63  }
0x1c1: {  	_ =	swait.ge [sflag:s14], $0x4000  }
0x1c2: {  	[sflag:s14] =	ssyncset.done $0x0  }
0x1c3: {  	s1 =	simm.s32 $0xA00;
	[sflag:s14] =	ssyncadd.s32 $0xFFFFC000  }
0x1c4: {  	[spmem:s2] =	stream.indirect.scatter.add.f32 [tilespmem:s12], [sflag:$0x5], $0x80, s1, s11, $0xb8;
	[tilespmem:$0x1F400] =	vst v63  }
0x1c5: {  	_ =	swait.ge [sflag:s6], $0x4000  }
0x1c6: {  	[sflag:s6] =	ssyncset.done $0x0  }
0x1c7: {  	s1 =	simm.s32 $0x300;
	[sflag:s6] =	ssyncadd.s32 $0xFFFFC000  }
0x1c8: {  	[tilespmem:s12], [sflag:$0x3] =	stream.indirect.gather [hbm4b:s4+s11], $0x80, s1, s11, $0xb8;
	[tilespmem:$0x1F400] =	vst v63  }
0x1c9: {  	_ =	swait.ge [sflag:s17], $0x4000  }
0x1ca: {  	[sflag:s17] =	ssyncset.done $0x0  }
0x1cb: {  	s1 =	simm.s32 $0xA80;
	[sflag:s17] =	ssyncadd.s32 $0xFFFFC000  }
0x1cc: {  	[spmem:s2] =	stream.indirect.scatter.add.f32 [tilespmem:s13], [sflag:$0x5], $0x80, s1, s11, $0xb8;
	[tilespmem:$0x1F400] =	vst v63  }
0x1cd: {  	_ =	swait.ge [sflag:s6], $0x4000  }
0x1ce: {  	[sflag:s6] =	ssyncset.done $0x0  }
0x1cf: {  	s1 =	simm.s32 $0x380;
	[sflag:s6] =	ssyncadd.s32 $0xFFFFC000  }
0x1d0: {  	[tilespmem:s13], [sflag:$0x4] =	stream.indirect.gather [hbm4b:s4+s11], $0x80, s1, s11, $0xb8;
	[tilespmem:$0x1F400] =	vst v63  }
0x1d1: {  	_ =	swait.ge [sflag:s14], $0x4000  }
0x1d2: {  	[sflag:s14] =	ssyncset.done $0x0  }
0x1d3: {  	s1 =	simm.s32 $0xB00;
	[sflag:s14] =	ssyncadd.s32 $0xFFFFC000  }
0x1d4: {  	[spmem:s2] =	stream.indirect.scatter.add.f32 [tilespmem:s12], [sflag:$0x5], $0x80, s1, s11, $0xb8;
	[tilespmem:$0x1F400] =	vst v63  }
0x1d5: {  	_ =	swait.ge [sflag:s6], $0x4000  }
0x1d6: {  	[sflag:s6] =	ssyncset.done $0x0  }
0x1d7: {  	s1 =	simm.s32 $0x400;
	[sflag:s6] =	ssyncadd.s32 $0xFFFFC000  }
0x1d8: {  	[tilespmem:s12], [sflag:$0x3] =	stream.indirect.gather [hbm4b:s4+s11], $0x80, s1, s11, $0xb8;
	[tilespmem:$0x1F400] =	vst v63  }
0x1d9: {  	_ =	swait.ge [sflag:s17], $0x4000  }
0x1da: {  	[sflag:s17] =	ssyncset.done $0x0  }
0x1db: {  	s1 =	simm.s32 $0xB80;
	[sflag:s17] =	ssyncadd.s32 $0xFFFFC000  }
0x1dc: {  	[spmem:s2] =	stream.indirect.scatter.add.f32 [tilespmem:s13], [sflag:$0x5], $0x80, s1, s11, $0xb8;
	[tilespmem:$0x1F400] =	vst v63  }
0x1dd: {  	_ =	swait.ge [sflag:s6], $0x4000  }
0x1de: {  	[sflag:s6] =	ssyncset.done $0x0  }
0x1df: {  	s1 =	simm.s32 $0x480;
	[sflag:s6] =	ssyncadd.s32 $0xFFFFC000  }
0x1e0: {  	[tilespmem:s13], [sflag:$0x4] =	stream.indirect.gather [hbm4b:s4+s11], $0x80, s1, s11, $0xb8;
	[tilespmem:$0x1F400] =	vst v63  }
0x1e1: {  	_ =	swait.ge [sflag:s14], $0x4000  }
0x1e2: {  	[sflag:s14] =	ssyncset.done $0x0  }
0x1e3: {  	s1 =	simm.s32 $0xC00;
	[sflag:s14] =	ssyncadd.s32 $0xFFFFC000  }
0x1e4: {  	[spmem:s2] =	stream.indirect.scatter.add.f32 [tilespmem:s12], [sflag:$0x5], $0x80, s1, s11, $0xb8;
	[tilespmem:$0x1F400] =	vst v63  }
0x1e5: {  	_ =	swait.ge [sflag:s6], $0x4000  }
0x1e6: {  	[sflag:s6] =	ssyncset.done $0x0  }
0x1e7: {  	s1 =	simm.s32 $0x500;
	[sflag:s6] =	ssyncadd.s32 $0xFFFFC000  }
0x1e8: {  	[tilespmem:s12], [sflag:$0x3] =	stream.indirect.gather [hbm4b:s4+s11], $0x80, s1, s11, $0xb8;
	[tilespmem:$0x1F400] =	vst v63  }
0x1e9: {  	_ =	swait.ge [sflag:s17], $0x4000  }
0x1ea: {  	[sflag:s17] =	ssyncset.done $0x0  }
0x1eb: {  	s1 =	simm.s32 $0xC80;
	[sflag:s17] =	ssyncadd.s32 $0xFFFFC000  }
0x1ec: {  	[spmem:s2] =	stream.indirect.scatter.add.f32 [tilespmem:s13], [sflag:$0x5], $0x80, s1, s11, $0xb8;
	[tilespmem:$0x1F400] =	vst v63  }
0x1ed: {  	_ =	swait.ge [sflag:s6], $0x4000  }
0x1ee: {  	[sflag:s6] =	ssyncset.done $0x0  }
0x1ef: {  	s1 =	simm.s32 $0x580;
	[sflag:s6] =	ssyncadd.s32 $0xFFFFC000  }
0x1f0: {  	[tilespmem:s13], [sflag:$0x4] =	stream.indirect.gather [hbm4b:s4+s11], $0x80, s1, s11, $0xb8;
	[tilespmem:$0x1F400] =	vst v63  }
0x1f1: {  	_ =	swait.ge [sflag:s14], $0x4000  }
0x1f2: {  	[sflag:s14] =	ssyncset.done $0x0  }
0x1f3: {  	s1 =	simm.s32 $0xD00;
	[sflag:s14] =	ssyncadd.s32 $0xFFFFC000  }
0x1f4: {  	[spmem:s2] =	stream.indirect.scatter.add.f32 [tilespmem:s12], [sflag:$0x5], $0x80, s1, s11, $0xb8;
	[tilespmem:$0x1F400] =	vst v63  }
0x1f5: {  	_ =	swait.ge [sflag:s6], $0x4000  }
0x1f6: {  	[sflag:s6] =	ssyncset.done $0x0  }
0x1f7: {  	s1 =	simm.s32 $0x600;
	[sflag:s6] =	ssyncadd.s32 $0xFFFFC000  }
0x1f8: {  	[tilespmem:s12], [sflag:$0x3] =	stream.indirect.gather [hbm4b:s4+s11], $0x80, s1, s11, $0xb8;
	[tilespmem:$0x1F400] =	vst v63  }
0x1f9: {  	_ =	swait.ge [sflag:s17], $0x4000  }
0x1fa: {  	[sflag:s17] =	ssyncset.done $0x0  }
0x1fb: {  	s1 =	simm.s32 $0xD80;
	[sflag:s17] =	ssyncadd.s32 $0xFFFFC000  }
0x1fc: {  	[spmem:s2] =	stream.indirect.scatter.add.f32 [tilespmem:s13], [sflag:$0x5], $0x80, s1, s11, $0xb8;
	[tilespmem:$0x1F400] =	vst v63  }
0x1fd: {  	_ =	swait.ge [sflag:s6], $0x4000  }
0x1fe: {  	[sflag:s6] =	ssyncset.done $0x0  }
0x1ff: {  	s1 =	simm.s32 $0x680;
	[sflag:s6] =	ssyncadd.s32 $0xFFFFC000  }
0x200: {  	[tilespmem:s13], [sflag:$0x4] =	stream.indirect.gather [hbm4b:s4+s11], $0x80, s1, s11, $0xb8;
	[tilespmem:$0x1F400] =	vst v63  }
0x201: {  	_ =	swait.ge [sflag:s14], $0x4000  }
0x202: {  	[sflag:s14] =	ssyncset.done $0x0  }
0x203: {  	s1 =	simm.s32 $0xE00;
	[sflag:s14] =	ssyncadd.s32 $0xFFFFC000  }
0x204: {  	[spmem:s2] =	stream.indirect.scatter.add.f32 [tilespmem:s12], [sflag:$0x5], $0x80, s1, s11, $0xb8;
	[tilespmem:$0x1F400] =	vst v63  }
0x205: {  	_ =	swait.ge [sflag:s6], $0x4000  }
0x206: {  	[sflag:s6] =	ssyncset.done $0x0  }
0x207: {  	s1 =	simm.s32 $0x700;
	[sflag:s6] =	ssyncadd.s32 $0xFFFFC000  }
0x208: {  	[tilespmem:s12], [sflag:$0x3] =	stream.indirect.gather [hbm4b:s4+s11], $0x80, s1, s11, $0xb8;
	[tilespmem:$0x1F400] =	vst v63  }
0x209: {  	_ =	swait.ge [sflag:s17], $0x4000  }
0x20a: {  	[sflag:s17] =	ssyncset.done $0x0  }
0x20b: {  	s1 =	simm.s32 $0xE80;
	[sflag:s17] =	ssyncadd.s32 $0xFFFFC000  }
0x20c: {  	[spmem:s2] =	stream.indirect.scatter.add.f32 [tilespmem:s13], [sflag:$0x5], $0x80, s1, s11, $0xb8;
	[tilespmem:$0x1F400] =	vst v63  }
0x20d: {  	_ =	swait.ge [sflag:s6], $0x4000  }
0x20e: {  	[sflag:s6] =	ssyncset.done $0x0  }
0x20f: {  	s1 =	simm.s32 $0x780;
	[sflag:s6] =	ssyncadd.s32 $0xFFFFC000  }
0x210: {  	[tilespmem:s13], [sflag:$0x4] =	stream.indirect.gather [hbm4b:s4+s11], $0x80, s1, s11, $0xb8;
	[tilespmem:$0x1F400] =	vst v63  }
0x211: {  	_ =	swait.ge [sflag:s14], $0x4000  }
0x212: {  	[sflag:s14] =	ssyncset.done $0x0  }
0x213: {  	s1 =	simm.s32 $0xF00;
	[sflag:s14] =	ssyncadd.s32 $0xFFFFC000  }
0x214: {  	[spmem:s2] =	stream.indirect.scatter.add.f32 [tilespmem:s12], [sflag:$0x5], $0x80, s1, s11, $0xb8;
	[tilespmem:$0x1F400] =	vst v63  }
0x215: {  	_ =	swait.ge [sflag:s6], $0x4000  }
0x216: {  	[sflag:s6] =	ssyncset.done $0x0  }
0x217: {  	[sflag:s6] =	ssyncadd.s32 $0xFFFFC000  }
0x218: {  	_ =	swait.ge [sflag:s17], $0x4000  }
0x219: {  	[sflag:s17] =	ssyncset.done $0x0  }
0x21a: {  	s1 =	simm.s32 $0xF80;
	[sflag:s17] =	ssyncadd.s32 $0xFFFFC000  }
0x21b: {  	[spmem:s2] =	stream.indirect.scatter.add.f32 [tilespmem:s13], [sflag:$0x5], $0x80, s1, s11, $0xb8;
	[tilespmem:$0x1F400] =	vst v63  }
0x21c: {  	_ =	swait.ge [sflag:s6], $0x4000  }
0x21d: {  	[sflag:s6] =	ssyncset.done $0x0  }
0x21e: {  	[sflag:s6] =	ssyncadd.s32 $0xFFFFC000  }
0x21f: {  	_ =	swait.ge [sflag:s31], $0x800  }
0x220: {  	[sflag:s31] =	ssyncset.done $0x0  }
0x221: {  	[sflag:s31] =	ssyncadd.s32 $0xFFFFF800  }
0x222: {  	_ =	swait.ge [sflag:s31], $0x800  }
0x223: {  	[sflag:s31] =	ssyncset.done $0x0  }
0x224: {  	s1 =	rddreg [dreg:$0xb];
	[sflag:s31] =	ssyncadd.s32 $0xFFFFF800  }
0x225: {  	[tilespmem:s3], [sflag:$0x1] =	stream.linear.gather [hbm4b:s1+s3], $0x800, $0x38;
	[tilespmem:$0x1F400] =	vst v63  }
0x226: {  	s1 =	rddreg [dreg:$0xc]  }
0x227: {  	[tilespmem:s7], [sflag:$0x1] =	stream.linear.gather [hbm4b:s1+s3], $0x800, $0x38;
	[tilespmem:$0x1F400] =	vst v63  }
0x228: {  	_ = 	snop  }
0x229: {  	[tilespmem:s12], [sflag:$0x3] =	stream.indirect.gather [hbm4b:s4+s11], $0x80, s10, s11, $0xb8;
	[tilespmem:$0x1F400] =	vst v63  }
0x22a: {  	_ = 	snop  }
0x22b: {  	[tilespmem:s13], [sflag:$0x4] =	stream.indirect.gather [hbm4b:s4+s11], $0x80, s9, s11, $0xb8;
	[tilespmem:$0x1F400] =	vst v63  }
0x22c: {  	_ =	swait.ge [sflag:s14], $0x4000  }
0x22d: {  	[sflag:s14] =	ssyncset.done $0x0  }
0x22e: {  	[sflag:s14] =	ssyncadd.s32 $0xFFFFC000  }
0x22f: {  	[spmem:s2] =	stream.indirect.scatter.add.f32 [tilespmem:s12], [sflag:$0x5], $0x80, s15, s11, $0xb8;
	[tilespmem:$0x1F400] =	vst v63  }
0x230: {  	_ =	swait.ge [sflag:s6], $0x4000  }
0x231: {  	[sflag:s6] =	ssyncset.done $0x0  }
0x232: {  	[sflag:s6] =	ssyncadd.s32 $0xFFFFC000  }
0x233: {  	[tilespmem:s12], [sflag:$0x3] =	stream.indirect.gather [hbm4b:s4+s11], $0x80, s16, s11, $0xb8;
	[tilespmem:$0x1F400] =	vst v63  }
0x234: {  	_ =	swait.ge [sflag:s17], $0x4000  }
0x235: {  	[sflag:s17] =	ssyncset.done $0x0  }
0x236: {  	[sflag:s17] =	ssyncadd.s32 $0xFFFFC000  }
0x237: {  	[spmem:s2] =	stream.indirect.scatter.add.f32 [tilespmem:s13], [sflag:$0x5], $0x80, s18, s11, $0xb8;
	[tilespmem:$0x1F400] =	vst v63  }
0x238: {  	_ =	swait.ge [sflag:s6], $0x4000  }
0x239: {  	[sflag:s6] =	ssyncset.done $0x0  }
0x23a: {  	[sflag:s6] =	ssyncadd.s32 $0xFFFFC000  }
0x23b: {  	[tilespmem:s13], [sflag:$0x4] =	stream.indirect.gather [hbm4b:s4+s11], $0x80, s19, s11, $0xb8;
	[tilespmem:$0x1F400] =	vst v63  }
0x23c: {  	_ =	swait.ge [sflag:s14], $0x4000  }
0x23d: {  	[sflag:s14] =	ssyncset.done $0x0  }
0x23e: {  	[sflag:s14] =	ssyncadd.s32 $0xFFFFC000  }
0x23f: {  	[spmem:s2] =	stream.indirect.scatter.add.f32 [tilespmem:s12], [sflag:$0x5], $0x80, s20, s11, $0xb8;
	[tilespmem:$0x1F400] =	vst v63  }
0x240: {  	_ =	swait.ge [sflag:s6], $0x4000  }
0x241: {  	[sflag:s6] =	ssyncset.done $0x0  }
0x242: {  	[sflag:s6] =	ssyncadd.s32 $0xFFFFC000  }
0x243: {  	[tilespmem:s12], [sflag:$0x3] =	stream.indirect.gather [hbm4b:s4+s11], $0x80, s21, s11, $0xb8;
	[tilespmem:$0x1F400] =	vst v63  }
0x244: {  	_ =	swait.ge [sflag:s17], $0x4000  }
0x245: {  	[sflag:s17] =	ssyncset.done $0x0  }
0x246: {  	[sflag:s17] =	ssyncadd.s32 $0xFFFFC000  }
0x247: {  	[spmem:s2] =	stream.indirect.scatter.add.f32 [tilespmem:s13], [sflag:$0x5], $0x80, s22, s11, $0xb8;
	[tilespmem:$0x1F400] =	vst v63  }
0x248: {  	_ =	swait.ge [sflag:s6], $0x4000  }
0x249: {  	[sflag:s6] =	ssyncset.done $0x0  }
0x24a: {  	[sflag:s6] =	ssyncadd.s32 $0xFFFFC000  }
0x24b: {  	[tilespmem:s13], [sflag:$0x4] =	stream.indirect.gather [hbm4b:s4+s11], $0x80, s23, s11, $0xb8;
	[tilespmem:$0x1F400] =	vst v63  }
0x24c: {  	_ =	swait.ge [sflag:s14], $0x4000  }
0x24d: {  	[sflag:s14] =	ssyncset.done $0x0  }
0x24e: {  	[sflag:s14] =	ssyncadd.s32 $0xFFFFC000  }
0x24f: {  	[spmem:s2] =	stream.indirect.scatter.add.f32 [tilespmem:s12], [sflag:$0x5], $0x80, s24, s11, $0xb8;
	[tilespmem:$0x1F400] =	vst v63  }
0x250: {  	_ =	swait.ge [sflag:s6], $0x4000  }
0x251: {  	[sflag:s6] =	ssyncset.done $0x0  }
0x252: {  	[sflag:s6] =	ssyncadd.s32 $0xFFFFC000  }
0x253: {  	[tilespmem:s12], [sflag:$0x3] =	stream.indirect.gather [hbm4b:s4+s11], $0x80, s25, s11, $0xb8;
	[tilespmem:$0x1F400] =	vst v63  }
0x254: {  	_ =	swait.ge [sflag:s17], $0x4000  }
0x255: {  	[sflag:s17] =	ssyncset.done $0x0  }
0x256: {  	[sflag:s17] =	ssyncadd.s32 $0xFFFFC000  }
0x257: {  	[spmem:s2] =	stream.indirect.scatter.add.f32 [tilespmem:s13], [sflag:$0x5], $0x80, s26, s11, $0xb8;
	[tilespmem:$0x1F400] =	vst v63  }
0x258: {  	_ =	swait.ge [sflag:s6], $0x4000  }
0x259: {  	[sflag:s6] =	ssyncset.done $0x0  }
0x25a: {  	[sflag:s6] =	ssyncadd.s32 $0xFFFFC000  }
0x25b: {  	[tilespmem:s13], [sflag:$0x4] =	stream.indirect.gather [hbm4b:s4+s11], $0x80, s28, s11, $0xb8;
	[tilespmem:$0x1F400] =	vst v63  }
0x25c: {  	_ =	swait.ge [sflag:s14], $0x4000  }
0x25d: {  	[sflag:s14] =	ssyncset.done $0x0  }
0x25e: {  	[sflag:s14] =	ssyncadd.s32 $0xFFFFC000  }
0x25f: {  	[spmem:s2] =	stream.indirect.scatter.add.f32 [tilespmem:s12], [sflag:$0x5], $0x80, s29, s11, $0xb8;
	[tilespmem:$0x1F400] =	vst v63  }
0x260: {  	_ =	swait.ge [sflag:s6], $0x4000  }
0x261: {  	[sflag:s6] =	ssyncset.done $0x0  }
0x262: {  	[sflag:s6] =	ssyncadd.s32 $0xFFFFC000  }
0x263: {  	[tilespmem:s12], [sflag:$0x3] =	stream.indirect.gather [hbm4b:s4+s11], $0x80, s30, s11, $0xb8;
	[tilespmem:$0x1F400] =	vst v63  }
0x264: {  	_ =	swait.ge [sflag:s17], $0x4000  }
0x265: {  	[sflag:s17] =	ssyncset.done $0x0  }
0x266: {  	s16 =	simm.s32 $0x1B80;
	[sflag:s17] =	ssyncadd.s32 $0xFFFFC000  }
0x267: {  	[spmem:s2] =	stream.indirect.scatter.add.f32 [tilespmem:s13], [sflag:$0x5], $0x80, s16, s11, $0xb8;
	[tilespmem:$0x1F400] =	vst v63  }
0x268: {  	_ =	swait.ge [sflag:s6], $0x4000  }
0x269: {  	[sflag:s6] =	ssyncset.done $0x0  }
0x26a: {  	s18 =	simm.s32 $0x1480;
	[sflag:s6] =	ssyncadd.s32 $0xFFFFC000  }
0x26b: {  	[tilespmem:s13], [sflag:$0x4] =	stream.indirect.gather [hbm4b:s4+s11], $0x80, s18, s11, $0xb8;
	[tilespmem:$0x1F400] =	vst v63  }
0x26c: {  	_ =	swait.ge [sflag:s14], $0x4000  }
0x26d: {  	[sflag:s14] =	ssyncset.done $0x0  }
0x26e: {  	s16 =	simm.s32 $0x1C00;
	[sflag:s14] =	ssyncadd.s32 $0xFFFFC000  }
0x26f: {  	[spmem:s2] =	stream.indirect.scatter.add.f32 [tilespmem:s12], [sflag:$0x5], $0x80, s16, s11, $0xb8;
	[tilespmem:$0x1F400] =	vst v63  }
0x270: {  	_ =	swait.ge [sflag:s6], $0x4000  }
0x271: {  	[sflag:s6] =	ssyncset.done $0x0  }
0x272: {  	s18 =	simm.s32 $0x1500;
	[sflag:s6] =	ssyncadd.s32 $0xFFFFC000  }
0x273: {  	[tilespmem:s12], [sflag:$0x3] =	stream.indirect.gather [hbm4b:s4+s11], $0x80, s18, s11, $0xb8;
	[tilespmem:$0x1F400] =	vst v63  }
0x274: {  	_ =	swait.ge [sflag:s17], $0x4000  }
0x275: {  	[sflag:s17] =	ssyncset.done $0x0  }
0x276: {  	s16 =	simm.s32 $0x1C80;
	[sflag:s17] =	ssyncadd.s32 $0xFFFFC000  }
0x277: {  	[spmem:s2] =	stream.indirect.scatter.add.f32 [tilespmem:s13], [sflag:$0x5], $0x80, s16, s11, $0xb8;
	[tilespmem:$0x1F400] =	vst v63  }
0x278: {  	_ =	swait.ge [sflag:s6], $0x4000  }
0x279: {  	[sflag:s6] =	ssyncset.done $0x0  }
0x27a: {  	s18 =	simm.s32 $0x1580;
	[sflag:s6] =	ssyncadd.s32 $0xFFFFC000  }
0x27b: {  	[tilespmem:s13], [sflag:$0x4] =	stream.indirect.gather [hbm4b:s4+s11], $0x80, s18, s11, $0xb8;
	[tilespmem:$0x1F400] =	vst v63  }
0x27c: {  	_ =	swait.ge [sflag:s14], $0x4000  }
0x27d: {  	[sflag:s14] =	ssyncset.done $0x0  }
0x27e: {  	s16 =	simm.s32 $0x1D00;
	[sflag:s14] =	ssyncadd.s32 $0xFFFFC000  }
0x27f: {  	[spmem:s2] =	stream.indirect.scatter.add.f32 [tilespmem:s12], [sflag:$0x5], $0x80, s16, s11, $0xb8;
	[tilespmem:$0x1F400] =	vst v63  }
0x280: {  	_ =	swait.ge [sflag:s6], $0x4000  }
0x281: {  	[sflag:s6] =	ssyncset.done $0x0  }
0x282: {  	s18 =	simm.s32 $0x1600;
	[sflag:s6] =	ssyncadd.s32 $0xFFFFC000  }
0x283: {  	[tilespmem:s12], [sflag:$0x3] =	stream.indirect.gather [hbm4b:s4+s11], $0x80, s18, s11, $0xb8;
	[tilespmem:$0x1F400] =	vst v63  }
0x284: {  	_ =	swait.ge [sflag:s17], $0x4000  }
0x285: {  	[sflag:s17] =	ssyncset.done $0x0  }
0x286: {  	s16 =	simm.s32 $0x1D80;
	[sflag:s17] =	ssyncadd.s32 $0xFFFFC000  }
0x287: {  	[spmem:s2] =	stream.indirect.scatter.add.f32 [tilespmem:s13], [sflag:$0x5], $0x80, s16, s11, $0xb8;
	[tilespmem:$0x1F400] =	vst v63  }
0x288: {  	_ =	swait.ge [sflag:s6], $0x4000  }
0x289: {  	[sflag:s6] =	ssyncset.done $0x0  }
0x28a: {  	s18 =	simm.s32 $0x1680;
	[sflag:s6] =	ssyncadd.s32 $0xFFFFC000  }
0x28b: {  	[tilespmem:s13], [sflag:$0x4] =	stream.indirect.gather [hbm4b:s4+s11], $0x80, s18, s11, $0xb8;
	[tilespmem:$0x1F400] =	vst v63  }
0x28c: {  	_ =	swait.ge [sflag:s14], $0x4000  }
0x28d: {  	[sflag:s14] =	ssyncset.done $0x0  }
0x28e: {  	s16 =	simm.s32 $0x1E00;
	[sflag:s14] =	ssyncadd.s32 $0xFFFFC000  }
0x28f: {  	[spmem:s2] =	stream.indirect.scatter.add.f32 [tilespmem:s12], [sflag:$0x5], $0x80, s16, s11, $0xb8;
	[tilespmem:$0x1F400] =	vst v63  }
0x290: {  	_ =	swait.ge [sflag:s6], $0x4000  }
0x291: {  	[sflag:s6] =	ssyncset.done $0x0  }
0x292: {  	s18 =	simm.s32 $0x1700;
	[sflag:s6] =	ssyncadd.s32 $0xFFFFC000  }
0x293: {  	[tilespmem:s12], [sflag:$0x3] =	stream.indirect.gather [hbm4b:s4+s11], $0x80, s18, s11, $0xb8;
	[tilespmem:$0x1F400] =	vst v63  }
0x294: {  	_ =	swait.ge [sflag:s17], $0x4000  }
0x295: {  	[sflag:s17] =	ssyncset.done $0x0  }
0x296: {  	s16 =	simm.s32 $0x1E80;
	[sflag:s17] =	ssyncadd.s32 $0xFFFFC000  }
0x297: {  	[spmem:s2] =	stream.indirect.scatter.add.f32 [tilespmem:s13], [sflag:$0x5], $0x80, s16, s11, $0xb8;
	[tilespmem:$0x1F400] =	vst v63  }
0x298: {  	_ =	swait.ge [sflag:s6], $0x4000  }
0x299: {  	[sflag:s6] =	ssyncset.done $0x0  }
0x29a: {  	s18 =	simm.s32 $0x1780;
	[sflag:s6] =	ssyncadd.s32 $0xFFFFC000  }
0x29b: {  	[tilespmem:s13], [sflag:$0x4] =	stream.indirect.gather [hbm4b:s4+s11], $0x80, s18, s11, $0xb8;
	[tilespmem:$0x1F400] =	vst v63  }
0x29c: {  	_ =	swait.ge [sflag:s14], $0x4000  }
0x29d: {  	[sflag:s14] =	ssyncset.done $0x0  }
0x29e: {  	s16 =	simm.s32 $0x1F00;
	[sflag:s14] =	ssyncadd.s32 $0xFFFFC000  }
0x29f: {  	[spmem:s2] =	stream.indirect.scatter.add.f32 [tilespmem:s12], [sflag:$0x5], $0x80, s16, s11, $0xb8;
	[tilespmem:$0x1F400] =	vst v63  }
0x2a0: {  	_ =	swait.ge [sflag:s6], $0x4000  }
0x2a1: {  	[sflag:s6] =	ssyncset.done $0x0  }
0x2a2: {  	[sflag:s6] =	ssyncadd.s32 $0xFFFFC000  }
0x2a3: {  	_ =	swait.ge [sflag:s17], $0x4000  }
0x2a4: {  	[sflag:s17] =	ssyncset.done $0x0  }
0x2a5: {  	s18 =	simm.s32 $0x1F80;
	[sflag:s17] =	ssyncadd.s32 $0xFFFFC000  }
0x2a6: {  	[spmem:s2] =	stream.indirect.scatter.add.f32 [tilespmem:s13], [sflag:$0x5], $0x80, s18, s11, $0xb8;
	[tilespmem:$0x1F400] =	vst v63  }
0x2a7: {  	_ =	swait.ge [sflag:s6], $0x4000  }
0x2a8: {  	[sflag:s6] =	ssyncset.done $0x0  }
0x2a9: {  	[sflag:s6] =	ssyncadd.s32 $0xFFFFC000  }
0x2aa: {  	_ =	swait.ge [sflag:s8], $0x800  }
0x2ab: {  	[sflag:s8] =	ssyncset.done $0x0  }
0x2ac: {  	[sflag:s8] =	ssyncadd.s32 $0xFFFFF800  }
0x2ad: {  	_ =	swait.ge [sflag:s8], $0x800  }
0x2ae: {  	[sflag:s8] =	ssyncset.done $0x0  }
0x2af: {  	[sflag:s8] =	ssyncadd.s32 $0xFFFFF800  }
0x2b0: {  	[tilespmem:s12], [sflag:$0x3] =	stream.indirect.gather [hbm4b:s4+s11], $0x80, s3, s11, $0xb8;
	[tilespmem:$0x1F400] =	vst v63  }
0x2b1: {  	_ = 	snop  }
0x2b2: {  	[tilespmem:s13], [sflag:$0x4] =	stream.indirect.gather [hbm4b:s4+s11], $0x80, s11, s11, $0xb8;
	[tilespmem:$0x1F400] =	vst v63  }
0x2b3: {  	_ =	swait.ge [sflag:s14], $0x4000  }
0x2b4: {  	[sflag:s14] =	ssyncset.done $0x0  }
0x2b5: {  	[sflag:s14] =	ssyncadd.s32 $0xFFFFC000  }
0x2b6: {  	[spmem:s2] =	stream.indirect.scatter.add.f32 [tilespmem:s12], [sflag:$0x5], $0x80, s7, s11, $0xb8;
	[tilespmem:$0x1F400] =	vst v63  }
0x2b7: {  	_ =	swait.ge [sflag:s6], $0x4000  }
0x2b8: {  	[sflag:s6] =	ssyncset.done $0x0  }
0x2b9: {  	s16 =	simm.s32 $0x100;
	[sflag:s6] =	ssyncadd.s32 $0xFFFFC000  }
0x2ba: {  	[tilespmem:s12], [sflag:$0x3] =	stream.indirect.gather [hbm4b:s4+s11], $0x80, s16, s11, $0xb8;
	[tilespmem:$0x1F400] =	vst v63  }
0x2bb: {  	_ =	swait.ge [sflag:s17], $0x4000  }
0x2bc: {  	[sflag:s17] =	ssyncset.done $0x0  }
0x2bd: {  	s18 =	simm.s32 $0x880;
	[sflag:s17] =	ssyncadd.s32 $0xFFFFC000  }
0x2be: {  	[spmem:s2] =	stream.indirect.scatter.add.f32 [tilespmem:s13], [sflag:$0x5], $0x80, s18, s11, $0xb8;
	[tilespmem:$0x1F400] =	vst v63  }
0x2bf: {  	_ =	swait.ge [sflag:s6], $0x4000  }
0x2c0: {  	[sflag:s6] =	ssyncset.done $0x0  }
0x2c1: {  	s7 =	simm.s32 $0x180;
	[sflag:s6] =	ssyncadd.s32 $0xFFFFC000  }
0x2c2: {  	[tilespmem:s13], [sflag:$0x4] =	stream.indirect.gather [hbm4b:s4+s11], $0x80, s7, s11, $0xb8;
	[tilespmem:$0x1F400] =	vst v63  }
0x2c3: {  	_ =	swait.ge [sflag:s14], $0x4000  }
0x2c4: {  	[sflag:s14] =	ssyncset.done $0x0  }
0x2c5: {  	s16 =	simm.s32 $0x900;
	[sflag:s14] =	ssyncadd.s32 $0xFFFFC000  }
0x2c6: {  	[spmem:s2] =	stream.indirect.scatter.add.f32 [tilespmem:s12], [sflag:$0x5], $0x80, s16, s11, $0xb8;
	[tilespmem:$0x1F400] =	vst v63  }
0x2c7: {  	_ =	swait.ge [sflag:s6], $0x4000  }
0x2c8: {  	[sflag:s6] =	ssyncset.done $0x0  }
0x2c9: {  	s18 =	simm.s32 $0x200;
	[sflag:s6] =	ssyncadd.s32 $0xFFFFC000  }
0x2ca: {  	[tilespmem:s12], [sflag:$0x3] =	stream.indirect.gather [hbm4b:s4+s11], $0x80, s18, s11, $0xb8;
	[tilespmem:$0x1F400] =	vst v63  }
0x2cb: {  	_ =	swait.ge [sflag:s17], $0x4000  }
0x2cc: {  	[sflag:s17] =	ssyncset.done $0x0  }
0x2cd: {  	s7 =	simm.s32 $0x980;
	[sflag:s17] =	ssyncadd.s32 $0xFFFFC000  }
0x2ce: {  	[spmem:s2] =	stream.indirect.scatter.add.f32 [tilespmem:s13], [sflag:$0x5], $0x80, s7, s11, $0xb8;
	[tilespmem:$0x1F400] =	vst v63  }
0x2cf: {  	_ =	swait.ge [sflag:s6], $0x4000  }
0x2d0: {  	[sflag:s6] =	ssyncset.done $0x0  }
0x2d1: {  	s16 =	simm.s32 $0x280;
	[sflag:s6] =	ssyncadd.s32 $0xFFFFC000  }
0x2d2: {  	[tilespmem:s13], [sflag:$0x4] =	stream.indirect.gather [hbm4b:s4+s11], $0x80, s16, s11, $0xb8;
	[tilespmem:$0x1F400] =	vst v63  }
0x2d3: {  	_ =	swait.ge [sflag:s14], $0x4000  }
0x2d4: {  	[sflag:s14] =	ssyncset.done $0x0  }
0x2d5: {  	s18 =	simm.s32 $0xA00;
	[sflag:s14] =	ssyncadd.s32 $0xFFFFC000  }
0x2d6: {  	[spmem:s2] =	stream.indirect.scatter.add.f32 [tilespmem:s12], [sflag:$0x5], $0x80, s18, s11, $0xb8;
	[tilespmem:$0x1F400] =	vst v63  }
0x2d7: {  	_ =	swait.ge [sflag:s6], $0x4000  }
0x2d8: {  	[sflag:s6] =	ssyncset.done $0x0  }
0x2d9: {  	s7 =	simm.s32 $0x300;
	[sflag:s6] =	ssyncadd.s32 $0xFFFFC000  }
0x2da: {  	[tilespmem:s12], [sflag:$0x3] =	stream.indirect.gather [hbm4b:s4+s11], $0x80, s7, s11, $0xb8;
	[tilespmem:$0x1F400] =	vst v63  }
0x2db: {  	_ =	swait.ge [sflag:s17], $0x4000  }
0x2dc: {  	[sflag:s17] =	ssyncset.done $0x0  }
0x2dd: {  	s16 =	simm.s32 $0xA80;
	[sflag:s17] =	ssyncadd.s32 $0xFFFFC000  }
0x2de: {  	[spmem:s2] =	stream.indirect.scatter.add.f32 [tilespmem:s13], [sflag:$0x5], $0x80, s16, s11, $0xb8;
	[tilespmem:$0x1F400] =	vst v63  }
0x2df: {  	_ =	swait.ge [sflag:s6], $0x4000  }
0x2e0: {  	[sflag:s6] =	ssyncset.done $0x0  }
0x2e1: {  	s18 =	simm.s32 $0x380;
	[sflag:s6] =	ssyncadd.s32 $0xFFFFC000  }
0x2e2: {  	[tilespmem:s13], [sflag:$0x4] =	stream.indirect.gather [hbm4b:s4+s11], $0x80, s18, s11, $0xb8;
	[tilespmem:$0x1F400] =	vst v63  }
0x2e3: {  	_ =	swait.ge [sflag:s14], $0x4000  }
0x2e4: {  	[sflag:s14] =	ssyncset.done $0x0  }
0x2e5: {  	s7 =	simm.s32 $0xB00;
	[sflag:s14] =	ssyncadd.s32 $0xFFFFC000  }
0x2e6: {  	[spmem:s2] =	stream.indirect.scatter.add.f32 [tilespmem:s12], [sflag:$0x5], $0x80, s7, s11, $0xb8;
	[tilespmem:$0x1F400] =	vst v63  }
0x2e7: {  	_ =	swait.ge [sflag:s6], $0x4000  }
0x2e8: {  	[sflag:s6] =	ssyncset.done $0x0  }
0x2e9: {  	s16 =	simm.s32 $0x400;
	[sflag:s6] =	ssyncadd.s32 $0xFFFFC000  }
0x2ea: {  	[tilespmem:s12], [sflag:$0x3] =	stream.indirect.gather [hbm4b:s4+s11], $0x80, s16, s11, $0xb8;
	[tilespmem:$0x1F400] =	vst v63  }
0x2eb: {  	_ =	swait.ge [sflag:s17], $0x4000  }
0x2ec: {  	[sflag:s17] =	ssyncset.done $0x0  }
0x2ed: {  	s18 =	simm.s32 $0xB80;
	[sflag:s17] =	ssyncadd.s32 $0xFFFFC000  }
0x2ee: {  	[spmem:s2] =	stream.indirect.scatter.add.f32 [tilespmem:s13], [sflag:$0x5], $0x80, s18, s11, $0xb8;
	[tilespmem:$0x1F400] =	vst v63  }
0x2ef: {  	_ =	swait.ge [sflag:s6], $0x4000  }
0x2f0: {  	[sflag:s6] =	ssyncset.done $0x0  }
0x2f1: {  	s7 =	simm.s32 $0x480;
	[sflag:s6] =	ssyncadd.s32 $0xFFFFC000  }
0x2f2: {  	[tilespmem:s13], [sflag:$0x4] =	stream.indirect.gather [hbm4b:s4+s11], $0x80, s7, s11, $0xb8;
	[tilespmem:$0x1F400] =	vst v63  }
0x2f3: {  	_ =	swait.ge [sflag:s14], $0x4000  }
0x2f4: {  	[sflag:s14] =	ssyncset.done $0x0  }
0x2f5: {  	s16 =	simm.s32 $0xC00;
	[sflag:s14] =	ssyncadd.s32 $0xFFFFC000  }
0x2f6: {  	[spmem:s2] =	stream.indirect.scatter.add.f32 [tilespmem:s12], [sflag:$0x5], $0x80, s16, s11, $0xb8;
	[tilespmem:$0x1F400] =	vst v63  }
0x2f7: {  	_ =	swait.ge [sflag:s6], $0x4000  }
0x2f8: {  	[sflag:s6] =	ssyncset.done $0x0  }
0x2f9: {  	s18 =	simm.s32 $0x500;
	[sflag:s6] =	ssyncadd.s32 $0xFFFFC000  }
0x2fa: {  	[tilespmem:s12], [sflag:$0x3] =	stream.indirect.gather [hbm4b:s4+s11], $0x80, s18, s11, $0xb8;
	[tilespmem:$0x1F400] =	vst v63  }
0x2fb: {  	_ =	swait.ge [sflag:s17], $0x4000  }
0x2fc: {  	[sflag:s17] =	ssyncset.done $0x0  }
0x2fd: {  	s7 =	simm.s32 $0xC80;
	[sflag:s17] =	ssyncadd.s32 $0xFFFFC000  }
0x2fe: {  	[spmem:s2] =	stream.indirect.scatter.add.f32 [tilespmem:s13], [sflag:$0x5], $0x80, s7, s11, $0xb8;
	[tilespmem:$0x1F400] =	vst v63  }
0x2ff: {  	_ =	swait.ge [sflag:s6], $0x4000  }
0x300: {  	[sflag:s6] =	ssyncset.done $0x0  }
0x301: {  	s16 =	simm.s32 $0x580;
	[sflag:s6] =	ssyncadd.s32 $0xFFFFC000  }
0x302: {  	[tilespmem:s13], [sflag:$0x4] =	stream.indirect.gather [hbm4b:s4+s11], $0x80, s16, s11, $0xb8;
	[tilespmem:$0x1F400] =	vst v63  }
0x303: {  	_ =	swait.ge [sflag:s14], $0x4000  }
0x304: {  	[sflag:s14] =	ssyncset.done $0x0  }
0x305: {  	s18 =	simm.s32 $0xD00;
	[sflag:s14] =	ssyncadd.s32 $0xFFFFC000  }
0x306: {  	[spmem:s2] =	stream.indirect.scatter.add.f32 [tilespmem:s12], [sflag:$0x5], $0x80, s18, s11, $0xb8;
	[tilespmem:$0x1F400] =	vst v63  }
0x307: {  	_ =	swait.ge [sflag:s6], $0x4000  }
0x308: {  	[sflag:s6] =	ssyncset.done $0x0  }
0x309: {  	s7 =	simm.s32 $0x600;
	[sflag:s6] =	ssyncadd.s32 $0xFFFFC000  }
0x30a: {  	[tilespmem:s12], [sflag:$0x3] =	stream.indirect.gather [hbm4b:s4+s11], $0x80, s7, s11, $0xb8;
	[tilespmem:$0x1F400] =	vst v63  }
0x30b: {  	_ =	swait.ge [sflag:s17], $0x4000  }
0x30c: {  	[sflag:s17] =	ssyncset.done $0x0  }
0x30d: {  	s16 =	simm.s32 $0xD80;
	[sflag:s17] =	ssyncadd.s32 $0xFFFFC000  }
0x30e: {  	[spmem:s2] =	stream.indirect.scatter.add.f32 [tilespmem:s13], [sflag:$0x5], $0x80, s16, s11, $0xb8;
	[tilespmem:$0x1F400] =	vst v63  }
0x30f: {  	_ =	swait.ge [sflag:s6], $0x4000  }
0x310: {  	[sflag:s6] =	ssyncset.done $0x0  }
0x311: {  	s18 =	simm.s32 $0x680;
	[sflag:s6] =	ssyncadd.s32 $0xFFFFC000  }
0x312: {  	[tilespmem:s13], [sflag:$0x4] =	stream.indirect.gather [hbm4b:s4+s11], $0x80, s18, s11, $0xb8;
	[tilespmem:$0x1F400] =	vst v63  }
0x313: {  	_ =	swait.ge [sflag:s14], $0x4000  }
0x314: {  	[sflag:s14] =	ssyncset.done $0x0  }
0x315: {  	s7 =	simm.s32 $0xE00;
	[sflag:s14] =	ssyncadd.s32 $0xFFFFC000  }
0x316: {  	[spmem:s2] =	stream.indirect.scatter.add.f32 [tilespmem:s12], [sflag:$0x5], $0x80, s7, s11, $0xb8;
	[tilespmem:$0x1F400] =	vst v63  }
0x317: {  	_ =	swait.ge [sflag:s6], $0x4000  }
0x318: {  	[sflag:s6] =	ssyncset.done $0x0  }
0x319: {  	s16 =	simm.s32 $0x700;
	[sflag:s6] =	ssyncadd.s32 $0xFFFFC000  }
0x31a: {  	[tilespmem:s12], [sflag:$0x3] =	stream.indirect.gather [hbm4b:s4+s11], $0x80, s16, s11, $0xb8;
	[tilespmem:$0x1F400] =	vst v63  }
0x31b: {  	_ =	swait.ge [sflag:s17], $0x4000  }
0x31c: {  	[sflag:s17] =	ssyncset.done $0x0  }
0x31d: {  	s18 =	simm.s32 $0xE80;
	[sflag:s17] =	ssyncadd.s32 $0xFFFFC000  }
0x31e: {  	[spmem:s2] =	stream.indirect.scatter.add.f32 [tilespmem:s13], [sflag:$0x5], $0x80, s18, s11, $0xb8;
	[tilespmem:$0x1F400] =	vst v63  }
0x31f: {  	_ =	swait.ge [sflag:s6], $0x4000  }
0x320: {  	[sflag:s6] =	ssyncset.done $0x0  }
0x321: {  	s7 =	simm.s32 $0x780;
	[sflag:s6] =	ssyncadd.s32 $0xFFFFC000  }
0x322: {  	[tilespmem:s13], [sflag:$0x4] =	stream.indirect.gather [hbm4b:s4+s11], $0x80, s7, s11, $0xb8;
	[tilespmem:$0x1F400] =	vst v63  }
0x323: {  	_ =	swait.ge [sflag:s14], $0x4000  }
0x324: {  	[sflag:s14] =	ssyncset.done $0x0  }
0x325: {  	s16 =	simm.s32 $0xF00;
	[sflag:s14] =	ssyncadd.s32 $0xFFFFC000  }
0x326: {  	[spmem:s2] =	stream.indirect.scatter.add.f32 [tilespmem:s12], [sflag:$0x5], $0x80, s16, s11, $0xb8;
	[tilespmem:$0x1F400] =	vst v63  }
0x327: {  	_ =	swait.ge [sflag:s6], $0x4000  }
0x328: {  	[sflag:s6] =	ssyncset.done $0x0  }
0x329: {  	[sflag:s6] =	ssyncadd.s32 $0xFFFFC000  }
0x32a: {  	_ =	swait.ge [sflag:s17], $0x4000  }
0x32b: {  	[sflag:s17] =	ssyncset.done $0x0  }
0x32c: {  	s18 =	simm.s32 $0xF80;
	[sflag:s17] =	ssyncadd.s32 $0xFFFFC000  }
0x32d: {  	[spmem:s2] =	stream.indirect.scatter.add.f32 [tilespmem:s13], [sflag:$0x5], $0x80, s18, s11, $0xb8;
	[tilespmem:$0x1F400] =	vst v63  }
0x32e: {  	_ =	swait.ge [sflag:s6], $0x4000  }
0x32f: {  	[sflag:s6] =	ssyncset.done $0x0  }
0x330: {  	[sflag:s6] =	ssyncadd.s32 $0xFFFFC000  }
0x331: {  	s7 =	stileid.u32;
	[bflag:$0x0] =	sbarrier.arrive $0xFFFF  }
0x332: {  	s1 =	sshll.u32 s7, $0x6;
	s16 =	rddreg [dreg:$0x1e]  }
0x333: {  	s1 =	sor.u32 $0x1C05, s1;
	s7 =	rddreg [dreg:$0xd];
	s18 =	sshrl.u32 s16, $0x3  }
0x334: {  	[hbm:s7], [sflag:s1] =	dma.local [spmem:s18], $0x2800  }
0x335: {  	_ =	swait.ge [sflag:s6], $0x2800  }
0x336: {  	s0 =	sadd.s32 $0x1, s0;
	s18 =	rddreg [dreg:$0xe]  }
0x337: {  	p0 =	sne.s32 s0, s18  }
.Ltmp1:
0x338: {  	_ = 	snop;
	(pc) =	sbr.rel @p0 .LBB2_1-.Ltmp1, $3  }
0x339: {  	_ =	sdelay $0x1  }
0x33a: {  	[sflag:s6] =	ssyncset.done $0x0  }
0x33b: {  	[sflag:s6] =	ssyncadd.s32 $0xFFFFD800  }
0x33c: {  	_ =	sfence.sel $0x180000  }
0x33d: {  	[bflag:$0x0] =	sbarrier.arrive $0xFFFF  }
0x33e: {  	_ =	strace $0x9000004D  }
0x33f: {  	s0 =	stileid.u32;
	[bflag:$0x2] =	sbarrier.arrive $0xFFFF  }
0x340: {  	p0 =	sne.s32 s0, $0x0;
	s0 =	rddreg [dreg:$0x2]  }
0x341: {  	s0 =	sadd.s32 @!p0 $0x100000, s0  }
0x342: {  	[sflag:s0] =	ssyncadd.tile.s32 @!p0 $0x1;
	_ =	shalt  }
.Lfunc_end2:
_tile_overlayer_lowered:
.L_overlay_start_2:
0x343: {  	(tag) =	ssettag $0x2  }
0x344: {  	s0 =	rddreg [dreg:$0x0];
	s2 =	stileid.u32  }
0x345: {  	s1 =	rddreg [dreg:$0x1];
	p0 =	sne.s32 s2, $0x0  }
0x346: {  	s3 =	rddreg [dreg:$0x2];
	[bflag:$0x3] =	sbarrier.arrive $0xFFFF;
	s2 =	simm.s32 @!p0 $0x1C05  }
0x347: {  	[timem:s3], [sflag:s2] =	dma.local @!p0 [hbm:s0], s1  }
0x348: {  	s0 =	simm.s32 @!p0 $0x5  }
0x349: {  	_ =	swait.ge @!p0 [sflag:s0], s1  }
0x34a: {  	s1 =	ssub.s32 @!p0 $0x0, s1;
	[sflag:s0] =	ssyncset.done @!p0 $0x0  }
0x34b: {  	[sflag:s0] =	ssyncadd.s32 @!p0 s1  }
0x34c: {  	[bflag:$0x3] =	sbarrier.arrive $0xFFFF  }
0x34d: {  	_ =	shalt  }

// kernel: kernel.8.cloned.1.call-start
scs
__scs_entry_jumppad:
0x0: {  	(pc) =	sbr.rel $0x88, $3  }
0x1: {  	(tag) =	ssettag $0x0;
	lr =	simm.s32 $0x1  }
0x2: {  	[smem:$0x3F99] =	sst lr;
	_ =	strace $0xD0000000  }
0x3: {  	_ = 	snop  }
0x4: {  	_ = 	snop  }
0x5: {  	_ = 	snop  }
0x6: {  	_ = 	snop  }
0x7: {  	_ = 	snop  }
__scs_overlays_trampoline_lowered:
0x8: {  	[smem:$0x3FA8] =	sst s0  }
0x9: {  	[smem:$0x3FA9] =	sst s1  }
0xa: {  	[smem:$0x3FAA] =	sst s2  }
0xb: {  	[smem:$0x3FAB] =	sst s3  }
0xc: {  	[smem:$0x3FAC] =	sst s4  }
0xd: {  	[smem:$0x3FAD] =	sst s5  }
0xe: {  	[smem:$0x3FAE] =	sst s6  }
0xf: {  	[smem:$0x3FAF] =	sst s7  }
0x10: {  	[smem:$0x3FB0] =	sst s8  }
0x11: {  	[smem:$0x3FB1] =	sst s9;
	s0 =	simm.s32 @!p0 $0x0  }
0x12: {  	s1 =	sld [smem:$0x3F97];
	s0 =	simm.s32 @p0 $0x1  }
0x13: {  	[smem:$0x3FB2] =	sst s0;
	s0 =	simm.s32 @!p1 $0x0  }
0x14: {  	s2 =	sld [smem:$0x3F96];
	s0 =	simm.s32 @p1 $0x1  }
0x15: {  	[smem:$0x3FB3] =	sst s0;
	s0 =	simm.s32 @!p2 $0x0  }
0x16: {  	s3 =	sld [smem:$0x3FDB];
	s0 =	simm.s32 @p2 $0x1  }
0x17: {  	s4 =	simm.s32 $0x1BF5;
	[smem:$0x3FB5] =	sst s0  }
0x18: {  	s0 =	sld [smem:$0x3F98];
	_ =	swait.ge [sflag:s4], $0x0  }
0x19: {  	s7 =	sld [smem:$0x3F99]  }
0x1a: {  	s8 =	sadd.s32 $0xFFFFE003, lr  }
0x1b: {  	s9 =	sadd.s32 $0xFFFFFEF7, lr;
	s5 =	simm.s32 $0xFFFFFFFF;
	p2 =	slt.u32 s8, $0xFFFFF086  }
0x1c: {  	p1 =	slt.u32 s9, $0xF7A;
	s5 =	simm.s32 @!p2 $0x0  }
0x1d: {  	s5 =	simm.s32 @p1 $0x1;
	p0 =	seq.s32 s7, s2  }
0x1e: {  	s7 =	smul.u32 @!p0 $0xF7A, s2;
	p2 =	seq.s32 @!p0 s5, $0x0  }
0x1f: {  	s9 =	smul.u32 $0xF7A, s1;
	s8 =	simm.s32 @!p0 $0x1BF5;
	p2 =	por !p2, p0  }
0x20: {  	[sflag:s8] =	ssyncset.s32 @!p0 $0xFFFFF086;
	s6 =	sadd.s32 @!p0 s3, s7;
	s7 =	simm.s32 @!p0 $0x108  }
0x21: {  	s3 =	sadd.s32 s3, s9;
	s6 =	sadd.s32 @!p0 $0x88, s6;
	s7 =	simm.s32 @p2 $0x1082  }
0x22: {  	[simem:s7], [sflag:s8] =	dma.local @!p0 [hbm:s6], $0xF7A  }
0x23: {  	s9 =	sor.u32 $0xD0000000, s2;
	s6 =	simm.s32 $0x108;
	_ =	swait.ge @!p0 [sflag:s8], $0x0  }
0x24: {  	s3 =	sadd.s32 $0x88, s3;
	s6 =	simm.s32 @!p1 $0x1082;
	[sflag:s4] =	ssyncset.s32 $0xFFFFF086  }
0x25: {  	[simem:s6], [sflag:s4] =	dma.local [hbm:s3], $0xF7A  }
0x26: {  	[smem:$0x3F99] =	sst s1;
	(tag) =	ssettag s2;
	_ =	strace s9  }
0x27: {  	s1 =	sld [smem:$0x3FA9]  }
0x28: {  	s2 =	sld [smem:$0x3FAA]  }
0x29: {  	s4 =	sld [smem:$0x3FAC]  }
0x2a: {  	p0 =	seq.s32 s5, $0x0;
	s5 =	sld [smem:$0x3FAD]  }
0x2b: {  	s6 =	sld [smem:$0x3FAE]  }
0x2c: {  	s7 =	sld [smem:$0x3FAF]  }
0x2d: {  	s3 =	simm.s32 $0x108;
	s8 =	sld [smem:$0x3FB0]  }
0x2e: {  	s3 =	simm.s32 @!p0 $0x1082;
	s9 =	sld [smem:$0x3FB1]  }
0x2f: {  	lr =	sadd.s32 s0, s3;
	s0 =	sld [smem:$0x3FA8]  }
0x30: {  	s3 =	sld [smem:$0x3FAB]  }
0x31: {  	[smem:$0x3FB4] =	sst s10  }
0x32: {  	s10 =	sld [smem:$0x3FB2];
	_ =	sdelay $0x3  }
0x33: {  	p0 =	seq.s32 s10, $0x1;
	s10 =	sld [smem:$0x3FB4];
	_ =	sdelay $0x3  }
0x34: {  	[smem:$0x3FB4] =	sst s10  }
0x35: {  	s10 =	sld [smem:$0x3FB3];
	_ =	sdelay $0x3  }
0x36: {  	p1 =	seq.s32 s10, $0x1;
	s10 =	sld [smem:$0x3FB4];
	_ =	sdelay $0x3  }
0x37: {  	[smem:$0x3FB4] =	sst s10  }
0x38: {  	s10 =	sld [smem:$0x3FB5]  }
0x39: {  	_ = 	snop;
	(pc) =	sbr.ind lr, $3  }
0x3a: {  	_ = 	snop  }
0x3b: {  	_ = 	snop  }
0x3c: {  	p2 =	seq.s32 s10, $0x1;
	s10 =	sld [smem:$0x3FB4]  }
0x3d: {  	_ =	shalt  }
0x3e: {  	_ =	shalt  }
0x3f: {  	_ =	shalt  }
0x40: {  	_ =	shalt  }
0x41: {  	_ =	shalt  }
0x42: {  	_ =	shalt  }
0x43: {  	_ =	shalt  }
0x44: {  	_ =	shalt  }
0x45: {  	_ =	shalt  }
0x46: {  	_ =	shalt  }
0x47: {  	_ =	shalt  }
0x48: {  	_ =	shalt  }
0x49: {  	_ =	shalt  }
0x4a: {  	_ =	shalt  }
0x4b: {  	_ =	shalt  }
0x4c: {  	_ =	shalt  }
0x4d: {  	_ =	shalt  }
0x4e: {  	_ =	shalt  }
0x4f: {  	_ =	shalt  }
0x50: {  	_ =	shalt  }
0x51: {  	_ =	shalt  }
0x52: {  	_ =	shalt  }
0x53: {  	_ =	shalt  }
0x54: {  	_ =	shalt  }
0x55: {  	_ =	shalt  }
0x56: {  	_ =	shalt  }
0x57: {  	_ =	shalt  }
0x58: {  	_ =	shalt  }
0x59: {  	_ =	shalt  }
0x5a: {  	_ =	shalt  }
0x5b: {  	_ =	shalt  }
0x5c: {  	_ =	shalt  }
0x5d: {  	_ =	shalt  }
0x5e: {  	_ =	shalt  }
0x5f: {  	_ =	shalt  }
0x60: {  	_ =	shalt  }
0x61: {  	_ =	shalt  }
0x62: {  	_ =	shalt  }
0x63: {  	_ =	shalt  }
0x64: {  	_ =	shalt  }
0x65: {  	_ =	shalt  }
0x66: {  	_ =	shalt  }
0x67: {  	_ =	shalt  }
0x68: {  	_ =	shalt  }
0x69: {  	_ =	shalt  }
0x6a: {  	_ =	shalt  }
0x6b: {  	_ =	shalt  }
0x6c: {  	_ =	shalt  }
0x6d: {  	_ =	shalt  }
0x6e: {  	_ =	shalt  }
0x6f: {  	_ =	shalt  }
0x70: {  	_ =	shalt  }
0x71: {  	_ =	shalt  }
0x72: {  	_ =	shalt  }
0x73: {  	_ =	shalt  }
0x74: {  	_ =	shalt  }
0x75: {  	_ =	shalt  }
0x76: {  	_ =	shalt  }
0x77: {  	_ =	shalt  }
0x78: {  	_ =	shalt  }
0x79: {  	_ =	shalt  }
0x7a: {  	_ =	shalt  }
0x7b: {  	_ =	shalt  }
0x7c: {  	_ =	shalt  }
0x7d: {  	_ =	shalt  }
0x7e: {  	_ =	shalt  }
0x7f: {  	_ =	shalt  }
0x80: {  	_ =	shalt  }
0x81: {  	_ =	shalt  }
0x82: {  	_ =	shalt  }
0x83: {  	_ =	shalt  }
0x84: {  	_ =	shalt  }
0x85: {  	_ =	shalt  }
0x86: {  	_ =	shalt  }
0x87: {  	_ =	shalt  }
.Lfunc_end0:
.L_simem_size_0:
called_computation_lowered:
.L_overlay_start_0:
0x88: {  	s2 =	sld [smem:$0x3FD9]  }
0x89: {  	s3 =	sld [smem:$0x3FFE];
	_ =	sdelay $0x1  }
0x8a: {  	s1 =	srdreg.scid  }
0x8b: {  	s0 =	sand.u32 $0x1, s1  }
0x8c: {  	s16 =	sshll.u32 s0, $0xA;
	s2 =	sadd.s32 s3, s2  }
0x8d: {  	s2 =	sadd.s32 s2, s16  }
0x8e: {  	[smem:$0x3FC0] =	sst s2  }
0x8f: {  	_ = 	snop  }
0x90: {  	(tm) =	ssettm $0x1  }
0x91: {  	s17 =	sld [smem:$0x3FFB];
	_ =	sdelay $0x3  }
0x92: {  	_ =	strace s17  }
0x93: {  	s2 =	sld [smem:$0x3FFC];
	_ =	sdelay $0x3  }
0x94: {  	_ =	strace s2  }
0x95: {  	s2 =	sld [smem:$0x3FFD];
	_ =	sdelay $0x3  }
0x96: {  	_ =	strace s2  }
0x97: {  	_ =	strace $0x8FFFFFFF  }
0x98: {  	s18 =	sld [smem:$0x3FDB];
	_ =	sdelay $0x1  }
0x99: {  	s19 =	simm.s32 $_scs_section_size  }
0x9a: {  	s4 =	simm.s32 $_size__tile_overlayer_lowered;
	s5 =	simm.s32 $_tile_overlayer_lowered  }
0x9b: {  	s22 =	simm.s32 $0x1BFF;
	s21 =	sshll.u32 s5, $0x1;
	s2 =	sadd.s32 s19, s18  }
0x9c: {  	s6 =	simm.s32 $0x0;
	s20 =	sshll.u32 s4, $0x1;
	s4 =	sadd.s32 s21, s2  }
0x9d: {  	[timem:s6], [sflag:s22] =	dma.local [hbm:s4], s20  }
0x9e: {  	_ =	swait.ge [sflag:s22], s20  }
0x9f: {  	s3 =	ssub.s32 $0x0, s20;
	[sflag:s22] =	ssyncset.done $0x0  }
0xa0: {  	[sflag:s22] =	ssyncadd.s32 s3;
	_ =	sdelay $0x1  }
0xa1: {  	s23 =	simm.s32 $0x1B8B  }
0xa2: {  	_ =	swait.ge [sflag:s23], $0x1  }
0xa3: {  	[sflag:s23] =	ssyncset.done $0x0  }
0xa4: {  	s25 =	simm.s32 $0x1B8E;
	s24 =	sld [smem:$0x3FFE];
	[sflag:s23] =	ssyncadd.s32 $0xFFFFFFFF  }
0xa5: {  	s26 =	simm.s32 $execute0_lowered;
	[smem:$0x3FD2] =	sst s25  }
0xa6: {  	s4 =	sshll.u32 s26, $0x1;
	_ =	strace $0x80000046;
	[dreg:$0x1] =	wrdreg $0xFFFFFFFF  }
0xa7: {  	s28 =	simm.s32 $_size_execute0_lowered;
	s2 =	sadd.s32 s2, s4;
	[dreg:$0x0] =	wrdreg $0x0  }
0xa8: {  	s4 =	sshll.u32 s28, $0x1;
	[dreg:$0x2] =	wrdreg s2  }
0xa9: {  	[dreg:$0x3] =	wrdreg s4  }
0xaa: {  	[dreg:$0x4] =	wrdreg $0xC0  }
0xab: {  	_ =	task [dreg:s6], $0x5FFFF  }
0xac: {  	[dreg:$0x1] =	wrdreg $0xFFFFFFFF  }
0xad: {  	[dreg:$0x0] =	wrdreg $0x60  }
0xae: {  	[dreg:$0x2] =	wrdreg s24  }
0xaf: {  	[dreg:$0x3] =	wrdreg $0x54000  }
0xb0: {  	[dreg:$0x4] =	wrdreg $0x9  }
0xb1: {  	_ =	task.clear_ibuf [dreg:s6], $0x5FFFF;
	_ =	strace $0x90000046  }
0xb2: {  	s29 =	simm.s32 $0x9;
	_ =	strace $0x80000048  }
0xb3: {  	_ =	swait.ge [sflag:s29], $0x1  }
0xb4: {  	[sflag:s29] =	ssyncadd.s32 $0xFFFFFFFF  }
0xb5: {  	_ =	strace $0x90000048  }
0xb6: {  	_ =	sfence  }
0xb7: {  	s30 =	sld [smem:$0x0];
	_ =	sdelay $0x2  }
0xb8: {  	s31 =	sshll.u32 s1, $0xD;
	s1 =	sshrl.u32 s1, $0x2  }
0xb9: {  	s3 =	sand.u32 $0x4000, s31;
	s1 =	sadd.s32 s1, s30  }
0xba: {  	s0 =	sor.u32 s3, s0;
	s1 =	sshll.u32 s1, $0x11  }
0xbb: {  	s0 =	sor.u32 s1, s0  }
0xbc: {  	s0 =	sadd.s32 $0x8F2B, s0  }
0xbd: {  	[sflag:s0] =	ssyncadd.remote.s32 $0x1  }
0xbe: {  	_ =	sfence.sel $0xFFFF  }
0xbf: {  	[dreg:$0x0] =	wrdreg $0xFFFFFFFF;
	(pc) =	sbr.abs _section_cstart, $3  }
0xc0: {  	[dreg:$0x1] =	wrdreg $0xFFFFFFFF  }
0xc1: {  	_ =	task.clear_ibuf [dreg:s6], $0x2FFFF;
	_ =	strace $0x9FFFFFFF  }
0xc2: {  	(tm) =	ssettm $0x7FFFFFFF  }
0xc3: {  	_ =	shalt  }
tec
execute0_lowered:
.L_overlay_start_1:
0x0: {  	(tag) =	ssettag $0x1  }
0x1: {  	s4 =	rddreg [dreg:$0x0];
	s0 =	srdreg.scid  }
0x2: {  	s2 =	rddreg [dreg:$0x1];
	s1 =	stileid.u32;
	s3 =	simm.s32 $0x0  }
0x3: {  	s10 =	simm.s32 $0x10;
	s11 =	simm.s32 $0x5000;
	s12 =	simm.s32 $0x2  }
0x4: {  	s13 =	simm.s32 $0x5080;
	s14 =	simm.s32 $0x3000;
	s15 =	simm.s32 $0x5100  }
0x5: {  	s16 =	simm.s32 $0x3800;
	s17 =	simm.s32 $0x5180;
	s18 =	simm.s32 $0x4000  }
0x6: {  	s19 =	simm.s32 $0x5200;
	s20 =	simm.s32 $0x4800;
	s21 =	simm.s32 $0x0  }
0x7: {  	s5 =	sand.u32 $0x1, s0;
	s0 =	rddreg [dreg:$0x2];
	s6 =	sshll.u32 s1, $0x1  }
0x8: {  	s8 =	sshll.u32 s1, $0xA;
	[smem:$0x7FF] =	sst s3;
	p0 =	sgt.u32 s1, $0x9  }
0x9: {  	s7 =	smul.u32 $0x2800, s5;
	s6 =	sor.u32 s5, s6;
	s5 =	ssub.s32 $0x2, s5  }
0xa: {  	p1 =	slt.u32 s1, $0xA;
	s6 =	smul.u32 $0x500, s6;
	s31 =	sshrl.u32 s5, $0x1  }
0xb: {  	_ =	strace $0x80000047;
	s7 =	sadd.s32 s7, s8;
	s9 =	ssub.s32 s5, s31  }
0xc: {  	v0 =	vlaneseq.u32;
	s5 =	sadd.s32 s8, s2;
	s7 =	sshrl.u32 s7, $0x3;
	s6 =	sadd.s32 s6, s4  }
0xd: {  	v1 =	vimm.f32 $0.0e+00;
	v6 =	vimm.f32 $1.000000000e+00;
	v2 =	vor.u32 $0x10, v0;
	s8 =	simm.s32 $0x1;
	s7 =	sadd.s32 s7, s4;
	s4 =	sadd.s32 $0xC000, s6  }
0xe: {  	v3 =	vor.u32 $0x20, v0;
	v4 =	vor.u32 $0x30, v0;
	v5 =	vor.u32 $0x40, v0;
	s6 =	sadd.s32 $0x16000, s7;
	s7 =	smax.u32 s9, $0x1;
	s9 =	simm.s32 $0x2800  }
.LBB2_1:
0xf: {  	[tilespmem:s3], [sflag:$0x1] =	stream.linear.gather [hbm4b:s4+s3], $0x2800, $0x38;
	[tilespmem:$0x5680] =	vst v63  }
0x10: {  	s22 =	simm.s32 $0x70;
	s23 =	simm.s32 $0x3C0  }
.LBB2_2:
0x11: {  	p2 =	sne.s32 s23, $0x9FC0;
	[tilespmem:s22+$0x2800] =	vst v1  }
0x12: {  	[tilespmem:s22+$0x2790] =	vst v1  }
0x13: {  	[tilespmem:s22+$0x27A0] =	vst v1  }
.Ltmp0:
0x14: {  	[tilespmem:s22+$0x27B0] =	vst v1;
	(pc) =	sbr.rel @p2 .LBB2_2-.Ltmp0, $4  }
0x15: {  	[tilespmem:s22+$0x27C0] =	vst v1  }
0x16: {  	[tilespmem:s22+$0x27D0] =	vst v1  }
0x17: {  	[tilespmem:s22+$0x27E0] =	vst v1  }
0x18: {  	[tilespmem:s22+$0x27F0] =	vst v1;
	s22 =	sshra.s32 s23, $0x2;
	s23 =	sadd.s32 $0x200, s23  }
0x19: {  	[tilespmem:s22+$0x2800] =	vst v1  }
0x1a: {  	[tilespmem:s22+$0x2790] =	vst v1  }
0x1b: {  	[tilespmem:s22+$0x27A0] =	vst v1  }
0x1c: {  	[tilespmem:s22+$0x27B0] =	vst v1  }
0x1d: {  	[tilespmem:s22+$0x27C0] =	vst v1  }
0x1e: {  	[tilespmem:s22+$0x27D0] =	vst v1  }
0x1f: {  	[tilespmem:s22+$0x27E0] =	vst v1  }
0x20: {  	[tilespmem:s22+$0x27F0] =	vst v1  }
0x21: {  	[tilespmem:$0x5000] =	vst v0  }
0x22: {  	[tilespmem:$0x5080] =	vst v2  }
0x23: {  	[tilespmem:$0x5100] =	vst v3  }
0x24: {  	[tilespmem:$0x5180] =	vst v4  }
0x25: {  	s22 =	simm.s32 @!p0 $0x2800;
	[tilespmem:$0x5200] =	vst v5  }
0x26: {  	[spmem:s5] =	stream.linear.scatter @!p0 [tilespmem:s22], [sflag:$0x2], $0x400, $0x38;
	[tilespmem:$0x5680] =	vst v63  }
0x27: {  	s22 =	simm.s32 @!p0 $0x2  }
0x28: {  	_ =	swait.ge @!p0 [sflag:s22], $0x400  }
0x29: {  	[sflag:s22] =	ssyncset.done @!p0 $0x0  }
0x2a: {  	[sflag:s22] =	ssyncadd.s32 @!p0 $0xFFFFFC00  }
0x2b: {  	_ =	swait.ge [sflag:s8], $0x2800  }
0x2c: {  	[sflag:s8] =	ssyncset.done $0x0  }
0x2d: {  	[sflag:s8] =	ssyncadd.s32 $0xFFFFD800  }
0x2e: {  	s22 =	simm.s32 $0x1C0;
	[bflag:$0x0] =	sbarrier.arrive $0xFFFF  }
.LBB2_4:
0x2f: {  	s23 =	sshra.s32 s22, $0x2  }
0x30: {  	v7 =	vld [tilespmem:s23+$0xFFFFFF90];
	_ =	sdelay $0x7  }
0x31: {  	[tilespmem:v7+s9+$0x0] =	vst.idx.add.f32.msk $0xffff, v6  }
0x32: {  	v7 =	vld [tilespmem:s23+$0xFFFFFFA0];
	_ =	sdelay $0x7  }
0x33: {  	[tilespmem:v7+s9+$0x0] =	vst.idx.add.f32.msk $0xffff, v6  }
0x34: {  	v7 =	vld [tilespmem:s23+$0xFFFFFFB0];
	_ =	sdelay $0x7  }
0x35: {  	[tilespmem:v7+s9+$0x0] =	vst.idx.add.f32.msk $0xffff, v6  }
0x36: {  	v7 =	vld [tilespmem:s23+$0xFFFFFFC0];
	_ =	sdelay $0x7  }
0x37: {  	[tilespmem:v7+s9+$0x0] =	vst.idx.add.f32.msk $0xffff, v6  }
0x38: {  	v7 =	vld [tilespmem:s23+$0xFFFFFFD0];
	_ =	sdelay $0x7  }
0x39: {  	[tilespmem:v7+s9+$0x0] =	vst.idx.add.f32.msk $0xffff, v6  }
0x3a: {  	v7 =	vld [tilespmem:s23+$0xFFFFFFE0];
	_ =	sdelay $0x7  }
0x3b: {  	[tilespmem:v7+s9+$0x0] =	vst.idx.add.f32.msk $0xffff, v6  }
0x3c: {  	v7 =	vld [tilespmem:s23+$0xFFFFFFF0];
	_ =	sdelay $0x7  }
0x3d: {  	[tilespmem:v7+s9+$0x0] =	vst.idx.add.f32.msk $0xffff, v6  }
0x3e: {  	v7 =	vld [tilespmem:s23+$0x0];
	_ =	sdelay $0x2  }
0x3f: {  	p2 =	seq.s32 s22, $0x9FC0  }
.Ltmp1:
0x40: {  	_ = 	snop;
	(pc) =	sbr.rel @!p2 .LBB2_4-.Ltmp1, $2  }
0x41: {  	_ =	sdelay $0x2  }
0x42: {  	s22 =	sadd.s32 $0x200, s22;
	[tilespmem:v7+s9+$0x0] =	vst.idx.add.f32.msk $0xffff, v6  }
0x43: {  	[spmem:s2] =	stream.indirect.scatter.add.f32 [tilespmem:s9], [sflag:$0x2], $0x80, s11, s10, $0xb8;
	[tilespmem:$0x5680] =	vst v63  }
0x44: {  	_ =	swait.ge [sflag:s12], $0x800  }
0x45: {  	[sflag:s12] =	ssyncset.done $0x0  }
0x46: {  	[sflag:s12] =	ssyncadd.s32 $0xFFFFF800  }
0x47: {  	[spmem:s2] =	stream.indirect.scatter.add.f32 [tilespmem:s14], [sflag:$0x2], $0x80, s13, s10, $0xb8;
	[tilespmem:$0x5680] =	vst v63  }
0x48: {  	_ =	swait.ge [sflag:s12], $0x800  }
0x49: {  	[sflag:s12] =	ssyncset.done $0x0  }
0x4a: {  	[sflag:s12] =	ssyncadd.s32 $0xFFFFF800  }
0x4b: {  	[spmem:s2] =	stream.indirect.scatter.add.f32 [tilespmem:s16], [sflag:$0x2], $0x80, s15, s10, $0xb8;
	[tilespmem:$0x5680] =	vst v63  }
0x4c: {  	_ =	swait.ge [sflag:s12], $0x800  }
0x4d: {  	[sflag:s12] =	ssyncset.done $0x0  }
0x4e: {  	[sflag:s12] =	ssyncadd.s32 $0xFFFFF800  }
0x4f: {  	[spmem:s2] =	stream.indirect.scatter.add.f32 [tilespmem:s18], [sflag:$0x2], $0x80, s17, s10, $0xb8;
	[tilespmem:$0x5680] =	vst v63  }
0x50: {  	_ =	swait.ge [sflag:s12], $0x800  }
0x51: {  	[sflag:s12] =	ssyncset.done $0x0  }
0x52: {  	[sflag:s12] =	ssyncadd.s32 $0xFFFFF800  }
0x53: {  	[spmem:s2] =	stream.indirect.scatter.add.f32 [tilespmem:s20], [sflag:$0x2], $0x80, s19, s10, $0xb8;
	[tilespmem:$0x5680] =	vst v63  }
0x54: {  	_ =	swait.ge [sflag:s12], $0x800  }
0x55: {  	s22 =	sshll.u32 @p1 s1, $0x6;
	[sflag:s12] =	ssyncset.done $0x0  }
0x56: {  	s23 =	sshrl.u32 @p1 s5, $0x3;
	s21 =	sadd.s32 $0x1, s21;
	[sflag:s12] =	ssyncadd.s32 $0xFFFFF800  }
0x57: {  	s22 =	sor.u32 @p1 $0x1C02, s22;
	p2 =	sne.s32 s21, s7;
	[bflag:$0x0] =	sbarrier.arrive $0xFFFF  }
0x58: {  	[hbm:s6], [sflag:s22] =	dma.local @p1 [spmem:s23], $0x80  }
.Ltmp2:
0x59: {  	_ = 	snop;
	(pc) =	sbr.rel @p2 .LBB2_1-.Ltmp2, $4  }
0x5a: {  	s22 =	simm.s32 @p1 $0x2  }
0x5b: {  	_ =	swait.ge @p1 [sflag:s22], $0x80  }
0x5c: {  	[sflag:s22] =	ssyncset.done @p1 $0x0  }
0x5d: {  	[sflag:s22] =	ssyncadd.s32 @p1 $0xFFFFFF80  }
0x5e: {  	_ =	sfence.sel $0x180000  }
0x5f: {  	[bflag:$0x0] =	sbarrier.arrive $0xFFFF  }
0x60: {  	p0 =	sne.s32 s1, $0x0;
	_ =	strace $0x90000047  }
0x61: {  	s0 =	sadd.s32 @!p0 $0x100000, s0;
	[bflag:$0x2] =	sbarrier.arrive $0xFFFF  }
0x62: {  	[sflag:s0] =	ssyncadd.tile.s32 @!p0 $0x1;
	_ =	shalt  }
.Lfunc_end2:
_tile_overlayer_lowered:
.L_overlay_start_2:
0x63: {  	(tag) =	ssettag $0x2  }
0x64: {  	s0 =	rddreg [dreg:$0x0];
	s2 =	stileid.u32  }
0x65: {  	s1 =	rddreg [dreg:$0x1];
	p0 =	sne.s32 s2, $0x0  }
0x66: {  	s3 =	rddreg [dreg:$0x2];
	[bflag:$0x3] =	sbarrier.arrive $0xFFFF;
	s2 =	simm.s32 @!p0 $0x1C02  }
0x67: {  	[timem:s3], [sflag:s2] =	dma.local @!p0 [hbm:s0], s1  }
0x68: {  	s0 =	simm.s32 @!p0 $0x2  }
0x69: {  	_ =	swait.ge @!p0 [sflag:s0], s1  }
0x6a: {  	s1 =	ssub.s32 @!p0 $0x0, s1;
	[sflag:s0] =	ssyncset.done @!p0 $0x0  }
0x6b: {  	[sflag:s0] =	ssyncadd.s32 @!p0 s1  }
0x6c: {  	[bflag:$0x3] =	sbarrier.arrive $0xFFFF  }
0x6d: {  	_ =	shalt  }

</sc_bundles>
